<compile_context>
chip_gen: v7x
topology: tpu7x:2x2x1
jax: 0.10.2.dev20260603
libtpu: 0.0.44.dev20260713+nightly
codegen_flags: <defaults>
</compile_context>

<pallas_src>
import functools

import jax
import jax.numpy as jnp
from jax import lax
from jax.experimental import pallas as pl
from jax.experimental.pallas import tpu as pltpu
from jax.experimental.pallas import tpu_sc as plsc

N = 10000
E = 320000
DA = 128
PW = 64
DB = 16
NL = 3
DBL = DB * NL
H = 128
NG = 64
NCLS = 10
LANES = 16

NC = 2
NS = 16
NW = NC * NS
EPW = E // NW
EPS = E // NS
CHUNK = 80
NCHUNK = EPW // CHUNK
NCHUNK_A = EPS // CHUNK
ZB = 200
NBLK = N // ZB
NBLK_IT = -(-NBLK // NS)

RB = 2000
NRB = N // RB
EB = 8000


def _sc_a_body(xs_hbm, e_hbm, src_hbm, dst_hbm, out_hbm,
               xidx, eidx, dst_v, x_v, e_v, z_v, acc_sh, sems):
    c = lax.axis_index("c")
    s = lax.axis_index("s")
    ebase = s * EPS

    pltpu.sync_copy(src_hbm.at[pl.ds(ebase, EPS)], xidx)
    roff = c * N

    def xrow(k, carry):
        sl = pl.ds(k * LANES, LANES)
        xidx[sl] = xidx[sl] + roff
        return carry

    lax.fori_loop(0, EPS // LANES, xrow, 0)

    iot = lax.iota(jnp.int32, LANES)

    def erow(k, carry):
        sl = pl.ds(k * LANES, LANES)
        eidx[sl] = (2 * ebase + c + 32 * k) + iot * 2
        return carry

    lax.fori_loop(0, EPS // LANES, erow, 0)

    zv = jnp.zeros((LANES,), jnp.float32)

    def zrow(r, carry):
        for j in range(PW // LANES):
            z_v[r, pl.ds(j * LANES, LANES)] = zv
        return carry

    lax.fori_loop(0, ZB, zrow, 0)

    def prep(k, carry):
        b = s + NS * k

        @pl.when(b < NBLK)
        def _():
            pltpu.sync_copy(z_v, acc_sh.at[pl.ds(b * ZB, ZB), :])

        return carry

    lax.fori_loop(0, NBLK_IT, prep, 0)
    plsc.subcore_barrier()

    def issue(i, b):
        pltpu.async_copy(xs_hbm.at[xidx.at[pl.ds(i * CHUNK, CHUNK)]],
                         x_v.at[b], sems.at[b, 0])
        pltpu.async_copy(e_hbm.at[eidx.at[pl.ds(i * CHUNK, CHUNK)]],
                         e_v.at[b], sems.at[b, 1])
        pltpu.async_copy(dst_hbm.at[pl.ds(ebase + i * CHUNK, CHUNK)],
                         dst_v.at[b], sems.at[b, 2])

    def wait(i, b):
        pltpu.make_async_copy(
            xs_hbm.at[xidx.at[pl.ds(i * CHUNK, CHUNK)]],
            x_v.at[b], sems.at[b, 0]).wait()
        pltpu.make_async_copy(
            e_hbm.at[eidx.at[pl.ds(i * CHUNK, CHUNK)]],
            e_v.at[b], sems.at[b, 1]).wait()
        pltpu.make_async_copy(
            dst_hbm.at[pl.ds(ebase + i * CHUNK, CHUNK)],
            dst_v.at[b], sems.at[b, 2]).wait()

    def crunch(b):
        def row(r, inner):
            for j in range(PW // LANES):
                sl = pl.ds(j * LANES, LANES)
                x_v[b, r, sl] = jnp.maximum(
                    x_v[b, r, sl] + e_v[b, r, sl], 0.0)
            return inner

        lax.fori_loop(0, CHUNK, row, 0)
        pltpu.sync_copy(x_v.at[b], acc_sh.at[dst_v.at[b]], add=True)

    issue(0, 0)

    def pair_body(t, carry):
        i0 = 2 * t
        issue(i0 + 1, 1)
        wait(i0, 0)
        crunch(0)

        @pl.when(i0 + 2 < NCHUNK_A)
        def _():
            issue(i0 + 2, 0)

        wait(i0 + 1, 1)
        crunch(1)
        return carry

    lax.fori_loop(0, NCHUNK_A // 2, pair_body, 0)
    if NCHUNK_A % 2:
        wait(NCHUNK_A - 1, 0)
        crunch(0)
    plsc.subcore_barrier()

    def ocp(k, carry):
        b = s + NS * k

        @pl.when(b < NBLK)
        def _():
            pltpu.sync_copy(
                acc_sh.at[pl.ds(b * ZB, ZB), :],
                out_hbm.at[pl.ds(c * N + b * ZB, ZB), :])

        return carry

    lax.fori_loop(0, NBLK_IT, ocp, 0)
    plsc.subcore_barrier()


@functools.cache
def _sc_a_call():
    return pl.kernel(
        _sc_a_body,
        out_type=jax.ShapeDtypeStruct((2 * N, PW), jnp.float32),
        mesh=plsc.VectorSubcoreMesh(core_axis_name="c", subcore_axis_name="s"),
        compiler_params=pltpu.CompilerParams(use_tc_tiling_on_sc=False),
        scratch_types=[
            pltpu.VMEM((EPS,), jnp.int32),
            pltpu.VMEM((EPS,), jnp.int32),
            pltpu.VMEM((2, CHUNK), jnp.int32),
            pltpu.VMEM((2, CHUNK, PW), jnp.float32),
            pltpu.VMEM((2, CHUNK, PW), jnp.float32),
            pltpu.VMEM((ZB, PW), jnp.float32),
            pltpu.VMEM_SHARED((N, PW), jnp.float32),
            pltpu.SemaphoreType.DMA((2, 3)),
        ],
    )


def _sc_b_body(rf_hbm, e_hbm, src_hbm, dst_hbm, out_hbm,
               src_all, eidx, dst_v, rf_v, e_v, m_v, z_v, acc_sh, sems):
    c = lax.axis_index("c")
    s = lax.axis_index("s")
    wid = c * NS + s
    ebase = wid * EPW

    pltpu.sync_copy(src_hbm.at[pl.ds(ebase, EPW)], src_all)

    iot = lax.iota(jnp.int32, LANES)

    def erow(k, carry):
        sl = pl.ds(k * LANES, LANES)
        eidx[sl] = (2 * ebase + 32 * k) + iot * 2
        return carry

    lax.fori_loop(0, EPW // LANES, erow, 0)

    zv = jnp.zeros((LANES,), jnp.float32)

    def zrow(r, carry):
        for j in range(DBL // LANES):
            z_v[r, pl.ds(j * LANES, LANES)] = zv
        return carry

    lax.fori_loop(0, ZB, zrow, 0)

    def zcp(k, carry):
        b = s + NS * k

        @pl.when(b < NBLK)
        def _():
            pltpu.sync_copy(z_v, acc_sh.at[pl.ds(b * ZB, ZB), :])

        return carry

    lax.fori_loop(0, NBLK_IT, zcp, 0)
    plsc.subcore_barrier()

    def issue(i, b):
        pltpu.async_copy(rf_hbm.at[src_all.at[pl.ds(i * CHUNK, CHUNK)]],
                         rf_v.at[b], sems.at[b, 0])
        pltpu.async_copy(e_hbm.at[eidx.at[pl.ds(i * CHUNK, CHUNK)]],
                         e_v.at[b], sems.at[b, 1])
        pltpu.async_copy(dst_hbm.at[pl.ds(ebase + i * CHUNK, CHUNK)],
                         dst_v.at[b], sems.at[b, 2])

    def wait(i, b):
        pltpu.make_async_copy(
            rf_hbm.at[src_all.at[pl.ds(i * CHUNK, CHUNK)]],
            rf_v.at[b], sems.at[b, 0]).wait()
        pltpu.make_async_copy(
            e_hbm.at[eidx.at[pl.ds(i * CHUNK, CHUNK)]],
            e_v.at[b], sems.at[b, 1]).wait()
        pltpu.make_async_copy(
            dst_hbm.at[pl.ds(ebase + i * CHUNK, CHUNK)],
            dst_v.at[b], sems.at[b, 2]).wait()

    def crunch(b):
        def row(r, inner):
            rv = rf_v[b, r, :]
            for j in range(NL):
                sl = pl.ds(j * DB, DB)
                m_v[b, r, sl] = jnp.maximum(e_v[b, r, sl] + rv, 0.0)
            return inner

        lax.fori_loop(0, CHUNK, row, 0)
        pltpu.sync_copy(m_v.at[b], acc_sh.at[dst_v.at[b]], add=True)

    issue(0, 0)

    def pair_body(t, carry):
        i0 = 2 * t
        issue(i0 + 1, 1)
        wait(i0, 0)
        crunch(0)

        @pl.when(i0 + 2 < NCHUNK)
        def _():
            issue(i0 + 2, 0)

        wait(i0 + 1, 1)
        crunch(1)
        return carry

    lax.fori_loop(0, NCHUNK // 2, pair_body, 0)
    if NCHUNK % 2:
        wait(NCHUNK - 1, 0)
        crunch(0)
    plsc.subcore_barrier()

    def ocp(k, carry):
        b = s + NS * k

        @pl.when(b < NBLK)
        def _():
            pltpu.sync_copy(
                acc_sh.at[pl.ds(b * ZB, ZB), :],
                out_hbm.at[pl.ds(c * N + b * ZB, ZB), :])

        return carry

    lax.fori_loop(0, NBLK_IT, ocp, 0)
    plsc.subcore_barrier()


@functools.cache
def _sc_b_call():
    return pl.kernel(
        _sc_b_body,
        out_type=jax.ShapeDtypeStruct((2 * N, DBL), jnp.float32),
        mesh=plsc.VectorSubcoreMesh(core_axis_name="c", subcore_axis_name="s"),
        compiler_params=pltpu.CompilerParams(use_tc_tiling_on_sc=False),
        scratch_types=[
            pltpu.VMEM((EPW,), jnp.int32),
            pltpu.VMEM((EPW,), jnp.int32),
            pltpu.VMEM((2, CHUNK), jnp.int32),
            pltpu.VMEM((2, CHUNK, DB), jnp.float32),
            pltpu.VMEM((2, CHUNK, PW), jnp.float32),
            pltpu.VMEM((2, CHUNK, DBL), jnp.float32),
            pltpu.VMEM((ZB, DBL), jnp.float32),
            pltpu.VMEM_SHARED((N, DBL), jnp.float32),
            pltpu.SemaphoreType.DMA((2, 3)),
        ],
    )


def _edge_lin_body(ea_ref, w_ref, b_ref, o_ref):
    o_ref[...] = (
        jnp.dot(ea_ref[...], w_ref[...], preferred_element_type=jnp.float32)
        + b_ref[...]
    )


def _edge_lin(edge_attr, w, b, d):
    return pl.pallas_call(
        _edge_lin_body,
        grid=(E // EB,),
        in_specs=[
            pl.BlockSpec((EB, 16), lambda i: (i, 0)),
            pl.BlockSpec((16, d), lambda i: (0, 0)),
            pl.BlockSpec((1, d), lambda i: (0, 0)),
        ],
        out_specs=pl.BlockSpec((EB, d), lambda i: (i, 0)),
        out_shape=jax.ShapeDtypeStruct((E, d), jnp.float32),
    )(edge_attr, w, b.reshape(1, d))


def _mlp_body(xa_ref, rf_ref, pa_ref, pb_ref, w1lo_ref, w1hi_ref, w1b_ref,
              b1_ref, w2_ref, b2_ref, eps_ref, o_ref):
    scale = 1.0 + eps_ref[0, 0]
    hlo = xa_ref[0] * scale + pa_ref[0]
    hhi = xa_ref[1] * scale + pa_ref[1]
    hb = rf_ref[...] * scale + pb_ref[0] + pb_ref[1]
    h = (
        jnp.dot(hlo, w1lo_ref[...], preferred_element_type=jnp.float32)
        + jnp.dot(hhi, w1hi_ref[...], preferred_element_type=jnp.float32)
        + jnp.dot(hb, w1b_ref[...], preferred_element_type=jnp.float32)
        + b1_ref[...]
    )
    h = jnp.maximum(h, 0.0)
    h = jnp.maximum(
        jnp.dot(h, w2_ref[...], preferred_element_type=jnp.float32)
        + b2_ref[...], 0.0)
    o_ref[0] = h[:, :PW]
    o_ref[1] = h[:, PW:]


def _mlp(xa, rf, pa, pb, w1, w1b, b1, w2, b2, eps):
    return pl.pallas_call(
        _mlp_body,
        grid=(NRB,),
        in_specs=[
            pl.BlockSpec((2, RB, PW), lambda i: (0, i, 0)),
            pl.BlockSpec((RB, DB), lambda i: (i, 0)),
            pl.BlockSpec((2, RB, PW), lambda i: (0, i, 0)),
            pl.BlockSpec((2, RB, DB), lambda i: (0, i, 0)),
            pl.BlockSpec((PW, H), lambda i: (0, 0)),
            pl.BlockSpec((PW, H), lambda i: (0, 0)),
            pl.BlockSpec((DB, H), lambda i: (0, 0)),
            pl.BlockSpec((1, H), lambda i: (0, 0)),
            pl.BlockSpec((H, H), lambda i: (0, 0)),
            pl.BlockSpec((1, H), lambda i: (0, 0)),
            pl.BlockSpec(memory_space=pltpu.SMEM),
        ],
        out_specs=pl.BlockSpec((2, RB, PW), lambda i: (0, i, 0)),
        out_shape=jax.ShapeDtypeStruct((2, N, PW), jnp.float32),
    )(xa, rf, pa, pb, w1[:PW], w1[PW:DA], w1b, b1.reshape(1, H), w2,
      b2.reshape(1, H), eps.reshape(1, 1))


def _pool_body(x_ref, b_ref, sum_ref, cnt_ref):
    @pl.when(pl.program_id(0) == 0)
    def _():
        sum_ref[...] = jnp.zeros_like(sum_ref)
        cnt_ref[...] = jnp.zeros_like(cnt_ref)

    bb = b_ref[...].reshape(1, RB)
    gi = lax.broadcasted_iota(jnp.int32, (NG, 1), 0)
    one = (bb == gi).astype(jnp.float32)
    sum_ref[:, :PW] += jnp.dot(one, x_ref[0],
                               preferred_element_type=jnp.float32)
    sum_ref[:, PW:] += jnp.dot(one, x_ref[1],
                               preferred_element_type=jnp.float32)
    cnt_ref[...] += jnp.broadcast_to(
        jnp.sum(one, axis=1, keepdims=True), (NG, H))


def _pool(x_last, batch3):
    return pl.pallas_call(
        _pool_body,
        grid=(NRB,),
        in_specs=[
            pl.BlockSpec((2, RB, PW), lambda i: (0, i, 0)),
            pl.BlockSpec((1, 1, RB), lambda i: (i, 0, 0)),
        ],
        out_specs=[
            pl.BlockSpec((NG, H), lambda i: (0, 0)),
            pl.BlockSpec((NG, H), lambda i: (0, 0)),
        ],
        out_shape=[
            jax.ShapeDtypeStruct((NG, H), jnp.float32),
            jax.ShapeDtypeStruct((NG, H), jnp.float32),
        ],
    )(x_last, batch3)


def _final_body(s_ref, c_ref, w_ref, b_ref, o_ref):
    pooled = s_ref[...] / jnp.maximum(c_ref[...], 1.0)
    o_ref[...] = (
        jnp.dot(pooled, w_ref[...], preferred_element_type=jnp.float32)
        + b_ref[...]
    )


def _final(sums, cnts, fin_w, fin_b):
    return pl.pallas_call(
        _final_body,
        out_shape=jax.ShapeDtypeStruct((NG, NCLS), jnp.float32),
    )(sums, cnts, fin_w, fin_b.reshape(1, NCLS))


def kernel(x, edge_index, edge_attr, batch, random_feats, params):
    src = edge_index[0]
    dst = edge_index[1]
    layers = params["layers"]

    wb_all = jnp.concatenate(
        [lp["lin_w"][:, DA:] for lp in layers]
        + [jnp.zeros((16, DA - DBL), jnp.float32)], axis=1)
    bb_all = jnp.concatenate(
        [lp["lin_b"][DA:] for lp in layers]
        + [jnp.zeros((DA - DBL,), jnp.float32)])
    eb_all = _edge_lin(edge_attr, wb_all, bb_all, DA)
    parts_b = _sc_b_call()(random_feats, eb_all.reshape(2 * E, PW),
                           src, dst).reshape(2, N, DBL)

    x_l = x.reshape(N, 2, PW).transpose(1, 0, 2)
    for li, lp in enumerate(layers):
        ea = _edge_lin(edge_attr, lp["lin_w"][:, :DA], lp["lin_b"][:DA], DA)
        pa = _sc_a_call()(x_l.reshape(2 * N, PW), ea.reshape(2 * E, PW),
                          src, dst).reshape(2, N, PW)
        pb = lax.slice_in_dim(parts_b, li * DB, (li + 1) * DB, axis=2)
        x_l = _mlp(x_l, random_feats, pa, pb, lp["w1"][:DA], lp["w1"][DA:],
                   lp["b1"], lp["w2"], lp["b2"], lp["eps"])
    sums, cnts = _pool(x_l, batch.reshape(NRB, 1, RB))
    return _final(sums, cnts, params["fin_w"], params["fin_b"])

# --- scband reference (transcript-rebuilt; emitter-appended) ---
"""Pipeline reference for scband-gineglobal-random-85555748536457 (READ-ONLY COPY).

The authoritative reference and input builder live on the scoring server;
editing this copy changes nothing except your own understanding.
"""

import jax, jax.numpy as jnp
import numpy as np

N_NODES = 10000
N_EDGES = 320000
D_FEAT = 128
D_EDGE = 16
K_RAND = 16
HIDDEN = 128
NUM_LAYERS = 3
NUM_CLASSES = 10
NUM_GRAPHS = 64
EDGE_DIM_SIZE = 16


def _make_params(key):
    layers = []
    in_dim = D_FEAT + K_RAND  # 144 for layer 0; hidden + k = 144 afterwards too
    for l in range(NUM_LAYERS):
        key, k1, k2, k3 = jax.random.split(key, 4)
        lin_w = jax.random.normal(k1, (EDGE_DIM_SIZE, in_dim), dtype=jnp.float32) * 0.05
        lin_b = jnp.zeros((in_dim,), dtype=jnp.float32)
        w1 = jax.random.normal(k2, (in_dim, HIDDEN), dtype=jnp.float32) * 0.05
        b1 = jnp.zeros((HIDDEN,), dtype=jnp.float32)
        w2 = jax.random.normal(k3, (HIDDEN, HIDDEN), dtype=jnp.float32) * 0.05
        b2 = jnp.zeros((HIDDEN,), dtype=jnp.float32)
        eps = jnp.float32(0.0)
        layers.append({"lin_w": lin_w, "lin_b": lin_b, "w1": w1, "b1": b1, "w2": w2, "b2": b2, "eps": eps})
        in_dim = HIDDEN + K_RAND
    key, kf = jax.random.split(key)
    fin_w = jax.random.normal(kf, (HIDDEN, NUM_CLASSES), dtype=jnp.float32) * 0.05
    fin_b = jnp.zeros((NUM_CLASSES,), dtype=jnp.float32)
    return {"layers": layers, "fin_w": fin_w, "fin_b": fin_b}


def setup_inputs(seed: int = 0) -> dict:
    key = jax.random.key(seed)
    k1, k2, k3, k4, k5, k6 = jax.random.split(key, 6)
    x = jax.random.normal(k1, (N_NODES, D_FEAT), dtype=jnp.float32)
    edge_index = jax.random.randint(k2, (2, N_EDGES), 0, N_NODES, dtype=jnp.int32)
    edge_attr = jax.random.normal(k3, (N_EDGES, D_EDGE), dtype=jnp.float32)
    batch = jnp.sort(jax.random.randint(k4, (N_NODES,), 0, NUM_GRAPHS, dtype=jnp.int32))
    random_feats = jax.random.normal(k5, (N_NODES, K_RAND), dtype=jnp.float32)
    params = _make_params(k6)
    return {"x": x, "edge_index": edge_index, "edge_attr": edge_attr, "batch": batch, "random_feats": random_feats, "params": params}


def reference(x, edge_index, edge_attr, batch, random_feats, params):
    src = edge_index[0]
    dst = edge_index[1]
    x_l = x
    for lp in params["layers"]:
        x_cat = jnp.concatenate([x_l, random_feats], axis=-1)
        # GINEConv: message = relu(x_j + lin(edge_attr)); aggr = sum over dst
        e = edge_attr @ lp["lin_w"] + lp["lin_b"]
        msg = jax.nn.relu(x_cat[src] + e)
        agg = jax.ops.segment_sum(msg, dst, num_segments=x_cat.shape[0])
        h = (1.0 + lp["eps"]) * x_cat + agg
        h = jax.nn.relu(h @ lp["w1"] + lp["b1"])
        h = h @ lp["w2"] + lp["b2"]
        h = jax.nn.relu(h)  # outer F.relu; dropout p=0.0 is identity
        x_l = h
    sums = jax.ops.segment_sum(x_l, batch, num_segments=NUM_GRAPHS)
    counts = jax.ops.segment_sum(jnp.ones((x_l.shape[0], 1), dtype=x_l.dtype), batch, num_segments=NUM_GRAPHS)
    pooled = sums / jnp.maximum(counts, 1.0)
    out = pooled @ params["fin_w"] + params["fin_b"]
    return out

if __name__ == "__main__":
    import jax
    _d = setup_inputs()
    print(jax.jit(kernel)(*tuple(_d.values())))

</pallas_src>

<mosaic_0001>
#map = affine_map<(d0, d1) -> (0, 0)>
#map1 = affine_map<(d0, d1) -> (0)>
module attributes {stable_mosaic.version = 14 : i64} {
  func.func @_sc_a_body(%arg0: i32, %arg1: i32, %arg2: memref<20000x64xf32, #tpu.memory_space<hbm>>, %arg3: memref<640000x64xf32, #tpu.memory_space<hbm>>, %arg4: memref<320000xi32, #tpu.memory_space<hbm>>, %arg5: memref<320000xi32, #tpu.memory_space<hbm>>, %arg6: memref<20000x64xf32, #tpu.memory_space<hbm>>, %arg7: memref<20000xi32, #tpu.memory_space<vmem>>, %arg8: memref<20000xi32, #tpu.memory_space<vmem>>, %arg9: memref<2x80xi32, #tpu.memory_space<vmem>>, %arg10: memref<2x80x64xf32, #tpu.memory_space<vmem>>, %arg11: memref<2x80x64xf32, #tpu.memory_space<vmem>>, %arg12: memref<200x64xf32, #tpu.memory_space<vmem>>, %arg13: memref<10000x64xf32, #tpu.memory_space<vmem_shared>>, %arg14: memref<2x3x!tpu.dma_semaphore, #tpu.memory_space<semaphore_mem>>) attributes {dimension_semantics = [#tpu.dimension_semantics<core_parallel>, #tpu.dimension_semantics<subcore_parallel>], iteration_bounds = array<i64: 2, 16>, scalar_prefetch = 0 : i64, scratch_operands = 8 : i64, tpu.core_type = #tpu.core_type<sc_vector_subcore>, window_params = [{transform_indices = #map}, {transform_indices = #map}, {transform_indices = #map1}, {transform_indices = #map1}, {transform_indices = #map}]} {
    %mul3A = arith.constant 20000 : i32
    %mul3A_0 = arith.muli %arg1, %mul3A : i32
    "tpu.region"() ({
      %run_scoped3A = tpu.sem_alloc : memref<!tpu.dma_semaphore, #tpu.memory_space<semaphore_mem>>
      %dma_start3A_82 = tpu.memref_slice %arg4[%mul3A_0] : memref<320000xi32, #tpu.memory_space<hbm>> -> memref<20000xi32, #tpu.memory_space<hbm>>
      %dma_start3A_83 = tpu.memref_slice %arg4[%mul3A_0] : memref<320000xi32, #tpu.memory_space<hbm>> -> memref<20000xi32, #tpu.memory_space<hbm>>
      tpu.enqueue_dma source(%dma_start3A_83 : memref<20000xi32, #tpu.memory_space<hbm>>) target(%arg7 : memref<20000xi32, #tpu.memory_space<vmem>>) target_semaphore(%run_scoped3A : memref<!tpu.dma_semaphore, #tpu.memory_space<semaphore_mem>>)
      %dma_wait3A = tpu.memref_slice %arg4[%mul3A_0] : memref<320000xi32, #tpu.memory_space<hbm>> -> memref<20000xi32, #tpu.memory_space<hbm>>
      %dma_wait3A_84 = tpu.memref_slice %arg4[%mul3A_0] : memref<320000xi32, #tpu.memory_space<hbm>> -> memref<20000xi32, #tpu.memory_space<hbm>>
      tpu.wait_dma2 semaphore(%run_scoped3A : memref<!tpu.dma_semaphore, #tpu.memory_space<semaphore_mem>>) src(%dma_wait3A_84 : memref<20000xi32, #tpu.memory_space<hbm>>) dst(%arg7 : memref<20000xi32, #tpu.memory_space<vmem>>)
      tpu.yield
    }) : () -> ()
    %mul3A_1 = arith.constant 10000 : i32
    %mul3A_2 = arith.muli %arg0, %mul3A_1 : i32
    %scan3A = arith.constant 0 : i32
    %scan3A_3 = arith.constant 0 : i32
    %scan3A_4 = arith.constant 1250 : i32
    %scan3A_5 = arith.addi %scan3A_3, %scan3A_4 : i32
    %scan3A_6 = arith.constant 1 : i32
    scf.for %scan3A_82 = %scan3A_3 to %scan3A_5 step %scan3A_6  : i32 {
      %mul3A_83 = arith.constant 16 : i32
      %mul3A_84 = arith.muli %scan3A_82, %mul3A_83 : i32
      %get3A = arith.index_cast %mul3A_84 : i32 to index
      %get3A_85 = tpu.vector_load %arg7[%get3A] {strides = array<i32>} : memref<20000xi32, #tpu.memory_space<vmem>>, vector<16xi32>,
      %get3A_86 = vector.shape_cast %get3A_85 : vector<16xi32> to vector<16xi32>
      %add3A_87 = vector.broadcast %mul3A_2 : i32 to vector<16xi32>
      %add3A_88 = arith.addi %get3A_86, %add3A_87 : vector<16xi32>
      %swap3A = arith.index_cast %mul3A_84 : i32 to index
      %swap3A_89 = tpu.vector_load %arg7[%swap3A] {strides = array<i32>} : memref<20000xi32, #tpu.memory_space<vmem>>, vector<16xi32>,
      %swap3A_90 = vector.shape_cast %swap3A_89 : vector<16xi32> to vector<16xi32>
      %swap3A_91 = vector.shape_cast %add3A_88 : vector<16xi32> to vector<16xi32>
      tpu.vector_store %arg7[%swap3A], %swap3A_91 {strides = array<i32>} : memref<20000xi32, #tpu.memory_space<vmem>>, vector<16xi32>,
    }
    %scan3A_7 = arith.constant 1250 : i32
    %iota3A = tpu.iota {dimensions = array<i32: 0>} : vector<16xi32>
    %scan3A_8 = arith.constant 0 : i32
    %scan3A_9 = arith.constant 0 : i32
    %scan3A_10 = arith.constant 1250 : i32
    %scan3A_11 = arith.addi %scan3A_9, %scan3A_10 : i32
    %scan3A_12 = arith.constant 1 : i32
    scf.for %scan3A_82 = %scan3A_9 to %scan3A_11 step %scan3A_12  : i32 {
      %mul3A_83 = arith.constant 16 : i32
      %mul3A_84 = arith.muli %scan3A_82, %mul3A_83 : i32
      %mul3A_85 = arith.constant 2 : i32
      %mul3A_86 = arith.muli %mul3A_85, %mul3A_0 : i32
      %add3A_87 = arith.addi %mul3A_86, %arg0 : i32
      %mul3A_88 = arith.constant 32 : i32
      %mul3A_89 = arith.muli %mul3A_88, %scan3A_82 : i32
      %add3A_90 = arith.addi %add3A_87, %mul3A_89 : i32
      %mul3A_91 = arith.constant 2 : i32
      %mul3A_92 = vector.broadcast %mul3A_91 : i32 to vector<16xi32>
      %mul3A_93 = arith.muli %iota3A, %mul3A_92 : vector<16xi32>
      %add3A_94 = vector.broadcast %add3A_90 : i32 to vector<16xi32>
      %add3A_95 = arith.addi %add3A_94, %mul3A_93 : vector<16xi32>
      %swap3A = arith.index_cast %mul3A_84 : i32 to index
      %swap3A_96 = tpu.vector_load %arg8[%swap3A] {strides = array<i32>} : memref<20000xi32, #tpu.memory_space<vmem>>, vector<16xi32>,
      %swap3A_97 = vector.shape_cast %swap3A_96 : vector<16xi32> to vector<16xi32>
      %swap3A_98 = vector.shape_cast %add3A_95 : vector<16xi32> to vector<16xi32>
      tpu.vector_store %arg8[%swap3A], %swap3A_98 {strides = array<i32>} : memref<20000xi32, #tpu.memory_space<vmem>>, vector<16xi32>,
    }
    %scan3A_13 = arith.constant 1250 : i32
    %broadcast_in_dim3A = arith.constant 0.000000e+00 : f32
    %broadcast_in_dim3A_14 = vector.broadcast %broadcast_in_dim3A : f32 to vector<16xf32>
    %scan3A_15 = arith.constant 0 : i32
    %scan3A_16 = arith.constant 0 : i32
    %scan3A_17 = arith.constant 200 : i32
    %scan3A_18 = arith.addi %scan3A_16, %scan3A_17 : i32
    %scan3A_19 = arith.constant 1 : i32
    scf.for %scan3A_82 = %scan3A_16 to %scan3A_18 step %scan3A_19  : i32 {
      %swap3A = arith.index_cast %scan3A_82 : i32 to index
      %swap3A_83 = arith.constant 0 : index
      %swap3A_84 = tpu.vector_load %arg12[%swap3A, %swap3A_83] {strides = array<i32>} : memref<200x64xf32, #tpu.memory_space<vmem>>, vector<1x16xf32>,
      %swap3A_85 = vector.shape_cast %swap3A_84 : vector<1x16xf32> to vector<16xf32>
      %swap3A_86 = vector.shape_cast %broadcast_in_dim3A_14 : vector<16xf32> to vector<1x16xf32>
      tpu.vector_store %arg12[%swap3A, %swap3A_83], %swap3A_86 {strides = array<i32>} : memref<200x64xf32, #tpu.memory_space<vmem>>, vector<1x16xf32>,
      %swap3A_87 = arith.index_cast %scan3A_82 : i32 to index
      %swap3A_88 = arith.constant 16 : index
      %swap3A_89 = tpu.vector_load %arg12[%swap3A_87, %swap3A_88] {strides = array<i32>} : memref<200x64xf32, #tpu.memory_space<vmem>>, vector<1x16xf32>,
      %swap3A_90 = vector.shape_cast %swap3A_89 : vector<1x16xf32> to vector<16xf32>
      %swap3A_91 = vector.shape_cast %broadcast_in_dim3A_14 : vector<16xf32> to vector<1x16xf32>
      tpu.vector_store %arg12[%swap3A_87, %swap3A_88], %swap3A_91 {strides = array<i32>} : memref<200x64xf32, #tpu.memory_space<vmem>>, vector<1x16xf32>,
      %swap3A_92 = arith.index_cast %scan3A_82 : i32 to index
      %swap3A_93 = arith.constant 32 : index
      %swap3A_94 = tpu.vector_load %arg12[%swap3A_92, %swap3A_93] {strides = array<i32>} : memref<200x64xf32, #tpu.memory_space<vmem>>, vector<1x16xf32>,
      %swap3A_95 = vector.shape_cast %swap3A_94 : vector<1x16xf32> to vector<16xf32>
      %swap3A_96 = vector.shape_cast %broadcast_in_dim3A_14 : vector<16xf32> to vector<1x16xf32>
      tpu.vector_store %arg12[%swap3A_92, %swap3A_93], %swap3A_96 {strides = array<i32>} : memref<200x64xf32, #tpu.memory_space<vmem>>, vector<1x16xf32>,
      %swap3A_97 = arith.index_cast %scan3A_82 : i32 to index
      %swap3A_98 = arith.constant 48 : index
      %swap3A_99 = tpu.vector_load %arg12[%swap3A_97, %swap3A_98] {strides = array<i32>} : memref<200x64xf32, #tpu.memory_space<vmem>>, vector<1x16xf32>,
      %swap3A_100 = vector.shape_cast %swap3A_99 : vector<1x16xf32> to vector<16xf32>
      %swap3A_101 = vector.shape_cast %broadcast_in_dim3A_14 : vector<16xf32> to vector<1x16xf32>
      tpu.vector_store %arg12[%swap3A_97, %swap3A_98], %swap3A_101 {strides = array<i32>} : memref<200x64xf32, #tpu.memory_space<vmem>>, vector<1x16xf32>,
    }
    %scan3A_20 = arith.constant 200 : i32
    %scan3A_21 = arith.constant 0 : i32
    %scan3A_22 = arith.constant 0 : i32
    %scan3A_23 = arith.constant 4 : i32
    %scan3A_24 = arith.addi %scan3A_22, %scan3A_23 : i32
    %scan3A_25 = arith.constant 1 : i32
    scf.for %scan3A_82 = %scan3A_22 to %scan3A_24 step %scan3A_25  : i32 {
      %mul3A_83 = arith.constant 16 : i32
      %mul3A_84 = arith.muli %mul3A_83, %scan3A_82 : i32
      %add3A_85 = arith.addi %arg1, %mul3A_84 : i32
      %lt3A = arith.constant 50 : i32
      %lt3A_86 = arith.cmpi slt, %add3A_85, %lt3A : i32
      %convert_element_type3A = arith.extui %lt3A_86 : i1 to i32
      %cond3A = arith.constant 0 : i32
      %cond3A_87 = arith.cmpi ne, %convert_element_type3A, %cond3A : i32
      scf.if %cond3A_87 {
        %mul3A_88 = arith.constant 200 : i32
        %mul3A_89 = arith.muli %add3A_85, %mul3A_88 : i32
        "tpu.region"() ({
          %run_scoped3A = tpu.sem_alloc : memref<!tpu.dma_semaphore, #tpu.memory_space<semaphore_mem>>
          %dma_start3A_90 = arith.constant 0 : i32
          %dma_start3A_91 = tpu.memref_slice %arg13[%mul3A_89, %dma_start3A_90] : memref<10000x64xf32, #tpu.memory_space<vmem_shared>> -> memref<200x64xf32, #tpu.memory_space<vmem_shared>>
          %dma_start3A_92 = arith.constant 0 : i32
          %dma_start3A_93 = tpu.memref_slice %arg13[%mul3A_89, %dma_start3A_92] : memref<10000x64xf32, #tpu.memory_space<vmem_shared>> -> memref<200x64xf32, #tpu.memory_space<vmem_shared>>
          tpu.enqueue_dma source(%arg12 : memref<200x64xf32, #tpu.memory_space<vmem>>) target(%dma_start3A_93 : memref<200x64xf32, #tpu.memory_space<vmem_shared>>) target_semaphore(%run_scoped3A : memref<!tpu.dma_semaphore, #tpu.memory_space<semaphore_mem>>)
          %dma_wait3A = arith.constant 0 : i32
          %dma_wait3A_94 = tpu.memref_slice %arg13[%mul3A_89, %dma_wait3A] : memref<10000x64xf32, #tpu.memory_space<vmem_shared>> -> memref<200x64xf32, #tpu.memory_space<vmem_shared>>
          %dma_wait3A_95 = arith.constant 0 : i32
          %dma_wait3A_96 = tpu.memref_slice %arg13[%mul3A_89, %dma_wait3A_95] : memref<10000x64xf32, #tpu.memory_space<vmem_shared>> -> memref<200x64xf32, #tpu.memory_space<vmem_shared>>
          tpu.wait_dma2 semaphore(%run_scoped3A : memref<!tpu.dma_semaphore, #tpu.memory_space<semaphore_mem>>) src(%arg12 : memref<200x64xf32, #tpu.memory_space<vmem>>) dst(%dma_wait3A_96 : memref<200x64xf32, #tpu.memory_space<vmem_shared>>)
          tpu.yield
        }) : () -> ()
      } else {
      }
    }
    %scan3A_26 = arith.constant 4 : i32
    %barrier3A = arith.constant 0 : index
    tpu.barrier barrier_id(%barrier3A)
    %dma_start3A = arith.constant 0 : i32
    %dma_start3A_27 = arith.constant 0 : i32
    %dma_start3A_28 = arith.constant 0 : i32
    %dma_start3A_29 = arith.constant 0 : i32
    %dma_start3A_30 = arith.constant 0 : i32
    %dma_start3A_31 = tpu.memref_slice %arg10[%dma_start3A, %dma_start3A_29, %dma_start3A_30] : memref<2x80x64xf32, #tpu.memory_space<vmem>> -> memref<1x80x64xf32, #tpu.memory_space<vmem>>
    %dma_start3A_32 = tpu.memref_squeeze %dma_start3A_31 : memref<1x80x64xf32, #tpu.memory_space<vmem>> -> memref<80x64xf32, #tpu.memory_space<vmem>>
    %dma_start3A_33 = arith.constant 0 : i32
    %dma_start3A_34 = tpu.memref_slice %arg7[%dma_start3A_33] : memref<20000xi32, #tpu.memory_space<vmem>> -> memref<80xi32, #tpu.memory_space<vmem>>
    %dma_start3A_35 = arith.constant 0 : i32
    %dma_start3A_36 = arith.constant 0 : i32
    %dma_start3A_37 = tpu.memref_slice %arg2[%dma_start3A_35, %dma_start3A_36] : memref<20000x64xf32, #tpu.memory_space<hbm>> -> memref<20000x64xf32, #tpu.memory_space<hbm>>
    %dma_start3A_38 = tpu.memref_slice %arg14[%dma_start3A_27, %dma_start3A_28] : memref<2x3x!tpu.dma_semaphore, #tpu.memory_space<semaphore_mem>> -> memref<1x1x!tpu.dma_semaphore, #tpu.memory_space<semaphore_mem>>
    %dma_start3A_39 = tpu.memref_squeeze %dma_start3A_38 : memref<1x1x!tpu.dma_semaphore, #tpu.memory_space<semaphore_mem>> -> memref<!tpu.dma_semaphore, #tpu.memory_space<semaphore_mem>>
    tpu.enqueue_indirect_dma source(%dma_start3A_37 : memref<20000x64xf32, #tpu.memory_space<hbm>>) target(%dma_start3A_32 : memref<80x64xf32, #tpu.memory_space<vmem>>) offsets(%dma_start3A_34 : memref<80xi32, #tpu.memory_space<vmem>>) semaphore(%dma_start3A_39 : memref<!tpu.dma_semaphore, #tpu.memory_space<semaphore_mem>>)
    %dma_start3A_40 = arith.constant 0 : i32
    %dma_start3A_41 = arith.constant 0 : i32
    %dma_start3A_42 = arith.constant 1 : i32
    %dma_start3A_43 = arith.constant 0 : i32
    %dma_start3A_44 = arith.constant 0 : i32
    %dma_start3A_45 = tpu.memref_slice %arg11[%dma_start3A_40, %dma_start3A_43, %dma_start3A_44] : memref<2x80x64xf32, #tpu.memory_space<vmem>> -> memref<1x80x64xf32, #tpu.memory_space<vmem>>
    %dma_start3A_46 = tpu.memref_squeeze %dma_start3A_45 : memref<1x80x64xf32, #tpu.memory_space<vmem>> -> memref<80x64xf32, #tpu.memory_space<vmem>>
    %dma_start3A_47 = arith.constant 0 : i32
    %dma_start3A_48 = tpu.memref_slice %arg8[%dma_start3A_47] : memref<20000xi32, #tpu.memory_space<vmem>> -> memref<80xi32, #tpu.memory_space<vmem>>
    %dma_start3A_49 = arith.constant 0 : i32
    %dma_start3A_50 = arith.constant 0 : i32
    %dma_start3A_51 = tpu.memref_slice %arg3[%dma_start3A_49, %dma_start3A_50] : memref<640000x64xf32, #tpu.memory_space<hbm>> -> memref<640000x64xf32, #tpu.memory_space<hbm>>
    %dma_start3A_52 = tpu.memref_slice %arg14[%dma_start3A_41, %dma_start3A_42] : memref<2x3x!tpu.dma_semaphore, #tpu.memory_space<semaphore_mem>> -> memref<1x1x!tpu.dma_semaphore, #tpu.memory_space<semaphore_mem>>
    %dma_start3A_53 = tpu.memref_squeeze %dma_start3A_52 : memref<1x1x!tpu.dma_semaphore, #tpu.memory_space<semaphore_mem>> -> memref<!tpu.dma_semaphore, #tpu.memory_space<semaphore_mem>>
    tpu.enqueue_indirect_dma source(%dma_start3A_51 : memref<640000x64xf32, #tpu.memory_space<hbm>>) target(%dma_start3A_46 : memref<80x64xf32, #tpu.memory_space<vmem>>) offsets(%dma_start3A_48 : memref<80xi32, #tpu.memory_space<vmem>>) semaphore(%dma_start3A_53 : memref<!tpu.dma_semaphore, #tpu.memory_space<semaphore_mem>>)
    %add3A = arith.constant 0 : i32
    %add3A_54 = arith.addi %mul3A_0, %add3A : i32
    %dma_start3A_55 = arith.constant 0 : i32
    %dma_start3A_56 = arith.constant 0 : i32
    %dma_start3A_57 = arith.constant 2 : i32
    %dma_start3A_58 = arith.constant 0 : i32
    %dma_start3A_59 = tpu.memref_slice %arg9[%dma_start3A_55, %dma_start3A_58] : memref<2x80xi32, #tpu.memory_space<vmem>> -> memref<1x80xi32, #tpu.memory_space<vmem>>
    %dma_start3A_60 = tpu.memref_squeeze %dma_start3A_59 : memref<1x80xi32, #tpu.memory_space<vmem>> -> memref<80xi32, #tpu.memory_space<vmem>>
    %dma_start3A_61 = tpu.memref_slice %arg5[%add3A_54] : memref<320000xi32, #tpu.memory_space<hbm>> -> memref<80xi32, #tpu.memory_space<hbm>>
    %dma_start3A_62 = tpu.memref_slice %arg14[%dma_start3A_56, %dma_start3A_57] : memref<2x3x!tpu.dma_semaphore, #tpu.memory_space<semaphore_mem>> -> memref<1x1x!tpu.dma_semaphore, #tpu.memory_space<semaphore_mem>>
    %dma_start3A_63 = tpu.memref_squeeze %dma_start3A_62 : memref<1x1x!tpu.dma_semaphore, #tpu.memory_space<semaphore_mem>> -> memref<!tpu.dma_semaphore, #tpu.memory_space<semaphore_mem>>
    %dma_start3A_64 = arith.constant 0 : i32
    %dma_start3A_65 = tpu.memref_slice %arg9[%dma_start3A_55, %dma_start3A_64] : memref<2x80xi32, #tpu.memory_space<vmem>> -> memref<1x80xi32, #tpu.memory_space<vmem>>
    %dma_start3A_66 = tpu.memref_squeeze %dma_start3A_65 : memref<1x80xi32, #tpu.memory_space<vmem>> -> memref<80xi32, #tpu.memory_space<vmem>>
    %dma_start3A_67 = tpu.memref_slice %arg5[%add3A_54] : memref<320000xi32, #tpu.memory_space<hbm>> -> memref<80xi32, #tpu.memory_space<hbm>>
    tpu.enqueue_dma source(%dma_start3A_67 : memref<80xi32, #tpu.memory_space<hbm>>) target(%dma_start3A_66 : memref<80xi32, #tpu.memory_space<vmem>>) target_semaphore(%dma_start3A_63 : memref<!tpu.dma_semaphore, #tpu.memory_space<semaphore_mem>>)
    %scan3A_68 = arith.constant 0 : i32
    %scan3A_69 = arith.constant 0 : i32
    %scan3A_70 = arith.constant 125 : i32
    %scan3A_71 = arith.addi %scan3A_69, %scan3A_70 : i32
    %scan3A_72 = arith.constant 1 : i32
    scf.for %scan3A_82 = %scan3A_69 to %scan3A_71 step %scan3A_72  : i32 {
      %mul3A_83 = arith.constant 2 : i32
      %mul3A_84 = arith.muli %mul3A_83, %scan3A_82 : i32
      %add3A_85 = arith.constant 1 : i32
      %add3A_86 = arith.addi %mul3A_84, %add3A_85 : i32
      %mul3A_87 = arith.constant 80 : i32
      %mul3A_88 = arith.muli %add3A_86, %mul3A_87 : i32
      %dma_start3A_89 = arith.constant 1 : i32
      %dma_start3A_90 = arith.constant 1 : i32
      %dma_start3A_91 = arith.constant 0 : i32
      %dma_start3A_92 = arith.constant 0 : i32
      %dma_start3A_93 = arith.constant 0 : i32
      %dma_start3A_94 = tpu.memref_slice %arg10[%dma_start3A_89, %dma_start3A_92, %dma_start3A_93] : memref<2x80x64xf32, #tpu.memory_space<vmem>> -> memref<1x80x64xf32, #tpu.memory_space<vmem>>
      %dma_start3A_95 = tpu.memref_squeeze %dma_start3A_94 : memref<1x80x64xf32, #tpu.memory_space<vmem>> -> memref<80x64xf32, #tpu.memory_space<vmem>>
      %dma_start3A_96 = tpu.memref_slice %arg7[%mul3A_88] : memref<20000xi32, #tpu.memory_space<vmem>> -> memref<80xi32, #tpu.memory_space<vmem>>
      %dma_start3A_97 = arith.constant 0 : i32
      %dma_start3A_98 = arith.constant 0 : i32
      %dma_start3A_99 = tpu.memref_slice %arg2[%dma_start3A_97, %dma_start3A_98] : memref<20000x64xf32, #tpu.memory_space<hbm>> -> memref<20000x64xf32, #tpu.memory_space<hbm>>
      %dma_start3A_100 = tpu.memref_slice %arg14[%dma_start3A_90, %dma_start3A_91] : memref<2x3x!tpu.dma_semaphore, #tpu.memory_space<semaphore_mem>> -> memref<1x1x!tpu.dma_semaphore, #tpu.memory_space<semaphore_mem>>
      %dma_start3A_101 = tpu.memref_squeeze %dma_start3A_100 : memref<1x1x!tpu.dma_semaphore, #tpu.memory_space<semaphore_mem>> -> memref<!tpu.dma_semaphore, #tpu.memory_space<semaphore_mem>>
      tpu.enqueue_indirect_dma source(%dma_start3A_99 : memref<20000x64xf32, #tpu.memory_space<hbm>>) target(%dma_start3A_95 : memref<80x64xf32, #tpu.memory_space<vmem>>) offsets(%dma_start3A_96 : memref<80xi32, #tpu.memory_space<vmem>>) semaphore(%dma_start3A_101 : memref<!tpu.dma_semaphore, #tpu.memory_space<semaphore_mem>>)
      %mul3A_102 = arith.constant 80 : i32
      %mul3A_103 = arith.muli %add3A_86, %mul3A_102 : i32
      %dma_start3A_104 = arith.constant 1 : i32
      %dma_start3A_105 = arith.constant 1 : i32
      %dma_start3A_106 = arith.constant 1 : i32
      %dma_start3A_107 = arith.constant 0 : i32
      %dma_start3A_108 = arith.constant 0 : i32
      %dma_start3A_109 = tpu.memref_slice %arg11[%dma_start3A_104, %dma_start3A_107, %dma_start3A_108] : memref<2x80x64xf32, #tpu.memory_space<vmem>> -> memref<1x80x64xf32, #tpu.memory_space<vmem>>
      %dma_start3A_110 = tpu.memref_squeeze %dma_start3A_109 : memref<1x80x64xf32, #tpu.memory_space<vmem>> -> memref<80x64xf32, #tpu.memory_space<vmem>>
      %dma_start3A_111 = tpu.memref_slice %arg8[%mul3A_103] : memref<20000xi32, #tpu.memory_space<vmem>> -> memref<80xi32, #tpu.memory_space<vmem>>
      %dma_start3A_112 = arith.constant 0 : i32
      %dma_start3A_113 = arith.constant 0 : i32
      %dma_start3A_114 = tpu.memref_slice %arg3[%dma_start3A_112, %dma_start3A_113] : memref<640000x64xf32, #tpu.memory_space<hbm>> -> memref<640000x64xf32, #tpu.memory_space<hbm>>
      %dma_start3A_115 = tpu.memref_slice %arg14[%dma_start3A_105, %dma_start3A_106] : memref<2x3x!tpu.dma_semaphore, #tpu.memory_space<semaphore_mem>> -> memref<1x1x!tpu.dma_semaphore, #tpu.memory_space<semaphore_mem>>
      %dma_start3A_116 = tpu.memref_squeeze %dma_start3A_115 : memref<1x1x!tpu.dma_semaphore, #tpu.memory_space<semaphore_mem>> -> memref<!tpu.dma_semaphore, #tpu.memory_space<semaphore_mem>>
      tpu.enqueue_indirect_dma source(%dma_start3A_114 : memref<640000x64xf32, #tpu.memory_space<hbm>>) target(%dma_start3A_110 : memref<80x64xf32, #tpu.memory_space<vmem>>) offsets(%dma_start3A_111 : memref<80xi32, #tpu.memory_space<vmem>>) semaphore(%dma_start3A_116 : memref<!tpu.dma_semaphore, #tpu.memory_space<semaphore_mem>>)
      %mul3A_117 = arith.constant 80 : i32
      %mul3A_118 = arith.muli %add3A_86, %mul3A_117 : i32
      %add3A_119 = arith.addi %mul3A_0, %mul3A_118 : i32
      %dma_start3A_120 = arith.constant 1 : i32
      %dma_start3A_121 = arith.constant 1 : i32
      %dma_start3A_122 = arith.constant 2 : i32
      %dma_start3A_123 = arith.constant 0 : i32
      %dma_start3A_124 = tpu.memref_slice %arg9[%dma_start3A_120, %dma_start3A_123] : memref<2x80xi32, #tpu.memory_space<vmem>> -> memref<1x80xi32, #tpu.memory_space<vmem>>
      %dma_start3A_125 = tpu.memref_squeeze %dma_start3A_124 : memref<1x80xi32, #tpu.memory_space<vmem>> -> memref<80xi32, #tpu.memory_space<vmem>>
      %dma_start3A_126 = tpu.memref_slice %arg5[%add3A_119] : memref<320000xi32, #tpu.memory_space<hbm>> -> memref<80xi32, #tpu.memory_space<hbm>>
      %dma_start3A_127 = tpu.memref_slice %arg14[%dma_start3A_121, %dma_start3A_122] : memref<2x3x!tpu.dma_semaphore, #tpu.memory_space<semaphore_mem>> -> memref<1x1x!tpu.dma_semaphore, #tpu.memory_space<semaphore_mem>>
      %dma_start3A_128 = tpu.memref_squeeze %dma_start3A_127 : memref<1x1x!tpu.dma_semaphore, #tpu.memory_space<semaphore_mem>> -> memref<!tpu.dma_semaphore, #tpu.memory_space<semaphore_mem>>
      %dma_start3A_129 = arith.constant 0 : i32
      %dma_start3A_130 = tpu.memref_slice %arg9[%dma_start3A_120, %dma_start3A_129] : memref<2x80xi32, #tpu.memory_space<vmem>> -> memref<1x80xi32, #tpu.memory_space<vmem>>
      %dma_start3A_131 = tpu.memref_squeeze %dma_start3A_130 : memref<1x80xi32, #tpu.memory_space<vmem>> -> memref<80xi32, #tpu.memory_space<vmem>>
      %dma_start3A_132 = tpu.memref_slice %arg5[%add3A_119] : memref<320000xi32, #tpu.memory_space<hbm>> -> memref<80xi32, #tpu.memory_space<hbm>>
      tpu.enqueue_dma source(%dma_start3A_132 : memref<80xi32, #tpu.memory_space<hbm>>) target(%dma_start3A_131 : memref<80xi32, #tpu.memory_space<vmem>>) target_semaphore(%dma_start3A_128 : memref<!tpu.dma_semaphore, #tpu.memory_space<semaphore_mem>>)
      %mul3A_133 = arith.constant 80 : i32
      %mul3A_134 = arith.muli %mul3A_84, %mul3A_133 : i32
      %dma_wait3A = arith.constant 0 : i32
      %dma_wait3A_135 = arith.constant 0 : i32
      %dma_wait3A_136 = arith.constant 0 : i32
      %dma_wait3A_137 = arith.constant 0 : i32
      %dma_wait3A_138 = arith.constant 0 : i32
      %dma_wait3A_139 = tpu.memref_slice %arg10[%dma_wait3A, %dma_wait3A_137, %dma_wait3A_138] : memref<2x80x64xf32, #tpu.memory_space<vmem>> -> memref<1x80x64xf32, #tpu.memory_space<vmem>>
      %dma_wait3A_140 = tpu.memref_squeeze %dma_wait3A_139 : memref<1x80x64xf32, #tpu.memory_space<vmem>> -> memref<80x64xf32, #tpu.memory_space<vmem>>
      %dma_wait3A_141 = tpu.memref_slice %arg7[%mul3A_134] : memref<20000xi32, #tpu.memory_space<vmem>> -> memref<80xi32, #tpu.memory_space<vmem>>
      %dma_wait3A_142 = arith.constant 0 : i32
      %dma_wait3A_143 = arith.constant 0 : i32
      %dma_wait3A_144 = tpu.memref_slice %arg2[%dma_wait3A_142, %dma_wait3A_143] : memref<20000x64xf32, #tpu.memory_space<hbm>> -> memref<20000x64xf32, #tpu.memory_space<hbm>>
      %dma_wait3A_145 = tpu.memref_slice %arg14[%dma_wait3A_135, %dma_wait3A_136] : memref<2x3x!tpu.dma_semaphore, #tpu.memory_space<semaphore_mem>> -> memref<1x1x!tpu.dma_semaphore, #tpu.memory_space<semaphore_mem>>
      %dma_wait3A_146 = tpu.memref_squeeze %dma_wait3A_145 : memref<1x1x!tpu.dma_semaphore, #tpu.memory_space<semaphore_mem>> -> memref<!tpu.dma_semaphore, #tpu.memory_space<semaphore_mem>>
      tpu.wait_indirect_dma semaphore(%dma_wait3A_146 : memref<!tpu.dma_semaphore, #tpu.memory_space<semaphore_mem>>) src(%dma_wait3A_144 : memref<20000x64xf32, #tpu.memory_space<hbm>>) dst(%dma_wait3A_140 : memref<80x64xf32, #tpu.memory_space<vmem>>)
      %mul3A_147 = arith.constant 80 : i32
      %mul3A_148 = arith.muli %mul3A_84, %mul3A_147 : i32
      %dma_wait3A_149 = arith.constant 0 : i32
      %dma_wait3A_150 = arith.constant 0 : i32
      %dma_wait3A_151 = arith.constant 1 : i32
      %dma_wait3A_152 = arith.constant 0 : i32
      %dma_wait3A_153 = arith.constant 0 : i32
      %dma_wait3A_154 = tpu.memref_slice %arg11[%dma_wait3A_149, %dma_wait3A_152, %dma_wait3A_153] : memref<2x80x64xf32, #tpu.memory_space<vmem>> -> memref<1x80x64xf32, #tpu.memory_space<vmem>>
      %dma_wait3A_155 = tpu.memref_squeeze %dma_wait3A_154 : memref<1x80x64xf32, #tpu.memory_space<vmem>> -> memref<80x64xf32, #tpu.memory_space<vmem>>
      %dma_wait3A_156 = tpu.memref_slice %arg8[%mul3A_148] : memref<20000xi32, #tpu.memory_space<vmem>> -> memref<80xi32, #tpu.memory_space<vmem>>
      %dma_wait3A_157 = arith.constant 0 : i32
      %dma_wait3A_158 = arith.constant 0 : i32
      %dma_wait3A_159 = tpu.memref_slice %arg3[%dma_wait3A_157, %dma_wait3A_158] : memref<640000x64xf32, #tpu.memory_space<hbm>> -> memref<640000x64xf32, #tpu.memory_space<hbm>>
      %dma_wait3A_160 = tpu.memref_slice %arg14[%dma_wait3A_150, %dma_wait3A_151] : memref<2x3x!tpu.dma_semaphore, #tpu.memory_space<semaphore_mem>> -> memref<1x1x!tpu.dma_semaphore, #tpu.memory_space<semaphore_mem>>
      %dma_wait3A_161 = tpu.memref_squeeze %dma_wait3A_160 : memref<1x1x!tpu.dma_semaphore, #tpu.memory_space<semaphore_mem>> -> memref<!tpu.dma_semaphore, #tpu.memory_space<semaphore_mem>>
      tpu.wait_indirect_dma semaphore(%dma_wait3A_161 : memref<!tpu.dma_semaphore, #tpu.memory_space<semaphore_mem>>) src(%dma_wait3A_159 : memref<640000x64xf32, #tpu.memory_space<hbm>>) dst(%dma_wait3A_155 : memref<80x64xf32, #tpu.memory_space<vmem>>)
      %mul3A_162 = arith.constant 80 : i32
      %mul3A_163 = arith.muli %mul3A_84, %mul3A_162 : i32
      %add3A_164 = arith.addi %mul3A_0, %mul3A_163 : i32
      %dma_wait3A_165 = arith.constant 0 : i32
      %dma_wait3A_166 = arith.constant 0 : i32
      %dma_wait3A_167 = arith.constant 2 : i32
      %dma_wait3A_168 = arith.constant 0 : i32
      %dma_wait3A_169 = tpu.memref_slice %arg9[%dma_wait3A_165, %dma_wait3A_168] : memref<2x80xi32, #tpu.memory_space<vmem>> -> memref<1x80xi32, #tpu.memory_space<vmem>>
      %dma_wait3A_170 = tpu.memref_squeeze %dma_wait3A_169 : memref<1x80xi32, #tpu.memory_space<vmem>> -> memref<80xi32, #tpu.memory_space<vmem>>
      %dma_wait3A_171 = tpu.memref_slice %arg5[%add3A_164] : memref<320000xi32, #tpu.memory_space<hbm>> -> memref<80xi32, #tpu.memory_space<hbm>>
      %dma_wait3A_172 = tpu.memref_slice %arg14[%dma_wait3A_166, %dma_wait3A_167] : memref<2x3x!tpu.dma_semaphore, #tpu.memory_space<semaphore_mem>> -> memref<1x1x!tpu.dma_semaphore, #tpu.memory_space<semaphore_mem>>
      %dma_wait3A_173 = tpu.memref_squeeze %dma_wait3A_172 : memref<1x1x!tpu.dma_semaphore, #tpu.memory_space<semaphore_mem>> -> memref<!tpu.dma_semaphore, #tpu.memory_space<semaphore_mem>>
      %dma_wait3A_174 = arith.constant 0 : i32
      %dma_wait3A_175 = tpu.memref_slice %arg9[%dma_wait3A_165, %dma_wait3A_174] : memref<2x80xi32, #tpu.memory_space<vmem>> -> memref<1x80xi32, #tpu.memory_space<vmem>>
      %dma_wait3A_176 = tpu.memref_squeeze %dma_wait3A_175 : memref<1x80xi32, #tpu.memory_space<vmem>> -> memref<80xi32, #tpu.memory_space<vmem>>
      %dma_wait3A_177 = tpu.memref_slice %arg5[%add3A_164] : memref<320000xi32, #tpu.memory_space<hbm>> -> memref<80xi32, #tpu.memory_space<hbm>>
      tpu.wait_dma2 semaphore(%dma_wait3A_173 : memref<!tpu.dma_semaphore, #tpu.memory_space<semaphore_mem>>) src(%dma_wait3A_177 : memref<80xi32, #tpu.memory_space<hbm>>) dst(%dma_wait3A_176 : memref<80xi32, #tpu.memory_space<vmem>>)
      %scan3A_178 = arith.constant 0 : i32
      %scan3A_179 = arith.constant 0 : i32
      %scan3A_180 = arith.constant 80 : i32
      %scan3A_181 = arith.addi %scan3A_179, %scan3A_180 : i32
      %scan3A_182 = arith.constant 1 : i32
      scf.for %scan3A_245 = %scan3A_179 to %scan3A_181 step %scan3A_182  : i32 {
        %get3A = arith.constant 0 : i32
        %get3A_246 = arith.index_cast %get3A : i32 to index
        %get3A_247 = arith.index_cast %scan3A_245 : i32 to index
        %get3A_248 = arith.constant 0 : index
        %get3A_249 = tpu.vector_load %arg10[%get3A_246, %get3A_247, %get3A_248] {strides = array<i32>} : memref<2x80x64xf32, #tpu.memory_space<vmem>>, vector<1x1x16xf32>,
        %get3A_250 = vector.shape_cast %get3A_249 : vector<1x1x16xf32> to vector<16xf32>
        %get3A_251 = arith.constant 0 : i32
        %get3A_252 = arith.index_cast %get3A_251 : i32 to index
        %get3A_253 = arith.index_cast %scan3A_245 : i32 to index
        %get3A_254 = arith.constant 0 : index
        %get3A_255 = tpu.vector_load %arg11[%get3A_252, %get3A_253, %get3A_254] {strides = array<i32>} : memref<2x80x64xf32, #tpu.memory_space<vmem>>, vector<1x1x16xf32>,
        %get3A_256 = vector.shape_cast %get3A_255 : vector<1x1x16xf32> to vector<16xf32>
        %add3A_257 = arith.addf %get3A_250, %get3A_256 : vector<16xf32>
        %max3A = arith.constant 0.000000e+00 : f32
        %max3A_258 = vector.broadcast %max3A : f32 to vector<16xf32>
        %max3A_259 = arith.maximumf %add3A_257, %max3A_258 : vector<16xf32>
        %swap3A = arith.constant 0 : i32
        %swap3A_260 = arith.index_cast %swap3A : i32 to index
        %swap3A_261 = arith.index_cast %scan3A_245 : i32 to index
        %swap3A_262 = arith.constant 0 : index
        %swap3A_263 = tpu.vector_load %arg10[%swap3A_260, %swap3A_261, %swap3A_262] {strides = array<i32>} : memref<2x80x64xf32, #tpu.memory_space<vmem>>, vector<1x1x16xf32>,
        %swap3A_264 = vector.shape_cast %swap3A_263 : vector<1x1x16xf32> to vector<16xf32>
        %swap3A_265 = vector.shape_cast %max3A_259 : vector<16xf32> to vector<1x1x16xf32>
        tpu.vector_store %arg10[%swap3A_260, %swap3A_261, %swap3A_262], %swap3A_265 {strides = array<i32>} : memref<2x80x64xf32, #tpu.memory_space<vmem>>, vector<1x1x16xf32>,
        %get3A_266 = arith.constant 0 : i32
        %get3A_267 = arith.index_cast %get3A_266 : i32 to index
        %get3A_268 = arith.index_cast %scan3A_245 : i32 to index
        %get3A_269 = arith.constant 16 : index
        %get3A_270 = tpu.vector_load %arg10[%get3A_267, %get3A_268, %get3A_269] {strides = array<i32>} : memref<2x80x64xf32, #tpu.memory_space<vmem>>, vector<1x1x16xf32>,
        %get3A_271 = vector.shape_cast %get3A_270 : vector<1x1x16xf32> to vector<16xf32>
        %get3A_272 = arith.constant 0 : i32
        %get3A_273 = arith.index_cast %get3A_272 : i32 to index
        %get3A_274 = arith.index_cast %scan3A_245 : i32 to index
        %get3A_275 = arith.constant 16 : index
        %get3A_276 = tpu.vector_load %arg11[%get3A_273, %get3A_274, %get3A_275] {strides = array<i32>} : memref<2x80x64xf32, #tpu.memory_space<vmem>>, vector<1x1x16xf32>,
        %get3A_277 = vector.shape_cast %get3A_276 : vector<1x1x16xf32> to vector<16xf32>
        %add3A_278 = arith.addf %get3A_271, %get3A_277 : vector<16xf32>
        %max3A_279 = arith.constant 0.000000e+00 : f32
        %max3A_280 = vector.broadcast %max3A_279 : f32 to vector<16xf32>
        %max3A_281 = arith.maximumf %add3A_278, %max3A_280 : vector<16xf32>
        %swap3A_282 = arith.constant 0 : i32
        %swap3A_283 = arith.index_cast %swap3A_282 : i32 to index
        %swap3A_284 = arith.index_cast %scan3A_245 : i32 to index
        %swap3A_285 = arith.constant 16 : index
        %swap3A_286 = tpu.vector_load %arg10[%swap3A_283, %swap3A_284, %swap3A_285] {strides = array<i32>} : memref<2x80x64xf32, #tpu.memory_space<vmem>>, vector<1x1x16xf32>,
        %swap3A_287 = vector.shape_cast %swap3A_286 : vector<1x1x16xf32> to vector<16xf32>
        %swap3A_288 = vector.shape_cast %max3A_281 : vector<16xf32> to vector<1x1x16xf32>
        tpu.vector_store %arg10[%swap3A_283, %swap3A_284, %swap3A_285], %swap3A_288 {strides = array<i32>} : memref<2x80x64xf32, #tpu.memory_space<vmem>>, vector<1x1x16xf32>,
        %get3A_289 = arith.constant 0 : i32
        %get3A_290 = arith.index_cast %get3A_289 : i32 to index
        %get3A_291 = arith.index_cast %scan3A_245 : i32 to index
        %get3A_292 = arith.constant 32 : index
        %get3A_293 = tpu.vector_load %arg10[%get3A_290, %get3A_291, %get3A_292] {strides = array<i32>} : memref<2x80x64xf32, #tpu.memory_space<vmem>>, vector<1x1x16xf32>,
        %get3A_294 = vector.shape_cast %get3A_293 : vector<1x1x16xf32> to vector<16xf32>
        %get3A_295 = arith.constant 0 : i32
        %get3A_296 = arith.index_cast %get3A_295 : i32 to index
        %get3A_297 = arith.index_cast %scan3A_245 : i32 to index
        %get3A_298 = arith.constant 32 : index
        %get3A_299 = tpu.vector_load %arg11[%get3A_296, %get3A_297, %get3A_298] {strides = array<i32>} : memref<2x80x64xf32, #tpu.memory_space<vmem>>, vector<1x1x16xf32>,
        %get3A_300 = vector.shape_cast %get3A_299 : vector<1x1x16xf32> to vector<16xf32>
        %add3A_301 = arith.addf %get3A_294, %get3A_300 : vector<16xf32>
        %max3A_302 = arith.constant 0.000000e+00 : f32
        %max3A_303 = vector.broadcast %max3A_302 : f32 to vector<16xf32>
        %max3A_304 = arith.maximumf %add3A_301, %max3A_303 : vector<16xf32>
        %swap3A_305 = arith.constant 0 : i32
        %swap3A_306 = arith.index_cast %swap3A_305 : i32 to index
        %swap3A_307 = arith.index_cast %scan3A_245 : i32 to index
        %swap3A_308 = arith.constant 32 : index
        %swap3A_309 = tpu.vector_load %arg10[%swap3A_306, %swap3A_307, %swap3A_308] {strides = array<i32>} : memref<2x80x64xf32, #tpu.memory_space<vmem>>, vector<1x1x16xf32>,
        %swap3A_310 = vector.shape_cast %swap3A_309 : vector<1x1x16xf32> to vector<16xf32>
        %swap3A_311 = vector.shape_cast %max3A_304 : vector<16xf32> to vector<1x1x16xf32>
        tpu.vector_store %arg10[%swap3A_306, %swap3A_307, %swap3A_308], %swap3A_311 {strides = array<i32>} : memref<2x80x64xf32, #tpu.memory_space<vmem>>, vector<1x1x16xf32>,
        %get3A_312 = arith.constant 0 : i32
        %get3A_313 = arith.index_cast %get3A_312 : i32 to index
        %get3A_314 = arith.index_cast %scan3A_245 : i32 to index
        %get3A_315 = arith.constant 48 : index
        %get3A_316 = tpu.vector_load %arg10[%get3A_313, %get3A_314, %get3A_315] {strides = array<i32>} : memref<2x80x64xf32, #tpu.memory_space<vmem>>, vector<1x1x16xf32>,
        %get3A_317 = vector.shape_cast %get3A_316 : vector<1x1x16xf32> to vector<16xf32>
        %get3A_318 = arith.constant 0 : i32
        %get3A_319 = arith.index_cast %get3A_318 : i32 to index
        %get3A_320 = arith.index_cast %scan3A_245 : i32 to index
        %get3A_321 = arith.constant 48 : index
        %get3A_322 = tpu.vector_load %arg11[%get3A_319, %get3A_320, %get3A_321] {strides = array<i32>} : memref<2x80x64xf32, #tpu.memory_space<vmem>>, vector<1x1x16xf32>,
        %get3A_323 = vector.shape_cast %get3A_322 : vector<1x1x16xf32> to vector<16xf32>
        %add3A_324 = arith.addf %get3A_317, %get3A_323 : vector<16xf32>
        %max3A_325 = arith.constant 0.000000e+00 : f32
        %max3A_326 = vector.broadcast %max3A_325 : f32 to vector<16xf32>
        %max3A_327 = arith.maximumf %add3A_324, %max3A_326 : vector<16xf32>
        %swap3A_328 = arith.constant 0 : i32
        %swap3A_329 = arith.index_cast %swap3A_328 : i32 to index
        %swap3A_330 = arith.index_cast %scan3A_245 : i32 to index
        %swap3A_331 = arith.constant 48 : index
        %swap3A_332 = tpu.vector_load %arg10[%swap3A_329, %swap3A_330, %swap3A_331] {strides = array<i32>} : memref<2x80x64xf32, #tpu.memory_space<vmem>>, vector<1x1x16xf32>,
        %swap3A_333 = vector.shape_cast %swap3A_332 : vector<1x1x16xf32> to vector<16xf32>
        %swap3A_334 = vector.shape_cast %max3A_327 : vector<16xf32> to vector<1x1x16xf32>
        tpu.vector_store %arg10[%swap3A_329, %swap3A_330, %swap3A_331], %swap3A_334 {strides = array<i32>} : memref<2x80x64xf32, #tpu.memory_space<vmem>>, vector<1x1x16xf32>,
      }
      %scan3A_183 = arith.constant 80 : i32
      %run_scoped3A = arith.constant 0 : i32
      %run_scoped3A_184 = arith.constant 0 : i32
      "tpu.region"() ({
        %run_scoped3A_245 = tpu.sem_alloc : memref<!tpu.dma_semaphore, #tpu.memory_space<semaphore_mem>>
        %dma_start3A_246 = arith.constant 0 : i32
        %dma_start3A_247 = arith.constant 0 : i32
        %dma_start3A_248 = tpu.memref_slice %arg10[%run_scoped3A, %dma_start3A_246, %dma_start3A_247] : memref<2x80x64xf32, #tpu.memory_space<vmem>> -> memref<1x80x64xf32, #tpu.memory_space<vmem>>
        %dma_start3A_249 = tpu.memref_squeeze %dma_start3A_248 : memref<1x80x64xf32, #tpu.memory_space<vmem>> -> memref<80x64xf32, #tpu.memory_space<vmem>>
        %dma_start3A_250 = arith.constant 0 : i32
        %dma_start3A_251 = tpu.memref_slice %arg9[%run_scoped3A_184, %dma_start3A_250] : memref<2x80xi32, #tpu.memory_space<vmem>> -> memref<1x80xi32, #tpu.memory_space<vmem>>
        %dma_start3A_252 = tpu.memref_squeeze %dma_start3A_251 : memref<1x80xi32, #tpu.memory_space<vmem>> -> memref<80xi32, #tpu.memory_space<vmem>>
        %dma_start3A_253 = arith.constant 0 : i32
        %dma_start3A_254 = arith.constant 0 : i32
        %dma_start3A_255 = tpu.memref_slice %arg13[%dma_start3A_253, %dma_start3A_254] : memref<10000x64xf32, #tpu.memory_space<vmem_shared>> -> memref<10000x64xf32, #tpu.memory_space<vmem_shared>>
        tpu.enqueue_indirect_dma source(%dma_start3A_249 : memref<80x64xf32, #tpu.memory_space<vmem>>) target(%dma_start3A_255 : memref<10000x64xf32, #tpu.memory_space<vmem_shared>>) offsets(%dma_start3A_252 : memref<80xi32, #tpu.memory_space<vmem>>) semaphore(%run_scoped3A_245 : memref<!tpu.dma_semaphore, #tpu.memory_space<semaphore_mem>>) {add = true}
        %dma_wait3A_256 = arith.constant 0 : i32
        %dma_wait3A_257 = arith.constant 0 : i32
        %dma_wait3A_258 = tpu.memref_slice %arg10[%run_scoped3A, %dma_wait3A_256, %dma_wait3A_257] : memref<2x80x64xf32, #tpu.memory_space<vmem>> -> memref<1x80x64xf32, #tpu.memory_space<vmem>>
        %dma_wait3A_259 = tpu.memref_squeeze %dma_wait3A_258 : memref<1x80x64xf32, #tpu.memory_space<vmem>> -> memref<80x64xf32, #tpu.memory_space<vmem>>
        %dma_wait3A_260 = arith.constant 0 : i32
        %dma_wait3A_261 = tpu.memref_slice %arg9[%run_scoped3A_184, %dma_wait3A_260] : memref<2x80xi32, #tpu.memory_space<vmem>> -> memref<1x80xi32, #tpu.memory_space<vmem>>
        %dma_wait3A_262 = tpu.memref_squeeze %dma_wait3A_261 : memref<1x80xi32, #tpu.memory_space<vmem>> -> memref<80xi32, #tpu.memory_space<vmem>>
        %dma_wait3A_263 = arith.constant 0 : i32
        %dma_wait3A_264 = arith.constant 0 : i32
        %dma_wait3A_265 = tpu.memref_slice %arg13[%dma_wait3A_263, %dma_wait3A_264] : memref<10000x64xf32, #tpu.memory_space<vmem_shared>> -> memref<10000x64xf32, #tpu.memory_space<vmem_shared>>
        tpu.wait_indirect_dma semaphore(%run_scoped3A_245 : memref<!tpu.dma_semaphore, #tpu.memory_space<semaphore_mem>>) src(%dma_wait3A_259 : memref<80x64xf32, #tpu.memory_space<vmem>>) dst(%dma_wait3A_265 : memref<10000x64xf32, #tpu.memory_space<vmem_shared>>)
        tpu.yield
      }) : () -> ()
      %add3A_185 = arith.constant 2 : i32
      %add3A_186 = arith.addi %mul3A_84, %add3A_185 : i32
      %lt3A = arith.constant 250 : i32
      %lt3A_187 = arith.cmpi slt, %add3A_186, %lt3A : i32
      %convert_element_type3A = arith.extui %lt3A_187 : i1 to i32
      %cond3A = arith.constant 0 : i32
      %cond3A_188 = arith.cmpi ne, %convert_element_type3A, %cond3A : i32
      scf.if %cond3A_188 {
        %add3A_245 = arith.constant 2 : i32
        %add3A_246 = arith.addi %mul3A_84, %add3A_245 : i32
        %mul3A_247 = arith.constant 80 : i32
        %mul3A_248 = arith.muli %add3A_246, %mul3A_247 : i32
        %dma_start3A_249 = arith.constant 0 : i32
        %dma_start3A_250 = arith.constant 0 : i32
        %dma_start3A_251 = arith.constant 0 : i32
        %dma_start3A_252 = arith.constant 0 : i32
        %dma_start3A_253 = arith.constant 0 : i32
        %dma_start3A_254 = tpu.memref_slice %arg10[%dma_start3A_249, %dma_start3A_252, %dma_start3A_253] : memref<2x80x64xf32, #tpu.memory_space<vmem>> -> memref<1x80x64xf32, #tpu.memory_space<vmem>>
        %dma_start3A_255 = tpu.memref_squeeze %dma_start3A_254 : memref<1x80x64xf32, #tpu.memory_space<vmem>> -> memref<80x64xf32, #tpu.memory_space<vmem>>
        %dma_start3A_256 = tpu.memref_slice %arg7[%mul3A_248] : memref<20000xi32, #tpu.memory_space<vmem>> -> memref<80xi32, #tpu.memory_space<vmem>>
        %dma_start3A_257 = arith.constant 0 : i32
        %dma_start3A_258 = arith.constant 0 : i32
        %dma_start3A_259 = tpu.memref_slice %arg2[%dma_start3A_257, %dma_start3A_258] : memref<20000x64xf32, #tpu.memory_space<hbm>> -> memref<20000x64xf32, #tpu.memory_space<hbm>>
        %dma_start3A_260 = tpu.memref_slice %arg14[%dma_start3A_250, %dma_start3A_251] : memref<2x3x!tpu.dma_semaphore, #tpu.memory_space<semaphore_mem>> -> memref<1x1x!tpu.dma_semaphore, #tpu.memory_space<semaphore_mem>>
        %dma_start3A_261 = tpu.memref_squeeze %dma_start3A_260 : memref<1x1x!tpu.dma_semaphore, #tpu.memory_space<semaphore_mem>> -> memref<!tpu.dma_semaphore, #tpu.memory_space<semaphore_mem>>
        tpu.enqueue_indirect_dma source(%dma_start3A_259 : memref<20000x64xf32, #tpu.memory_space<hbm>>) target(%dma_start3A_255 : memref<80x64xf32, #tpu.memory_space<vmem>>) offsets(%dma_start3A_256 : memref<80xi32, #tpu.memory_space<vmem>>) semaphore(%dma_start3A_261 : memref<!tpu.dma_semaphore, #tpu.memory_space<semaphore_mem>>)
        %mul3A_262 = arith.constant 80 : i32
        %mul3A_263 = arith.muli %add3A_246, %mul3A_262 : i32
        %dma_start3A_264 = arith.constant 0 : i32
        %dma_start3A_265 = arith.constant 0 : i32
        %dma_start3A_266 = arith.constant 1 : i32
        %dma_start3A_267 = arith.constant 0 : i32
        %dma_start3A_268 = arith.constant 0 : i32
        %dma_start3A_269 = tpu.memref_slice %arg11[%dma_start3A_264, %dma_start3A_267, %dma_start3A_268] : memref<2x80x64xf32, #tpu.memory_space<vmem>> -> memref<1x80x64xf32, #tpu.memory_space<vmem>>
        %dma_start3A_270 = tpu.memref_squeeze %dma_start3A_269 : memref<1x80x64xf32, #tpu.memory_space<vmem>> -> memref<80x64xf32, #tpu.memory_space<vmem>>
        %dma_start3A_271 = tpu.memref_slice %arg8[%mul3A_263] : memref<20000xi32, #tpu.memory_space<vmem>> -> memref<80xi32, #tpu.memory_space<vmem>>
        %dma_start3A_272 = arith.constant 0 : i32
        %dma_start3A_273 = arith.constant 0 : i32
        %dma_start3A_274 = tpu.memref_slice %arg3[%dma_start3A_272, %dma_start3A_273] : memref<640000x64xf32, #tpu.memory_space<hbm>> -> memref<640000x64xf32, #tpu.memory_space<hbm>>
        %dma_start3A_275 = tpu.memref_slice %arg14[%dma_start3A_265, %dma_start3A_266] : memref<2x3x!tpu.dma_semaphore, #tpu.memory_space<semaphore_mem>> -> memref<1x1x!tpu.dma_semaphore, #tpu.memory_space<semaphore_mem>>
        %dma_start3A_276 = tpu.memref_squeeze %dma_start3A_275 : memref<1x1x!tpu.dma_semaphore, #tpu.memory_space<semaphore_mem>> -> memref<!tpu.dma_semaphore, #tpu.memory_space<semaphore_mem>>
        tpu.enqueue_indirect_dma source(%dma_start3A_274 : memref<640000x64xf32, #tpu.memory_space<hbm>>) target(%dma_start3A_270 : memref<80x64xf32, #tpu.memory_space<vmem>>) offsets(%dma_start3A_271 : memref<80xi32, #tpu.memory_space<vmem>>) semaphore(%dma_start3A_276 : memref<!tpu.dma_semaphore, #tpu.memory_space<semaphore_mem>>)
        %mul3A_277 = arith.constant 80 : i32
        %mul3A_278 = arith.muli %add3A_246, %mul3A_277 : i32
        %add3A_279 = arith.addi %mul3A_0, %mul3A_278 : i32
        %dma_start3A_280 = arith.constant 0 : i32
        %dma_start3A_281 = arith.constant 0 : i32
        %dma_start3A_282 = arith.constant 2 : i32
        %dma_start3A_283 = arith.constant 0 : i32
        %dma_start3A_284 = tpu.memref_slice %arg9[%dma_start3A_280, %dma_start3A_283] : memref<2x80xi32, #tpu.memory_space<vmem>> -> memref<1x80xi32, #tpu.memory_space<vmem>>
        %dma_start3A_285 = tpu.memref_squeeze %dma_start3A_284 : memref<1x80xi32, #tpu.memory_space<vmem>> -> memref<80xi32, #tpu.memory_space<vmem>>
        %dma_start3A_286 = tpu.memref_slice %arg5[%add3A_279] : memref<320000xi32, #tpu.memory_space<hbm>> -> memref<80xi32, #tpu.memory_space<hbm>>
        %dma_start3A_287 = tpu.memref_slice %arg14[%dma_start3A_281, %dma_start3A_282] : memref<2x3x!tpu.dma_semaphore, #tpu.memory_space<semaphore_mem>> -> memref<1x1x!tpu.dma_semaphore, #tpu.memory_space<semaphore_mem>>
        %dma_start3A_288 = tpu.memref_squeeze %dma_start3A_287 : memref<1x1x!tpu.dma_semaphore, #tpu.memory_space<semaphore_mem>> -> memref<!tpu.dma_semaphore, #tpu.memory_space<semaphore_mem>>
        %dma_start3A_289 = arith.constant 0 : i32
        %dma_start3A_290 = tpu.memref_slice %arg9[%dma_start3A_280, %dma_start3A_289] : memref<2x80xi32, #tpu.memory_space<vmem>> -> memref<1x80xi32, #tpu.memory_space<vmem>>
        %dma_start3A_291 = tpu.memref_squeeze %dma_start3A_290 : memref<1x80xi32, #tpu.memory_space<vmem>> -> memref<80xi32, #tpu.memory_space<vmem>>
        %dma_start3A_292 = tpu.memref_slice %arg5[%add3A_279] : memref<320000xi32, #tpu.memory_space<hbm>> -> memref<80xi32, #tpu.memory_space<hbm>>
        tpu.enqueue_dma source(%dma_start3A_292 : memref<80xi32, #tpu.memory_space<hbm>>) target(%dma_start3A_291 : memref<80xi32, #tpu.memory_space<vmem>>) target_semaphore(%dma_start3A_288 : memref<!tpu.dma_semaphore, #tpu.memory_space<semaphore_mem>>)
      } else {
      }
      %add3A_189 = arith.constant 1 : i32
      %add3A_190 = arith.addi %mul3A_84, %add3A_189 : i32
      %mul3A_191 = arith.constant 80 : i32
      %mul3A_192 = arith.muli %add3A_190, %mul3A_191 : i32
      %dma_wait3A_193 = arith.constant 1 : i32
      %dma_wait3A_194 = arith.constant 1 : i32
      %dma_wait3A_195 = arith.constant 0 : i32
      %dma_wait3A_196 = arith.constant 0 : i32
      %dma_wait3A_197 = arith.constant 0 : i32
      %dma_wait3A_198 = tpu.memref_slice %arg10[%dma_wait3A_193, %dma_wait3A_196, %dma_wait3A_197] : memref<2x80x64xf32, #tpu.memory_space<vmem>> -> memref<1x80x64xf32, #tpu.memory_space<vmem>>
      %dma_wait3A_199 = tpu.memref_squeeze %dma_wait3A_198 : memref<1x80x64xf32, #tpu.memory_space<vmem>> -> memref<80x64xf32, #tpu.memory_space<vmem>>
      %dma_wait3A_200 = tpu.memref_slice %arg7[%mul3A_192] : memref<20000xi32, #tpu.memory_space<vmem>> -> memref<80xi32, #tpu.memory_space<vmem>>
      %dma_wait3A_201 = arith.constant 0 : i32
      %dma_wait3A_202 = arith.constant 0 : i32
      %dma_wait3A_203 = tpu.memref_slice %arg2[%dma_wait3A_201, %dma_wait3A_202] : memref<20000x64xf32, #tpu.memory_space<hbm>> -> memref<20000x64xf32, #tpu.memory_space<hbm>>
      %dma_wait3A_204 = tpu.memref_slice %arg14[%dma_wait3A_194, %dma_wait3A_195] : memref<2x3x!tpu.dma_semaphore, #tpu.memory_space<semaphore_mem>> -> memref<1x1x!tpu.dma_semaphore, #tpu.memory_space<semaphore_mem>>
      %dma_wait3A_205 = tpu.memref_squeeze %dma_wait3A_204 : memref<1x1x!tpu.dma_semaphore, #tpu.memory_space<semaphore_mem>> -> memref<!tpu.dma_semaphore, #tpu.memory_space<semaphore_mem>>
      tpu.wait_indirect_dma semaphore(%dma_wait3A_205 : memref<!tpu.dma_semaphore, #tpu.memory_space<semaphore_mem>>) src(%dma_wait3A_203 : memref<20000x64xf32, #tpu.memory_space<hbm>>) dst(%dma_wait3A_199 : memref<80x64xf32, #tpu.memory_space<vmem>>)
      %mul3A_206 = arith.constant 80 : i32
      %mul3A_207 = arith.muli %add3A_190, %mul3A_206 : i32
      %dma_wait3A_208 = arith.constant 1 : i32
      %dma_wait3A_209 = arith.constant 1 : i32
      %dma_wait3A_210 = arith.constant 1 : i32
      %dma_wait3A_211 = arith.constant 0 : i32
      %dma_wait3A_212 = arith.constant 0 : i32
      %dma_wait3A_213 = tpu.memref_slice %arg11[%dma_wait3A_208, %dma_wait3A_211, %dma_wait3A_212] : memref<2x80x64xf32, #tpu.memory_space<vmem>> -> memref<1x80x64xf32, #tpu.memory_space<vmem>>
      %dma_wait3A_214 = tpu.memref_squeeze %dma_wait3A_213 : memref<1x80x64xf32, #tpu.memory_space<vmem>> -> memref<80x64xf32, #tpu.memory_space<vmem>>
      %dma_wait3A_215 = tpu.memref_slice %arg8[%mul3A_207] : memref<20000xi32, #tpu.memory_space<vmem>> -> memref<80xi32, #tpu.memory_space<vmem>>
      %dma_wait3A_216 = arith.constant 0 : i32
      %dma_wait3A_217 = arith.constant 0 : i32
      %dma_wait3A_218 = tpu.memref_slice %arg3[%dma_wait3A_216, %dma_wait3A_217] : memref<640000x64xf32, #tpu.memory_space<hbm>> -> memref<640000x64xf32, #tpu.memory_space<hbm>>
      %dma_wait3A_219 = tpu.memref_slice %arg14[%dma_wait3A_209, %dma_wait3A_210] : memref<2x3x!tpu.dma_semaphore, #tpu.memory_space<semaphore_mem>> -> memref<1x1x!tpu.dma_semaphore, #tpu.memory_space<semaphore_mem>>
      %dma_wait3A_220 = tpu.memref_squeeze %dma_wait3A_219 : memref<1x1x!tpu.dma_semaphore, #tpu.memory_space<semaphore_mem>> -> memref<!tpu.dma_semaphore, #tpu.memory_space<semaphore_mem>>
      tpu.wait_indirect_dma semaphore(%dma_wait3A_220 : memref<!tpu.dma_semaphore, #tpu.memory_space<semaphore_mem>>) src(%dma_wait3A_218 : memref<640000x64xf32, #tpu.memory_space<hbm>>) dst(%dma_wait3A_214 : memref<80x64xf32, #tpu.memory_space<vmem>>)
      %mul3A_221 = arith.constant 80 : i32
      %mul3A_222 = arith.muli %add3A_190, %mul3A_221 : i32
      %add3A_223 = arith.addi %mul3A_0, %mul3A_222 : i32
      %dma_wait3A_224 = arith.constant 1 : i32
      %dma_wait3A_225 = arith.constant 1 : i32
      %dma_wait3A_226 = arith.constant 2 : i32
      %dma_wait3A_227 = arith.constant 0 : i32
      %dma_wait3A_228 = tpu.memref_slice %arg9[%dma_wait3A_224, %dma_wait3A_227] : memref<2x80xi32, #tpu.memory_space<vmem>> -> memref<1x80xi32, #tpu.memory_space<vmem>>
      %dma_wait3A_229 = tpu.memref_squeeze %dma_wait3A_228 : memref<1x80xi32, #tpu.memory_space<vmem>> -> memref<80xi32, #tpu.memory_space<vmem>>
      %dma_wait3A_230 = tpu.memref_slice %arg5[%add3A_223] : memref<320000xi32, #tpu.memory_space<hbm>> -> memref<80xi32, #tpu.memory_space<hbm>>
      %dma_wait3A_231 = tpu.memref_slice %arg14[%dma_wait3A_225, %dma_wait3A_226] : memref<2x3x!tpu.dma_semaphore, #tpu.memory_space<semaphore_mem>> -> memref<1x1x!tpu.dma_semaphore, #tpu.memory_space<semaphore_mem>>
      %dma_wait3A_232 = tpu.memref_squeeze %dma_wait3A_231 : memref<1x1x!tpu.dma_semaphore, #tpu.memory_space<semaphore_mem>> -> memref<!tpu.dma_semaphore, #tpu.memory_space<semaphore_mem>>
      %dma_wait3A_233 = arith.constant 0 : i32
      %dma_wait3A_234 = tpu.memref_slice %arg9[%dma_wait3A_224, %dma_wait3A_233] : memref<2x80xi32, #tpu.memory_space<vmem>> -> memref<1x80xi32, #tpu.memory_space<vmem>>
      %dma_wait3A_235 = tpu.memref_squeeze %dma_wait3A_234 : memref<1x80xi32, #tpu.memory_space<vmem>> -> memref<80xi32, #tpu.memory_space<vmem>>
      %dma_wait3A_236 = tpu.memref_slice %arg5[%add3A_223] : memref<320000xi32, #tpu.memory_space<hbm>> -> memref<80xi32, #tpu.memory_space<hbm>>
      tpu.wait_dma2 semaphore(%dma_wait3A_232 : memref<!tpu.dma_semaphore, #tpu.memory_space<semaphore_mem>>) src(%dma_wait3A_236 : memref<80xi32, #tpu.memory_space<hbm>>) dst(%dma_wait3A_235 : memref<80xi32, #tpu.memory_space<vmem>>)
      %scan3A_237 = arith.constant 0 : i32
      %scan3A_238 = arith.constant 0 : i32
      %scan3A_239 = arith.constant 80 : i32
      %scan3A_240 = arith.addi %scan3A_238, %scan3A_239 : i32
      %scan3A_241 = arith.constant 1 : i32
      scf.for %scan3A_245 = %scan3A_238 to %scan3A_240 step %scan3A_241  : i32 {
        %get3A = arith.constant 1 : i32
        %get3A_246 = arith.index_cast %get3A : i32 to index
        %get3A_247 = arith.index_cast %scan3A_245 : i32 to index
        %get3A_248 = arith.constant 0 : index
        %get3A_249 = tpu.vector_load %arg10[%get3A_246, %get3A_247, %get3A_248] {strides = array<i32>} : memref<2x80x64xf32, #tpu.memory_space<vmem>>, vector<1x1x16xf32>,
        %get3A_250 = vector.shape_cast %get3A_249 : vector<1x1x16xf32> to vector<16xf32>
        %get3A_251 = arith.constant 1 : i32
        %get3A_252 = arith.index_cast %get3A_251 : i32 to index
        %get3A_253 = arith.index_cast %scan3A_245 : i32 to index
        %get3A_254 = arith.constant 0 : index
        %get3A_255 = tpu.vector_load %arg11[%get3A_252, %get3A_253, %get3A_254] {strides = array<i32>} : memref<2x80x64xf32, #tpu.memory_space<vmem>>, vector<1x1x16xf32>,
        %get3A_256 = vector.shape_cast %get3A_255 : vector<1x1x16xf32> to vector<16xf32>
        %add3A_257 = arith.addf %get3A_250, %get3A_256 : vector<16xf32>
        %max3A = arith.constant 0.000000e+00 : f32
        %max3A_258 = vector.broadcast %max3A : f32 to vector<16xf32>
        %max3A_259 = arith.maximumf %add3A_257, %max3A_258 : vector<16xf32>
        %swap3A = arith.constant 1 : i32
        %swap3A_260 = arith.index_cast %swap3A : i32 to index
        %swap3A_261 = arith.index_cast %scan3A_245 : i32 to index
        %swap3A_262 = arith.constant 0 : index
        %swap3A_263 = tpu.vector_load %arg10[%swap3A_260, %swap3A_261, %swap3A_262] {strides = array<i32>} : memref<2x80x64xf32, #tpu.memory_space<vmem>>, vector<1x1x16xf32>,
        %swap3A_264 = vector.shape_cast %swap3A_263 : vector<1x1x16xf32> to vector<16xf32>
        %swap3A_265 = vector.shape_cast %max3A_259 : vector<16xf32> to vector<1x1x16xf32>
        tpu.vector_store %arg10[%swap3A_260, %swap3A_261, %swap3A_262], %swap3A_265 {strides = array<i32>} : memref<2x80x64xf32, #tpu.memory_space<vmem>>, vector<1x1x16xf32>,
        %get3A_266 = arith.constant 1 : i32
        %get3A_267 = arith.index_cast %get3A_266 : i32 to index
        %get3A_268 = arith.index_cast %scan3A_245 : i32 to index
        %get3A_269 = arith.constant 16 : index
        %get3A_270 = tpu.vector_load %arg10[%get3A_267, %get3A_268, %get3A_269] {strides = array<i32>} : memref<2x80x64xf32, #tpu.memory_space<vmem>>, vector<1x1x16xf32>,
        %get3A_271 = vector.shape_cast %get3A_270 : vector<1x1x16xf32> to vector<16xf32>
        %get3A_272 = arith.constant 1 : i32
        %get3A_273 = arith.index_cast %get3A_272 : i32 to index
        %get3A_274 = arith.index_cast %scan3A_245 : i32 to index
        %get3A_275 = arith.constant 16 : index
        %get3A_276 = tpu.vector_load %arg11[%get3A_273, %get3A_274, %get3A_275] {strides = array<i32>} : memref<2x80x64xf32, #tpu.memory_space<vmem>>, vector<1x1x16xf32>,
        %get3A_277 = vector.shape_cast %get3A_276 : vector<1x1x16xf32> to vector<16xf32>
        %add3A_278 = arith.addf %get3A_271, %get3A_277 : vector<16xf32>
        %max3A_279 = arith.constant 0.000000e+00 : f32
        %max3A_280 = vector.broadcast %max3A_279 : f32 to vector<16xf32>
        %max3A_281 = arith.maximumf %add3A_278, %max3A_280 : vector<16xf32>
        %swap3A_282 = arith.constant 1 : i32
        %swap3A_283 = arith.index_cast %swap3A_282 : i32 to index
        %swap3A_284 = arith.index_cast %scan3A_245 : i32 to index
        %swap3A_285 = arith.constant 16 : index
        %swap3A_286 = tpu.vector_load %arg10[%swap3A_283, %swap3A_284, %swap3A_285] {strides = array<i32>} : memref<2x80x64xf32, #tpu.memory_space<vmem>>, vector<1x1x16xf32>,
        %swap3A_287 = vector.shape_cast %swap3A_286 : vector<1x1x16xf32> to vector<16xf32>
        %swap3A_288 = vector.shape_cast %max3A_281 : vector<16xf32> to vector<1x1x16xf32>
        tpu.vector_store %arg10[%swap3A_283, %swap3A_284, %swap3A_285], %swap3A_288 {strides = array<i32>} : memref<2x80x64xf32, #tpu.memory_space<vmem>>, vector<1x1x16xf32>,
        %get3A_289 = arith.constant 1 : i32
        %get3A_290 = arith.index_cast %get3A_289 : i32 to index
        %get3A_291 = arith.index_cast %scan3A_245 : i32 to index
        %get3A_292 = arith.constant 32 : index
        %get3A_293 = tpu.vector_load %arg10[%get3A_290, %get3A_291, %get3A_292] {strides = array<i32>} : memref<2x80x64xf32, #tpu.memory_space<vmem>>, vector<1x1x16xf32>,
        %get3A_294 = vector.shape_cast %get3A_293 : vector<1x1x16xf32> to vector<16xf32>
        %get3A_295 = arith.constant 1 : i32
        %get3A_296 = arith.index_cast %get3A_295 : i32 to index
        %get3A_297 = arith.index_cast %scan3A_245 : i32 to index
        %get3A_298 = arith.constant 32 : index
        %get3A_299 = tpu.vector_load %arg11[%get3A_296, %get3A_297, %get3A_298] {strides = array<i32>} : memref<2x80x64xf32, #tpu.memory_space<vmem>>, vector<1x1x16xf32>,
        %get3A_300 = vector.shape_cast %get3A_299 : vector<1x1x16xf32> to vector<16xf32>
        %add3A_301 = arith.addf %get3A_294, %get3A_300 : vector<16xf32>
        %max3A_302 = arith.constant 0.000000e+00 : f32
        %max3A_303 = vector.broadcast %max3A_302 : f32 to vector<16xf32>
        %max3A_304 = arith.maximumf %add3A_301, %max3A_303 : vector<16xf32>
        %swap3A_305 = arith.constant 1 : i32
        %swap3A_306 = arith.index_cast %swap3A_305 : i32 to index
        %swap3A_307 = arith.index_cast %scan3A_245 : i32 to index
        %swap3A_308 = arith.constant 32 : index
        %swap3A_309 = tpu.vector_load %arg10[%swap3A_306, %swap3A_307, %swap3A_308] {strides = array<i32>} : memref<2x80x64xf32, #tpu.memory_space<vmem>>, vector<1x1x16xf32>,
        %swap3A_310 = vector.shape_cast %swap3A_309 : vector<1x1x16xf32> to vector<16xf32>
        %swap3A_311 = vector.shape_cast %max3A_304 : vector<16xf32> to vector<1x1x16xf32>
        tpu.vector_store %arg10[%swap3A_306, %swap3A_307, %swap3A_308], %swap3A_311 {strides = array<i32>} : memref<2x80x64xf32, #tpu.memory_space<vmem>>, vector<1x1x16xf32>,
        %get3A_312 = arith.constant 1 : i32
        %get3A_313 = arith.index_cast %get3A_312 : i32 to index
        %get3A_314 = arith.index_cast %scan3A_245 : i32 to index
        %get3A_315 = arith.constant 48 : index
        %get3A_316 = tpu.vector_load %arg10[%get3A_313, %get3A_314, %get3A_315] {strides = array<i32>} : memref<2x80x64xf32, #tpu.memory_space<vmem>>, vector<1x1x16xf32>,
        %get3A_317 = vector.shape_cast %get3A_316 : vector<1x1x16xf32> to vector<16xf32>
        %get3A_318 = arith.constant 1 : i32
        %get3A_319 = arith.index_cast %get3A_318 : i32 to index
        %get3A_320 = arith.index_cast %scan3A_245 : i32 to index
        %get3A_321 = arith.constant 48 : index
        %get3A_322 = tpu.vector_load %arg11[%get3A_319, %get3A_320, %get3A_321] {strides = array<i32>} : memref<2x80x64xf32, #tpu.memory_space<vmem>>, vector<1x1x16xf32>,
        %get3A_323 = vector.shape_cast %get3A_322 : vector<1x1x16xf32> to vector<16xf32>
        %add3A_324 = arith.addf %get3A_317, %get3A_323 : vector<16xf32>
        %max3A_325 = arith.constant 0.000000e+00 : f32
        %max3A_326 = vector.broadcast %max3A_325 : f32 to vector<16xf32>
        %max3A_327 = arith.maximumf %add3A_324, %max3A_326 : vector<16xf32>
        %swap3A_328 = arith.constant 1 : i32
        %swap3A_329 = arith.index_cast %swap3A_328 : i32 to index
        %swap3A_330 = arith.index_cast %scan3A_245 : i32 to index
        %swap3A_331 = arith.constant 48 : index
        %swap3A_332 = tpu.vector_load %arg10[%swap3A_329, %swap3A_330, %swap3A_331] {strides = array<i32>} : memref<2x80x64xf32, #tpu.memory_space<vmem>>, vector<1x1x16xf32>,
        %swap3A_333 = vector.shape_cast %swap3A_332 : vector<1x1x16xf32> to vector<16xf32>
        %swap3A_334 = vector.shape_cast %max3A_327 : vector<16xf32> to vector<1x1x16xf32>
        tpu.vector_store %arg10[%swap3A_329, %swap3A_330, %swap3A_331], %swap3A_334 {strides = array<i32>} : memref<2x80x64xf32, #tpu.memory_space<vmem>>, vector<1x1x16xf32>,
      }
      %scan3A_242 = arith.constant 80 : i32
      %run_scoped3A_243 = arith.constant 1 : i32
      %run_scoped3A_244 = arith.constant 1 : i32
      "tpu.region"() ({
        %run_scoped3A_245 = tpu.sem_alloc : memref<!tpu.dma_semaphore, #tpu.memory_space<semaphore_mem>>
        %dma_start3A_246 = arith.constant 0 : i32
        %dma_start3A_247 = arith.constant 0 : i32
        %dma_start3A_248 = tpu.memref_slice %arg10[%run_scoped3A_243, %dma_start3A_246, %dma_start3A_247] : memref<2x80x64xf32, #tpu.memory_space<vmem>> -> memref<1x80x64xf32, #tpu.memory_space<vmem>>
        %dma_start3A_249 = tpu.memref_squeeze %dma_start3A_248 : memref<1x80x64xf32, #tpu.memory_space<vmem>> -> memref<80x64xf32, #tpu.memory_space<vmem>>
        %dma_start3A_250 = arith.constant 0 : i32
        %dma_start3A_251 = tpu.memref_slice %arg9[%run_scoped3A_244, %dma_start3A_250] : memref<2x80xi32, #tpu.memory_space<vmem>> -> memref<1x80xi32, #tpu.memory_space<vmem>>
        %dma_start3A_252 = tpu.memref_squeeze %dma_start3A_251 : memref<1x80xi32, #tpu.memory_space<vmem>> -> memref<80xi32, #tpu.memory_space<vmem>>
        %dma_start3A_253 = arith.constant 0 : i32
        %dma_start3A_254 = arith.constant 0 : i32
        %dma_start3A_255 = tpu.memref_slice %arg13[%dma_start3A_253, %dma_start3A_254] : memref<10000x64xf32, #tpu.memory_space<vmem_shared>> -> memref<10000x64xf32, #tpu.memory_space<vmem_shared>>
        tpu.enqueue_indirect_dma source(%dma_start3A_249 : memref<80x64xf32, #tpu.memory_space<vmem>>) target(%dma_start3A_255 : memref<10000x64xf32, #tpu.memory_space<vmem_shared>>) offsets(%dma_start3A_252 : memref<80xi32, #tpu.memory_space<vmem>>) semaphore(%run_scoped3A_245 : memref<!tpu.dma_semaphore, #tpu.memory_space<semaphore_mem>>) {add = true}
        %dma_wait3A_256 = arith.constant 0 : i32
        %dma_wait3A_257 = arith.constant 0 : i32
        %dma_wait3A_258 = tpu.memref_slice %arg10[%run_scoped3A_243, %dma_wait3A_256, %dma_wait3A_257] : memref<2x80x64xf32, #tpu.memory_space<vmem>> -> memref<1x80x64xf32, #tpu.memory_space<vmem>>
        %dma_wait3A_259 = tpu.memref_squeeze %dma_wait3A_258 : memref<1x80x64xf32, #tpu.memory_space<vmem>> -> memref<80x64xf32, #tpu.memory_space<vmem>>
        %dma_wait3A_260 = arith.constant 0 : i32
        %dma_wait3A_261 = tpu.memref_slice %arg9[%run_scoped3A_244, %dma_wait3A_260] : memref<2x80xi32, #tpu.memory_space<vmem>> -> memref<1x80xi32, #tpu.memory_space<vmem>>
        %dma_wait3A_262 = tpu.memref_squeeze %dma_wait3A_261 : memref<1x80xi32, #tpu.memory_space<vmem>> -> memref<80xi32, #tpu.memory_space<vmem>>
        %dma_wait3A_263 = arith.constant 0 : i32
        %dma_wait3A_264 = arith.constant 0 : i32
        %dma_wait3A_265 = tpu.memref_slice %arg13[%dma_wait3A_263, %dma_wait3A_264] : memref<10000x64xf32, #tpu.memory_space<vmem_shared>> -> memref<10000x64xf32, #tpu.memory_space<vmem_shared>>
        tpu.wait_indirect_dma semaphore(%run_scoped3A_245 : memref<!tpu.dma_semaphore, #tpu.memory_space<semaphore_mem>>) src(%dma_wait3A_259 : memref<80x64xf32, #tpu.memory_space<vmem>>) dst(%dma_wait3A_265 : memref<10000x64xf32, #tpu.memory_space<vmem_shared>>)
        tpu.yield
      }) : () -> ()
    }
    %scan3A_73 = arith.constant 125 : i32
    %barrier3A_74 = arith.constant 0 : index
    tpu.barrier barrier_id(%barrier3A_74)
    %scan3A_75 = arith.constant 0 : i32
    %scan3A_76 = arith.constant 0 : i32
    %scan3A_77 = arith.constant 4 : i32
    %scan3A_78 = arith.addi %scan3A_76, %scan3A_77 : i32
    %scan3A_79 = arith.constant 1 : i32
    scf.for %scan3A_82 = %scan3A_76 to %scan3A_78 step %scan3A_79  : i32 {
      %mul3A_83 = arith.constant 16 : i32
      %mul3A_84 = arith.muli %mul3A_83, %scan3A_82 : i32
      %add3A_85 = arith.addi %arg1, %mul3A_84 : i32
      %lt3A = arith.constant 50 : i32
      %lt3A_86 = arith.cmpi slt, %add3A_85, %lt3A : i32
      %convert_element_type3A = arith.extui %lt3A_86 : i1 to i32
      %cond3A = arith.constant 0 : i32
      %cond3A_87 = arith.cmpi ne, %convert_element_type3A, %cond3A : i32
      scf.if %cond3A_87 {
        %mul3A_88 = arith.constant 200 : i32
        %mul3A_89 = arith.muli %add3A_85, %mul3A_88 : i32
        %mul3A_90 = arith.constant 10000 : i32
        %mul3A_91 = arith.muli %arg0, %mul3A_90 : i32
        %mul3A_92 = arith.constant 200 : i32
        %mul3A_93 = arith.muli %add3A_85, %mul3A_92 : i32
        %add3A_94 = arith.addi %mul3A_91, %mul3A_93 : i32
        "tpu.region"() ({
          %run_scoped3A = tpu.sem_alloc : memref<!tpu.dma_semaphore, #tpu.memory_space<semaphore_mem>>
          %dma_start3A_95 = arith.constant 0 : i32
          %dma_start3A_96 = tpu.memref_slice %arg6[%add3A_94, %dma_start3A_95] : memref<20000x64xf32, #tpu.memory_space<hbm>> -> memref<200x64xf32, #tpu.memory_space<hbm>>
          %dma_start3A_97 = arith.constant 0 : i32
          %dma_start3A_98 = tpu.memref_slice %arg13[%mul3A_89, %dma_start3A_97] : memref<10000x64xf32, #tpu.memory_space<vmem_shared>> -> memref<200x64xf32, #tpu.memory_space<vmem_shared>>
          tpu.enqueue_dma source(%dma_start3A_98 : memref<200x64xf32, #tpu.memory_space<vmem_shared>>) target(%dma_start3A_96 : memref<200x64xf32, #tpu.memory_space<hbm>>) target_semaphore(%run_scoped3A : memref<!tpu.dma_semaphore, #tpu.memory_space<semaphore_mem>>)
          %dma_wait3A = arith.constant 0 : i32
          %dma_wait3A_99 = tpu.memref_slice %arg6[%add3A_94, %dma_wait3A] : memref<20000x64xf32, #tpu.memory_space<hbm>> -> memref<200x64xf32, #tpu.memory_space<hbm>>
          %dma_wait3A_100 = arith.constant 0 : i32
          %dma_wait3A_101 = tpu.memref_slice %arg13[%mul3A_89, %dma_wait3A_100] : memref<10000x64xf32, #tpu.memory_space<vmem_shared>> -> memref<200x64xf32, #tpu.memory_space<vmem_shared>>
          tpu.wait_dma2 semaphore(%run_scoped3A : memref<!tpu.dma_semaphore, #tpu.memory_space<semaphore_mem>>) src(%dma_wait3A_101 : memref<200x64xf32, #tpu.memory_space<vmem_shared>>) dst(%dma_wait3A_99 : memref<200x64xf32, #tpu.memory_space<hbm>>)
          tpu.yield
        }) : () -> ()
      } else {
      }
    }
    %scan3A_80 = arith.constant 4 : i32
    %barrier3A_81 = arith.constant 0 : index
    tpu.barrier barrier_id(%barrier3A_81)
    return
  }
}

#map = affine_map<(d0, d1) -> (0, 0)>
#map1 = affine_map<(d0, d1) -> (0)>
module attributes {stable_mosaic.version = 14 : i64} {
  func.func @_sc_a_body(%arg0: i32, %arg1: i32, %arg2: memref<20000x64xf32, #tpu.memory_space<hbm>>, %arg3: memref<640000x64xf32, #tpu.memory_space<hbm>>, %arg4: memref<320000xi32, #tpu.memory_space<hbm>>, %arg5: memref<320000xi32, #tpu.memory_space<hbm>>, %arg6: memref<20000x64xf32, #tpu.memory_space<hbm>>, %arg7: memref<20000xi32, #tpu.memory_space<vmem>>, %arg8: memref<20000xi32, #tpu.memory_space<vmem>>, %arg9: memref<2x80xi32, #tpu.memory_space<vmem>>, %arg10: memref<2x80x64xf32, #tpu.memory_space<vmem>>, %arg11: memref<2x80x64xf32, #tpu.memory_space<vmem>>, %arg12: memref<200x64xf32, #tpu.memory_space<vmem>>, %arg13: memref<10000x64xf32, #tpu.memory_space<vmem_shared>>, %arg14: memref<2x3x!tpu.dma_semaphore, #tpu.memory_space<semaphore_mem>>) attributes {dimension_semantics = [#tpu.dimension_semantics<core_parallel>, #tpu.dimension_semantics<subcore_parallel>], iteration_bounds = array<i64: 2, 16>, scalar_prefetch = 0 : i64, scratch_operands = 8 : i64, tpu.core_type = #tpu.core_type<sc_vector_subcore>, window_params = [{transform_indices = #map}, {transform_indices = #map}, {transform_indices = #map1}, {transform_indices = #map1}, {transform_indices = #map}]} {
    %mul3A = arith.constant 20000 : i32
    %mul3A_0 = arith.muli %arg1, %mul3A : i32
    "tpu.region"() ({
      %run_scoped3A = tpu.sem_alloc : memref<!tpu.dma_semaphore, #tpu.memory_space<semaphore_mem>>
      %dma_start3A_82 = tpu.memref_slice %arg4[%mul3A_0] : memref<320000xi32, #tpu.memory_space<hbm>> -> memref<20000xi32, #tpu.memory_space<hbm>>
      %dma_start3A_83 = tpu.memref_slice %arg4[%mul3A_0] : memref<320000xi32, #tpu.memory_space<hbm>> -> memref<20000xi32, #tpu.memory_space<hbm>>
      tpu.enqueue_dma source(%dma_start3A_83 : memref<20000xi32, #tpu.memory_space<hbm>>) target(%arg7 : memref<20000xi32, #tpu.memory_space<vmem>>) target_semaphore(%run_scoped3A : memref<!tpu.dma_semaphore, #tpu.memory_space<semaphore_mem>>)
      %dma_wait3A = tpu.memref_slice %arg4[%mul3A_0] : memref<320000xi32, #tpu.memory_space<hbm>> -> memref<20000xi32, #tpu.memory_space<hbm>>
      %dma_wait3A_84 = tpu.memref_slice %arg4[%mul3A_0] : memref<320000xi32, #tpu.memory_space<hbm>> -> memref<20000xi32, #tpu.memory_space<hbm>>
      tpu.wait_dma2 semaphore(%run_scoped3A : memref<!tpu.dma_semaphore, #tpu.memory_space<semaphore_mem>>) src(%dma_wait3A_84 : memref<20000xi32, #tpu.memory_space<hbm>>) dst(%arg7 : memref<20000xi32, #tpu.memory_space<vmem>>)
      tpu.yield
    }) : () -> ()
    %mul3A_1 = arith.constant 10000 : i32
    %mul3A_2 = arith.muli %arg0, %mul3A_1 : i32
    %scan3A = arith.constant 0 : i32
    %scan3A_3 = arith.constant 0 : i32
    %scan3A_4 = arith.constant 1250 : i32
    %scan3A_5 = arith.addi %scan3A_3, %scan3A_4 : i32
    %scan3A_6 = arith.constant 1 : i32
    scf.for %scan3A_82 = %scan3A_3 to %scan3A_5 step %scan3A_6  : i32 {
      %mul3A_83 = arith.constant 16 : i32
      %mul3A_84 = arith.muli %scan3A_82, %mul3A_83 : i32
      %get3A = arith.index_cast %mul3A_84 : i32 to index
      %get3A_85 = tpu.vector_load %arg7[%get3A] {strides = array<i32>} : memref<20000xi32, #tpu.memory_space<vmem>>, vector<16xi32>,
      %get3A_86 = vector.shape_cast %get3A_85 : vector<16xi32> to vector<16xi32>
      %add3A_87 = vector.broadcast %mul3A_2 : i32 to vector<16xi32>
      %add3A_88 = arith.addi %get3A_86, %add3A_87 : vector<16xi32>
      %swap3A = arith.index_cast %mul3A_84 : i32 to index
      %swap3A_89 = tpu.vector_load %arg7[%swap3A] {strides = array<i32>} : memref<20000xi32, #tpu.memory_space<vmem>>, vector<16xi32>,
      %swap3A_90 = vector.shape_cast %swap3A_89 : vector<16xi32> to vector<16xi32>
      %swap3A_91 = vector.shape_cast %add3A_88 : vector<16xi32> to vector<16xi32>
      tpu.vector_store %arg7[%swap3A], %swap3A_91 {strides = array<i32>} : memref<20000xi32, #tpu.memory_space<vmem>>, vector<16xi32>,
    }
    %scan3A_7 = arith.constant 1250 : i32
    %iota3A = tpu.iota {dimensions = array<i32: 0>} : vector<16xi32>
    %scan3A_8 = arith.constant 0 : i32
    %scan3A_9 = arith.constant 0 : i32
    %scan3A_10 = arith.constant 1250 : i32
    %scan3A_11 = arith.addi %scan3A_9, %scan3A_10 : i32
    %scan3A_12 = arith.constant 1 : i32
    scf.for %scan3A_82 = %scan3A_9 to %scan3A_11 step %scan3A_12  : i32 {
      %mul3A_83 = arith.constant 16 : i32
      %mul3A_84 = arith.muli %scan3A_82, %mul3A_83 : i32
      %mul3A_85 = arith.constant 2 : i32
      %mul3A_86 = arith.muli %mul3A_85, %mul3A_0 : i32
      %add3A_87 = arith.addi %mul3A_86, %arg0 : i32
      %mul3A_88 = arith.constant 32 : i32
      %mul3A_89 = arith.muli %mul3A_88, %scan3A_82 : i32
      %add3A_90 = arith.addi %add3A_87, %mul3A_89 : i32
      %mul3A_91 = arith.constant 2 : i32
      %mul3A_92 = vector.broadcast %mul3A_91 : i32 to vector<16xi32>
      %mul3A_93 = arith.muli %iota3A, %mul3A_92 : vector<16xi32>
      %add3A_94 = vector.broadcast %add3A_90 : i32 to vector<16xi32>
      %add3A_95 = arith.addi %add3A_94, %mul3A_93 : vector<16xi32>
      %swap3A = arith.index_cast %mul3A_84 : i32 to index
      %swap3A_96 = tpu.vector_load %arg8[%swap3A] {strides = array<i32>} : memref<20000xi32, #tpu.memory_space<vmem>>, vector<16xi32>,
      %swap3A_97 = vector.shape_cast %swap3A_96 : vector<16xi32> to vector<16xi32>
      %swap3A_98 = vector.shape_cast %add3A_95 : vector<16xi32> to vector<16xi32>
      tpu.vector_store %arg8[%swap3A], %swap3A_98 {strides = array<i32>} : memref<20000xi32, #tpu.memory_space<vmem>>, vector<16xi32>,
    }
    %scan3A_13 = arith.constant 1250 : i32
    %broadcast_in_dim3A = arith.constant 0.000000e+00 : f32
    %broadcast_in_dim3A_14 = vector.broadcast %broadcast_in_dim3A : f32 to vector<16xf32>
    %scan3A_15 = arith.constant 0 : i32
    %scan3A_16 = arith.constant 0 : i32
    %scan3A_17 = arith.constant 200 : i32
    %scan3A_18 = arith.addi %scan3A_16, %scan3A_17 : i32
    %scan3A_19 = arith.constant 1 : i32
    scf.for %scan3A_82 = %scan3A_16 to %scan3A_18 step %scan3A_19  : i32 {
      %swap3A = arith.index_cast %scan3A_82 : i32 to index
      %swap3A_83 = arith.constant 0 : index
      %swap3A_84 = tpu.vector_load %arg12[%swap3A, %swap3A_83] {strides = array<i32>} : memref<200x64xf32, #tpu.memory_space<vmem>>, vector<1x16xf32>,
      %swap3A_85 = vector.shape_cast %swap3A_84 : vector<1x16xf32> to vector<16xf32>
      %swap3A_86 = vector.shape_cast %broadcast_in_dim3A_14 : vector<16xf32> to vector<1x16xf32>
      tpu.vector_store %arg12[%swap3A, %swap3A_83], %swap3A_86 {strides = array<i32>} : memref<200x64xf32, #tpu.memory_space<vmem>>, vector<1x16xf32>,
      %swap3A_87 = arith.index_cast %scan3A_82 : i32 to index
      %swap3A_88 = arith.constant 16 : index
      %swap3A_89 = tpu.vector_load %arg12[%swap3A_87, %swap3A_88] {strides = array<i32>} : memref<200x64xf32, #tpu.memory_space<vmem>>, vector<1x16xf32>,
      %swap3A_90 = vector.shape_cast %swap3A_89 : vector<1x16xf32> to vector<16xf32>
      %swap3A_91 = vector.shape_cast %broadcast_in_dim3A_14 : vector<16xf32> to vector<1x16xf32>
      tpu.vector_store %arg12[%swap3A_87, %swap3A_88], %swap3A_91 {strides = array<i32>} : memref<200x64xf32, #tpu.memory_space<vmem>>, vector<1x16xf32>,
      %swap3A_92 = arith.index_cast %scan3A_82 : i32 to index
      %swap3A_93 = arith.constant 32 : index
      %swap3A_94 = tpu.vector_load %arg12[%swap3A_92, %swap3A_93] {strides = array<i32>} : memref<200x64xf32, #tpu.memory_space<vmem>>, vector<1x16xf32>,
      %swap3A_95 = vector.shape_cast %swap3A_94 : vector<1x16xf32> to vector<16xf32>
      %swap3A_96 = vector.shape_cast %broadcast_in_dim3A_14 : vector<16xf32> to vector<1x16xf32>
      tpu.vector_store %arg12[%swap3A_92, %swap3A_93], %swap3A_96 {strides = array<i32>} : memref<200x64xf32, #tpu.memory_space<vmem>>, vector<1x16xf32>,
      %swap3A_97 = arith.index_cast %scan3A_82 : i32 to index
      %swap3A_98 = arith.constant 48 : index
      %swap3A_99 = tpu.vector_load %arg12[%swap3A_97, %swap3A_98] {strides = array<i32>} : memref<200x64xf32, #tpu.memory_space<vmem>>, vector<1x16xf32>,
      %swap3A_100 = vector.shape_cast %swap3A_99 : vector<1x16xf32> to vector<16xf32>
      %swap3A_101 = vector.shape_cast %broadcast_in_dim3A_14 : vector<16xf32> to vector<1x16xf32>
      tpu.vector_store %arg12[%swap3A_97, %swap3A_98], %swap3A_101 {strides = array<i32>} : memref<200x64xf32, #tpu.memory_space<vmem>>, vector<1x16xf32>,
    }
    %scan3A_20 = arith.constant 200 : i32
    %scan3A_21 = arith.constant 0 : i32
    %scan3A_22 = arith.constant 0 : i32
    %scan3A_23 = arith.constant 4 : i32
    %scan3A_24 = arith.addi %scan3A_22, %scan3A_23 : i32
    %scan3A_25 = arith.constant 1 : i32
    scf.for %scan3A_82 = %scan3A_22 to %scan3A_24 step %scan3A_25  : i32 {
      %mul3A_83 = arith.constant 16 : i32
      %mul3A_84 = arith.muli %mul3A_83, %scan3A_82 : i32
      %add3A_85 = arith.addi %arg1, %mul3A_84 : i32
      %lt3A = arith.constant 50 : i32
      %lt3A_86 = arith.cmpi slt, %add3A_85, %lt3A : i32
      %convert_element_type3A = arith.extui %lt3A_86 : i1 to i32
      %cond3A = arith.constant 0 : i32
      %cond3A_87 = arith.cmpi ne, %convert_element_type3A, %cond3A : i32
      scf.if %cond3A_87 {
        %mul3A_88 = arith.constant 200 : i32
        %mul3A_89 = arith.muli %add3A_85, %mul3A_88 : i32
        "tpu.region"() ({
          %run_scoped3A = tpu.sem_alloc : memref<!tpu.dma_semaphore, #tpu.memory_space<semaphore_mem>>
          %dma_start3A_90 = arith.constant 0 : i32
          %dma_start3A_91 = tpu.memref_slice %arg13[%mul3A_89, %dma_start3A_90] : memref<10000x64xf32, #tpu.memory_space<vmem_shared>> -> memref<200x64xf32, #tpu.memory_space<vmem_shared>>
          %dma_start3A_92 = arith.constant 0 : i32
          %dma_start3A_93 = tpu.memref_slice %arg13[%mul3A_89, %dma_start3A_92] : memref<10000x64xf32, #tpu.memory_space<vmem_shared>> -> memref<200x64xf32, #tpu.memory_space<vmem_shared>>
          tpu.enqueue_dma source(%arg12 : memref<200x64xf32, #tpu.memory_space<vmem>>) target(%dma_start3A_93 : memref<200x64xf32, #tpu.memory_space<vmem_shared>>) target_semaphore(%run_scoped3A : memref<!tpu.dma_semaphore, #tpu.memory_space<semaphore_mem>>)
          %dma_wait3A = arith.constant 0 : i32
          %dma_wait3A_94 = tpu.memref_slice %arg13[%mul3A_89, %dma_wait3A] : memref<10000x64xf32, #tpu.memory_space<vmem_shared>> -> memref<200x64xf32, #tpu.memory_space<vmem_shared>>
          %dma_wait3A_95 = arith.constant 0 : i32
          %dma_wait3A_96 = tpu.memref_slice %arg13[%mul3A_89, %dma_wait3A_95] : memref<10000x64xf32, #tpu.memory_space<vmem_shared>> -> memref<200x64xf32, #tpu.memory_space<vmem_shared>>
          tpu.wait_dma2 semaphore(%run_scoped3A : memref<!tpu.dma_semaphore, #tpu.memory_space<semaphore_mem>>) src(%arg12 : memref<200x64xf32, #tpu.memory_space<vmem>>) dst(%dma_wait3A_96 : memref<200x64xf32, #tpu.memory_space<vmem_shared>>)
          tpu.yield
        }) : () -> ()
      } else {
      }
    }
    %scan3A_26 = arith.constant 4 : i32
    %barrier3A = arith.constant 0 : index
    tpu.barrier barrier_id(%barrier3A)
    %dma_start3A = arith.constant 0 : i32
    %dma_start3A_27 = arith.constant 0 : i32
    %dma_start3A_28 = arith.constant 0 : i32
    %dma_start3A_29 = arith.constant 0 : i32
    %dma_start3A_30 = arith.constant 0 : i32
    %dma_start3A_31 = tpu.memref_slice %arg10[%dma_start3A, %dma_start3A_29, %dma_start3A_30] : memref<2x80x64xf32, #tpu.memory_space<vmem>> -> memref<1x80x64xf32, #tpu.memory_space<vmem>>
    %dma_start3A_32 = tpu.memref_squeeze %dma_start3A_31 : memref<1x80x64xf32, #tpu.memory_space<vmem>> -> memref<80x64xf32, #tpu.memory_space<vmem>>
    %dma_start3A_33 = arith.constant 0 : i32
    %dma_start3A_34 = tpu.memref_slice %arg7[%dma_start3A_33] : memref<20000xi32, #tpu.memory_space<vmem>> -> memref<80xi32, #tpu.memory_space<vmem>>
    %dma_start3A_35 = arith.constant 0 : i32
    %dma_start3A_36 = arith.constant 0 : i32
    %dma_start3A_37 = tpu.memref_slice %arg2[%dma_start3A_35, %dma_start3A_36] : memref<20000x64xf32, #tpu.memory_space<hbm>> -> memref<20000x64xf32, #tpu.memory_space<hbm>>
    %dma_start3A_38 = tpu.memref_slice %arg14[%dma_start3A_27, %dma_start3A_28] : memref<2x3x!tpu.dma_semaphore, #tpu.memory_space<semaphore_mem>> -> memref<1x1x!tpu.dma_semaphore, #tpu.memory_space<semaphore_mem>>
    %dma_start3A_39 = tpu.memref_squeeze %dma_start3A_38 : memref<1x1x!tpu.dma_semaphore, #tpu.memory_space<semaphore_mem>> -> memref<!tpu.dma_semaphore, #tpu.memory_space<semaphore_mem>>
    tpu.enqueue_indirect_dma source(%dma_start3A_37 : memref<20000x64xf32, #tpu.memory_space<hbm>>) target(%dma_start3A_32 : memref<80x64xf32, #tpu.memory_space<vmem>>) offsets(%dma_start3A_34 : memref<80xi32, #tpu.memory_space<vmem>>) semaphore(%dma_start3A_39 : memref<!tpu.dma_semaphore, #tpu.memory_space<semaphore_mem>>)
    %dma_start3A_40 = arith.constant 0 : i32
    %dma_start3A_41 = arith.constant 0 : i32
    %dma_start3A_42 = arith.constant 1 : i32
    %dma_start3A_43 = arith.constant 0 : i32
    %dma_start3A_44 = arith.constant 0 : i32
    %dma_start3A_45 = tpu.memref_slice %arg11[%dma_start3A_40, %dma_start3A_43, %dma_start3A_44] : memref<2x80x64xf32, #tpu.memory_space<vmem>> -> memref<1x80x64xf32, #tpu.memory_space<vmem>>
    %dma_start3A_46 = tpu.memref_squeeze %dma_start3A_45 : memref<1x80x64xf32, #tpu.memory_space<vmem>> -> memref<80x64xf32, #tpu.memory_space<vmem>>
    %dma_start3A_47 = arith.constant 0 : i32
    %dma_start3A_48 = tpu.memref_slice %arg8[%dma_start3A_47] : memref<20000xi32, #tpu.memory_space<vmem>> -> memref<80xi32, #tpu.memory_space<vmem>>
    %dma_start3A_49 = arith.constant 0 : i32
    %dma_start3A_50 = arith.constant 0 : i32
    %dma_start3A_51 = tpu.memref_slice %arg3[%dma_start3A_49, %dma_start3A_50] : memref<640000x64xf32, #tpu.memory_space<hbm>> -> memref<640000x64xf32, #tpu.memory_space<hbm>>
    %dma_start3A_52 = tpu.memref_slice %arg14[%dma_start3A_41, %dma_start3A_42] : memref<2x3x!tpu.dma_semaphore, #tpu.memory_space<semaphore_mem>> -> memref<1x1x!tpu.dma_semaphore, #tpu.memory_space<semaphore_mem>>
    %dma_start3A_53 = tpu.memref_squeeze %dma_start3A_52 : memref<1x1x!tpu.dma_semaphore, #tpu.memory_space<semaphore_mem>> -> memref<!tpu.dma_semaphore, #tpu.memory_space<semaphore_mem>>
    tpu.enqueue_indirect_dma source(%dma_start3A_51 : memref<640000x64xf32, #tpu.memory_space<hbm>>) target(%dma_start3A_46 : memref<80x64xf32, #tpu.memory_space<vmem>>) offsets(%dma_start3A_48 : memref<80xi32, #tpu.memory_space<vmem>>) semaphore(%dma_start3A_53 : memref<!tpu.dma_semaphore, #tpu.memory_space<semaphore_mem>>)
    %add3A = arith.constant 0 : i32
    %add3A_54 = arith.addi %mul3A_0, %add3A : i32
    %dma_start3A_55 = arith.constant 0 : i32
    %dma_start3A_56 = arith.constant 0 : i32
    %dma_start3A_57 = arith.constant 2 : i32
    %dma_start3A_58 = arith.constant 0 : i32
    %dma_start3A_59 = tpu.memref_slice %arg9[%dma_start3A_55, %dma_start3A_58] : memref<2x80xi32, #tpu.memory_space<vmem>> -> memref<1x80xi32, #tpu.memory_space<vmem>>
    %dma_start3A_60 = tpu.memref_squeeze %dma_start3A_59 : memref<1x80xi32, #tpu.memory_space<vmem>> -> memref<80xi32, #tpu.memory_space<vmem>>
    %dma_start3A_61 = tpu.memref_slice %arg5[%add3A_54] : memref<320000xi32, #tpu.memory_space<hbm>> -> memref<80xi32, #tpu.memory_space<hbm>>
    %dma_start3A_62 = tpu.memref_slice %arg14[%dma_start3A_56, %dma_start3A_57] : memref<2x3x!tpu.dma_semaphore, #tpu.memory_space<semaphore_mem>> -> memref<1x1x!tpu.dma_semaphore, #tpu.memory_space<semaphore_mem>>
    %dma_start3A_63 = tpu.memref_squeeze %dma_start3A_62 : memref<1x1x!tpu.dma_semaphore, #tpu.memory_space<semaphore_mem>> -> memref<!tpu.dma_semaphore, #tpu.memory_space<semaphore_mem>>
    %dma_start3A_64 = arith.constant 0 : i32
    %dma_start3A_65 = tpu.memref_slice %arg9[%dma_start3A_55, %dma_start3A_64] : memref<2x80xi32, #tpu.memory_space<vmem>> -> memref<1x80xi32, #tpu.memory_space<vmem>>
    %dma_start3A_66 = tpu.memref_squeeze %dma_start3A_65 : memref<1x80xi32, #tpu.memory_space<vmem>> -> memref<80xi32, #tpu.memory_space<vmem>>
    %dma_start3A_67 = tpu.memref_slice %arg5[%add3A_54] : memref<320000xi32, #tpu.memory_space<hbm>> -> memref<80xi32, #tpu.memory_space<hbm>>
    tpu.enqueue_dma source(%dma_start3A_67 : memref<80xi32, #tpu.memory_space<hbm>>) target(%dma_start3A_66 : memref<80xi32, #tpu.memory_space<vmem>>) target_semaphore(%dma_start3A_63 : memref<!tpu.dma_semaphore, #tpu.memory_space<semaphore_mem>>)
    %scan3A_68 = arith.constant 0 : i32
    %scan3A_69 = arith.constant 0 : i32
    %scan3A_70 = arith.constant 125 : i32
    %scan3A_71 = arith.addi %scan3A_69, %scan3A_70 : i32
    %scan3A_72 = arith.constant 1 : i32
    scf.for %scan3A_82 = %scan3A_69 to %scan3A_71 step %scan3A_72  : i32 {
      %mul3A_83 = arith.constant 2 : i32
      %mul3A_84 = arith.muli %mul3A_83, %scan3A_82 : i32
      %add3A_85 = arith.constant 1 : i32
      %add3A_86 = arith.addi %mul3A_84, %add3A_85 : i32
      %mul3A_87 = arith.constant 80 : i32
      %mul3A_88 = arith.muli %add3A_86, %mul3A_87 : i32
      %dma_start3A_89 = arith.constant 1 : i32
      %dma_start3A_90 = arith.constant 1 : i32
      %dma_start3A_91 = arith.constant 0 : i32
      %dma_start3A_92 = arith.constant 0 : i32
      %dma_start3A_93 = arith.constant 0 : i32
      %dma_start3A_94 = tpu.memref_slice %arg10[%dma_start3A_89, %dma_start3A_92, %dma_start3A_93] : memref<2x80x64xf32, #tpu.memory_space<vmem>> -> memref<1x80x64xf32, #tpu.memory_space<vmem>>
      %dma_start3A_95 = tpu.memref_squeeze %dma_start3A_94 : memref<1x80x64xf32, #tpu.memory_space<vmem>> -> memref<80x64xf32, #tpu.memory_space<vmem>>
      %dma_start3A_96 = tpu.memref_slice %arg7[%mul3A_88] : memref<20000xi32, #tpu.memory_space<vmem>> -> memref<80xi32, #tpu.memory_space<vmem>>
      %dma_start3A_97 = arith.constant 0 : i32
      %dma_start3A_98 = arith.constant 0 : i32
      %dma_start3A_99 = tpu.memref_slice %arg2[%dma_start3A_97, %dma_start3A_98] : memref<20000x64xf32, #tpu.memory_space<hbm>> -> memref<20000x64xf32, #tpu.memory_space<hbm>>
      %dma_start3A_100 = tpu.memref_slice %arg14[%dma_start3A_90, %dma_start3A_91] : memref<2x3x!tpu.dma_semaphore, #tpu.memory_space<semaphore_mem>> -> memref<1x1x!tpu.dma_semaphore, #tpu.memory_space<semaphore_mem>>
      %dma_start3A_101 = tpu.memref_squeeze %dma_start3A_100 : memref<1x1x!tpu.dma_semaphore, #tpu.memory_space<semaphore_mem>> -> memref<!tpu.dma_semaphore, #tpu.memory_space<semaphore_mem>>
      tpu.enqueue_indirect_dma source(%dma_start3A_99 : memref<20000x64xf32, #tpu.memory_space<hbm>>) target(%dma_start3A_95 : memref<80x64xf32, #tpu.memory_space<vmem>>) offsets(%dma_start3A_96 : memref<80xi32, #tpu.memory_space<vmem>>) semaphore(%dma_start3A_101 : memref<!tpu.dma_semaphore, #tpu.memory_space<semaphore_mem>>)
      %mul3A_102 = arith.constant 80 : i32
      %mul3A_103 = arith.muli %add3A_86, %mul3A_102 : i32
      %dma_start3A_104 = arith.constant 1 : i32
      %dma_start3A_105 = arith.constant 1 : i32
      %dma_start3A_106 = arith.constant 1 : i32
      %dma_start3A_107 = arith.constant 0 : i32
      %dma_start3A_108 = arith.constant 0 : i32
      %dma_start3A_109 = tpu.memref_slice %arg11[%dma_start3A_104, %dma_start3A_107, %dma_start3A_108] : memref<2x80x64xf32, #tpu.memory_space<vmem>> -> memref<1x80x64xf32, #tpu.memory_space<vmem>>
      %dma_start3A_110 = tpu.memref_squeeze %dma_start3A_109 : memref<1x80x64xf32, #tpu.memory_space<vmem>> -> memref<80x64xf32, #tpu.memory_space<vmem>>
      %dma_start3A_111 = tpu.memref_slice %arg8[%mul3A_103] : memref<20000xi32, #tpu.memory_space<vmem>> -> memref<80xi32, #tpu.memory_space<vmem>>
      %dma_start3A_112 = arith.constant 0 : i32
      %dma_start3A_113 = arith.constant 0 : i32
      %dma_start3A_114 = tpu.memref_slice %arg3[%dma_start3A_112, %dma_start3A_113] : memref<640000x64xf32, #tpu.memory_space<hbm>> -> memref<640000x64xf32, #tpu.memory_space<hbm>>
      %dma_start3A_115 = tpu.memref_slice %arg14[%dma_start3A_105, %dma_start3A_106] : memref<2x3x!tpu.dma_semaphore, #tpu.memory_space<semaphore_mem>> -> memref<1x1x!tpu.dma_semaphore, #tpu.memory_space<semaphore_mem>>
      %dma_start3A_116 = tpu.memref_squeeze %dma_start3A_115 : memref<1x1x!tpu.dma_semaphore, #tpu.memory_space<semaphore_mem>> -> memref<!tpu.dma_semaphore, #tpu.memory_space<semaphore_mem>>
      tpu.enqueue_indirect_dma source(%dma_start3A_114 : memref<640000x64xf32, #tpu.memory_space<hbm>>) target(%dma_start3A_110 : memref<80x64xf32, #tpu.memory_space<vmem>>) offsets(%dma_start3A_111 : memref<80xi32, #tpu.memory_space<vmem>>) semaphore(%dma_start3A_116 : memref<!tpu.dma_semaphore, #tpu.memory_space<semaphore_mem>>)
      %mul3A_117 = arith.constant 80 : i32
      %mul3A_118 = arith.muli %add3A_86, %mul3A_117 : i32
      %add3A_119 = arith.addi %mul3A_0, %mul3A_118 : i32
      %dma_start3A_120 = arith.constant 1 : i32
      %dma_start3A_121 = arith.constant 1 : i32
      %dma_start3A_122 = arith.constant 2 : i32
      %dma_start3A_123 = arith.constant 0 : i32
      %dma_start3A_124 = tpu.memref_slice %arg9[%dma_start3A_120, %dma_start3A_123] : memref<2x80xi32, #tpu.memory_space<vmem>> -> memref<1x80xi32, #tpu.memory_space<vmem>>
      %dma_start3A_125 = tpu.memref_squeeze %dma_start3A_124 : memref<1x80xi32, #tpu.memory_space<vmem>> -> memref<80xi32, #tpu.memory_space<vmem>>
      %dma_start3A_126 = tpu.memref_slice %arg5[%add3A_119] : memref<320000xi32, #tpu.memory_space<hbm>> -> memref<80xi32, #tpu.memory_space<hbm>>
      %dma_start3A_127 = tpu.memref_slice %arg14[%dma_start3A_121, %dma_start3A_122] : memref<2x3x!tpu.dma_semaphore, #tpu.memory_space<semaphore_mem>> -> memref<1x1x!tpu.dma_semaphore, #tpu.memory_space<semaphore_mem>>
      %dma_start3A_128 = tpu.memref_squeeze %dma_start3A_127 : memref<1x1x!tpu.dma_semaphore, #tpu.memory_space<semaphore_mem>> -> memref<!tpu.dma_semaphore, #tpu.memory_space<semaphore_mem>>
      %dma_start3A_129 = arith.constant 0 : i32
      %dma_start3A_130 = tpu.memref_slice %arg9[%dma_start3A_120, %dma_start3A_129] : memref<2x80xi32, #tpu.memory_space<vmem>> -> memref<1x80xi32, #tpu.memory_space<vmem>>
      %dma_start3A_131 = tpu.memref_squeeze %dma_start3A_130 : memref<1x80xi32, #tpu.memory_space<vmem>> -> memref<80xi32, #tpu.memory_space<vmem>>
      %dma_start3A_132 = tpu.memref_slice %arg5[%add3A_119] : memref<320000xi32, #tpu.memory_space<hbm>> -> memref<80xi32, #tpu.memory_space<hbm>>
      tpu.enqueue_dma source(%dma_start3A_132 : memref<80xi32, #tpu.memory_space<hbm>>) target(%dma_start3A_131 : memref<80xi32, #tpu.memory_space<vmem>>) target_semaphore(%dma_start3A_128 : memref<!tpu.dma_semaphore, #tpu.memory_space<semaphore_mem>>)
      %mul3A_133 = arith.constant 80 : i32
      %mul3A_134 = arith.muli %mul3A_84, %mul3A_133 : i32
      %dma_wait3A = arith.constant 0 : i32
      %dma_wait3A_135 = arith.constant 0 : i32
      %dma_wait3A_136 = arith.constant 0 : i32
      %dma_wait3A_137 = arith.constant 0 : i32
      %dma_wait3A_138 = arith.constant 0 : i32
      %dma_wait3A_139 = tpu.memref_slice %arg10[%dma_wait3A, %dma_wait3A_137, %dma_wait3A_138] : memref<2x80x64xf32, #tpu.memory_space<vmem>> -> memref<1x80x64xf32, #tpu.memory_space<vmem>>
      %dma_wait3A_140 = tpu.memref_squeeze %dma_wait3A_139 : memref<1x80x64xf32, #tpu.memory_space<vmem>> -> memref<80x64xf32, #tpu.memory_space<vmem>>
      %dma_wait3A_141 = tpu.memref_slice %arg7[%mul3A_134] : memref<20000xi32, #tpu.memory_space<vmem>> -> memref<80xi32, #tpu.memory_space<vmem>>
      %dma_wait3A_142 = arith.constant 0 : i32
      %dma_wait3A_143 = arith.constant 0 : i32
      %dma_wait3A_144 = tpu.memref_slice %arg2[%dma_wait3A_142, %dma_wait3A_143] : memref<20000x64xf32, #tpu.memory_space<hbm>> -> memref<20000x64xf32, #tpu.memory_space<hbm>>
      %dma_wait3A_145 = tpu.memref_slice %arg14[%dma_wait3A_135, %dma_wait3A_136] : memref<2x3x!tpu.dma_semaphore, #tpu.memory_space<semaphore_mem>> -> memref<1x1x!tpu.dma_semaphore, #tpu.memory_space<semaphore_mem>>
      %dma_wait3A_146 = tpu.memref_squeeze %dma_wait3A_145 : memref<1x1x!tpu.dma_semaphore, #tpu.memory_space<semaphore_mem>> -> memref<!tpu.dma_semaphore, #tpu.memory_space<semaphore_mem>>
      tpu.wait_indirect_dma semaphore(%dma_wait3A_146 : memref<!tpu.dma_semaphore, #tpu.memory_space<semaphore_mem>>) src(%dma_wait3A_144 : memref<20000x64xf32, #tpu.memory_space<hbm>>) dst(%dma_wait3A_140 : memref<80x64xf32, #tpu.memory_space<vmem>>)
      %mul3A_147 = arith.constant 80 : i32
      %mul3A_148 = arith.muli %mul3A_84, %mul3A_147 : i32
      %dma_wait3A_149 = arith.constant 0 : i32
      %dma_wait3A_150 = arith.constant 0 : i32
      %dma_wait3A_151 = arith.constant 1 : i32
      %dma_wait3A_152 = arith.constant 0 : i32
      %dma_wait3A_153 = arith.constant 0 : i32
      %dma_wait3A_154 = tpu.memref_slice %arg11[%dma_wait3A_149, %dma_wait3A_152, %dma_wait3A_153] : memref<2x80x64xf32, #tpu.memory_space<vmem>> -> memref<1x80x64xf32, #tpu.memory_space<vmem>>
      %dma_wait3A_155 = tpu.memref_squeeze %dma_wait3A_154 : memref<1x80x64xf32, #tpu.memory_space<vmem>> -> memref<80x64xf32, #tpu.memory_space<vmem>>
      %dma_wait3A_156 = tpu.memref_slice %arg8[%mul3A_148] : memref<20000xi32, #tpu.memory_space<vmem>> -> memref<80xi32, #tpu.memory_space<vmem>>
      %dma_wait3A_157 = arith.constant 0 : i32
      %dma_wait3A_158 = arith.constant 0 : i32
      %dma_wait3A_159 = tpu.memref_slice %arg3[%dma_wait3A_157, %dma_wait3A_158] : memref<640000x64xf32, #tpu.memory_space<hbm>> -> memref<640000x64xf32, #tpu.memory_space<hbm>>
      %dma_wait3A_160 = tpu.memref_slice %arg14[%dma_wait3A_150, %dma_wait3A_151] : memref<2x3x!tpu.dma_semaphore, #tpu.memory_space<semaphore_mem>> -> memref<1x1x!tpu.dma_semaphore, #tpu.memory_space<semaphore_mem>>
      %dma_wait3A_161 = tpu.memref_squeeze %dma_wait3A_160 : memref<1x1x!tpu.dma_semaphore, #tpu.memory_space<semaphore_mem>> -> memref<!tpu.dma_semaphore, #tpu.memory_space<semaphore_mem>>
      tpu.wait_indirect_dma semaphore(%dma_wait3A_161 : memref<!tpu.dma_semaphore, #tpu.memory_space<semaphore_mem>>) src(%dma_wait3A_159 : memref<640000x64xf32, #tpu.memory_space<hbm>>) dst(%dma_wait3A_155 : memref<80x64xf32, #tpu.memory_space<vmem>>)
      %mul3A_162 = arith.constant 80 : i32
      %mul3A_163 = arith.muli %mul3A_84, %mul3A_162 : i32
      %add3A_164 = arith.addi %mul3A_0, %mul3A_163 : i32
      %dma_wait3A_165 = arith.constant 0 : i32
      %dma_wait3A_166 = arith.constant 0 : i32
      %dma_wait3A_167 = arith.constant 2 : i32
      %dma_wait3A_168 = arith.constant 0 : i32
      %dma_wait3A_169 = tpu.memref_slice %arg9[%dma_wait3A_165, %dma_wait3A_168] : memref<2x80xi32, #tpu.memory_space<vmem>> -> memref<1x80xi32, #tpu.memory_space<vmem>>
      %dma_wait3A_170 = tpu.memref_squeeze %dma_wait3A_169 : memref<1x80xi32, #tpu.memory_space<vmem>> -> memref<80xi32, #tpu.memory_space<vmem>>
      %dma_wait3A_171 = tpu.memref_slice %arg5[%add3A_164] : memref<320000xi32, #tpu.memory_space<hbm>> -> memref<80xi32, #tpu.memory_space<hbm>>
      %dma_wait3A_172 = tpu.memref_slice %arg14[%dma_wait3A_166, %dma_wait3A_167] : memref<2x3x!tpu.dma_semaphore, #tpu.memory_space<semaphore_mem>> -> memref<1x1x!tpu.dma_semaphore, #tpu.memory_space<semaphore_mem>>
      %dma_wait3A_173 = tpu.memref_squeeze %dma_wait3A_172 : memref<1x1x!tpu.dma_semaphore, #tpu.memory_space<semaphore_mem>> -> memref<!tpu.dma_semaphore, #tpu.memory_space<semaphore_mem>>
      %dma_wait3A_174 = arith.constant 0 : i32
      %dma_wait3A_175 = tpu.memref_slice %arg9[%dma_wait3A_165, %dma_wait3A_174] : memref<2x80xi32, #tpu.memory_space<vmem>> -> memref<1x80xi32, #tpu.memory_space<vmem>>
      %dma_wait3A_176 = tpu.memref_squeeze %dma_wait3A_175 : memref<1x80xi32, #tpu.memory_space<vmem>> -> memref<80xi32, #tpu.memory_space<vmem>>
      %dma_wait3A_177 = tpu.memref_slice %arg5[%add3A_164] : memref<320000xi32, #tpu.memory_space<hbm>> -> memref<80xi32, #tpu.memory_space<hbm>>
      tpu.wait_dma2 semaphore(%dma_wait3A_173 : memref<!tpu.dma_semaphore, #tpu.memory_space<semaphore_mem>>) src(%dma_wait3A_177 : memref<80xi32, #tpu.memory_space<hbm>>) dst(%dma_wait3A_176 : memref<80xi32, #tpu.memory_space<vmem>>)
      %scan3A_178 = arith.constant 0 : i32
      %scan3A_179 = arith.constant 0 : i32
      %scan3A_180 = arith.constant 80 : i32
      %scan3A_181 = arith.addi %scan3A_179, %scan3A_180 : i32
      %scan3A_182 = arith.constant 1 : i32
      scf.for %scan3A_245 = %scan3A_179 to %scan3A_181 step %scan3A_182  : i32 {
        %get3A = arith.constant 0 : i32
        %get3A_246 = arith.index_cast %get3A : i32 to index
        %get3A_247 = arith.index_cast %scan3A_245 : i32 to index
        %get3A_248 = arith.constant 0 : index
        %get3A_249 = tpu.vector_load %arg10[%get3A_246, %get3A_247, %get3A_248] {strides = array<i32>} : memref<2x80x64xf32, #tpu.memory_space<vmem>>, vector<1x1x16xf32>,
        %get3A_250 = vector.shape_cast %get3A_249 : vector<1x1x16xf32> to vector<16xf32>
        %get3A_251 = arith.constant 0 : i32
        %get3A_252 = arith.index_cast %get3A_251 : i32 to index
        %get3A_253 = arith.index_cast %scan3A_245 : i32 to index
        %get3A_254 = arith.constant 0 : index
        %get3A_255 = tpu.vector_load %arg11[%get3A_252, %get3A_253, %get3A_254] {strides = array<i32>} : memref<2x80x64xf32, #tpu.memory_space<vmem>>, vector<1x1x16xf32>,
        %get3A_256 = vector.shape_cast %get3A_255 : vector<1x1x16xf32> to vector<16xf32>
        %add3A_257 = arith.addf %get3A_250, %get3A_256 : vector<16xf32>
        %max3A = arith.constant 0.000000e+00 : f32
        %max3A_258 = vector.broadcast %max3A : f32 to vector<16xf32>
        %max3A_259 = arith.maximumf %add3A_257, %max3A_258 : vector<16xf32>
        %swap3A = arith.constant 0 : i32
        %swap3A_260 = arith.index_cast %swap3A : i32 to index
        %swap3A_261 = arith.index_cast %scan3A_245 : i32 to index
        %swap3A_262 = arith.constant 0 : index
        %swap3A_263 = tpu.vector_load %arg10[%swap3A_260, %swap3A_261, %swap3A_262] {strides = array<i32>} : memref<2x80x64xf32, #tpu.memory_space<vmem>>, vector<1x1x16xf32>,
        %swap3A_264 = vector.shape_cast %swap3A_263 : vector<1x1x16xf32> to vector<16xf32>
        %swap3A_265 = vector.shape_cast %max3A_259 : vector<16xf32> to vector<1x1x16xf32>
        tpu.vector_store %arg10[%swap3A_260, %swap3A_261, %swap3A_262], %swap3A_265 {strides = array<i32>} : memref<2x80x64xf32, #tpu.memory_space<vmem>>, vector<1x1x16xf32>,
        %get3A_266 = arith.constant 0 : i32
        %get3A_267 = arith.index_cast %get3A_266 : i32 to index
        %get3A_268 = arith.index_cast %scan3A_245 : i32 to index
        %get3A_269 = arith.constant 16 : index
        %get3A_270 = tpu.vector_load %arg10[%get3A_267, %get3A_268, %get3A_269] {strides = array<i32>} : memref<2x80x64xf32, #tpu.memory_space<vmem>>, vector<1x1x16xf32>,
        %get3A_271 = vector.shape_cast %get3A_270 : vector<1x1x16xf32> to vector<16xf32>
        %get3A_272 = arith.constant 0 : i32
        %get3A_273 = arith.index_cast %get3A_272 : i32 to index
        %get3A_274 = arith.index_cast %scan3A_245 : i32 to index
        %get3A_275 = arith.constant 16 : index
        %get3A_276 = tpu.vector_load %arg11[%get3A_273, %get3A_274, %get3A_275] {strides = array<i32>} : memref<2x80x64xf32, #tpu.memory_space<vmem>>, vector<1x1x16xf32>,
        %get3A_277 = vector.shape_cast %get3A_276 : vector<1x1x16xf32> to vector<16xf32>
        %add3A_278 = arith.addf %get3A_271, %get3A_277 : vector<16xf32>
        %max3A_279 = arith.constant 0.000000e+00 : f32
        %max3A_280 = vector.broadcast %max3A_279 : f32 to vector<16xf32>
        %max3A_281 = arith.maximumf %add3A_278, %max3A_280 : vector<16xf32>
        %swap3A_282 = arith.constant 0 : i32
        %swap3A_283 = arith.index_cast %swap3A_282 : i32 to index
        %swap3A_284 = arith.index_cast %scan3A_245 : i32 to index
        %swap3A_285 = arith.constant 16 : index
        %swap3A_286 = tpu.vector_load %arg10[%swap3A_283, %swap3A_284, %swap3A_285] {strides = array<i32>} : memref<2x80x64xf32, #tpu.memory_space<vmem>>, vector<1x1x16xf32>,
        %swap3A_287 = vector.shape_cast %swap3A_286 : vector<1x1x16xf32> to vector<16xf32>
        %swap3A_288 = vector.shape_cast %max3A_281 : vector<16xf32> to vector<1x1x16xf32>
        tpu.vector_store %arg10[%swap3A_283, %swap3A_284, %swap3A_285], %swap3A_288 {strides = array<i32>} : memref<2x80x64xf32, #tpu.memory_space<vmem>>, vector<1x1x16xf32>,
        %get3A_289 = arith.constant 0 : i32
        %get3A_290 = arith.index_cast %get3A_289 : i32 to index
        %get3A_291 = arith.index_cast %scan3A_245 : i32 to index
        %get3A_292 = arith.constant 32 : index
        %get3A_293 = tpu.vector_load %arg10[%get3A_290, %get3A_291, %get3A_292] {strides = array<i32>} : memref<2x80x64xf32, #tpu.memory_space<vmem>>, vector<1x1x16xf32>,
        %get3A_294 = vector.shape_cast %get3A_293 : vector<1x1x16xf32> to vector<16xf32>
        %get3A_295 = arith.constant 0 : i32
        %get3A_296 = arith.index_cast %get3A_295 : i32 to index
        %get3A_297 = arith.index_cast %scan3A_245 : i32 to index
        %get3A_298 = arith.constant 32 : index
        %get3A_299 = tpu.vector_load %arg11[%get3A_296, %get3A_297, %get3A_298] {strides = array<i32>} : memref<2x80x64xf32, #tpu.memory_space<vmem>>, vector<1x1x16xf32>,
        %get3A_300 = vector.shape_cast %get3A_299 : vector<1x1x16xf32> to vector<16xf32>
        %add3A_301 = arith.addf %get3A_294, %get3A_300 : vector<16xf32>
        %max3A_302 = arith.constant 0.000000e+00 : f32
        %max3A_303 = vector.broadcast %max3A_302 : f32 to vector<16xf32>
        %max3A_304 = arith.maximumf %add3A_301, %max3A_303 : vector<16xf32>
        %swap3A_305 = arith.constant 0 : i32
        %swap3A_306 = arith.index_cast %swap3A_305 : i32 to index
        %swap3A_307 = arith.index_cast %scan3A_245 : i32 to index
        %swap3A_308 = arith.constant 32 : index
        %swap3A_309 = tpu.vector_load %arg10[%swap3A_306, %swap3A_307, %swap3A_308] {strides = array<i32>} : memref<2x80x64xf32, #tpu.memory_space<vmem>>, vector<1x1x16xf32>,
        %swap3A_310 = vector.shape_cast %swap3A_309 : vector<1x1x16xf32> to vector<16xf32>
        %swap3A_311 = vector.shape_cast %max3A_304 : vector<16xf32> to vector<1x1x16xf32>
        tpu.vector_store %arg10[%swap3A_306, %swap3A_307, %swap3A_308], %swap3A_311 {strides = array<i32>} : memref<2x80x64xf32, #tpu.memory_space<vmem>>, vector<1x1x16xf32>,
        %get3A_312 = arith.constant 0 : i32
        %get3A_313 = arith.index_cast %get3A_312 : i32 to index
        %get3A_314 = arith.index_cast %scan3A_245 : i32 to index
        %get3A_315 = arith.constant 48 : index
        %get3A_316 = tpu.vector_load %arg10[%get3A_313, %get3A_314, %get3A_315] {strides = array<i32>} : memref<2x80x64xf32, #tpu.memory_space<vmem>>, vector<1x1x16xf32>,
        %get3A_317 = vector.shape_cast %get3A_316 : vector<1x1x16xf32> to vector<16xf32>
        %get3A_318 = arith.constant 0 : i32
        %get3A_319 = arith.index_cast %get3A_318 : i32 to index
        %get3A_320 = arith.index_cast %scan3A_245 : i32 to index
        %get3A_321 = arith.constant 48 : index
        %get3A_322 = tpu.vector_load %arg11[%get3A_319, %get3A_320, %get3A_321] {strides = array<i32>} : memref<2x80x64xf32, #tpu.memory_space<vmem>>, vector<1x1x16xf32>,
        %get3A_323 = vector.shape_cast %get3A_322 : vector<1x1x16xf32> to vector<16xf32>
        %add3A_324 = arith.addf %get3A_317, %get3A_323 : vector<16xf32>
        %max3A_325 = arith.constant 0.000000e+00 : f32
        %max3A_326 = vector.broadcast %max3A_325 : f32 to vector<16xf32>
        %max3A_327 = arith.maximumf %add3A_324, %max3A_326 : vector<16xf32>
        %swap3A_328 = arith.constant 0 : i32
        %swap3A_329 = arith.index_cast %swap3A_328 : i32 to index
        %swap3A_330 = arith.index_cast %scan3A_245 : i32 to index
        %swap3A_331 = arith.constant 48 : index
        %swap3A_332 = tpu.vector_load %arg10[%swap3A_329, %swap3A_330, %swap3A_331] {strides = array<i32>} : memref<2x80x64xf32, #tpu.memory_space<vmem>>, vector<1x1x16xf32>,
        %swap3A_333 = vector.shape_cast %swap3A_332 : vector<1x1x16xf32> to vector<16xf32>
        %swap3A_334 = vector.shape_cast %max3A_327 : vector<16xf32> to vector<1x1x16xf32>
        tpu.vector_store %arg10[%swap3A_329, %swap3A_330, %swap3A_331], %swap3A_334 {strides = array<i32>} : memref<2x80x64xf32, #tpu.memory_space<vmem>>, vector<1x1x16xf32>,
      }
      %scan3A_183 = arith.constant 80 : i32
      %run_scoped3A = arith.constant 0 : i32
      %run_scoped3A_184 = arith.constant 0 : i32
      "tpu.region"() ({
        %run_scoped3A_245 = tpu.sem_alloc : memref<!tpu.dma_semaphore, #tpu.memory_space<semaphore_mem>>
        %dma_start3A_246 = arith.constant 0 : i32
        %dma_start3A_247 = arith.constant 0 : i32
        %dma_start3A_248 = tpu.memref_slice %arg10[%run_scoped3A, %dma_start3A_246, %dma_start3A_247] : memref<2x80x64xf32, #tpu.memory_space<vmem>> -> memref<1x80x64xf32, #tpu.memory_space<vmem>>
        %dma_start3A_249 = tpu.memref_squeeze %dma_start3A_248 : memref<1x80x64xf32, #tpu.memory_space<vmem>> -> memref<80x64xf32, #tpu.memory_space<vmem>>
        %dma_start3A_250 = arith.constant 0 : i32
        %dma_start3A_251 = tpu.memref_slice %arg9[%run_scoped3A_184, %dma_start3A_250] : memref<2x80xi32, #tpu.memory_space<vmem>> -> memref<1x80xi32, #tpu.memory_space<vmem>>
        %dma_start3A_252 = tpu.memref_squeeze %dma_start3A_251 : memref<1x80xi32, #tpu.memory_space<vmem>> -> memref<80xi32, #tpu.memory_space<vmem>>
        %dma_start3A_253 = arith.constant 0 : i32
        %dma_start3A_254 = arith.constant 0 : i32
        %dma_start3A_255 = tpu.memref_slice %arg13[%dma_start3A_253, %dma_start3A_254] : memref<10000x64xf32, #tpu.memory_space<vmem_shared>> -> memref<10000x64xf32, #tpu.memory_space<vmem_shared>>
        tpu.enqueue_indirect_dma source(%dma_start3A_249 : memref<80x64xf32, #tpu.memory_space<vmem>>) target(%dma_start3A_255 : memref<10000x64xf32, #tpu.memory_space<vmem_shared>>) offsets(%dma_start3A_252 : memref<80xi32, #tpu.memory_space<vmem>>) semaphore(%run_scoped3A_245 : memref<!tpu.dma_semaphore, #tpu.memory_space<semaphore_mem>>) {add = true}
        %dma_wait3A_256 = arith.constant 0 : i32
        %dma_wait3A_257 = arith.constant 0 : i32
        %dma_wait3A_258 = tpu.memref_slice %arg10[%run_scoped3A, %dma_wait3A_256, %dma_wait3A_257] : memref<2x80x64xf32, #tpu.memory_space<vmem>> -> memref<1x80x64xf32, #tpu.memory_space<vmem>>
        %dma_wait3A_259 = tpu.memref_squeeze %dma_wait3A_258 : memref<1x80x64xf32, #tpu.memory_space<vmem>> -> memref<80x64xf32, #tpu.memory_space<vmem>>
        %dma_wait3A_260 = arith.constant 0 : i32
        %dma_wait3A_261 = tpu.memref_slice %arg9[%run_scoped3A_184, %dma_wait3A_260] : memref<2x80xi32, #tpu.memory_space<vmem>> -> memref<1x80xi32, #tpu.memory_space<vmem>>
        %dma_wait3A_262 = tpu.memref_squeeze %dma_wait3A_261 : memref<1x80xi32, #tpu.memory_space<vmem>> -> memref<80xi32, #tpu.memory_space<vmem>>
        %dma_wait3A_263 = arith.constant 0 : i32
        %dma_wait3A_264 = arith.constant 0 : i32
        %dma_wait3A_265 = tpu.memref_slice %arg13[%dma_wait3A_263, %dma_wait3A_264] : memref<10000x64xf32, #tpu.memory_space<vmem_shared>> -> memref<10000x64xf32, #tpu.memory_space<vmem_shared>>
        tpu.wait_indirect_dma semaphore(%run_scoped3A_245 : memref<!tpu.dma_semaphore, #tpu.memory_space<semaphore_mem>>) src(%dma_wait3A_259 : memref<80x64xf32, #tpu.memory_space<vmem>>) dst(%dma_wait3A_265 : memref<10000x64xf32, #tpu.memory_space<vmem_shared>>)
        tpu.yield
      }) : () -> ()
      %add3A_185 = arith.constant 2 : i32
      %add3A_186 = arith.addi %mul3A_84, %add3A_185 : i32
      %lt3A = arith.constant 250 : i32
      %lt3A_187 = arith.cmpi slt, %add3A_186, %lt3A : i32
      %convert_element_type3A = arith.extui %lt3A_187 : i1 to i32
      %cond3A = arith.constant 0 : i32
      %cond3A_188 = arith.cmpi ne, %convert_element_type3A, %cond3A : i32
      scf.if %cond3A_188 {
        %add3A_245 = arith.constant 2 : i32
        %add3A_246 = arith.addi %mul3A_84, %add3A_245 : i32
        %mul3A_247 = arith.constant 80 : i32
        %mul3A_248 = arith.muli %add3A_246, %mul3A_247 : i32
        %dma_start3A_249 = arith.constant 0 : i32
        %dma_start3A_250 = arith.constant 0 : i32
        %dma_start3A_251 = arith.constant 0 : i32
        %dma_start3A_252 = arith.constant 0 : i32
        %dma_start3A_253 = arith.constant 0 : i32
        %dma_start3A_254 = tpu.memref_slice %arg10[%dma_start3A_249, %dma_start3A_252, %dma_start3A_253] : memref<2x80x64xf32, #tpu.memory_space<vmem>> -> memref<1x80x64xf32, #tpu.memory_space<vmem>>
        %dma_start3A_255 = tpu.memref_squeeze %dma_start3A_254 : memref<1x80x64xf32, #tpu.memory_space<vmem>> -> memref<80x64xf32, #tpu.memory_space<vmem>>
        %dma_start3A_256 = tpu.memref_slice %arg7[%mul3A_248] : memref<20000xi32, #tpu.memory_space<vmem>> -> memref<80xi32, #tpu.memory_space<vmem>>
        %dma_start3A_257 = arith.constant 0 : i32
        %dma_start3A_258 = arith.constant 0 : i32
        %dma_start3A_259 = tpu.memref_slice %arg2[%dma_start3A_257, %dma_start3A_258] : memref<20000x64xf32, #tpu.memory_space<hbm>> -> memref<20000x64xf32, #tpu.memory_space<hbm>>
        %dma_start3A_260 = tpu.memref_slice %arg14[%dma_start3A_250, %dma_start3A_251] : memref<2x3x!tpu.dma_semaphore, #tpu.memory_space<semaphore_mem>> -> memref<1x1x!tpu.dma_semaphore, #tpu.memory_space<semaphore_mem>>
        %dma_start3A_261 = tpu.memref_squeeze %dma_start3A_260 : memref<1x1x!tpu.dma_semaphore, #tpu.memory_space<semaphore_mem>> -> memref<!tpu.dma_semaphore, #tpu.memory_space<semaphore_mem>>
        tpu.enqueue_indirect_dma source(%dma_start3A_259 : memref<20000x64xf32, #tpu.memory_space<hbm>>) target(%dma_start3A_255 : memref<80x64xf32, #tpu.memory_space<vmem>>) offsets(%dma_start3A_256 : memref<80xi32, #tpu.memory_space<vmem>>) semaphore(%dma_start3A_261 : memref<!tpu.dma_semaphore, #tpu.memory_space<semaphore_mem>>)
        %mul3A_262 = arith.constant 80 : i32
        %mul3A_263 = arith.muli %add3A_246, %mul3A_262 : i32
        %dma_start3A_264 = arith.constant 0 : i32
        %dma_start3A_265 = arith.constant 0 : i32
        %dma_start3A_266 = arith.constant 1 : i32
        %dma_start3A_267 = arith.constant 0 : i32
        %dma_start3A_268 = arith.constant 0 : i32
        %dma_start3A_269 = tpu.memref_slice %arg11[%dma_start3A_264, %dma_start3A_267, %dma_start3A_268] : memref<2x80x64xf32, #tpu.memory_space<vmem>> -> memref<1x80x64xf32, #tpu.memory_space<vmem>>
        %dma_start3A_270 = tpu.memref_squeeze %dma_start3A_269 : memref<1x80x64xf32, #tpu.memory_space<vmem>> -> memref<80x64xf32, #tpu.memory_space<vmem>>
        %dma_start3A_271 = tpu.memref_slice %arg8[%mul3A_263] : memref<20000xi32, #tpu.memory_space<vmem>> -> memref<80xi32, #tpu.memory_space<vmem>>
        %dma_start3A_272 = arith.constant 0 : i32
        %dma_start3A_273 = arith.constant 0 : i32
        %dma_start3A_274 = tpu.memref_slice %arg3[%dma_start3A_272, %dma_start3A_273] : memref<640000x64xf32, #tpu.memory_space<hbm>> -> memref<640000x64xf32, #tpu.memory_space<hbm>>
        %dma_start3A_275 = tpu.memref_slice %arg14[%dma_start3A_265, %dma_start3A_266] : memref<2x3x!tpu.dma_semaphore, #tpu.memory_space<semaphore_mem>> -> memref<1x1x!tpu.dma_semaphore, #tpu.memory_space<semaphore_mem>>
        %dma_start3A_276 = tpu.memref_squeeze %dma_start3A_275 : memref<1x1x!tpu.dma_semaphore, #tpu.memory_space<semaphore_mem>> -> memref<!tpu.dma_semaphore, #tpu.memory_space<semaphore_mem>>
        tpu.enqueue_indirect_dma source(%dma_start3A_274 : memref<640000x64xf32, #tpu.memory_space<hbm>>) target(%dma_start3A_270 : memref<80x64xf32, #tpu.memory_space<vmem>>) offsets(%dma_start3A_271 : memref<80xi32, #tpu.memory_space<vmem>>) semaphore(%dma_start3A_276 : memref<!tpu.dma_semaphore, #tpu.memory_space<semaphore_mem>>)
        %mul3A_277 = arith.constant 80 : i32
        %mul3A_278 = arith.muli %add3A_246, %mul3A_277 : i32
        %add3A_279 = arith.addi %mul3A_0, %mul3A_278 : i32
        %dma_start3A_280 = arith.constant 0 : i32
        %dma_start3A_281 = arith.constant 0 : i32
        %dma_start3A_282 = arith.constant 2 : i32
        %dma_start3A_283 = arith.constant 0 : i32
        %dma_start3A_284 = tpu.memref_slice %arg9[%dma_start3A_280, %dma_start3A_283] : memref<2x80xi32, #tpu.memory_space<vmem>> -> memref<1x80xi32, #tpu.memory_space<vmem>>
        %dma_start3A_285 = tpu.memref_squeeze %dma_start3A_284 : memref<1x80xi32, #tpu.memory_space<vmem>> -> memref<80xi32, #tpu.memory_space<vmem>>
        %dma_start3A_286 = tpu.memref_slice %arg5[%add3A_279] : memref<320000xi32, #tpu.memory_space<hbm>> -> memref<80xi32, #tpu.memory_space<hbm>>
        %dma_start3A_287 = tpu.memref_slice %arg14[%dma_start3A_281, %dma_start3A_282] : memref<2x3x!tpu.dma_semaphore, #tpu.memory_space<semaphore_mem>> -> memref<1x1x!tpu.dma_semaphore, #tpu.memory_space<semaphore_mem>>
        %dma_start3A_288 = tpu.memref_squeeze %dma_start3A_287 : memref<1x1x!tpu.dma_semaphore, #tpu.memory_space<semaphore_mem>> -> memref<!tpu.dma_semaphore, #tpu.memory_space<semaphore_mem>>
        %dma_start3A_289 = arith.constant 0 : i32
        %dma_start3A_290 = tpu.memref_slice %arg9[%dma_start3A_280, %dma_start3A_289] : memref<2x80xi32, #tpu.memory_space<vmem>> -> memref<1x80xi32, #tpu.memory_space<vmem>>
        %dma_start3A_291 = tpu.memref_squeeze %dma_start3A_290 : memref<1x80xi32, #tpu.memory_space<vmem>> -> memref<80xi32, #tpu.memory_space<vmem>>
        %dma_start3A_292 = tpu.memref_slice %arg5[%add3A_279] : memref<320000xi32, #tpu.memory_space<hbm>> -> memref<80xi32, #tpu.memory_space<hbm>>
        tpu.enqueue_dma source(%dma_start3A_292 : memref<80xi32, #tpu.memory_space<hbm>>) target(%dma_start3A_291 : memref<80xi32, #tpu.memory_space<vmem>>) target_semaphore(%dma_start3A_288 : memref<!tpu.dma_semaphore, #tpu.memory_space<semaphore_mem>>)
      } else {
      }
      %add3A_189 = arith.constant 1 : i32
      %add3A_190 = arith.addi %mul3A_84, %add3A_189 : i32
      %mul3A_191 = arith.constant 80 : i32
      %mul3A_192 = arith.muli %add3A_190, %mul3A_191 : i32
      %dma_wait3A_193 = arith.constant 1 : i32
      %dma_wait3A_194 = arith.constant 1 : i32
      %dma_wait3A_195 = arith.constant 0 : i32
      %dma_wait3A_196 = arith.constant 0 : i32
      %dma_wait3A_197 = arith.constant 0 : i32
      %dma_wait3A_198 = tpu.memref_slice %arg10[%dma_wait3A_193, %dma_wait3A_196, %dma_wait3A_197] : memref<2x80x64xf32, #tpu.memory_space<vmem>> -> memref<1x80x64xf32, #tpu.memory_space<vmem>>
      %dma_wait3A_199 = tpu.memref_squeeze %dma_wait3A_198 : memref<1x80x64xf32, #tpu.memory_space<vmem>> -> memref<80x64xf32, #tpu.memory_space<vmem>>
      %dma_wait3A_200 = tpu.memref_slice %arg7[%mul3A_192] : memref<20000xi32, #tpu.memory_space<vmem>> -> memref<80xi32, #tpu.memory_space<vmem>>
      %dma_wait3A_201 = arith.constant 0 : i32
      %dma_wait3A_202 = arith.constant 0 : i32
      %dma_wait3A_203 = tpu.memref_slice %arg2[%dma_wait3A_201, %dma_wait3A_202] : memref<20000x64xf32, #tpu.memory_space<hbm>> -> memref<20000x64xf32, #tpu.memory_space<hbm>>
      %dma_wait3A_204 = tpu.memref_slice %arg14[%dma_wait3A_194, %dma_wait3A_195] : memref<2x3x!tpu.dma_semaphore, #tpu.memory_space<semaphore_mem>> -> memref<1x1x!tpu.dma_semaphore, #tpu.memory_space<semaphore_mem>>
      %dma_wait3A_205 = tpu.memref_squeeze %dma_wait3A_204 : memref<1x1x!tpu.dma_semaphore, #tpu.memory_space<semaphore_mem>> -> memref<!tpu.dma_semaphore, #tpu.memory_space<semaphore_mem>>
      tpu.wait_indirect_dma semaphore(%dma_wait3A_205 : memref<!tpu.dma_semaphore, #tpu.memory_space<semaphore_mem>>) src(%dma_wait3A_203 : memref<20000x64xf32, #tpu.memory_space<hbm>>) dst(%dma_wait3A_199 : memref<80x64xf32, #tpu.memory_space<vmem>>)
      %mul3A_206 = arith.constant 80 : i32
      %mul3A_207 = arith.muli %add3A_190, %mul3A_206 : i32
      %dma_wait3A_208 = arith.constant 1 : i32
      %dma_wait3A_209 = arith.constant 1 : i32
      %dma_wait3A_210 = arith.constant 1 : i32
      %dma_wait3A_211 = arith.constant 0 : i32
      %dma_wait3A_212 = arith.constant 0 : i32
      %dma_wait3A_213 = tpu.memref_slice %arg11[%dma_wait3A_208, %dma_wait3A_211, %dma_wait3A_212] : memref<2x80x64xf32, #tpu.memory_space<vmem>> -> memref<1x80x64xf32, #tpu.memory_space<vmem>>
      %dma_wait3A_214 = tpu.memref_squeeze %dma_wait3A_213 : memref<1x80x64xf32, #tpu.memory_space<vmem>> -> memref<80x64xf32, #tpu.memory_space<vmem>>
      %dma_wait3A_215 = tpu.memref_slice %arg8[%mul3A_207] : memref<20000xi32, #tpu.memory_space<vmem>> -> memref<80xi32, #tpu.memory_space<vmem>>
      %dma_wait3A_216 = arith.constant 0 : i32
      %dma_wait3A_217 = arith.constant 0 : i32
      %dma_wait3A_218 = tpu.memref_slice %arg3[%dma_wait3A_216, %dma_wait3A_217] : memref<640000x64xf32, #tpu.memory_space<hbm>> -> memref<640000x64xf32, #tpu.memory_space<hbm>>
      %dma_wait3A_219 = tpu.memref_slice %arg14[%dma_wait3A_209, %dma_wait3A_210] : memref<2x3x!tpu.dma_semaphore, #tpu.memory_space<semaphore_mem>> -> memref<1x1x!tpu.dma_semaphore, #tpu.memory_space<semaphore_mem>>
      %dma_wait3A_220 = tpu.memref_squeeze %dma_wait3A_219 : memref<1x1x!tpu.dma_semaphore, #tpu.memory_space<semaphore_mem>> -> memref<!tpu.dma_semaphore, #tpu.memory_space<semaphore_mem>>
      tpu.wait_indirect_dma semaphore(%dma_wait3A_220 : memref<!tpu.dma_semaphore, #tpu.memory_space<semaphore_mem>>) src(%dma_wait3A_218 : memref<640000x64xf32, #tpu.memory_space<hbm>>) dst(%dma_wait3A_214 : memref<80x64xf32, #tpu.memory_space<vmem>>)
      %mul3A_221 = arith.constant 80 : i32
      %mul3A_222 = arith.muli %add3A_190, %mul3A_221 : i32
      %add3A_223 = arith.addi %mul3A_0, %mul3A_222 : i32
      %dma_wait3A_224 = arith.constant 1 : i32
      %dma_wait3A_225 = arith.constant 1 : i32
      %dma_wait3A_226 = arith.constant 2 : i32
      %dma_wait3A_227 = arith.constant 0 : i32
      %dma_wait3A_228 = tpu.memref_slice %arg9[%dma_wait3A_224, %dma_wait3A_227] : memref<2x80xi32, #tpu.memory_space<vmem>> -> memref<1x80xi32, #tpu.memory_space<vmem>>
      %dma_wait3A_229 = tpu.memref_squeeze %dma_wait3A_228 : memref<1x80xi32, #tpu.memory_space<vmem>> -> memref<80xi32, #tpu.memory_space<vmem>>
      %dma_wait3A_230 = tpu.memref_slice %arg5[%add3A_223] : memref<320000xi32, #tpu.memory_space<hbm>> -> memref<80xi32, #tpu.memory_space<hbm>>
      %dma_wait3A_231 = tpu.memref_slice %arg14[%dma_wait3A_225, %dma_wait3A_226] : memref<2x3x!tpu.dma_semaphore, #tpu.memory_space<semaphore_mem>> -> memref<1x1x!tpu.dma_semaphore, #tpu.memory_space<semaphore_mem>>
      %dma_wait3A_232 = tpu.memref_squeeze %dma_wait3A_231 : memref<1x1x!tpu.dma_semaphore, #tpu.memory_space<semaphore_mem>> -> memref<!tpu.dma_semaphore, #tpu.memory_space<semaphore_mem>>
      %dma_wait3A_233 = arith.constant 0 : i32
      %dma_wait3A_234 = tpu.memref_slice %arg9[%dma_wait3A_224, %dma_wait3A_233] : memref<2x80xi32, #tpu.memory_space<vmem>> -> memref<1x80xi32, #tpu.memory_space<vmem>>
      %dma_wait3A_235 = tpu.memref_squeeze %dma_wait3A_234 : memref<1x80xi32, #tpu.memory_space<vmem>> -> memref<80xi32, #tpu.memory_space<vmem>>
      %dma_wait3A_236 = tpu.memref_slice %arg5[%add3A_223] : memref<320000xi32, #tpu.memory_space<hbm>> -> memref<80xi32, #tpu.memory_space<hbm>>
      tpu.wait_dma2 semaphore(%dma_wait3A_232 : memref<!tpu.dma_semaphore, #tpu.memory_space<semaphore_mem>>) src(%dma_wait3A_236 : memref<80xi32, #tpu.memory_space<hbm>>) dst(%dma_wait3A_235 : memref<80xi32, #tpu.memory_space<vmem>>)
      %scan3A_237 = arith.constant 0 : i32
      %scan3A_238 = arith.constant 0 : i32
      %scan3A_239 = arith.constant 80 : i32
      %scan3A_240 = arith.addi %scan3A_238, %scan3A_239 : i32
      %scan3A_241 = arith.constant 1 : i32
      scf.for %scan3A_245 = %scan3A_238 to %scan3A_240 step %scan3A_241  : i32 {
        %get3A = arith.constant 1 : i32
        %get3A_246 = arith.index_cast %get3A : i32 to index
        %get3A_247 = arith.index_cast %scan3A_245 : i32 to index
        %get3A_248 = arith.constant 0 : index
        %get3A_249 = tpu.vector_load %arg10[%get3A_246, %get3A_247, %get3A_248] {strides = array<i32>} : memref<2x80x64xf32, #tpu.memory_space<vmem>>, vector<1x1x16xf32>,
        %get3A_250 = vector.shape_cast %get3A_249 : vector<1x1x16xf32> to vector<16xf32>
        %get3A_251 = arith.constant 1 : i32
        %get3A_252 = arith.index_cast %get3A_251 : i32 to index
        %get3A_253 = arith.index_cast %scan3A_245 : i32 to index
        %get3A_254 = arith.constant 0 : index
        %get3A_255 = tpu.vector_load %arg11[%get3A_252, %get3A_253, %get3A_254] {strides = array<i32>} : memref<2x80x64xf32, #tpu.memory_space<vmem>>, vector<1x1x16xf32>,
        %get3A_256 = vector.shape_cast %get3A_255 : vector<1x1x16xf32> to vector<16xf32>
        %add3A_257 = arith.addf %get3A_250, %get3A_256 : vector<16xf32>
        %max3A = arith.constant 0.000000e+00 : f32
        %max3A_258 = vector.broadcast %max3A : f32 to vector<16xf32>
        %max3A_259 = arith.maximumf %add3A_257, %max3A_258 : vector<16xf32>
        %swap3A = arith.constant 1 : i32
        %swap3A_260 = arith.index_cast %swap3A : i32 to index
        %swap3A_261 = arith.index_cast %scan3A_245 : i32 to index
        %swap3A_262 = arith.constant 0 : index
        %swap3A_263 = tpu.vector_load %arg10[%swap3A_260, %swap3A_261, %swap3A_262] {strides = array<i32>} : memref<2x80x64xf32, #tpu.memory_space<vmem>>, vector<1x1x16xf32>,
        %swap3A_264 = vector.shape_cast %swap3A_263 : vector<1x1x16xf32> to vector<16xf32>
        %swap3A_265 = vector.shape_cast %max3A_259 : vector<16xf32> to vector<1x1x16xf32>
        tpu.vector_store %arg10[%swap3A_260, %swap3A_261, %swap3A_262], %swap3A_265 {strides = array<i32>} : memref<2x80x64xf32, #tpu.memory_space<vmem>>, vector<1x1x16xf32>,
        %get3A_266 = arith.constant 1 : i32
        %get3A_267 = arith.index_cast %get3A_266 : i32 to index
        %get3A_268 = arith.index_cast %scan3A_245 : i32 to index
        %get3A_269 = arith.constant 16 : index
        %get3A_270 = tpu.vector_load %arg10[%get3A_267, %get3A_268, %get3A_269] {strides = array<i32>} : memref<2x80x64xf32, #tpu.memory_space<vmem>>, vector<1x1x16xf32>,
        %get3A_271 = vector.shape_cast %get3A_270 : vector<1x1x16xf32> to vector<16xf32>
        %get3A_272 = arith.constant 1 : i32
        %get3A_273 = arith.index_cast %get3A_272 : i32 to index
        %get3A_274 = arith.index_cast %scan3A_245 : i32 to index
        %get3A_275 = arith.constant 16 : index
        %get3A_276 = tpu.vector_load %arg11[%get3A_273, %get3A_274, %get3A_275] {strides = array<i32>} : memref<2x80x64xf32, #tpu.memory_space<vmem>>, vector<1x1x16xf32>,
        %get3A_277 = vector.shape_cast %get3A_276 : vector<1x1x16xf32> to vector<16xf32>
        %add3A_278 = arith.addf %get3A_271, %get3A_277 : vector<16xf32>
        %max3A_279 = arith.constant 0.000000e+00 : f32
        %max3A_280 = vector.broadcast %max3A_279 : f32 to vector<16xf32>
        %max3A_281 = arith.maximumf %add3A_278, %max3A_280 : vector<16xf32>
        %swap3A_282 = arith.constant 1 : i32
        %swap3A_283 = arith.index_cast %swap3A_282 : i32 to index
        %swap3A_284 = arith.index_cast %scan3A_245 : i32 to index
        %swap3A_285 = arith.constant 16 : index
        %swap3A_286 = tpu.vector_load %arg10[%swap3A_283, %swap3A_284, %swap3A_285] {strides = array<i32>} : memref<2x80x64xf32, #tpu.memory_space<vmem>>, vector<1x1x16xf32>,
        %swap3A_287 = vector.shape_cast %swap3A_286 : vector<1x1x16xf32> to vector<16xf32>
        %swap3A_288 = vector.shape_cast %max3A_281 : vector<16xf32> to vector<1x1x16xf32>
        tpu.vector_store %arg10[%swap3A_283, %swap3A_284, %swap3A_285], %swap3A_288 {strides = array<i32>} : memref<2x80x64xf32, #tpu.memory_space<vmem>>, vector<1x1x16xf32>,
        %get3A_289 = arith.constant 1 : i32
        %get3A_290 = arith.index_cast %get3A_289 : i32 to index
        %get3A_291 = arith.index_cast %scan3A_245 : i32 to index
        %get3A_292 = arith.constant 32 : index
        %get3A_293 = tpu.vector_load %arg10[%get3A_290, %get3A_291, %get3A_292] {strides = array<i32>} : memref<2x80x64xf32, #tpu.memory_space<vmem>>, vector<1x1x16xf32>,
        %get3A_294 = vector.shape_cast %get3A_293 : vector<1x1x16xf32> to vector<16xf32>
        %get3A_295 = arith.constant 1 : i32
        %get3A_296 = arith.index_cast %get3A_295 : i32 to index
        %get3A_297 = arith.index_cast %scan3A_245 : i32 to index
        %get3A_298 = arith.constant 32 : index
        %get3A_299 = tpu.vector_load %arg11[%get3A_296, %get3A_297, %get3A_298] {strides = array<i32>} : memref<2x80x64xf32, #tpu.memory_space<vmem>>, vector<1x1x16xf32>,
        %get3A_300 = vector.shape_cast %get3A_299 : vector<1x1x16xf32> to vector<16xf32>
        %add3A_301 = arith.addf %get3A_294, %get3A_300 : vector<16xf32>
        %max3A_302 = arith.constant 0.000000e+00 : f32
        %max3A_303 = vector.broadcast %max3A_302 : f32 to vector<16xf32>
        %max3A_304 = arith.maximumf %add3A_301, %max3A_303 : vector<16xf32>
        %swap3A_305 = arith.constant 1 : i32
        %swap3A_306 = arith.index_cast %swap3A_305 : i32 to index
        %swap3A_307 = arith.index_cast %scan3A_245 : i32 to index
        %swap3A_308 = arith.constant 32 : index
        %swap3A_309 = tpu.vector_load %arg10[%swap3A_306, %swap3A_307, %swap3A_308] {strides = array<i32>} : memref<2x80x64xf32, #tpu.memory_space<vmem>>, vector<1x1x16xf32>,
        %swap3A_310 = vector.shape_cast %swap3A_309 : vector<1x1x16xf32> to vector<16xf32>
        %swap3A_311 = vector.shape_cast %max3A_304 : vector<16xf32> to vector<1x1x16xf32>
        tpu.vector_store %arg10[%swap3A_306, %swap3A_307, %swap3A_308], %swap3A_311 {strides = array<i32>} : memref<2x80x64xf32, #tpu.memory_space<vmem>>, vector<1x1x16xf32>,
        %get3A_312 = arith.constant 1 : i32
        %get3A_313 = arith.index_cast %get3A_312 : i32 to index
        %get3A_314 = arith.index_cast %scan3A_245 : i32 to index
        %get3A_315 = arith.constant 48 : index
        %get3A_316 = tpu.vector_load %arg10[%get3A_313, %get3A_314, %get3A_315] {strides = array<i32>} : memref<2x80x64xf32, #tpu.memory_space<vmem>>, vector<1x1x16xf32>,
        %get3A_317 = vector.shape_cast %get3A_316 : vector<1x1x16xf32> to vector<16xf32>
        %get3A_318 = arith.constant 1 : i32
        %get3A_319 = arith.index_cast %get3A_318 : i32 to index
        %get3A_320 = arith.index_cast %scan3A_245 : i32 to index
        %get3A_321 = arith.constant 48 : index
        %get3A_322 = tpu.vector_load %arg11[%get3A_319, %get3A_320, %get3A_321] {strides = array<i32>} : memref<2x80x64xf32, #tpu.memory_space<vmem>>, vector<1x1x16xf32>,
        %get3A_323 = vector.shape_cast %get3A_322 : vector<1x1x16xf32> to vector<16xf32>
        %add3A_324 = arith.addf %get3A_317, %get3A_323 : vector<16xf32>
        %max3A_325 = arith.constant 0.000000e+00 : f32
        %max3A_326 = vector.broadcast %max3A_325 : f32 to vector<16xf32>
        %max3A_327 = arith.maximumf %add3A_324, %max3A_326 : vector<16xf32>
        %swap3A_328 = arith.constant 1 : i32
        %swap3A_329 = arith.index_cast %swap3A_328 : i32 to index
        %swap3A_330 = arith.index_cast %scan3A_245 : i32 to index
        %swap3A_331 = arith.constant 48 : index
        %swap3A_332 = tpu.vector_load %arg10[%swap3A_329, %swap3A_330, %swap3A_331] {strides = array<i32>} : memref<2x80x64xf32, #tpu.memory_space<vmem>>, vector<1x1x16xf32>,
        %swap3A_333 = vector.shape_cast %swap3A_332 : vector<1x1x16xf32> to vector<16xf32>
        %swap3A_334 = vector.shape_cast %max3A_327 : vector<16xf32> to vector<1x1x16xf32>
        tpu.vector_store %arg10[%swap3A_329, %swap3A_330, %swap3A_331], %swap3A_334 {strides = array<i32>} : memref<2x80x64xf32, #tpu.memory_space<vmem>>, vector<1x1x16xf32>,
      }
      %scan3A_242 = arith.constant 80 : i32
      %run_scoped3A_243 = arith.constant 1 : i32
      %run_scoped3A_244 = arith.constant 1 : i32
      "tpu.region"() ({
        %run_scoped3A_245 = tpu.sem_alloc : memref<!tpu.dma_semaphore, #tpu.memory_space<semaphore_mem>>
        %dma_start3A_246 = arith.constant 0 : i32
        %dma_start3A_247 = arith.constant 0 : i32
        %dma_start3A_248 = tpu.memref_slice %arg10[%run_scoped3A_243, %dma_start3A_246, %dma_start3A_247] : memref<2x80x64xf32, #tpu.memory_space<vmem>> -> memref<1x80x64xf32, #tpu.memory_space<vmem>>
        %dma_start3A_249 = tpu.memref_squeeze %dma_start3A_248 : memref<1x80x64xf32, #tpu.memory_space<vmem>> -> memref<80x64xf32, #tpu.memory_space<vmem>>
        %dma_start3A_250 = arith.constant 0 : i32
        %dma_start3A_251 = tpu.memref_slice %arg9[%run_scoped3A_244, %dma_start3A_250] : memref<2x80xi32, #tpu.memory_space<vmem>> -> memref<1x80xi32, #tpu.memory_space<vmem>>
        %dma_start3A_252 = tpu.memref_squeeze %dma_start3A_251 : memref<1x80xi32, #tpu.memory_space<vmem>> -> memref<80xi32, #tpu.memory_space<vmem>>
        %dma_start3A_253 = arith.constant 0 : i32
        %dma_start3A_254 = arith.constant 0 : i32
        %dma_start3A_255 = tpu.memref_slice %arg13[%dma_start3A_253, %dma_start3A_254] : memref<10000x64xf32, #tpu.memory_space<vmem_shared>> -> memref<10000x64xf32, #tpu.memory_space<vmem_shared>>
        tpu.enqueue_indirect_dma source(%dma_start3A_249 : memref<80x64xf32, #tpu.memory_space<vmem>>) target(%dma_start3A_255 : memref<10000x64xf32, #tpu.memory_space<vmem_shared>>) offsets(%dma_start3A_252 : memref<80xi32, #tpu.memory_space<vmem>>) semaphore(%run_scoped3A_245 : memref<!tpu.dma_semaphore, #tpu.memory_space<semaphore_mem>>) {add = true}
        %dma_wait3A_256 = arith.constant 0 : i32
        %dma_wait3A_257 = arith.constant 0 : i32
        %dma_wait3A_258 = tpu.memref_slice %arg10[%run_scoped3A_243, %dma_wait3A_256, %dma_wait3A_257] : memref<2x80x64xf32, #tpu.memory_space<vmem>> -> memref<1x80x64xf32, #tpu.memory_space<vmem>>
        %dma_wait3A_259 = tpu.memref_squeeze %dma_wait3A_258 : memref<1x80x64xf32, #tpu.memory_space<vmem>> -> memref<80x64xf32, #tpu.memory_space<vmem>>
        %dma_wait3A_260 = arith.constant 0 : i32
        %dma_wait3A_261 = tpu.memref_slice %arg9[%run_scoped3A_244, %dma_wait3A_260] : memref<2x80xi32, #tpu.memory_space<vmem>> -> memref<1x80xi32, #tpu.memory_space<vmem>>
        %dma_wait3A_262 = tpu.memref_squeeze %dma_wait3A_261 : memref<1x80xi32, #tpu.memory_space<vmem>> -> memref<80xi32, #tpu.memory_space<vmem>>
        %dma_wait3A_263 = arith.constant 0 : i32
        %dma_wait3A_264 = arith.constant 0 : i32
        %dma_wait3A_265 = tpu.memref_slice %arg13[%dma_wait3A_263, %dma_wait3A_264] : memref<10000x64xf32, #tpu.memory_space<vmem_shared>> -> memref<10000x64xf32, #tpu.memory_space<vmem_shared>>
        tpu.wait_indirect_dma semaphore(%run_scoped3A_245 : memref<!tpu.dma_semaphore, #tpu.memory_space<semaphore_mem>>) src(%dma_wait3A_259 : memref<80x64xf32, #tpu.memory_space<vmem>>) dst(%dma_wait3A_265 : memref<10000x64xf32, #tpu.memory_space<vmem_shared>>)
        tpu.yield
      }) : () -> ()
    }
    %scan3A_73 = arith.constant 125 : i32
    %barrier3A_74 = arith.constant 0 : index
    tpu.barrier barrier_id(%barrier3A_74)
    %scan3A_75 = arith.constant 0 : i32
    %scan3A_76 = arith.constant 0 : i32
    %scan3A_77 = arith.constant 4 : i32
    %scan3A_78 = arith.addi %scan3A_76, %scan3A_77 : i32
    %scan3A_79 = arith.constant 1 : i32
    scf.for %scan3A_82 = %scan3A_76 to %scan3A_78 step %scan3A_79  : i32 {
      %mul3A_83 = arith.constant 16 : i32
      %mul3A_84 = arith.muli %mul3A_83, %scan3A_82 : i32
      %add3A_85 = arith.addi %arg1, %mul3A_84 : i32
      %lt3A = arith.constant 50 : i32
      %lt3A_86 = arith.cmpi slt, %add3A_85, %lt3A : i32
      %convert_element_type3A = arith.extui %lt3A_86 : i1 to i32
      %cond3A = arith.constant 0 : i32
      %cond3A_87 = arith.cmpi ne, %convert_element_type3A, %cond3A : i32
      scf.if %cond3A_87 {
        %mul3A_88 = arith.constant 200 : i32
        %mul3A_89 = arith.muli %add3A_85, %mul3A_88 : i32
        %mul3A_90 = arith.constant 10000 : i32
        %mul3A_91 = arith.muli %arg0, %mul3A_90 : i32
        %mul3A_92 = arith.constant 200 : i32
        %mul3A_93 = arith.muli %add3A_85, %mul3A_92 : i32
        %add3A_94 = arith.addi %mul3A_91, %mul3A_93 : i32
        "tpu.region"() ({
          %run_scoped3A = tpu.sem_alloc : memref<!tpu.dma_semaphore, #tpu.memory_space<semaphore_mem>>
          %dma_start3A_95 = arith.constant 0 : i32
          %dma_start3A_96 = tpu.memref_slice %arg6[%add3A_94, %dma_start3A_95] : memref<20000x64xf32, #tpu.memory_space<hbm>> -> memref<200x64xf32, #tpu.memory_space<hbm>>
          %dma_start3A_97 = arith.constant 0 : i32
          %dma_start3A_98 = tpu.memref_slice %arg13[%mul3A_89, %dma_start3A_97] : memref<10000x64xf32, #tpu.memory_space<vmem_shared>> -> memref<200x64xf32, #tpu.memory_space<vmem_shared>>
          tpu.enqueue_dma source(%dma_start3A_98 : memref<200x64xf32, #tpu.memory_space<vmem_shared>>) target(%dma_start3A_96 : memref<200x64xf32, #tpu.memory_space<hbm>>) target_semaphore(%run_scoped3A : memref<!tpu.dma_semaphore, #tpu.memory_space<semaphore_mem>>)
          %dma_wait3A = arith.constant 0 : i32
          %dma_wait3A_99 = tpu.memref_slice %arg6[%add3A_94, %dma_wait3A] : memref<20000x64xf32, #tpu.memory_space<hbm>> -> memref<200x64xf32, #tpu.memory_space<hbm>>
          %dma_wait3A_100 = arith.constant 0 : i32
          %dma_wait3A_101 = tpu.memref_slice %arg13[%mul3A_89, %dma_wait3A_100] : memref<10000x64xf32, #tpu.memory_space<vmem_shared>> -> memref<200x64xf32, #tpu.memory_space<vmem_shared>>
          tpu.wait_dma2 semaphore(%run_scoped3A : memref<!tpu.dma_semaphore, #tpu.memory_space<semaphore_mem>>) src(%dma_wait3A_101 : memref<200x64xf32, #tpu.memory_space<vmem_shared>>) dst(%dma_wait3A_99 : memref<200x64xf32, #tpu.memory_space<hbm>>)
          tpu.yield
        }) : () -> ()
      } else {
      }
    }
    %scan3A_80 = arith.constant 4 : i32
    %barrier3A_81 = arith.constant 0 : index
    tpu.barrier barrier_id(%barrier3A_81)
    return
  }
}

#map = affine_map<(d0, d1) -> (0, 0)>
#map1 = affine_map<(d0, d1) -> (0)>
module attributes {stable_mosaic.version = 14 : i64} {
  func.func @_sc_a_body(%arg0: i32, %arg1: i32, %arg2: memref<20000x64xf32, #tpu.memory_space<hbm>>, %arg3: memref<640000x64xf32, #tpu.memory_space<hbm>>, %arg4: memref<320000xi32, #tpu.memory_space<hbm>>, %arg5: memref<320000xi32, #tpu.memory_space<hbm>>, %arg6: memref<20000x64xf32, #tpu.memory_space<hbm>>, %arg7: memref<20000xi32, #tpu.memory_space<vmem>>, %arg8: memref<20000xi32, #tpu.memory_space<vmem>>, %arg9: memref<2x80xi32, #tpu.memory_space<vmem>>, %arg10: memref<2x80x64xf32, #tpu.memory_space<vmem>>, %arg11: memref<2x80x64xf32, #tpu.memory_space<vmem>>, %arg12: memref<200x64xf32, #tpu.memory_space<vmem>>, %arg13: memref<10000x64xf32, #tpu.memory_space<vmem_shared>>, %arg14: memref<2x3x!tpu.dma_semaphore, #tpu.memory_space<semaphore_mem>>) attributes {dimension_semantics = [#tpu.dimension_semantics<core_parallel>, #tpu.dimension_semantics<subcore_parallel>], iteration_bounds = array<i64: 2, 16>, scalar_prefetch = 0 : i64, scratch_operands = 8 : i64, tpu.core_type = #tpu.core_type<sc_vector_subcore>, window_params = [{transform_indices = #map}, {transform_indices = #map}, {transform_indices = #map1}, {transform_indices = #map1}, {transform_indices = #map}]} {
    %mul3A = arith.constant 20000 : i32
    %mul3A_0 = arith.muli %arg1, %mul3A : i32
    "tpu.region"() ({
      %run_scoped3A = tpu.sem_alloc : memref<!tpu.dma_semaphore, #tpu.memory_space<semaphore_mem>>
      %dma_start3A_82 = tpu.memref_slice %arg4[%mul3A_0] : memref<320000xi32, #tpu.memory_space<hbm>> -> memref<20000xi32, #tpu.memory_space<hbm>>
      %dma_start3A_83 = tpu.memref_slice %arg4[%mul3A_0] : memref<320000xi32, #tpu.memory_space<hbm>> -> memref<20000xi32, #tpu.memory_space<hbm>>
      tpu.enqueue_dma source(%dma_start3A_83 : memref<20000xi32, #tpu.memory_space<hbm>>) target(%arg7 : memref<20000xi32, #tpu.memory_space<vmem>>) target_semaphore(%run_scoped3A : memref<!tpu.dma_semaphore, #tpu.memory_space<semaphore_mem>>)
      %dma_wait3A = tpu.memref_slice %arg4[%mul3A_0] : memref<320000xi32, #tpu.memory_space<hbm>> -> memref<20000xi32, #tpu.memory_space<hbm>>
      %dma_wait3A_84 = tpu.memref_slice %arg4[%mul3A_0] : memref<320000xi32, #tpu.memory_space<hbm>> -> memref<20000xi32, #tpu.memory_space<hbm>>
      tpu.wait_dma2 semaphore(%run_scoped3A : memref<!tpu.dma_semaphore, #tpu.memory_space<semaphore_mem>>) src(%dma_wait3A_84 : memref<20000xi32, #tpu.memory_space<hbm>>) dst(%arg7 : memref<20000xi32, #tpu.memory_space<vmem>>)
      tpu.yield
    }) : () -> ()
    %mul3A_1 = arith.constant 10000 : i32
    %mul3A_2 = arith.muli %arg0, %mul3A_1 : i32
    %scan3A = arith.constant 0 : i32
    %scan3A_3 = arith.constant 0 : i32
    %scan3A_4 = arith.constant 1250 : i32
    %scan3A_5 = arith.addi %scan3A_3, %scan3A_4 : i32
    %scan3A_6 = arith.constant 1 : i32
    scf.for %scan3A_82 = %scan3A_3 to %scan3A_5 step %scan3A_6  : i32 {
      %mul3A_83 = arith.constant 16 : i32
      %mul3A_84 = arith.muli %scan3A_82, %mul3A_83 : i32
      %get3A = arith.index_cast %mul3A_84 : i32 to index
      %get3A_85 = tpu.vector_load %arg7[%get3A] {strides = array<i32>} : memref<20000xi32, #tpu.memory_space<vmem>>, vector<16xi32>,
      %get3A_86 = vector.shape_cast %get3A_85 : vector<16xi32> to vector<16xi32>
      %add3A_87 = vector.broadcast %mul3A_2 : i32 to vector<16xi32>
      %add3A_88 = arith.addi %get3A_86, %add3A_87 : vector<16xi32>
      %swap3A = arith.index_cast %mul3A_84 : i32 to index
      %swap3A_89 = tpu.vector_load %arg7[%swap3A] {strides = array<i32>} : memref<20000xi32, #tpu.memory_space<vmem>>, vector<16xi32>,
      %swap3A_90 = vector.shape_cast %swap3A_89 : vector<16xi32> to vector<16xi32>
      %swap3A_91 = vector.shape_cast %add3A_88 : vector<16xi32> to vector<16xi32>
      tpu.vector_store %arg7[%swap3A], %swap3A_91 {strides = array<i32>} : memref<20000xi32, #tpu.memory_space<vmem>>, vector<16xi32>,
    }
    %scan3A_7 = arith.constant 1250 : i32
    %iota3A = tpu.iota {dimensions = array<i32: 0>} : vector<16xi32>
    %scan3A_8 = arith.constant 0 : i32
    %scan3A_9 = arith.constant 0 : i32
    %scan3A_10 = arith.constant 1250 : i32
    %scan3A_11 = arith.addi %scan3A_9, %scan3A_10 : i32
    %scan3A_12 = arith.constant 1 : i32
    scf.for %scan3A_82 = %scan3A_9 to %scan3A_11 step %scan3A_12  : i32 {
      %mul3A_83 = arith.constant 16 : i32
      %mul3A_84 = arith.muli %scan3A_82, %mul3A_83 : i32
      %mul3A_85 = arith.constant 2 : i32
      %mul3A_86 = arith.muli %mul3A_85, %mul3A_0 : i32
      %add3A_87 = arith.addi %mul3A_86, %arg0 : i32
      %mul3A_88 = arith.constant 32 : i32
      %mul3A_89 = arith.muli %mul3A_88, %scan3A_82 : i32
      %add3A_90 = arith.addi %add3A_87, %mul3A_89 : i32
      %mul3A_91 = arith.constant 2 : i32
      %mul3A_92 = vector.broadcast %mul3A_91 : i32 to vector<16xi32>
      %mul3A_93 = arith.muli %iota3A, %mul3A_92 : vector<16xi32>
      %add3A_94 = vector.broadcast %add3A_90 : i32 to vector<16xi32>
      %add3A_95 = arith.addi %add3A_94, %mul3A_93 : vector<16xi32>
      %swap3A = arith.index_cast %mul3A_84 : i32 to index
      %swap3A_96 = tpu.vector_load %arg8[%swap3A] {strides = array<i32>} : memref<20000xi32, #tpu.memory_space<vmem>>, vector<16xi32>,
      %swap3A_97 = vector.shape_cast %swap3A_96 : vector<16xi32> to vector<16xi32>
      %swap3A_98 = vector.shape_cast %add3A_95 : vector<16xi32> to vector<16xi32>
      tpu.vector_store %arg8[%swap3A], %swap3A_98 {strides = array<i32>} : memref<20000xi32, #tpu.memory_space<vmem>>, vector<16xi32>,
    }
    %scan3A_13 = arith.constant 1250 : i32
    %broadcast_in_dim3A = arith.constant 0.000000e+00 : f32
    %broadcast_in_dim3A_14 = vector.broadcast %broadcast_in_dim3A : f32 to vector<16xf32>
    %scan3A_15 = arith.constant 0 : i32
    %scan3A_16 = arith.constant 0 : i32
    %scan3A_17 = arith.constant 200 : i32
    %scan3A_18 = arith.addi %scan3A_16, %scan3A_17 : i32
    %scan3A_19 = arith.constant 1 : i32
    scf.for %scan3A_82 = %scan3A_16 to %scan3A_18 step %scan3A_19  : i32 {
      %swap3A = arith.index_cast %scan3A_82 : i32 to index
      %swap3A_83 = arith.constant 0 : index
      %swap3A_84 = tpu.vector_load %arg12[%swap3A, %swap3A_83] {strides = array<i32>} : memref<200x64xf32, #tpu.memory_space<vmem>>, vector<1x16xf32>,
      %swap3A_85 = vector.shape_cast %swap3A_84 : vector<1x16xf32> to vector<16xf32>
      %swap3A_86 = vector.shape_cast %broadcast_in_dim3A_14 : vector<16xf32> to vector<1x16xf32>
      tpu.vector_store %arg12[%swap3A, %swap3A_83], %swap3A_86 {strides = array<i32>} : memref<200x64xf32, #tpu.memory_space<vmem>>, vector<1x16xf32>,
      %swap3A_87 = arith.index_cast %scan3A_82 : i32 to index
      %swap3A_88 = arith.constant 16 : index
      %swap3A_89 = tpu.vector_load %arg12[%swap3A_87, %swap3A_88] {strides = array<i32>} : memref<200x64xf32, #tpu.memory_space<vmem>>, vector<1x16xf32>,
      %swap3A_90 = vector.shape_cast %swap3A_89 : vector<1x16xf32> to vector<16xf32>
      %swap3A_91 = vector.shape_cast %broadcast_in_dim3A_14 : vector<16xf32> to vector<1x16xf32>
      tpu.vector_store %arg12[%swap3A_87, %swap3A_88], %swap3A_91 {strides = array<i32>} : memref<200x64xf32, #tpu.memory_space<vmem>>, vector<1x16xf32>,
      %swap3A_92 = arith.index_cast %scan3A_82 : i32 to index
      %swap3A_93 = arith.constant 32 : index
      %swap3A_94 = tpu.vector_load %arg12[%swap3A_92, %swap3A_93] {strides = array<i32>} : memref<200x64xf32, #tpu.memory_space<vmem>>, vector<1x16xf32>,
      %swap3A_95 = vector.shape_cast %swap3A_94 : vector<1x16xf32> to vector<16xf32>
      %swap3A_96 = vector.shape_cast %broadcast_in_dim3A_14 : vector<16xf32> to vector<1x16xf32>
      tpu.vector_store %arg12[%swap3A_92, %swap3A_93], %swap3A_96 {strides = array<i32>} : memref<200x64xf32, #tpu.memory_space<vmem>>, vector<1x16xf32>,
      %swap3A_97 = arith.index_cast %scan3A_82 : i32 to index
      %swap3A_98 = arith.constant 48 : index
      %swap3A_99 = tpu.vector_load %arg12[%swap3A_97, %swap3A_98] {strides = array<i32>} : memref<200x64xf32, #tpu.memory_space<vmem>>, vector<1x16xf32>,
      %swap3A_100 = vector.shape_cast %swap3A_99 : vector<1x16xf32> to vector<16xf32>
      %swap3A_101 = vector.shape_cast %broadcast_in_dim3A_14 : vector<16xf32> to vector<1x16xf32>
      tpu.vector_store %arg12[%swap3A_97, %swap3A_98], %swap3A_101 {strides = array<i32>} : memref<200x64xf32, #tpu.memory_space<vmem>>, vector<1x16xf32>,
    }
    %scan3A_20 = arith.constant 200 : i32
    %scan3A_21 = arith.constant 0 : i32
    %scan3A_22 = arith.constant 0 : i32
    %scan3A_23 = arith.constant 4 : i32
    %scan3A_24 = arith.addi %scan3A_22, %scan3A_23 : i32
    %scan3A_25 = arith.constant 1 : i32
    scf.for %scan3A_82 = %scan3A_22 to %scan3A_24 step %scan3A_25  : i32 {
      %mul3A_83 = arith.constant 16 : i32
      %mul3A_84 = arith.muli %mul3A_83, %scan3A_82 : i32
      %add3A_85 = arith.addi %arg1, %mul3A_84 : i32
      %lt3A = arith.constant 50 : i32
      %lt3A_86 = arith.cmpi slt, %add3A_85, %lt3A : i32
      %convert_element_type3A = arith.extui %lt3A_86 : i1 to i32
      %cond3A = arith.constant 0 : i32
      %cond3A_87 = arith.cmpi ne, %convert_element_type3A, %cond3A : i32
      scf.if %cond3A_87 {
        %mul3A_88 = arith.constant 200 : i32
        %mul3A_89 = arith.muli %add3A_85, %mul3A_88 : i32
        "tpu.region"() ({
          %run_scoped3A = tpu.sem_alloc : memref<!tpu.dma_semaphore, #tpu.memory_space<semaphore_mem>>
          %dma_start3A_90 = arith.constant 0 : i32
          %dma_start3A_91 = tpu.memref_slice %arg13[%mul3A_89, %dma_start3A_90] : memref<10000x64xf32, #tpu.memory_space<vmem_shared>> -> memref<200x64xf32, #tpu.memory_space<vmem_shared>>
          %dma_start3A_92 = arith.constant 0 : i32
          %dma_start3A_93 = tpu.memref_slice %arg13[%mul3A_89, %dma_start3A_92] : memref<10000x64xf32, #tpu.memory_space<vmem_shared>> -> memref<200x64xf32, #tpu.memory_space<vmem_shared>>
          tpu.enqueue_dma source(%arg12 : memref<200x64xf32, #tpu.memory_space<vmem>>) target(%dma_start3A_93 : memref<200x64xf32, #tpu.memory_space<vmem_shared>>) target_semaphore(%run_scoped3A : memref<!tpu.dma_semaphore, #tpu.memory_space<semaphore_mem>>)
          %dma_wait3A = arith.constant 0 : i32
          %dma_wait3A_94 = tpu.memref_slice %arg13[%mul3A_89, %dma_wait3A] : memref<10000x64xf32, #tpu.memory_space<vmem_shared>> -> memref<200x64xf32, #tpu.memory_space<vmem_shared>>
          %dma_wait3A_95 = arith.constant 0 : i32
          %dma_wait3A_96 = tpu.memref_slice %arg13[%mul3A_89, %dma_wait3A_95] : memref<10000x64xf32, #tpu.memory_space<vmem_shared>> -> memref<200x64xf32, #tpu.memory_space<vmem_shared>>
          tpu.wait_dma2 semaphore(%run_scoped3A : memref<!tpu.dma_semaphore, #tpu.memory_space<semaphore_mem>>) src(%arg12 : memref<200x64xf32, #tpu.memory_space<vmem>>) dst(%dma_wait3A_96 : memref<200x64xf32, #tpu.memory_space<vmem_shared>>)
          tpu.yield
        }) : () -> ()
      } else {
      }
    }
    %scan3A_26 = arith.constant 4 : i32
    %barrier3A = arith.constant 0 : index
    tpu.barrier barrier_id(%barrier3A)
    %dma_start3A = arith.constant 0 : i32
    %dma_start3A_27 = arith.constant 0 : i32
    %dma_start3A_28 = arith.constant 0 : i32
    %dma_start3A_29 = arith.constant 0 : i32
    %dma_start3A_30 = arith.constant 0 : i32
    %dma_start3A_31 = tpu.memref_slice %arg10[%dma_start3A, %dma_start3A_29, %dma_start3A_30] : memref<2x80x64xf32, #tpu.memory_space<vmem>> -> memref<1x80x64xf32, #tpu.memory_space<vmem>>
    %dma_start3A_32 = tpu.memref_squeeze %dma_start3A_31 : memref<1x80x64xf32, #tpu.memory_space<vmem>> -> memref<80x64xf32, #tpu.memory_space<vmem>>
    %dma_start3A_33 = arith.constant 0 : i32
    %dma_start3A_34 = tpu.memref_slice %arg7[%dma_start3A_33] : memref<20000xi32, #tpu.memory_space<vmem>> -> memref<80xi32, #tpu.memory_space<vmem>>
    %dma_start3A_35 = arith.constant 0 : i32
    %dma_start3A_36 = arith.constant 0 : i32
    %dma_start3A_37 = tpu.memref_slice %arg2[%dma_start3A_35, %dma_start3A_36] : memref<20000x64xf32, #tpu.memory_space<hbm>> -> memref<20000x64xf32, #tpu.memory_space<hbm>>
    %dma_start3A_38 = tpu.memref_slice %arg14[%dma_start3A_27, %dma_start3A_28] : memref<2x3x!tpu.dma_semaphore, #tpu.memory_space<semaphore_mem>> -> memref<1x1x!tpu.dma_semaphore, #tpu.memory_space<semaphore_mem>>
    %dma_start3A_39 = tpu.memref_squeeze %dma_start3A_38 : memref<1x1x!tpu.dma_semaphore, #tpu.memory_space<semaphore_mem>> -> memref<!tpu.dma_semaphore, #tpu.memory_space<semaphore_mem>>
    tpu.enqueue_indirect_dma source(%dma_start3A_37 : memref<20000x64xf32, #tpu.memory_space<hbm>>) target(%dma_start3A_32 : memref<80x64xf32, #tpu.memory_space<vmem>>) offsets(%dma_start3A_34 : memref<80xi32, #tpu.memory_space<vmem>>) semaphore(%dma_start3A_39 : memref<!tpu.dma_semaphore, #tpu.memory_space<semaphore_mem>>)
    %dma_start3A_40 = arith.constant 0 : i32
    %dma_start3A_41 = arith.constant 0 : i32
    %dma_start3A_42 = arith.constant 1 : i32
    %dma_start3A_43 = arith.constant 0 : i32
    %dma_start3A_44 = arith.constant 0 : i32
    %dma_start3A_45 = tpu.memref_slice %arg11[%dma_start3A_40, %dma_start3A_43, %dma_start3A_44] : memref<2x80x64xf32, #tpu.memory_space<vmem>> -> memref<1x80x64xf32, #tpu.memory_space<vmem>>
    %dma_start3A_46 = tpu.memref_squeeze %dma_start3A_45 : memref<1x80x64xf32, #tpu.memory_space<vmem>> -> memref<80x64xf32, #tpu.memory_space<vmem>>
    %dma_start3A_47 = arith.constant 0 : i32
    %dma_start3A_48 = tpu.memref_slice %arg8[%dma_start3A_47] : memref<20000xi32, #tpu.memory_space<vmem>> -> memref<80xi32, #tpu.memory_space<vmem>>
    %dma_start3A_49 = arith.constant 0 : i32
    %dma_start3A_50 = arith.constant 0 : i32
    %dma_start3A_51 = tpu.memref_slice %arg3[%dma_start3A_49, %dma_start3A_50] : memref<640000x64xf32, #tpu.memory_space<hbm>> -> memref<640000x64xf32, #tpu.memory_space<hbm>>
    %dma_start3A_52 = tpu.memref_slice %arg14[%dma_start3A_41, %dma_start3A_42] : memref<2x3x!tpu.dma_semaphore, #tpu.memory_space<semaphore_mem>> -> memref<1x1x!tpu.dma_semaphore, #tpu.memory_space<semaphore_mem>>
    %dma_start3A_53 = tpu.memref_squeeze %dma_start3A_52 : memref<1x1x!tpu.dma_semaphore, #tpu.memory_space<semaphore_mem>> -> memref<!tpu.dma_semaphore, #tpu.memory_space<semaphore_mem>>
    tpu.enqueue_indirect_dma source(%dma_start3A_51 : memref<640000x64xf32, #tpu.memory_space<hbm>>) target(%dma_start3A_46 : memref<80x64xf32, #tpu.memory_space<vmem>>) offsets(%dma_start3A_48 : memref<80xi32, #tpu.memory_space<vmem>>) semaphore(%dma_start3A_53 : memref<!tpu.dma_semaphore, #tpu.memory_space<semaphore_mem>>)
    %add3A = arith.constant 0 : i32
    %add3A_54 = arith.addi %mul3A_0, %add3A : i32
    %dma_start3A_55 = arith.constant 0 : i32
    %dma_start3A_56 = arith.constant 0 : i32
    %dma_start3A_57 = arith.constant 2 : i32
    %dma_start3A_58 = arith.constant 0 : i32
    %dma_start3A_59 = tpu.memref_slice %arg9[%dma_start3A_55, %dma_start3A_58] : memref<2x80xi32, #tpu.memory_space<vmem>> -> memref<1x80xi32, #tpu.memory_space<vmem>>
    %dma_start3A_60 = tpu.memref_squeeze %dma_start3A_59 : memref<1x80xi32, #tpu.memory_space<vmem>> -> memref<80xi32, #tpu.memory_space<vmem>>
    %dma_start3A_61 = tpu.memref_slice %arg5[%add3A_54] : memref<320000xi32, #tpu.memory_space<hbm>> -> memref<80xi32, #tpu.memory_space<hbm>>
    %dma_start3A_62 = tpu.memref_slice %arg14[%dma_start3A_56, %dma_start3A_57] : memref<2x3x!tpu.dma_semaphore, #tpu.memory_space<semaphore_mem>> -> memref<1x1x!tpu.dma_semaphore, #tpu.memory_space<semaphore_mem>>
    %dma_start3A_63 = tpu.memref_squeeze %dma_start3A_62 : memref<1x1x!tpu.dma_semaphore, #tpu.memory_space<semaphore_mem>> -> memref<!tpu.dma_semaphore, #tpu.memory_space<semaphore_mem>>
    %dma_start3A_64 = arith.constant 0 : i32
    %dma_start3A_65 = tpu.memref_slice %arg9[%dma_start3A_55, %dma_start3A_64] : memref<2x80xi32, #tpu.memory_space<vmem>> -> memref<1x80xi32, #tpu.memory_space<vmem>>
    %dma_start3A_66 = tpu.memref_squeeze %dma_start3A_65 : memref<1x80xi32, #tpu.memory_space<vmem>> -> memref<80xi32, #tpu.memory_space<vmem>>
    %dma_start3A_67 = tpu.memref_slice %arg5[%add3A_54] : memref<320000xi32, #tpu.memory_space<hbm>> -> memref<80xi32, #tpu.memory_space<hbm>>
    tpu.enqueue_dma source(%dma_start3A_67 : memref<80xi32, #tpu.memory_space<hbm>>) target(%dma_start3A_66 : memref<80xi32, #tpu.memory_space<vmem>>) target_semaphore(%dma_start3A_63 : memref<!tpu.dma_semaphore, #tpu.memory_space<semaphore_mem>>)
    %scan3A_68 = arith.constant 0 : i32
    %scan3A_69 = arith.constant 0 : i32
    %scan3A_70 = arith.constant 125 : i32
    %scan3A_71 = arith.addi %scan3A_69, %scan3A_70 : i32
    %scan3A_72 = arith.constant 1 : i32
    scf.for %scan3A_82 = %scan3A_69 to %scan3A_71 step %scan3A_72  : i32 {
      %mul3A_83 = arith.constant 2 : i32
      %mul3A_84 = arith.muli %mul3A_83, %scan3A_82 : i32
      %add3A_85 = arith.constant 1 : i32
      %add3A_86 = arith.addi %mul3A_84, %add3A_85 : i32
      %mul3A_87 = arith.constant 80 : i32
      %mul3A_88 = arith.muli %add3A_86, %mul3A_87 : i32
      %dma_start3A_89 = arith.constant 1 : i32
      %dma_start3A_90 = arith.constant 1 : i32
      %dma_start3A_91 = arith.constant 0 : i32
      %dma_start3A_92 = arith.constant 0 : i32
      %dma_start3A_93 = arith.constant 0 : i32
      %dma_start3A_94 = tpu.memref_slice %arg10[%dma_start3A_89, %dma_start3A_92, %dma_start3A_93] : memref<2x80x64xf32, #tpu.memory_space<vmem>> -> memref<1x80x64xf32, #tpu.memory_space<vmem>>
      %dma_start3A_95 = tpu.memref_squeeze %dma_start3A_94 : memref<1x80x64xf32, #tpu.memory_space<vmem>> -> memref<80x64xf32, #tpu.memory_space<vmem>>
      %dma_start3A_96 = tpu.memref_slice %arg7[%mul3A_88] : memref<20000xi32, #tpu.memory_space<vmem>> -> memref<80xi32, #tpu.memory_space<vmem>>
      %dma_start3A_97 = arith.constant 0 : i32
      %dma_start3A_98 = arith.constant 0 : i32
      %dma_start3A_99 = tpu.memref_slice %arg2[%dma_start3A_97, %dma_start3A_98] : memref<20000x64xf32, #tpu.memory_space<hbm>> -> memref<20000x64xf32, #tpu.memory_space<hbm>>
      %dma_start3A_100 = tpu.memref_slice %arg14[%dma_start3A_90, %dma_start3A_91] : memref<2x3x!tpu.dma_semaphore, #tpu.memory_space<semaphore_mem>> -> memref<1x1x!tpu.dma_semaphore, #tpu.memory_space<semaphore_mem>>
      %dma_start3A_101 = tpu.memref_squeeze %dma_start3A_100 : memref<1x1x!tpu.dma_semaphore, #tpu.memory_space<semaphore_mem>> -> memref<!tpu.dma_semaphore, #tpu.memory_space<semaphore_mem>>
      tpu.enqueue_indirect_dma source(%dma_start3A_99 : memref<20000x64xf32, #tpu.memory_space<hbm>>) target(%dma_start3A_95 : memref<80x64xf32, #tpu.memory_space<vmem>>) offsets(%dma_start3A_96 : memref<80xi32, #tpu.memory_space<vmem>>) semaphore(%dma_start3A_101 : memref<!tpu.dma_semaphore, #tpu.memory_space<semaphore_mem>>)
      %mul3A_102 = arith.constant 80 : i32
      %mul3A_103 = arith.muli %add3A_86, %mul3A_102 : i32
      %dma_start3A_104 = arith.constant 1 : i32
      %dma_start3A_105 = arith.constant 1 : i32
      %dma_start3A_106 = arith.constant 1 : i32
      %dma_start3A_107 = arith.constant 0 : i32
      %dma_start3A_108 = arith.constant 0 : i32
      %dma_start3A_109 = tpu.memref_slice %arg11[%dma_start3A_104, %dma_start3A_107, %dma_start3A_108] : memref<2x80x64xf32, #tpu.memory_space<vmem>> -> memref<1x80x64xf32, #tpu.memory_space<vmem>>
      %dma_start3A_110 = tpu.memref_squeeze %dma_start3A_109 : memref<1x80x64xf32, #tpu.memory_space<vmem>> -> memref<80x64xf32, #tpu.memory_space<vmem>>
      %dma_start3A_111 = tpu.memref_slice %arg8[%mul3A_103] : memref<20000xi32, #tpu.memory_space<vmem>> -> memref<80xi32, #tpu.memory_space<vmem>>
      %dma_start3A_112 = arith.constant 0 : i32
      %dma_start3A_113 = arith.constant 0 : i32
      %dma_start3A_114 = tpu.memref_slice %arg3[%dma_start3A_112, %dma_start3A_113] : memref<640000x64xf32, #tpu.memory_space<hbm>> -> memref<640000x64xf32, #tpu.memory_space<hbm>>
      %dma_start3A_115 = tpu.memref_slice %arg14[%dma_start3A_105, %dma_start3A_106] : memref<2x3x!tpu.dma_semaphore, #tpu.memory_space<semaphore_mem>> -> memref<1x1x!tpu.dma_semaphore, #tpu.memory_space<semaphore_mem>>
      %dma_start3A_116 = tpu.memref_squeeze %dma_start3A_115 : memref<1x1x!tpu.dma_semaphore, #tpu.memory_space<semaphore_mem>> -> memref<!tpu.dma_semaphore, #tpu.memory_space<semaphore_mem>>
      tpu.enqueue_indirect_dma source(%dma_start3A_114 : memref<640000x64xf32, #tpu.memory_space<hbm>>) target(%dma_start3A_110 : memref<80x64xf32, #tpu.memory_space<vmem>>) offsets(%dma_start3A_111 : memref<80xi32, #tpu.memory_space<vmem>>) semaphore(%dma_start3A_116 : memref<!tpu.dma_semaphore, #tpu.memory_space<semaphore_mem>>)
      %mul3A_117 = arith.constant 80 : i32
      %mul3A_118 = arith.muli %add3A_86, %mul3A_117 : i32
      %add3A_119 = arith.addi %mul3A_0, %mul3A_118 : i32
      %dma_start3A_120 = arith.constant 1 : i32
      %dma_start3A_121 = arith.constant 1 : i32
      %dma_start3A_122 = arith.constant 2 : i32
      %dma_start3A_123 = arith.constant 0 : i32
      %dma_start3A_124 = tpu.memref_slice %arg9[%dma_start3A_120, %dma_start3A_123] : memref<2x80xi32, #tpu.memory_space<vmem>> -> memref<1x80xi32, #tpu.memory_space<vmem>>
      %dma_start3A_125 = tpu.memref_squeeze %dma_start3A_124 : memref<1x80xi32, #tpu.memory_space<vmem>> -> memref<80xi32, #tpu.memory_space<vmem>>
      %dma_start3A_126 = tpu.memref_slice %arg5[%add3A_119] : memref<320000xi32, #tpu.memory_space<hbm>> -> memref<80xi32, #tpu.memory_space<hbm>>
      %dma_start3A_127 = tpu.memref_slice %arg14[%dma_start3A_121, %dma_start3A_122] : memref<2x3x!tpu.dma_semaphore, #tpu.memory_space<semaphore_mem>> -> memref<1x1x!tpu.dma_semaphore, #tpu.memory_space<semaphore_mem>>
      %dma_start3A_128 = tpu.memref_squeeze %dma_start3A_127 : memref<1x1x!tpu.dma_semaphore, #tpu.memory_space<semaphore_mem>> -> memref<!tpu.dma_semaphore, #tpu.memory_space<semaphore_mem>>
      %dma_start3A_129 = arith.constant 0 : i32
      %dma_start3A_130 = tpu.memref_slice %arg9[%dma_start3A_120, %dma_start3A_129] : memref<2x80xi32, #tpu.memory_space<vmem>> -> memref<1x80xi32, #tpu.memory_space<vmem>>
      %dma_start3A_131 = tpu.memref_squeeze %dma_start3A_130 : memref<1x80xi32, #tpu.memory_space<vmem>> -> memref<80xi32, #tpu.memory_space<vmem>>
      %dma_start3A_132 = tpu.memref_slice %arg5[%add3A_119] : memref<320000xi32, #tpu.memory_space<hbm>> -> memref<80xi32, #tpu.memory_space<hbm>>
      tpu.enqueue_dma source(%dma_start3A_132 : memref<80xi32, #tpu.memory_space<hbm>>) target(%dma_start3A_131 : memref<80xi32, #tpu.memory_space<vmem>>) target_semaphore(%dma_start3A_128 : memref<!tpu.dma_semaphore, #tpu.memory_space<semaphore_mem>>)
      %mul3A_133 = arith.constant 80 : i32
      %mul3A_134 = arith.muli %mul3A_84, %mul3A_133 : i32
      %dma_wait3A = arith.constant 0 : i32
      %dma_wait3A_135 = arith.constant 0 : i32
      %dma_wait3A_136 = arith.constant 0 : i32
      %dma_wait3A_137 = arith.constant 0 : i32
      %dma_wait3A_138 = arith.constant 0 : i32
      %dma_wait3A_139 = tpu.memref_slice %arg10[%dma_wait3A, %dma_wait3A_137, %dma_wait3A_138] : memref<2x80x64xf32, #tpu.memory_space<vmem>> -> memref<1x80x64xf32, #tpu.memory_space<vmem>>
      %dma_wait3A_140 = tpu.memref_squeeze %dma_wait3A_139 : memref<1x80x64xf32, #tpu.memory_space<vmem>> -> memref<80x64xf32, #tpu.memory_space<vmem>>
      %dma_wait3A_141 = tpu.memref_slice %arg7[%mul3A_134] : memref<20000xi32, #tpu.memory_space<vmem>> -> memref<80xi32, #tpu.memory_space<vmem>>
      %dma_wait3A_142 = arith.constant 0 : i32
      %dma_wait3A_143 = arith.constant 0 : i32
      %dma_wait3A_144 = tpu.memref_slice %arg2[%dma_wait3A_142, %dma_wait3A_143] : memref<20000x64xf32, #tpu.memory_space<hbm>> -> memref<20000x64xf32, #tpu.memory_space<hbm>>
      %dma_wait3A_145 = tpu.memref_slice %arg14[%dma_wait3A_135, %dma_wait3A_136] : memref<2x3x!tpu.dma_semaphore, #tpu.memory_space<semaphore_mem>> -> memref<1x1x!tpu.dma_semaphore, #tpu.memory_space<semaphore_mem>>
      %dma_wait3A_146 = tpu.memref_squeeze %dma_wait3A_145 : memref<1x1x!tpu.dma_semaphore, #tpu.memory_space<semaphore_mem>> -> memref<!tpu.dma_semaphore, #tpu.memory_space<semaphore_mem>>
      tpu.wait_indirect_dma semaphore(%dma_wait3A_146 : memref<!tpu.dma_semaphore, #tpu.memory_space<semaphore_mem>>) src(%dma_wait3A_144 : memref<20000x64xf32, #tpu.memory_space<hbm>>) dst(%dma_wait3A_140 : memref<80x64xf32, #tpu.memory_space<vmem>>)
      %mul3A_147 = arith.constant 80 : i32
      %mul3A_148 = arith.muli %mul3A_84, %mul3A_147 : i32
      %dma_wait3A_149 = arith.constant 0 : i32
      %dma_wait3A_150 = arith.constant 0 : i32
      %dma_wait3A_151 = arith.constant 1 : i32
      %dma_wait3A_152 = arith.constant 0 : i32
      %dma_wait3A_153 = arith.constant 0 : i32
      %dma_wait3A_154 = tpu.memref_slice %arg11[%dma_wait3A_149, %dma_wait3A_152, %dma_wait3A_153] : memref<2x80x64xf32, #tpu.memory_space<vmem>> -> memref<1x80x64xf32, #tpu.memory_space<vmem>>
      %dma_wait3A_155 = tpu.memref_squeeze %dma_wait3A_154 : memref<1x80x64xf32, #tpu.memory_space<vmem>> -> memref<80x64xf32, #tpu.memory_space<vmem>>
      %dma_wait3A_156 = tpu.memref_slice %arg8[%mul3A_148] : memref<20000xi32, #tpu.memory_space<vmem>> -> memref<80xi32, #tpu.memory_space<vmem>>
      %dma_wait3A_157 = arith.constant 0 : i32
      %dma_wait3A_158 = arith.constant 0 : i32
      %dma_wait3A_159 = tpu.memref_slice %arg3[%dma_wait3A_157, %dma_wait3A_158] : memref<640000x64xf32, #tpu.memory_space<hbm>> -> memref<640000x64xf32, #tpu.memory_space<hbm>>
      %dma_wait3A_160 = tpu.memref_slice %arg14[%dma_wait3A_150, %dma_wait3A_151] : memref<2x3x!tpu.dma_semaphore, #tpu.memory_space<semaphore_mem>> -> memref<1x1x!tpu.dma_semaphore, #tpu.memory_space<semaphore_mem>>
      %dma_wait3A_161 = tpu.memref_squeeze %dma_wait3A_160 : memref<1x1x!tpu.dma_semaphore, #tpu.memory_space<semaphore_mem>> -> memref<!tpu.dma_semaphore, #tpu.memory_space<semaphore_mem>>
      tpu.wait_indirect_dma semaphore(%dma_wait3A_161 : memref<!tpu.dma_semaphore, #tpu.memory_space<semaphore_mem>>) src(%dma_wait3A_159 : memref<640000x64xf32, #tpu.memory_space<hbm>>) dst(%dma_wait3A_155 : memref<80x64xf32, #tpu.memory_space<vmem>>)
      %mul3A_162 = arith.constant 80 : i32
      %mul3A_163 = arith.muli %mul3A_84, %mul3A_162 : i32
      %add3A_164 = arith.addi %mul3A_0, %mul3A_163 : i32
      %dma_wait3A_165 = arith.constant 0 : i32
      %dma_wait3A_166 = arith.constant 0 : i32
      %dma_wait3A_167 = arith.constant 2 : i32
      %dma_wait3A_168 = arith.constant 0 : i32
      %dma_wait3A_169 = tpu.memref_slice %arg9[%dma_wait3A_165, %dma_wait3A_168] : memref<2x80xi32, #tpu.memory_space<vmem>> -> memref<1x80xi32, #tpu.memory_space<vmem>>
      %dma_wait3A_170 = tpu.memref_squeeze %dma_wait3A_169 : memref<1x80xi32, #tpu.memory_space<vmem>> -> memref<80xi32, #tpu.memory_space<vmem>>
      %dma_wait3A_171 = tpu.memref_slice %arg5[%add3A_164] : memref<320000xi32, #tpu.memory_space<hbm>> -> memref<80xi32, #tpu.memory_space<hbm>>
      %dma_wait3A_172 = tpu.memref_slice %arg14[%dma_wait3A_166, %dma_wait3A_167] : memref<2x3x!tpu.dma_semaphore, #tpu.memory_space<semaphore_mem>> -> memref<1x1x!tpu.dma_semaphore, #tpu.memory_space<semaphore_mem>>
      %dma_wait3A_173 = tpu.memref_squeeze %dma_wait3A_172 : memref<1x1x!tpu.dma_semaphore, #tpu.memory_space<semaphore_mem>> -> memref<!tpu.dma_semaphore, #tpu.memory_space<semaphore_mem>>
      %dma_wait3A_174 = arith.constant 0 : i32
      %dma_wait3A_175 = tpu.memref_slice %arg9[%dma_wait3A_165, %dma_wait3A_174] : memref<2x80xi32, #tpu.memory_space<vmem>> -> memref<1x80xi32, #tpu.memory_space<vmem>>
      %dma_wait3A_176 = tpu.memref_squeeze %dma_wait3A_175 : memref<1x80xi32, #tpu.memory_space<vmem>> -> memref<80xi32, #tpu.memory_space<vmem>>
      %dma_wait3A_177 = tpu.memref_slice %arg5[%add3A_164] : memref<320000xi32, #tpu.memory_space<hbm>> -> memref<80xi32, #tpu.memory_space<hbm>>
      tpu.wait_dma2 semaphore(%dma_wait3A_173 : memref<!tpu.dma_semaphore, #tpu.memory_space<semaphore_mem>>) src(%dma_wait3A_177 : memref<80xi32, #tpu.memory_space<hbm>>) dst(%dma_wait3A_176 : memref<80xi32, #tpu.memory_space<vmem>>)
      %scan3A_178 = arith.constant 0 : i32
      %scan3A_179 = arith.constant 0 : i32
      %scan3A_180 = arith.constant 80 : i32
      %scan3A_181 = arith.addi %scan3A_179, %scan3A_180 : i32
      %scan3A_182 = arith.constant 1 : i32
      scf.for %scan3A_245 = %scan3A_179 to %scan3A_181 step %scan3A_182  : i32 {
        %get3A = arith.constant 0 : i32
        %get3A_246 = arith.index_cast %get3A : i32 to index
        %get3A_247 = arith.index_cast %scan3A_245 : i32 to index
        %get3A_248 = arith.constant 0 : index
        %get3A_249 = tpu.vector_load %arg10[%get3A_246, %get3A_247, %get3A_248] {strides = array<i32>} : memref<2x80x64xf32, #tpu.memory_space<vmem>>, vector<1x1x16xf32>,
        %get3A_250 = vector.shape_cast %get3A_249 : vector<1x1x16xf32> to vector<16xf32>
        %get3A_251 = arith.constant 0 : i32
        %get3A_252 = arith.index_cast %get3A_251 : i32 to index
        %get3A_253 = arith.index_cast %scan3A_245 : i32 to index
        %get3A_254 = arith.constant 0 : index
        %get3A_255 = tpu.vector_load %arg11[%get3A_252, %get3A_253, %get3A_254] {strides = array<i32>} : memref<2x80x64xf32, #tpu.memory_space<vmem>>, vector<1x1x16xf32>,
        %get3A_256 = vector.shape_cast %get3A_255 : vector<1x1x16xf32> to vector<16xf32>
        %add3A_257 = arith.addf %get3A_250, %get3A_256 : vector<16xf32>
        %max3A = arith.constant 0.000000e+00 : f32
        %max3A_258 = vector.broadcast %max3A : f32 to vector<16xf32>
        %max3A_259 = arith.maximumf %add3A_257, %max3A_258 : vector<16xf32>
        %swap3A = arith.constant 0 : i32
        %swap3A_260 = arith.index_cast %swap3A : i32 to index
        %swap3A_261 = arith.index_cast %scan3A_245 : i32 to index
        %swap3A_262 = arith.constant 0 : index
        %swap3A_263 = tpu.vector_load %arg10[%swap3A_260, %swap3A_261, %swap3A_262] {strides = array<i32>} : memref<2x80x64xf32, #tpu.memory_space<vmem>>, vector<1x1x16xf32>,
        %swap3A_264 = vector.shape_cast %swap3A_263 : vector<1x1x16xf32> to vector<16xf32>
        %swap3A_265 = vector.shape_cast %max3A_259 : vector<16xf32> to vector<1x1x16xf32>
        tpu.vector_store %arg10[%swap3A_260, %swap3A_261, %swap3A_262], %swap3A_265 {strides = array<i32>} : memref<2x80x64xf32, #tpu.memory_space<vmem>>, vector<1x1x16xf32>,
        %get3A_266 = arith.constant 0 : i32
        %get3A_267 = arith.index_cast %get3A_266 : i32 to index
        %get3A_268 = arith.index_cast %scan3A_245 : i32 to index
        %get3A_269 = arith.constant 16 : index
        %get3A_270 = tpu.vector_load %arg10[%get3A_267, %get3A_268, %get3A_269] {strides = array<i32>} : memref<2x80x64xf32, #tpu.memory_space<vmem>>, vector<1x1x16xf32>,
        %get3A_271 = vector.shape_cast %get3A_270 : vector<1x1x16xf32> to vector<16xf32>
        %get3A_272 = arith.constant 0 : i32
        %get3A_273 = arith.index_cast %get3A_272 : i32 to index
        %get3A_274 = arith.index_cast %scan3A_245 : i32 to index
        %get3A_275 = arith.constant 16 : index
        %get3A_276 = tpu.vector_load %arg11[%get3A_273, %get3A_274, %get3A_275] {strides = array<i32>} : memref<2x80x64xf32, #tpu.memory_space<vmem>>, vector<1x1x16xf32>,
        %get3A_277 = vector.shape_cast %get3A_276 : vector<1x1x16xf32> to vector<16xf32>
        %add3A_278 = arith.addf %get3A_271, %get3A_277 : vector<16xf32>
        %max3A_279 = arith.constant 0.000000e+00 : f32
        %max3A_280 = vector.broadcast %max3A_279 : f32 to vector<16xf32>
        %max3A_281 = arith.maximumf %add3A_278, %max3A_280 : vector<16xf32>
        %swap3A_282 = arith.constant 0 : i32
        %swap3A_283 = arith.index_cast %swap3A_282 : i32 to index
        %swap3A_284 = arith.index_cast %scan3A_245 : i32 to index
        %swap3A_285 = arith.constant 16 : index
        %swap3A_286 = tpu.vector_load %arg10[%swap3A_283, %swap3A_284, %swap3A_285] {strides = array<i32>} : memref<2x80x64xf32, #tpu.memory_space<vmem>>, vector<1x1x16xf32>,
        %swap3A_287 = vector.shape_cast %swap3A_286 : vector<1x1x16xf32> to vector<16xf32>
        %swap3A_288 = vector.shape_cast %max3A_281 : vector<16xf32> to vector<1x1x16xf32>
        tpu.vector_store %arg10[%swap3A_283, %swap3A_284, %swap3A_285], %swap3A_288 {strides = array<i32>} : memref<2x80x64xf32, #tpu.memory_space<vmem>>, vector<1x1x16xf32>,
        %get3A_289 = arith.constant 0 : i32
        %get3A_290 = arith.index_cast %get3A_289 : i32 to index
        %get3A_291 = arith.index_cast %scan3A_245 : i32 to index
        %get3A_292 = arith.constant 32 : index
        %get3A_293 = tpu.vector_load %arg10[%get3A_290, %get3A_291, %get3A_292] {strides = array<i32>} : memref<2x80x64xf32, #tpu.memory_space<vmem>>, vector<1x1x16xf32>,
        %get3A_294 = vector.shape_cast %get3A_293 : vector<1x1x16xf32> to vector<16xf32>
        %get3A_295 = arith.constant 0 : i32
        %get3A_296 = arith.index_cast %get3A_295 : i32 to index
        %get3A_297 = arith.index_cast %scan3A_245 : i32 to index
        %get3A_298 = arith.constant 32 : index
        %get3A_299 = tpu.vector_load %arg11[%get3A_296, %get3A_297, %get3A_298] {strides = array<i32>} : memref<2x80x64xf32, #tpu.memory_space<vmem>>, vector<1x1x16xf32>,
        %get3A_300 = vector.shape_cast %get3A_299 : vector<1x1x16xf32> to vector<16xf32>
        %add3A_301 = arith.addf %get3A_294, %get3A_300 : vector<16xf32>
        %max3A_302 = arith.constant 0.000000e+00 : f32
        %max3A_303 = vector.broadcast %max3A_302 : f32 to vector<16xf32>
        %max3A_304 = arith.maximumf %add3A_301, %max3A_303 : vector<16xf32>
        %swap3A_305 = arith.constant 0 : i32
        %swap3A_306 = arith.index_cast %swap3A_305 : i32 to index
        %swap3A_307 = arith.index_cast %scan3A_245 : i32 to index
        %swap3A_308 = arith.constant 32 : index
        %swap3A_309 = tpu.vector_load %arg10[%swap3A_306, %swap3A_307, %swap3A_308] {strides = array<i32>} : memref<2x80x64xf32, #tpu.memory_space<vmem>>, vector<1x1x16xf32>,
        %swap3A_310 = vector.shape_cast %swap3A_309 : vector<1x1x16xf32> to vector<16xf32>
        %swap3A_311 = vector.shape_cast %max3A_304 : vector<16xf32> to vector<1x1x16xf32>
        tpu.vector_store %arg10[%swap3A_306, %swap3A_307, %swap3A_308], %swap3A_311 {strides = array<i32>} : memref<2x80x64xf32, #tpu.memory_space<vmem>>, vector<1x1x16xf32>,
        %get3A_312 = arith.constant 0 : i32
        %get3A_313 = arith.index_cast %get3A_312 : i32 to index
        %get3A_314 = arith.index_cast %scan3A_245 : i32 to index
        %get3A_315 = arith.constant 48 : index
        %get3A_316 = tpu.vector_load %arg10[%get3A_313, %get3A_314, %get3A_315] {strides = array<i32>} : memref<2x80x64xf32, #tpu.memory_space<vmem>>, vector<1x1x16xf32>,
        %get3A_317 = vector.shape_cast %get3A_316 : vector<1x1x16xf32> to vector<16xf32>
        %get3A_318 = arith.constant 0 : i32
        %get3A_319 = arith.index_cast %get3A_318 : i32 to index
        %get3A_320 = arith.index_cast %scan3A_245 : i32 to index
        %get3A_321 = arith.constant 48 : index
        %get3A_322 = tpu.vector_load %arg11[%get3A_319, %get3A_320, %get3A_321] {strides = array<i32>} : memref<2x80x64xf32, #tpu.memory_space<vmem>>, vector<1x1x16xf32>,
        %get3A_323 = vector.shape_cast %get3A_322 : vector<1x1x16xf32> to vector<16xf32>
        %add3A_324 = arith.addf %get3A_317, %get3A_323 : vector<16xf32>
        %max3A_325 = arith.constant 0.000000e+00 : f32
        %max3A_326 = vector.broadcast %max3A_325 : f32 to vector<16xf32>
        %max3A_327 = arith.maximumf %add3A_324, %max3A_326 : vector<16xf32>
        %swap3A_328 = arith.constant 0 : i32
        %swap3A_329 = arith.index_cast %swap3A_328 : i32 to index
        %swap3A_330 = arith.index_cast %scan3A_245 : i32 to index
        %swap3A_331 = arith.constant 48 : index
        %swap3A_332 = tpu.vector_load %arg10[%swap3A_329, %swap3A_330, %swap3A_331] {strides = array<i32>} : memref<2x80x64xf32, #tpu.memory_space<vmem>>, vector<1x1x16xf32>,
        %swap3A_333 = vector.shape_cast %swap3A_332 : vector<1x1x16xf32> to vector<16xf32>
        %swap3A_334 = vector.shape_cast %max3A_327 : vector<16xf32> to vector<1x1x16xf32>
        tpu.vector_store %arg10[%swap3A_329, %swap3A_330, %swap3A_331], %swap3A_334 {strides = array<i32>} : memref<2x80x64xf32, #tpu.memory_space<vmem>>, vector<1x1x16xf32>,
      }
      %scan3A_183 = arith.constant 80 : i32
      %run_scoped3A = arith.constant 0 : i32
      %run_scoped3A_184 = arith.constant 0 : i32
      "tpu.region"() ({
        %run_scoped3A_245 = tpu.sem_alloc : memref<!tpu.dma_semaphore, #tpu.memory_space<semaphore_mem>>
        %dma_start3A_246 = arith.constant 0 : i32
        %dma_start3A_247 = arith.constant 0 : i32
        %dma_start3A_248 = tpu.memref_slice %arg10[%run_scoped3A, %dma_start3A_246, %dma_start3A_247] : memref<2x80x64xf32, #tpu.memory_space<vmem>> -> memref<1x80x64xf32, #tpu.memory_space<vmem>>
        %dma_start3A_249 = tpu.memref_squeeze %dma_start3A_248 : memref<1x80x64xf32, #tpu.memory_space<vmem>> -> memref<80x64xf32, #tpu.memory_space<vmem>>
        %dma_start3A_250 = arith.constant 0 : i32
        %dma_start3A_251 = tpu.memref_slice %arg9[%run_scoped3A_184, %dma_start3A_250] : memref<2x80xi32, #tpu.memory_space<vmem>> -> memref<1x80xi32, #tpu.memory_space<vmem>>
        %dma_start3A_252 = tpu.memref_squeeze %dma_start3A_251 : memref<1x80xi32, #tpu.memory_space<vmem>> -> memref<80xi32, #tpu.memory_space<vmem>>
        %dma_start3A_253 = arith.constant 0 : i32
        %dma_start3A_254 = arith.constant 0 : i32
        %dma_start3A_255 = tpu.memref_slice %arg13[%dma_start3A_253, %dma_start3A_254] : memref<10000x64xf32, #tpu.memory_space<vmem_shared>> -> memref<10000x64xf32, #tpu.memory_space<vmem_shared>>
        tpu.enqueue_indirect_dma source(%dma_start3A_249 : memref<80x64xf32, #tpu.memory_space<vmem>>) target(%dma_start3A_255 : memref<10000x64xf32, #tpu.memory_space<vmem_shared>>) offsets(%dma_start3A_252 : memref<80xi32, #tpu.memory_space<vmem>>) semaphore(%run_scoped3A_245 : memref<!tpu.dma_semaphore, #tpu.memory_space<semaphore_mem>>) {add = true}
        %dma_wait3A_256 = arith.constant 0 : i32
        %dma_wait3A_257 = arith.constant 0 : i32
        %dma_wait3A_258 = tpu.memref_slice %arg10[%run_scoped3A, %dma_wait3A_256, %dma_wait3A_257] : memref<2x80x64xf32, #tpu.memory_space<vmem>> -> memref<1x80x64xf32, #tpu.memory_space<vmem>>
        %dma_wait3A_259 = tpu.memref_squeeze %dma_wait3A_258 : memref<1x80x64xf32, #tpu.memory_space<vmem>> -> memref<80x64xf32, #tpu.memory_space<vmem>>
        %dma_wait3A_260 = arith.constant 0 : i32
        %dma_wait3A_261 = tpu.memref_slice %arg9[%run_scoped3A_184, %dma_wait3A_260] : memref<2x80xi32, #tpu.memory_space<vmem>> -> memref<1x80xi32, #tpu.memory_space<vmem>>
        %dma_wait3A_262 = tpu.memref_squeeze %dma_wait3A_261 : memref<1x80xi32, #tpu.memory_space<vmem>> -> memref<80xi32, #tpu.memory_space<vmem>>
        %dma_wait3A_263 = arith.constant 0 : i32
        %dma_wait3A_264 = arith.constant 0 : i32
        %dma_wait3A_265 = tpu.memref_slice %arg13[%dma_wait3A_263, %dma_wait3A_264] : memref<10000x64xf32, #tpu.memory_space<vmem_shared>> -> memref<10000x64xf32, #tpu.memory_space<vmem_shared>>
        tpu.wait_indirect_dma semaphore(%run_scoped3A_245 : memref<!tpu.dma_semaphore, #tpu.memory_space<semaphore_mem>>) src(%dma_wait3A_259 : memref<80x64xf32, #tpu.memory_space<vmem>>) dst(%dma_wait3A_265 : memref<10000x64xf32, #tpu.memory_space<vmem_shared>>)
        tpu.yield
      }) : () -> ()
      %add3A_185 = arith.constant 2 : i32
      %add3A_186 = arith.addi %mul3A_84, %add3A_185 : i32
      %lt3A = arith.constant 250 : i32
      %lt3A_187 = arith.cmpi slt, %add3A_186, %lt3A : i32
      %convert_element_type3A = arith.extui %lt3A_187 : i1 to i32
      %cond3A = arith.constant 0 : i32
      %cond3A_188 = arith.cmpi ne, %convert_element_type3A, %cond3A : i32
      scf.if %cond3A_188 {
        %add3A_245 = arith.constant 2 : i32
        %add3A_246 = arith.addi %mul3A_84, %add3A_245 : i32
        %mul3A_247 = arith.constant 80 : i32
        %mul3A_248 = arith.muli %add3A_246, %mul3A_247 : i32
        %dma_start3A_249 = arith.constant 0 : i32
        %dma_start3A_250 = arith.constant 0 : i32
        %dma_start3A_251 = arith.constant 0 : i32
        %dma_start3A_252 = arith.constant 0 : i32
        %dma_start3A_253 = arith.constant 0 : i32
        %dma_start3A_254 = tpu.memref_slice %arg10[%dma_start3A_249, %dma_start3A_252, %dma_start3A_253] : memref<2x80x64xf32, #tpu.memory_space<vmem>> -> memref<1x80x64xf32, #tpu.memory_space<vmem>>
        %dma_start3A_255 = tpu.memref_squeeze %dma_start3A_254 : memref<1x80x64xf32, #tpu.memory_space<vmem>> -> memref<80x64xf32, #tpu.memory_space<vmem>>
        %dma_start3A_256 = tpu.memref_slice %arg7[%mul3A_248] : memref<20000xi32, #tpu.memory_space<vmem>> -> memref<80xi32, #tpu.memory_space<vmem>>
        %dma_start3A_257 = arith.constant 0 : i32
        %dma_start3A_258 = arith.constant 0 : i32
        %dma_start3A_259 = tpu.memref_slice %arg2[%dma_start3A_257, %dma_start3A_258] : memref<20000x64xf32, #tpu.memory_space<hbm>> -> memref<20000x64xf32, #tpu.memory_space<hbm>>
        %dma_start3A_260 = tpu.memref_slice %arg14[%dma_start3A_250, %dma_start3A_251] : memref<2x3x!tpu.dma_semaphore, #tpu.memory_space<semaphore_mem>> -> memref<1x1x!tpu.dma_semaphore, #tpu.memory_space<semaphore_mem>>
        %dma_start3A_261 = tpu.memref_squeeze %dma_start3A_260 : memref<1x1x!tpu.dma_semaphore, #tpu.memory_space<semaphore_mem>> -> memref<!tpu.dma_semaphore, #tpu.memory_space<semaphore_mem>>
        tpu.enqueue_indirect_dma source(%dma_start3A_259 : memref<20000x64xf32, #tpu.memory_space<hbm>>) target(%dma_start3A_255 : memref<80x64xf32, #tpu.memory_space<vmem>>) offsets(%dma_start3A_256 : memref<80xi32, #tpu.memory_space<vmem>>) semaphore(%dma_start3A_261 : memref<!tpu.dma_semaphore, #tpu.memory_space<semaphore_mem>>)
        %mul3A_262 = arith.constant 80 : i32
        %mul3A_263 = arith.muli %add3A_246, %mul3A_262 : i32
        %dma_start3A_264 = arith.constant 0 : i32
        %dma_start3A_265 = arith.constant 0 : i32
        %dma_start3A_266 = arith.constant 1 : i32
        %dma_start3A_267 = arith.constant 0 : i32
        %dma_start3A_268 = arith.constant 0 : i32
        %dma_start3A_269 = tpu.memref_slice %arg11[%dma_start3A_264, %dma_start3A_267, %dma_start3A_268] : memref<2x80x64xf32, #tpu.memory_space<vmem>> -> memref<1x80x64xf32, #tpu.memory_space<vmem>>
        %dma_start3A_270 = tpu.memref_squeeze %dma_start3A_269 : memref<1x80x64xf32, #tpu.memory_space<vmem>> -> memref<80x64xf32, #tpu.memory_space<vmem>>
        %dma_start3A_271 = tpu.memref_slice %arg8[%mul3A_263] : memref<20000xi32, #tpu.memory_space<vmem>> -> memref<80xi32, #tpu.memory_space<vmem>>
        %dma_start3A_272 = arith.constant 0 : i32
        %dma_start3A_273 = arith.constant 0 : i32
        %dma_start3A_274 = tpu.memref_slice %arg3[%dma_start3A_272, %dma_start3A_273] : memref<640000x64xf32, #tpu.memory_space<hbm>> -> memref<640000x64xf32, #tpu.memory_space<hbm>>
        %dma_start3A_275 = tpu.memref_slice %arg14[%dma_start3A_265, %dma_start3A_266] : memref<2x3x!tpu.dma_semaphore, #tpu.memory_space<semaphore_mem>> -> memref<1x1x!tpu.dma_semaphore, #tpu.memory_space<semaphore_mem>>
        %dma_start3A_276 = tpu.memref_squeeze %dma_start3A_275 : memref<1x1x!tpu.dma_semaphore, #tpu.memory_space<semaphore_mem>> -> memref<!tpu.dma_semaphore, #tpu.memory_space<semaphore_mem>>
        tpu.enqueue_indirect_dma source(%dma_start3A_274 : memref<640000x64xf32, #tpu.memory_space<hbm>>) target(%dma_start3A_270 : memref<80x64xf32, #tpu.memory_space<vmem>>) offsets(%dma_start3A_271 : memref<80xi32, #tpu.memory_space<vmem>>) semaphore(%dma_start3A_276 : memref<!tpu.dma_semaphore, #tpu.memory_space<semaphore_mem>>)
        %mul3A_277 = arith.constant 80 : i32
        %mul3A_278 = arith.muli %add3A_246, %mul3A_277 : i32
        %add3A_279 = arith.addi %mul3A_0, %mul3A_278 : i32
        %dma_start3A_280 = arith.constant 0 : i32
        %dma_start3A_281 = arith.constant 0 : i32
        %dma_start3A_282 = arith.constant 2 : i32
        %dma_start3A_283 = arith.constant 0 : i32
        %dma_start3A_284 = tpu.memref_slice %arg9[%dma_start3A_280, %dma_start3A_283] : memref<2x80xi32, #tpu.memory_space<vmem>> -> memref<1x80xi32, #tpu.memory_space<vmem>>
        %dma_start3A_285 = tpu.memref_squeeze %dma_start3A_284 : memref<1x80xi32, #tpu.memory_space<vmem>> -> memref<80xi32, #tpu.memory_space<vmem>>
        %dma_start3A_286 = tpu.memref_slice %arg5[%add3A_279] : memref<320000xi32, #tpu.memory_space<hbm>> -> memref<80xi32, #tpu.memory_space<hbm>>
        %dma_start3A_287 = tpu.memref_slice %arg14[%dma_start3A_281, %dma_start3A_282] : memref<2x3x!tpu.dma_semaphore, #tpu.memory_space<semaphore_mem>> -> memref<1x1x!tpu.dma_semaphore, #tpu.memory_space<semaphore_mem>>
        %dma_start3A_288 = tpu.memref_squeeze %dma_start3A_287 : memref<1x1x!tpu.dma_semaphore, #tpu.memory_space<semaphore_mem>> -> memref<!tpu.dma_semaphore, #tpu.memory_space<semaphore_mem>>
        %dma_start3A_289 = arith.constant 0 : i32
        %dma_start3A_290 = tpu.memref_slice %arg9[%dma_start3A_280, %dma_start3A_289] : memref<2x80xi32, #tpu.memory_space<vmem>> -> memref<1x80xi32, #tpu.memory_space<vmem>>
        %dma_start3A_291 = tpu.memref_squeeze %dma_start3A_290 : memref<1x80xi32, #tpu.memory_space<vmem>> -> memref<80xi32, #tpu.memory_space<vmem>>
        %dma_start3A_292 = tpu.memref_slice %arg5[%add3A_279] : memref<320000xi32, #tpu.memory_space<hbm>> -> memref<80xi32, #tpu.memory_space<hbm>>
        tpu.enqueue_dma source(%dma_start3A_292 : memref<80xi32, #tpu.memory_space<hbm>>) target(%dma_start3A_291 : memref<80xi32, #tpu.memory_space<vmem>>) target_semaphore(%dma_start3A_288 : memref<!tpu.dma_semaphore, #tpu.memory_space<semaphore_mem>>)
      } else {
      }
      %add3A_189 = arith.constant 1 : i32
      %add3A_190 = arith.addi %mul3A_84, %add3A_189 : i32
      %mul3A_191 = arith.constant 80 : i32
      %mul3A_192 = arith.muli %add3A_190, %mul3A_191 : i32
      %dma_wait3A_193 = arith.constant 1 : i32
      %dma_wait3A_194 = arith.constant 1 : i32
      %dma_wait3A_195 = arith.constant 0 : i32
      %dma_wait3A_196 = arith.constant 0 : i32
      %dma_wait3A_197 = arith.constant 0 : i32
      %dma_wait3A_198 = tpu.memref_slice %arg10[%dma_wait3A_193, %dma_wait3A_196, %dma_wait3A_197] : memref<2x80x64xf32, #tpu.memory_space<vmem>> -> memref<1x80x64xf32, #tpu.memory_space<vmem>>
      %dma_wait3A_199 = tpu.memref_squeeze %dma_wait3A_198 : memref<1x80x64xf32, #tpu.memory_space<vmem>> -> memref<80x64xf32, #tpu.memory_space<vmem>>
      %dma_wait3A_200 = tpu.memref_slice %arg7[%mul3A_192] : memref<20000xi32, #tpu.memory_space<vmem>> -> memref<80xi32, #tpu.memory_space<vmem>>
      %dma_wait3A_201 = arith.constant 0 : i32
      %dma_wait3A_202 = arith.constant 0 : i32
      %dma_wait3A_203 = tpu.memref_slice %arg2[%dma_wait3A_201, %dma_wait3A_202] : memref<20000x64xf32, #tpu.memory_space<hbm>> -> memref<20000x64xf32, #tpu.memory_space<hbm>>
      %dma_wait3A_204 = tpu.memref_slice %arg14[%dma_wait3A_194, %dma_wait3A_195] : memref<2x3x!tpu.dma_semaphore, #tpu.memory_space<semaphore_mem>> -> memref<1x1x!tpu.dma_semaphore, #tpu.memory_space<semaphore_mem>>
      %dma_wait3A_205 = tpu.memref_squeeze %dma_wait3A_204 : memref<1x1x!tpu.dma_semaphore, #tpu.memory_space<semaphore_mem>> -> memref<!tpu.dma_semaphore, #tpu.memory_space<semaphore_mem>>
      tpu.wait_indirect_dma semaphore(%dma_wait3A_205 : memref<!tpu.dma_semaphore, #tpu.memory_space<semaphore_mem>>) src(%dma_wait3A_203 : memref<20000x64xf32, #tpu.memory_space<hbm>>) dst(%dma_wait3A_199 : memref<80x64xf32, #tpu.memory_space<vmem>>)
      %mul3A_206 = arith.constant 80 : i32
      %mul3A_207 = arith.muli %add3A_190, %mul3A_206 : i32
      %dma_wait3A_208 = arith.constant 1 : i32
      %dma_wait3A_209 = arith.constant 1 : i32
      %dma_wait3A_210 = arith.constant 1 : i32
      %dma_wait3A_211 = arith.constant 0 : i32
      %dma_wait3A_212 = arith.constant 0 : i32
      %dma_wait3A_213 = tpu.memref_slice %arg11[%dma_wait3A_208, %dma_wait3A_211, %dma_wait3A_212] : memref<2x80x64xf32, #tpu.memory_space<vmem>> -> memref<1x80x64xf32, #tpu.memory_space<vmem>>
      %dma_wait3A_214 = tpu.memref_squeeze %dma_wait3A_213 : memref<1x80x64xf32, #tpu.memory_space<vmem>> -> memref<80x64xf32, #tpu.memory_space<vmem>>
      %dma_wait3A_215 = tpu.memref_slice %arg8[%mul3A_207] : memref<20000xi32, #tpu.memory_space<vmem>> -> memref<80xi32, #tpu.memory_space<vmem>>
      %dma_wait3A_216 = arith.constant 0 : i32
      %dma_wait3A_217 = arith.constant 0 : i32
      %dma_wait3A_218 = tpu.memref_slice %arg3[%dma_wait3A_216, %dma_wait3A_217] : memref<640000x64xf32, #tpu.memory_space<hbm>> -> memref<640000x64xf32, #tpu.memory_space<hbm>>
      %dma_wait3A_219 = tpu.memref_slice %arg14[%dma_wait3A_209, %dma_wait3A_210] : memref<2x3x!tpu.dma_semaphore, #tpu.memory_space<semaphore_mem>> -> memref<1x1x!tpu.dma_semaphore, #tpu.memory_space<semaphore_mem>>
      %dma_wait3A_220 = tpu.memref_squeeze %dma_wait3A_219 : memref<1x1x!tpu.dma_semaphore, #tpu.memory_space<semaphore_mem>> -> memref<!tpu.dma_semaphore, #tpu.memory_space<semaphore_mem>>
      tpu.wait_indirect_dma semaphore(%dma_wait3A_220 : memref<!tpu.dma_semaphore, #tpu.memory_space<semaphore_mem>>) src(%dma_wait3A_218 : memref<640000x64xf32, #tpu.memory_space<hbm>>) dst(%dma_wait3A_214 : memref<80x64xf32, #tpu.memory_space<vmem>>)
      %mul3A_221 = arith.constant 80 : i32
      %mul3A_222 = arith.muli %add3A_190, %mul3A_221 : i32
      %add3A_223 = arith.addi %mul3A_0, %mul3A_222 : i32
      %dma_wait3A_224 = arith.constant 1 : i32
      %dma_wait3A_225 = arith.constant 1 : i32
      %dma_wait3A_226 = arith.constant 2 : i32
      %dma_wait3A_227 = arith.constant 0 : i32
      %dma_wait3A_228 = tpu.memref_slice %arg9[%dma_wait3A_224, %dma_wait3A_227] : memref<2x80xi32, #tpu.memory_space<vmem>> -> memref<1x80xi32, #tpu.memory_space<vmem>>
      %dma_wait3A_229 = tpu.memref_squeeze %dma_wait3A_228 : memref<1x80xi32, #tpu.memory_space<vmem>> -> memref<80xi32, #tpu.memory_space<vmem>>
      %dma_wait3A_230 = tpu.memref_slice %arg5[%add3A_223] : memref<320000xi32, #tpu.memory_space<hbm>> -> memref<80xi32, #tpu.memory_space<hbm>>
      %dma_wait3A_231 = tpu.memref_slice %arg14[%dma_wait3A_225, %dma_wait3A_226] : memref<2x3x!tpu.dma_semaphore, #tpu.memory_space<semaphore_mem>> -> memref<1x1x!tpu.dma_semaphore, #tpu.memory_space<semaphore_mem>>
      %dma_wait3A_232 = tpu.memref_squeeze %dma_wait3A_231 : memref<1x1x!tpu.dma_semaphore, #tpu.memory_space<semaphore_mem>> -> memref<!tpu.dma_semaphore, #tpu.memory_space<semaphore_mem>>
      %dma_wait3A_233 = arith.constant 0 : i32
      %dma_wait3A_234 = tpu.memref_slice %arg9[%dma_wait3A_224, %dma_wait3A_233] : memref<2x80xi32, #tpu.memory_space<vmem>> -> memref<1x80xi32, #tpu.memory_space<vmem>>
      %dma_wait3A_235 = tpu.memref_squeeze %dma_wait3A_234 : memref<1x80xi32, #tpu.memory_space<vmem>> -> memref<80xi32, #tpu.memory_space<vmem>>
      %dma_wait3A_236 = tpu.memref_slice %arg5[%add3A_223] : memref<320000xi32, #tpu.memory_space<hbm>> -> memref<80xi32, #tpu.memory_space<hbm>>
      tpu.wait_dma2 semaphore(%dma_wait3A_232 : memref<!tpu.dma_semaphore, #tpu.memory_space<semaphore_mem>>) src(%dma_wait3A_236 : memref<80xi32, #tpu.memory_space<hbm>>) dst(%dma_wait3A_235 : memref<80xi32, #tpu.memory_space<vmem>>)
      %scan3A_237 = arith.constant 0 : i32
      %scan3A_238 = arith.constant 0 : i32
      %scan3A_239 = arith.constant 80 : i32
      %scan3A_240 = arith.addi %scan3A_238, %scan3A_239 : i32
      %scan3A_241 = arith.constant 1 : i32
      scf.for %scan3A_245 = %scan3A_238 to %scan3A_240 step %scan3A_241  : i32 {
        %get3A = arith.constant 1 : i32
        %get3A_246 = arith.index_cast %get3A : i32 to index
        %get3A_247 = arith.index_cast %scan3A_245 : i32 to index
        %get3A_248 = arith.constant 0 : index
        %get3A_249 = tpu.vector_load %arg10[%get3A_246, %get3A_247, %get3A_248] {strides = array<i32>} : memref<2x80x64xf32, #tpu.memory_space<vmem>>, vector<1x1x16xf32>,
        %get3A_250 = vector.shape_cast %get3A_249 : vector<1x1x16xf32> to vector<16xf32>
        %get3A_251 = arith.constant 1 : i32
        %get3A_252 = arith.index_cast %get3A_251 : i32 to index
        %get3A_253 = arith.index_cast %scan3A_245 : i32 to index
        %get3A_254 = arith.constant 0 : index
        %get3A_255 = tpu.vector_load %arg11[%get3A_252, %get3A_253, %get3A_254] {strides = array<i32>} : memref<2x80x64xf32, #tpu.memory_space<vmem>>, vector<1x1x16xf32>,
        %get3A_256 = vector.shape_cast %get3A_255 : vector<1x1x16xf32> to vector<16xf32>
        %add3A_257 = arith.addf %get3A_250, %get3A_256 : vector<16xf32>
        %max3A = arith.constant 0.000000e+00 : f32
        %max3A_258 = vector.broadcast %max3A : f32 to vector<16xf32>
        %max3A_259 = arith.maximumf %add3A_257, %max3A_258 : vector<16xf32>
        %swap3A = arith.constant 1 : i32
        %swap3A_260 = arith.index_cast %swap3A : i32 to index
        %swap3A_261 = arith.index_cast %scan3A_245 : i32 to index
        %swap3A_262 = arith.constant 0 : index
        %swap3A_263 = tpu.vector_load %arg10[%swap3A_260, %swap3A_261, %swap3A_262] {strides = array<i32>} : memref<2x80x64xf32, #tpu.memory_space<vmem>>, vector<1x1x16xf32>,
        %swap3A_264 = vector.shape_cast %swap3A_263 : vector<1x1x16xf32> to vector<16xf32>
        %swap3A_265 = vector.shape_cast %max3A_259 : vector<16xf32> to vector<1x1x16xf32>
        tpu.vector_store %arg10[%swap3A_260, %swap3A_261, %swap3A_262], %swap3A_265 {strides = array<i32>} : memref<2x80x64xf32, #tpu.memory_space<vmem>>, vector<1x1x16xf32>,
        %get3A_266 = arith.constant 1 : i32
        %get3A_267 = arith.index_cast %get3A_266 : i32 to index
        %get3A_268 = arith.index_cast %scan3A_245 : i32 to index
        %get3A_269 = arith.constant 16 : index
        %get3A_270 = tpu.vector_load %arg10[%get3A_267, %get3A_268, %get3A_269] {strides = array<i32>} : memref<2x80x64xf32, #tpu.memory_space<vmem>>, vector<1x1x16xf32>,
        %get3A_271 = vector.shape_cast %get3A_270 : vector<1x1x16xf32> to vector<16xf32>
        %get3A_272 = arith.constant 1 : i32
        %get3A_273 = arith.index_cast %get3A_272 : i32 to index
        %get3A_274 = arith.index_cast %scan3A_245 : i32 to index
        %get3A_275 = arith.constant 16 : index
        %get3A_276 = tpu.vector_load %arg11[%get3A_273, %get3A_274, %get3A_275] {strides = array<i32>} : memref<2x80x64xf32, #tpu.memory_space<vmem>>, vector<1x1x16xf32>,
        %get3A_277 = vector.shape_cast %get3A_276 : vector<1x1x16xf32> to vector<16xf32>
        %add3A_278 = arith.addf %get3A_271, %get3A_277 : vector<16xf32>
        %max3A_279 = arith.constant 0.000000e+00 : f32
        %max3A_280 = vector.broadcast %max3A_279 : f32 to vector<16xf32>
        %max3A_281 = arith.maximumf %add3A_278, %max3A_280 : vector<16xf32>
        %swap3A_282 = arith.constant 1 : i32
        %swap3A_283 = arith.index_cast %swap3A_282 : i32 to index
        %swap3A_284 = arith.index_cast %scan3A_245 : i32 to index
        %swap3A_285 = arith.constant 16 : index
        %swap3A_286 = tpu.vector_load %arg10[%swap3A_283, %swap3A_284, %swap3A_285] {strides = array<i32>} : memref<2x80x64xf32, #tpu.memory_space<vmem>>, vector<1x1x16xf32>,
        %swap3A_287 = vector.shape_cast %swap3A_286 : vector<1x1x16xf32> to vector<16xf32>
        %swap3A_288 = vector.shape_cast %max3A_281 : vector<16xf32> to vector<1x1x16xf32>
        tpu.vector_store %arg10[%swap3A_283, %swap3A_284, %swap3A_285], %swap3A_288 {strides = array<i32>} : memref<2x80x64xf32, #tpu.memory_space<vmem>>, vector<1x1x16xf32>,
        %get3A_289 = arith.constant 1 : i32
        %get3A_290 = arith.index_cast %get3A_289 : i32 to index
        %get3A_291 = arith.index_cast %scan3A_245 : i32 to index
        %get3A_292 = arith.constant 32 : index
        %get3A_293 = tpu.vector_load %arg10[%get3A_290, %get3A_291, %get3A_292] {strides = array<i32>} : memref<2x80x64xf32, #tpu.memory_space<vmem>>, vector<1x1x16xf32>,
        %get3A_294 = vector.shape_cast %get3A_293 : vector<1x1x16xf32> to vector<16xf32>
        %get3A_295 = arith.constant 1 : i32
        %get3A_296 = arith.index_cast %get3A_295 : i32 to index
        %get3A_297 = arith.index_cast %scan3A_245 : i32 to index
        %get3A_298 = arith.constant 32 : index
        %get3A_299 = tpu.vector_load %arg11[%get3A_296, %get3A_297, %get3A_298] {strides = array<i32>} : memref<2x80x64xf32, #tpu.memory_space<vmem>>, vector<1x1x16xf32>,
        %get3A_300 = vector.shape_cast %get3A_299 : vector<1x1x16xf32> to vector<16xf32>
        %add3A_301 = arith.addf %get3A_294, %get3A_300 : vector<16xf32>
        %max3A_302 = arith.constant 0.000000e+00 : f32
        %max3A_303 = vector.broadcast %max3A_302 : f32 to vector<16xf32>
        %max3A_304 = arith.maximumf %add3A_301, %max3A_303 : vector<16xf32>
        %swap3A_305 = arith.constant 1 : i32
        %swap3A_306 = arith.index_cast %swap3A_305 : i32 to index
        %swap3A_307 = arith.index_cast %scan3A_245 : i32 to index
        %swap3A_308 = arith.constant 32 : index
        %swap3A_309 = tpu.vector_load %arg10[%swap3A_306, %swap3A_307, %swap3A_308] {strides = array<i32>} : memref<2x80x64xf32, #tpu.memory_space<vmem>>, vector<1x1x16xf32>,
        %swap3A_310 = vector.shape_cast %swap3A_309 : vector<1x1x16xf32> to vector<16xf32>
        %swap3A_311 = vector.shape_cast %max3A_304 : vector<16xf32> to vector<1x1x16xf32>
        tpu.vector_store %arg10[%swap3A_306, %swap3A_307, %swap3A_308], %swap3A_311 {strides = array<i32>} : memref<2x80x64xf32, #tpu.memory_space<vmem>>, vector<1x1x16xf32>,
        %get3A_312 = arith.constant 1 : i32
        %get3A_313 = arith.index_cast %get3A_312 : i32 to index
        %get3A_314 = arith.index_cast %scan3A_245 : i32 to index
        %get3A_315 = arith.constant 48 : index
        %get3A_316 = tpu.vector_load %arg10[%get3A_313, %get3A_314, %get3A_315] {strides = array<i32>} : memref<2x80x64xf32, #tpu.memory_space<vmem>>, vector<1x1x16xf32>,
        %get3A_317 = vector.shape_cast %get3A_316 : vector<1x1x16xf32> to vector<16xf32>
        %get3A_318 = arith.constant 1 : i32
        %get3A_319 = arith.index_cast %get3A_318 : i32 to index
        %get3A_320 = arith.index_cast %scan3A_245 : i32 to index
        %get3A_321 = arith.constant 48 : index
        %get3A_322 = tpu.vector_load %arg11[%get3A_319, %get3A_320, %get3A_321] {strides = array<i32>} : memref<2x80x64xf32, #tpu.memory_space<vmem>>, vector<1x1x16xf32>,
        %get3A_323 = vector.shape_cast %get3A_322 : vector<1x1x16xf32> to vector<16xf32>
        %add3A_324 = arith.addf %get3A_317, %get3A_323 : vector<16xf32>
        %max3A_325 = arith.constant 0.000000e+00 : f32
        %max3A_326 = vector.broadcast %max3A_325 : f32 to vector<16xf32>
        %max3A_327 = arith.maximumf %add3A_324, %max3A_326 : vector<16xf32>
        %swap3A_328 = arith.constant 1 : i32
        %swap3A_329 = arith.index_cast %swap3A_328 : i32 to index
        %swap3A_330 = arith.index_cast %scan3A_245 : i32 to index
        %swap3A_331 = arith.constant 48 : index
        %swap3A_332 = tpu.vector_load %arg10[%swap3A_329, %swap3A_330, %swap3A_331] {strides = array<i32>} : memref<2x80x64xf32, #tpu.memory_space<vmem>>, vector<1x1x16xf32>,
        %swap3A_333 = vector.shape_cast %swap3A_332 : vector<1x1x16xf32> to vector<16xf32>
        %swap3A_334 = vector.shape_cast %max3A_327 : vector<16xf32> to vector<1x1x16xf32>
        tpu.vector_store %arg10[%swap3A_329, %swap3A_330, %swap3A_331], %swap3A_334 {strides = array<i32>} : memref<2x80x64xf32, #tpu.memory_space<vmem>>, vector<1x1x16xf32>,
      }
      %scan3A_242 = arith.constant 80 : i32
      %run_scoped3A_243 = arith.constant 1 : i32
      %run_scoped3A_244 = arith.constant 1 : i32
      "tpu.region"() ({
        %run_scoped3A_245 = tpu.sem_alloc : memref<!tpu.dma_semaphore, #tpu.memory_space<semaphore_mem>>
        %dma_start3A_246 = arith.constant 0 : i32
        %dma_start3A_247 = arith.constant 0 : i32
        %dma_start3A_248 = tpu.memref_slice %arg10[%run_scoped3A_243, %dma_start3A_246, %dma_start3A_247] : memref<2x80x64xf32, #tpu.memory_space<vmem>> -> memref<1x80x64xf32, #tpu.memory_space<vmem>>
        %dma_start3A_249 = tpu.memref_squeeze %dma_start3A_248 : memref<1x80x64xf32, #tpu.memory_space<vmem>> -> memref<80x64xf32, #tpu.memory_space<vmem>>
        %dma_start3A_250 = arith.constant 0 : i32
        %dma_start3A_251 = tpu.memref_slice %arg9[%run_scoped3A_244, %dma_start3A_250] : memref<2x80xi32, #tpu.memory_space<vmem>> -> memref<1x80xi32, #tpu.memory_space<vmem>>
        %dma_start3A_252 = tpu.memref_squeeze %dma_start3A_251 : memref<1x80xi32, #tpu.memory_space<vmem>> -> memref<80xi32, #tpu.memory_space<vmem>>
        %dma_start3A_253 = arith.constant 0 : i32
        %dma_start3A_254 = arith.constant 0 : i32
        %dma_start3A_255 = tpu.memref_slice %arg13[%dma_start3A_253, %dma_start3A_254] : memref<10000x64xf32, #tpu.memory_space<vmem_shared>> -> memref<10000x64xf32, #tpu.memory_space<vmem_shared>>
        tpu.enqueue_indirect_dma source(%dma_start3A_249 : memref<80x64xf32, #tpu.memory_space<vmem>>) target(%dma_start3A_255 : memref<10000x64xf32, #tpu.memory_space<vmem_shared>>) offsets(%dma_start3A_252 : memref<80xi32, #tpu.memory_space<vmem>>) semaphore(%run_scoped3A_245 : memref<!tpu.dma_semaphore, #tpu.memory_space<semaphore_mem>>) {add = true}
        %dma_wait3A_256 = arith.constant 0 : i32
        %dma_wait3A_257 = arith.constant 0 : i32
        %dma_wait3A_258 = tpu.memref_slice %arg10[%run_scoped3A_243, %dma_wait3A_256, %dma_wait3A_257] : memref<2x80x64xf32, #tpu.memory_space<vmem>> -> memref<1x80x64xf32, #tpu.memory_space<vmem>>
        %dma_wait3A_259 = tpu.memref_squeeze %dma_wait3A_258 : memref<1x80x64xf32, #tpu.memory_space<vmem>> -> memref<80x64xf32, #tpu.memory_space<vmem>>
        %dma_wait3A_260 = arith.constant 0 : i32
        %dma_wait3A_261 = tpu.memref_slice %arg9[%run_scoped3A_244, %dma_wait3A_260] : memref<2x80xi32, #tpu.memory_space<vmem>> -> memref<1x80xi32, #tpu.memory_space<vmem>>
        %dma_wait3A_262 = tpu.memref_squeeze %dma_wait3A_261 : memref<1x80xi32, #tpu.memory_space<vmem>> -> memref<80xi32, #tpu.memory_space<vmem>>
        %dma_wait3A_263 = arith.constant 0 : i32
        %dma_wait3A_264 = arith.constant 0 : i32
        %dma_wait3A_265 = tpu.memref_slice %arg13[%dma_wait3A_263, %dma_wait3A_264] : memref<10000x64xf32, #tpu.memory_space<vmem_shared>> -> memref<10000x64xf32, #tpu.memory_space<vmem_shared>>
        tpu.wait_indirect_dma semaphore(%run_scoped3A_245 : memref<!tpu.dma_semaphore, #tpu.memory_space<semaphore_mem>>) src(%dma_wait3A_259 : memref<80x64xf32, #tpu.memory_space<vmem>>) dst(%dma_wait3A_265 : memref<10000x64xf32, #tpu.memory_space<vmem_shared>>)
        tpu.yield
      }) : () -> ()
    }
    %scan3A_73 = arith.constant 125 : i32
    %barrier3A_74 = arith.constant 0 : index
    tpu.barrier barrier_id(%barrier3A_74)
    %scan3A_75 = arith.constant 0 : i32
    %scan3A_76 = arith.constant 0 : i32
    %scan3A_77 = arith.constant 4 : i32
    %scan3A_78 = arith.addi %scan3A_76, %scan3A_77 : i32
    %scan3A_79 = arith.constant 1 : i32
    scf.for %scan3A_82 = %scan3A_76 to %scan3A_78 step %scan3A_79  : i32 {
      %mul3A_83 = arith.constant 16 : i32
      %mul3A_84 = arith.muli %mul3A_83, %scan3A_82 : i32
      %add3A_85 = arith.addi %arg1, %mul3A_84 : i32
      %lt3A = arith.constant 50 : i32
      %lt3A_86 = arith.cmpi slt, %add3A_85, %lt3A : i32
      %convert_element_type3A = arith.extui %lt3A_86 : i1 to i32
      %cond3A = arith.constant 0 : i32
      %cond3A_87 = arith.cmpi ne, %convert_element_type3A, %cond3A : i32
      scf.if %cond3A_87 {
        %mul3A_88 = arith.constant 200 : i32
        %mul3A_89 = arith.muli %add3A_85, %mul3A_88 : i32
        %mul3A_90 = arith.constant 10000 : i32
        %mul3A_91 = arith.muli %arg0, %mul3A_90 : i32
        %mul3A_92 = arith.constant 200 : i32
        %mul3A_93 = arith.muli %add3A_85, %mul3A_92 : i32
        %add3A_94 = arith.addi %mul3A_91, %mul3A_93 : i32
        "tpu.region"() ({
          %run_scoped3A = tpu.sem_alloc : memref<!tpu.dma_semaphore, #tpu.memory_space<semaphore_mem>>
          %dma_start3A_95 = arith.constant 0 : i32
          %dma_start3A_96 = tpu.memref_slice %arg6[%add3A_94, %dma_start3A_95] : memref<20000x64xf32, #tpu.memory_space<hbm>> -> memref<200x64xf32, #tpu.memory_space<hbm>>
          %dma_start3A_97 = arith.constant 0 : i32
          %dma_start3A_98 = tpu.memref_slice %arg13[%mul3A_89, %dma_start3A_97] : memref<10000x64xf32, #tpu.memory_space<vmem_shared>> -> memref<200x64xf32, #tpu.memory_space<vmem_shared>>
          tpu.enqueue_dma source(%dma_start3A_98 : memref<200x64xf32, #tpu.memory_space<vmem_shared>>) target(%dma_start3A_96 : memref<200x64xf32, #tpu.memory_space<hbm>>) target_semaphore(%run_scoped3A : memref<!tpu.dma_semaphore, #tpu.memory_space<semaphore_mem>>)
          %dma_wait3A = arith.constant 0 : i32
          %dma_wait3A_99 = tpu.memref_slice %arg6[%add3A_94, %dma_wait3A] : memref<20000x64xf32, #tpu.memory_space<hbm>> -> memref<200x64xf32, #tpu.memory_space<hbm>>
          %dma_wait3A_100 = arith.constant 0 : i32
          %dma_wait3A_101 = tpu.memref_slice %arg13[%mul3A_89, %dma_wait3A_100] : memref<10000x64xf32, #tpu.memory_space<vmem_shared>> -> memref<200x64xf32, #tpu.memory_space<vmem_shared>>
          tpu.wait_dma2 semaphore(%run_scoped3A : memref<!tpu.dma_semaphore, #tpu.memory_space<semaphore_mem>>) src(%dma_wait3A_101 : memref<200x64xf32, #tpu.memory_space<vmem_shared>>) dst(%dma_wait3A_99 : memref<200x64xf32, #tpu.memory_space<hbm>>)
          tpu.yield
        }) : () -> ()
      } else {
      }
    }
    %scan3A_80 = arith.constant 4 : i32
    %barrier3A_81 = arith.constant 0 : index
    tpu.barrier barrier_id(%barrier3A_81)
    return
  }
}

#map = affine_map<(d0, d1) -> (0, 0)>
#map1 = affine_map<(d0, d1) -> (0)>
module attributes {stable_mosaic.version = 14 : i64} {
  func.func @_sc_b_body(%arg0: i32, %arg1: i32, %arg2: memref<10000x16xf32, #tpu.memory_space<hbm>>, %arg3: memref<640000x64xf32, #tpu.memory_space<hbm>>, %arg4: memref<320000xi32, #tpu.memory_space<hbm>>, %arg5: memref<320000xi32, #tpu.memory_space<hbm>>, %arg6: memref<20000x48xf32, #tpu.memory_space<hbm>>, %arg7: memref<10000xi32, #tpu.memory_space<vmem>>, %arg8: memref<10000xi32, #tpu.memory_space<vmem>>, %arg9: memref<2x80xi32, #tpu.memory_space<vmem>>, %arg10: memref<2x80x16xf32, #tpu.memory_space<vmem>>, %arg11: memref<2x80x64xf32, #tpu.memory_space<vmem>>, %arg12: memref<2x80x48xf32, #tpu.memory_space<vmem>>, %arg13: memref<200x48xf32, #tpu.memory_space<vmem>>, %arg14: memref<10000x48xf32, #tpu.memory_space<vmem_shared>>, %arg15: memref<2x3x!tpu.dma_semaphore, #tpu.memory_space<semaphore_mem>>) attributes {dimension_semantics = [#tpu.dimension_semantics<core_parallel>, #tpu.dimension_semantics<subcore_parallel>], iteration_bounds = array<i64: 2, 16>, scalar_prefetch = 0 : i64, scratch_operands = 9 : i64, tpu.core_type = #tpu.core_type<sc_vector_subcore>, window_params = [{transform_indices = #map}, {transform_indices = #map}, {transform_indices = #map1}, {transform_indices = #map1}, {transform_indices = #map}]} {
    %mul3A = arith.constant 16 : i32
    %mul3A_0 = arith.muli %arg0, %mul3A : i32
    %add3A = arith.addi %mul3A_0, %arg1 : i32
    %mul3A_1 = arith.constant 10000 : i32
    %mul3A_2 = arith.muli %add3A, %mul3A_1 : i32
    "tpu.region"() ({
      %run_scoped3A_126 = tpu.sem_alloc : memref<!tpu.dma_semaphore, #tpu.memory_space<semaphore_mem>>
      %dma_start3A_127 = tpu.memref_slice %arg4[%mul3A_2] : memref<320000xi32, #tpu.memory_space<hbm>> -> memref<10000xi32, #tpu.memory_space<hbm>>
      %dma_start3A_128 = tpu.memref_slice %arg4[%mul3A_2] : memref<320000xi32, #tpu.memory_space<hbm>> -> memref<10000xi32, #tpu.memory_space<hbm>>
      tpu.enqueue_dma source(%dma_start3A_128 : memref<10000xi32, #tpu.memory_space<hbm>>) target(%arg7 : memref<10000xi32, #tpu.memory_space<vmem>>) target_semaphore(%run_scoped3A_126 : memref<!tpu.dma_semaphore, #tpu.memory_space<semaphore_mem>>)
      %dma_wait3A_129 = tpu.memref_slice %arg4[%mul3A_2] : memref<320000xi32, #tpu.memory_space<hbm>> -> memref<10000xi32, #tpu.memory_space<hbm>>
      %dma_wait3A_130 = tpu.memref_slice %arg4[%mul3A_2] : memref<320000xi32, #tpu.memory_space<hbm>> -> memref<10000xi32, #tpu.memory_space<hbm>>
      tpu.wait_dma2 semaphore(%run_scoped3A_126 : memref<!tpu.dma_semaphore, #tpu.memory_space<semaphore_mem>>) src(%dma_wait3A_130 : memref<10000xi32, #tpu.memory_space<hbm>>) dst(%arg7 : memref<10000xi32, #tpu.memory_space<vmem>>)
      tpu.yield
    }) : () -> ()
    %iota3A = tpu.iota {dimensions = array<i32: 0>} : vector<16xi32>
    %scan3A = arith.constant 0 : i32
    %scan3A_3 = arith.constant 0 : i32
    %scan3A_4 = arith.constant 625 : i32
    %scan3A_5 = arith.addi %scan3A_3, %scan3A_4 : i32
    %scan3A_6 = arith.constant 1 : i32
    scf.for %scan3A_126 = %scan3A_3 to %scan3A_5 step %scan3A_6  : i32 {
      %mul3A_127 = arith.constant 16 : i32
      %mul3A_128 = arith.muli %scan3A_126, %mul3A_127 : i32
      %mul3A_129 = arith.constant 2 : i32
      %mul3A_130 = arith.muli %mul3A_129, %mul3A_2 : i32
      %mul3A_131 = arith.constant 32 : i32
      %mul3A_132 = arith.muli %mul3A_131, %scan3A_126 : i32
      %add3A_133 = arith.addi %mul3A_130, %mul3A_132 : i32
      %mul3A_134 = arith.constant 2 : i32
      %mul3A_135 = vector.broadcast %mul3A_134 : i32 to vector<16xi32>
      %mul3A_136 = arith.muli %iota3A, %mul3A_135 : vector<16xi32>
      %add3A_137 = vector.broadcast %add3A_133 : i32 to vector<16xi32>
      %add3A_138 = arith.addi %add3A_137, %mul3A_136 : vector<16xi32>
      %swap3A = arith.index_cast %mul3A_128 : i32 to index
      %swap3A_139 = tpu.vector_load %arg8[%swap3A] {strides = array<i32>} : memref<10000xi32, #tpu.memory_space<vmem>>, vector<16xi32>,
      %swap3A_140 = vector.shape_cast %swap3A_139 : vector<16xi32> to vector<16xi32>
      %swap3A_141 = vector.shape_cast %add3A_138 : vector<16xi32> to vector<16xi32>
      tpu.vector_store %arg8[%swap3A], %swap3A_141 {strides = array<i32>} : memref<10000xi32, #tpu.memory_space<vmem>>, vector<16xi32>,
    }
    %scan3A_7 = arith.constant 625 : i32
    %broadcast_in_dim3A = arith.constant 0.000000e+00 : f32
    %broadcast_in_dim3A_8 = vector.broadcast %broadcast_in_dim3A : f32 to vector<16xf32>
    %scan3A_9 = arith.constant 0 : i32
    %scan3A_10 = arith.constant 0 : i32
    %scan3A_11 = arith.constant 200 : i32
    %scan3A_12 = arith.addi %scan3A_10, %scan3A_11 : i32
    %scan3A_13 = arith.constant 1 : i32
    scf.for %scan3A_126 = %scan3A_10 to %scan3A_12 step %scan3A_13  : i32 {
      %swap3A = arith.index_cast %scan3A_126 : i32 to index
      %swap3A_127 = arith.constant 0 : index
      %swap3A_128 = tpu.vector_load %arg13[%swap3A, %swap3A_127] {strides = array<i32>} : memref<200x48xf32, #tpu.memory_space<vmem>>, vector<1x16xf32>,
      %swap3A_129 = vector.shape_cast %swap3A_128 : vector<1x16xf32> to vector<16xf32>
      %swap3A_130 = vector.shape_cast %broadcast_in_dim3A_8 : vector<16xf32> to vector<1x16xf32>
      tpu.vector_store %arg13[%swap3A, %swap3A_127], %swap3A_130 {strides = array<i32>} : memref<200x48xf32, #tpu.memory_space<vmem>>, vector<1x16xf32>,
      %swap3A_131 = arith.index_cast %scan3A_126 : i32 to index
      %swap3A_132 = arith.constant 16 : index
      %swap3A_133 = tpu.vector_load %arg13[%swap3A_131, %swap3A_132] {strides = array<i32>} : memref<200x48xf32, #tpu.memory_space<vmem>>, vector<1x16xf32>,
      %swap3A_134 = vector.shape_cast %swap3A_133 : vector<1x16xf32> to vector<16xf32>
      %swap3A_135 = vector.shape_cast %broadcast_in_dim3A_8 : vector<16xf32> to vector<1x16xf32>
      tpu.vector_store %arg13[%swap3A_131, %swap3A_132], %swap3A_135 {strides = array<i32>} : memref<200x48xf32, #tpu.memory_space<vmem>>, vector<1x16xf32>,
      %swap3A_136 = arith.index_cast %scan3A_126 : i32 to index
      %swap3A_137 = arith.constant 32 : index
      %swap3A_138 = tpu.vector_load %arg13[%swap3A_136, %swap3A_137] {strides = array<i32>} : memref<200x48xf32, #tpu.memory_space<vmem>>, vector<1x16xf32>,
      %swap3A_139 = vector.shape_cast %swap3A_138 : vector<1x16xf32> to vector<16xf32>
      %swap3A_140 = vector.shape_cast %broadcast_in_dim3A_8 : vector<16xf32> to vector<1x16xf32>
      tpu.vector_store %arg13[%swap3A_136, %swap3A_137], %swap3A_140 {strides = array<i32>} : memref<200x48xf32, #tpu.memory_space<vmem>>, vector<1x16xf32>,
    }
    %scan3A_14 = arith.constant 200 : i32
    %scan3A_15 = arith.constant 0 : i32
    %scan3A_16 = arith.constant 0 : i32
    %scan3A_17 = arith.constant 4 : i32
    %scan3A_18 = arith.addi %scan3A_16, %scan3A_17 : i32
    %scan3A_19 = arith.constant 1 : i32
    scf.for %scan3A_126 = %scan3A_16 to %scan3A_18 step %scan3A_19  : i32 {
      %mul3A_127 = arith.constant 16 : i32
      %mul3A_128 = arith.muli %mul3A_127, %scan3A_126 : i32
      %add3A_129 = arith.addi %arg1, %mul3A_128 : i32
      %lt3A = arith.constant 50 : i32
      %lt3A_130 = arith.cmpi slt, %add3A_129, %lt3A : i32
      %convert_element_type3A = arith.extui %lt3A_130 : i1 to i32
      %cond3A = arith.constant 0 : i32
      %cond3A_131 = arith.cmpi ne, %convert_element_type3A, %cond3A : i32
      scf.if %cond3A_131 {
        %mul3A_132 = arith.constant 200 : i32
        %mul3A_133 = arith.muli %add3A_129, %mul3A_132 : i32
        "tpu.region"() ({
          %run_scoped3A_134 = tpu.sem_alloc : memref<!tpu.dma_semaphore, #tpu.memory_space<semaphore_mem>>
          %dma_start3A_135 = arith.constant 0 : i32
          %dma_start3A_136 = tpu.memref_slice %arg14[%mul3A_133, %dma_start3A_135] : memref<10000x48xf32, #tpu.memory_space<vmem_shared>> -> memref<200x48xf32, #tpu.memory_space<vmem_shared>>
          %dma_start3A_137 = arith.constant 0 : i32
          %dma_start3A_138 = tpu.memref_slice %arg14[%mul3A_133, %dma_start3A_137] : memref<10000x48xf32, #tpu.memory_space<vmem_shared>> -> memref<200x48xf32, #tpu.memory_space<vmem_shared>>
          tpu.enqueue_dma source(%arg13 : memref<200x48xf32, #tpu.memory_space<vmem>>) target(%dma_start3A_138 : memref<200x48xf32, #tpu.memory_space<vmem_shared>>) target_semaphore(%run_scoped3A_134 : memref<!tpu.dma_semaphore, #tpu.memory_space<semaphore_mem>>)
          %dma_wait3A_139 = arith.constant 0 : i32
          %dma_wait3A_140 = tpu.memref_slice %arg14[%mul3A_133, %dma_wait3A_139] : memref<10000x48xf32, #tpu.memory_space<vmem_shared>> -> memref<200x48xf32, #tpu.memory_space<vmem_shared>>
          %dma_wait3A_141 = arith.constant 0 : i32
          %dma_wait3A_142 = tpu.memref_slice %arg14[%mul3A_133, %dma_wait3A_141] : memref<10000x48xf32, #tpu.memory_space<vmem_shared>> -> memref<200x48xf32, #tpu.memory_space<vmem_shared>>
          tpu.wait_dma2 semaphore(%run_scoped3A_134 : memref<!tpu.dma_semaphore, #tpu.memory_space<semaphore_mem>>) src(%arg13 : memref<200x48xf32, #tpu.memory_space<vmem>>) dst(%dma_wait3A_142 : memref<200x48xf32, #tpu.memory_space<vmem_shared>>)
          tpu.yield
        }) : () -> ()
      } else {
      }
    }
    %scan3A_20 = arith.constant 4 : i32
    %barrier3A = arith.constant 0 : index
    tpu.barrier barrier_id(%barrier3A)
    %dma_start3A = arith.constant 0 : i32
    %dma_start3A_21 = arith.constant 0 : i32
    %dma_start3A_22 = arith.constant 0 : i32
    %dma_start3A_23 = arith.constant 0 : i32
    %dma_start3A_24 = arith.constant 0 : i32
    %dma_start3A_25 = tpu.memref_slice %arg10[%dma_start3A, %dma_start3A_23, %dma_start3A_24] : memref<2x80x16xf32, #tpu.memory_space<vmem>> -> memref<1x80x16xf32, #tpu.memory_space<vmem>>
    %dma_start3A_26 = tpu.memref_squeeze %dma_start3A_25 : memref<1x80x16xf32, #tpu.memory_space<vmem>> -> memref<80x16xf32, #tpu.memory_space<vmem>>
    %dma_start3A_27 = arith.constant 0 : i32
    %dma_start3A_28 = tpu.memref_slice %arg7[%dma_start3A_27] : memref<10000xi32, #tpu.memory_space<vmem>> -> memref<80xi32, #tpu.memory_space<vmem>>
    %dma_start3A_29 = arith.constant 0 : i32
    %dma_start3A_30 = arith.constant 0 : i32
    %dma_start3A_31 = tpu.memref_slice %arg2[%dma_start3A_29, %dma_start3A_30] : memref<10000x16xf32, #tpu.memory_space<hbm>> -> memref<10000x16xf32, #tpu.memory_space<hbm>>
    %dma_start3A_32 = tpu.memref_slice %arg15[%dma_start3A_21, %dma_start3A_22] : memref<2x3x!tpu.dma_semaphore, #tpu.memory_space<semaphore_mem>> -> memref<1x1x!tpu.dma_semaphore, #tpu.memory_space<semaphore_mem>>
    %dma_start3A_33 = tpu.memref_squeeze %dma_start3A_32 : memref<1x1x!tpu.dma_semaphore, #tpu.memory_space<semaphore_mem>> -> memref<!tpu.dma_semaphore, #tpu.memory_space<semaphore_mem>>
    tpu.enqueue_indirect_dma source(%dma_start3A_31 : memref<10000x16xf32, #tpu.memory_space<hbm>>) target(%dma_start3A_26 : memref<80x16xf32, #tpu.memory_space<vmem>>) offsets(%dma_start3A_28 : memref<80xi32, #tpu.memory_space<vmem>>) semaphore(%dma_start3A_33 : memref<!tpu.dma_semaphore, #tpu.memory_space<semaphore_mem>>)
    %dma_start3A_34 = arith.constant 0 : i32
    %dma_start3A_35 = arith.constant 0 : i32
    %dma_start3A_36 = arith.constant 1 : i32
    %dma_start3A_37 = arith.constant 0 : i32
    %dma_start3A_38 = arith.constant 0 : i32
    %dma_start3A_39 = tpu.memref_slice %arg11[%dma_start3A_34, %dma_start3A_37, %dma_start3A_38] : memref<2x80x64xf32, #tpu.memory_space<vmem>> -> memref<1x80x64xf32, #tpu.memory_space<vmem>>
    %dma_start3A_40 = tpu.memref_squeeze %dma_start3A_39 : memref<1x80x64xf32, #tpu.memory_space<vmem>> -> memref<80x64xf32, #tpu.memory_space<vmem>>
    %dma_start3A_41 = arith.constant 0 : i32
    %dma_start3A_42 = tpu.memref_slice %arg8[%dma_start3A_41] : memref<10000xi32, #tpu.memory_space<vmem>> -> memref<80xi32, #tpu.memory_space<vmem>>
    %dma_start3A_43 = arith.constant 0 : i32
    %dma_start3A_44 = arith.constant 0 : i32
    %dma_start3A_45 = tpu.memref_slice %arg3[%dma_start3A_43, %dma_start3A_44] : memref<640000x64xf32, #tpu.memory_space<hbm>> -> memref<640000x64xf32, #tpu.memory_space<hbm>>
    %dma_start3A_46 = tpu.memref_slice %arg15[%dma_start3A_35, %dma_start3A_36] : memref<2x3x!tpu.dma_semaphore, #tpu.memory_space<semaphore_mem>> -> memref<1x1x!tpu.dma_semaphore, #tpu.memory_space<semaphore_mem>>
    %dma_start3A_47 = tpu.memref_squeeze %dma_start3A_46 : memref<1x1x!tpu.dma_semaphore, #tpu.memory_space<semaphore_mem>> -> memref<!tpu.dma_semaphore, #tpu.memory_space<semaphore_mem>>
    tpu.enqueue_indirect_dma source(%dma_start3A_45 : memref<640000x64xf32, #tpu.memory_space<hbm>>) target(%dma_start3A_40 : memref<80x64xf32, #tpu.memory_space<vmem>>) offsets(%dma_start3A_42 : memref<80xi32, #tpu.memory_space<vmem>>) semaphore(%dma_start3A_47 : memref<!tpu.dma_semaphore, #tpu.memory_space<semaphore_mem>>)
    %add3A_48 = arith.constant 0 : i32
    %add3A_49 = arith.addi %mul3A_2, %add3A_48 : i32
    %dma_start3A_50 = arith.constant 0 : i32
    %dma_start3A_51 = arith.constant 0 : i32
    %dma_start3A_52 = arith.constant 2 : i32
    %dma_start3A_53 = arith.constant 0 : i32
    %dma_start3A_54 = tpu.memref_slice %arg9[%dma_start3A_50, %dma_start3A_53] : memref<2x80xi32, #tpu.memory_space<vmem>> -> memref<1x80xi32, #tpu.memory_space<vmem>>
    %dma_start3A_55 = tpu.memref_squeeze %dma_start3A_54 : memref<1x80xi32, #tpu.memory_space<vmem>> -> memref<80xi32, #tpu.memory_space<vmem>>
    %dma_start3A_56 = tpu.memref_slice %arg5[%add3A_49] : memref<320000xi32, #tpu.memory_space<hbm>> -> memref<80xi32, #tpu.memory_space<hbm>>
    %dma_start3A_57 = tpu.memref_slice %arg15[%dma_start3A_51, %dma_start3A_52] : memref<2x3x!tpu.dma_semaphore, #tpu.memory_space<semaphore_mem>> -> memref<1x1x!tpu.dma_semaphore, #tpu.memory_space<semaphore_mem>>
    %dma_start3A_58 = tpu.memref_squeeze %dma_start3A_57 : memref<1x1x!tpu.dma_semaphore, #tpu.memory_space<semaphore_mem>> -> memref<!tpu.dma_semaphore, #tpu.memory_space<semaphore_mem>>
    %dma_start3A_59 = arith.constant 0 : i32
    %dma_start3A_60 = tpu.memref_slice %arg9[%dma_start3A_50, %dma_start3A_59] : memref<2x80xi32, #tpu.memory_space<vmem>> -> memref<1x80xi32, #tpu.memory_space<vmem>>
    %dma_start3A_61 = tpu.memref_squeeze %dma_start3A_60 : memref<1x80xi32, #tpu.memory_space<vmem>> -> memref<80xi32, #tpu.memory_space<vmem>>
    %dma_start3A_62 = tpu.memref_slice %arg5[%add3A_49] : memref<320000xi32, #tpu.memory_space<hbm>> -> memref<80xi32, #tpu.memory_space<hbm>>
    tpu.enqueue_dma source(%dma_start3A_62 : memref<80xi32, #tpu.memory_space<hbm>>) target(%dma_start3A_61 : memref<80xi32, #tpu.memory_space<vmem>>) target_semaphore(%dma_start3A_58 : memref<!tpu.dma_semaphore, #tpu.memory_space<semaphore_mem>>)
    %scan3A_63 = arith.constant 0 : i32
    %scan3A_64 = arith.constant 0 : i32
    %scan3A_65 = arith.constant 62 : i32
    %scan3A_66 = arith.addi %scan3A_64, %scan3A_65 : i32
    %scan3A_67 = arith.constant 1 : i32
    scf.for %scan3A_126 = %scan3A_64 to %scan3A_66 step %scan3A_67  : i32 {
      %mul3A_127 = arith.constant 2 : i32
      %mul3A_128 = arith.muli %mul3A_127, %scan3A_126 : i32
      %add3A_129 = arith.constant 1 : i32
      %add3A_130 = arith.addi %mul3A_128, %add3A_129 : i32
      %mul3A_131 = arith.constant 80 : i32
      %mul3A_132 = arith.muli %add3A_130, %mul3A_131 : i32
      %dma_start3A_133 = arith.constant 1 : i32
      %dma_start3A_134 = arith.constant 1 : i32
      %dma_start3A_135 = arith.constant 0 : i32
      %dma_start3A_136 = arith.constant 0 : i32
      %dma_start3A_137 = arith.constant 0 : i32
      %dma_start3A_138 = tpu.memref_slice %arg10[%dma_start3A_133, %dma_start3A_136, %dma_start3A_137] : memref<2x80x16xf32, #tpu.memory_space<vmem>> -> memref<1x80x16xf32, #tpu.memory_space<vmem>>
      %dma_start3A_139 = tpu.memref_squeeze %dma_start3A_138 : memref<1x80x16xf32, #tpu.memory_space<vmem>> -> memref<80x16xf32, #tpu.memory_space<vmem>>
      %dma_start3A_140 = tpu.memref_slice %arg7[%mul3A_132] : memref<10000xi32, #tpu.memory_space<vmem>> -> memref<80xi32, #tpu.memory_space<vmem>>
      %dma_start3A_141 = arith.constant 0 : i32
      %dma_start3A_142 = arith.constant 0 : i32
      %dma_start3A_143 = tpu.memref_slice %arg2[%dma_start3A_141, %dma_start3A_142] : memref<10000x16xf32, #tpu.memory_space<hbm>> -> memref<10000x16xf32, #tpu.memory_space<hbm>>
      %dma_start3A_144 = tpu.memref_slice %arg15[%dma_start3A_134, %dma_start3A_135] : memref<2x3x!tpu.dma_semaphore, #tpu.memory_space<semaphore_mem>> -> memref<1x1x!tpu.dma_semaphore, #tpu.memory_space<semaphore_mem>>
      %dma_start3A_145 = tpu.memref_squeeze %dma_start3A_144 : memref<1x1x!tpu.dma_semaphore, #tpu.memory_space<semaphore_mem>> -> memref<!tpu.dma_semaphore, #tpu.memory_space<semaphore_mem>>
      tpu.enqueue_indirect_dma source(%dma_start3A_143 : memref<10000x16xf32, #tpu.memory_space<hbm>>) target(%dma_start3A_139 : memref<80x16xf32, #tpu.memory_space<vmem>>) offsets(%dma_start3A_140 : memref<80xi32, #tpu.memory_space<vmem>>) semaphore(%dma_start3A_145 : memref<!tpu.dma_semaphore, #tpu.memory_space<semaphore_mem>>)
      %mul3A_146 = arith.constant 80 : i32
      %mul3A_147 = arith.muli %add3A_130, %mul3A_146 : i32
      %dma_start3A_148 = arith.constant 1 : i32
      %dma_start3A_149 = arith.constant 1 : i32
      %dma_start3A_150 = arith.constant 1 : i32
      %dma_start3A_151 = arith.constant 0 : i32
      %dma_start3A_152 = arith.constant 0 : i32
      %dma_start3A_153 = tpu.memref_slice %arg11[%dma_start3A_148, %dma_start3A_151, %dma_start3A_152] : memref<2x80x64xf32, #tpu.memory_space<vmem>> -> memref<1x80x64xf32, #tpu.memory_space<vmem>>
      %dma_start3A_154 = tpu.memref_squeeze %dma_start3A_153 : memref<1x80x64xf32, #tpu.memory_space<vmem>> -> memref<80x64xf32, #tpu.memory_space<vmem>>
      %dma_start3A_155 = tpu.memref_slice %arg8[%mul3A_147] : memref<10000xi32, #tpu.memory_space<vmem>> -> memref<80xi32, #tpu.memory_space<vmem>>
      %dma_start3A_156 = arith.constant 0 : i32
      %dma_start3A_157 = arith.constant 0 : i32
      %dma_start3A_158 = tpu.memref_slice %arg3[%dma_start3A_156, %dma_start3A_157] : memref<640000x64xf32, #tpu.memory_space<hbm>> -> memref<640000x64xf32, #tpu.memory_space<hbm>>
      %dma_start3A_159 = tpu.memref_slice %arg15[%dma_start3A_149, %dma_start3A_150] : memref<2x3x!tpu.dma_semaphore, #tpu.memory_space<semaphore_mem>> -> memref<1x1x!tpu.dma_semaphore, #tpu.memory_space<semaphore_mem>>
      %dma_start3A_160 = tpu.memref_squeeze %dma_start3A_159 : memref<1x1x!tpu.dma_semaphore, #tpu.memory_space<semaphore_mem>> -> memref<!tpu.dma_semaphore, #tpu.memory_space<semaphore_mem>>
      tpu.enqueue_indirect_dma source(%dma_start3A_158 : memref<640000x64xf32, #tpu.memory_space<hbm>>) target(%dma_start3A_154 : memref<80x64xf32, #tpu.memory_space<vmem>>) offsets(%dma_start3A_155 : memref<80xi32, #tpu.memory_space<vmem>>) semaphore(%dma_start3A_160 : memref<!tpu.dma_semaphore, #tpu.memory_space<semaphore_mem>>)
      %mul3A_161 = arith.constant 80 : i32
      %mul3A_162 = arith.muli %add3A_130, %mul3A_161 : i32
      %add3A_163 = arith.addi %mul3A_2, %mul3A_162 : i32
      %dma_start3A_164 = arith.constant 1 : i32
      %dma_start3A_165 = arith.constant 1 : i32
      %dma_start3A_166 = arith.constant 2 : i32
      %dma_start3A_167 = arith.constant 0 : i32
      %dma_start3A_168 = tpu.memref_slice %arg9[%dma_start3A_164, %dma_start3A_167] : memref<2x80xi32, #tpu.memory_space<vmem>> -> memref<1x80xi32, #tpu.memory_space<vmem>>
      %dma_start3A_169 = tpu.memref_squeeze %dma_start3A_168 : memref<1x80xi32, #tpu.memory_space<vmem>> -> memref<80xi32, #tpu.memory_space<vmem>>
      %dma_start3A_170 = tpu.memref_slice %arg5[%add3A_163] : memref<320000xi32, #tpu.memory_space<hbm>> -> memref<80xi32, #tpu.memory_space<hbm>>
      %dma_start3A_171 = tpu.memref_slice %arg15[%dma_start3A_165, %dma_start3A_166] : memref<2x3x!tpu.dma_semaphore, #tpu.memory_space<semaphore_mem>> -> memref<1x1x!tpu.dma_semaphore, #tpu.memory_space<semaphore_mem>>
      %dma_start3A_172 = tpu.memref_squeeze %dma_start3A_171 : memref<1x1x!tpu.dma_semaphore, #tpu.memory_space<semaphore_mem>> -> memref<!tpu.dma_semaphore, #tpu.memory_space<semaphore_mem>>
      %dma_start3A_173 = arith.constant 0 : i32
      %dma_start3A_174 = tpu.memref_slice %arg9[%dma_start3A_164, %dma_start3A_173] : memref<2x80xi32, #tpu.memory_space<vmem>> -> memref<1x80xi32, #tpu.memory_space<vmem>>
      %dma_start3A_175 = tpu.memref_squeeze %dma_start3A_174 : memref<1x80xi32, #tpu.memory_space<vmem>> -> memref<80xi32, #tpu.memory_space<vmem>>
      %dma_start3A_176 = tpu.memref_slice %arg5[%add3A_163] : memref<320000xi32, #tpu.memory_space<hbm>> -> memref<80xi32, #tpu.memory_space<hbm>>
      tpu.enqueue_dma source(%dma_start3A_176 : memref<80xi32, #tpu.memory_space<hbm>>) target(%dma_start3A_175 : memref<80xi32, #tpu.memory_space<vmem>>) target_semaphore(%dma_start3A_172 : memref<!tpu.dma_semaphore, #tpu.memory_space<semaphore_mem>>)
      %mul3A_177 = arith.constant 80 : i32
      %mul3A_178 = arith.muli %mul3A_128, %mul3A_177 : i32
      %dma_wait3A_179 = arith.constant 0 : i32
      %dma_wait3A_180 = arith.constant 0 : i32
      %dma_wait3A_181 = arith.constant 0 : i32
      %dma_wait3A_182 = arith.constant 0 : i32
      %dma_wait3A_183 = arith.constant 0 : i32
      %dma_wait3A_184 = tpu.memref_slice %arg10[%dma_wait3A_179, %dma_wait3A_182, %dma_wait3A_183] : memref<2x80x16xf32, #tpu.memory_space<vmem>> -> memref<1x80x16xf32, #tpu.memory_space<vmem>>
      %dma_wait3A_185 = tpu.memref_squeeze %dma_wait3A_184 : memref<1x80x16xf32, #tpu.memory_space<vmem>> -> memref<80x16xf32, #tpu.memory_space<vmem>>
      %dma_wait3A_186 = tpu.memref_slice %arg7[%mul3A_178] : memref<10000xi32, #tpu.memory_space<vmem>> -> memref<80xi32, #tpu.memory_space<vmem>>
      %dma_wait3A_187 = arith.constant 0 : i32
      %dma_wait3A_188 = arith.constant 0 : i32
      %dma_wait3A_189 = tpu.memref_slice %arg2[%dma_wait3A_187, %dma_wait3A_188] : memref<10000x16xf32, #tpu.memory_space<hbm>> -> memref<10000x16xf32, #tpu.memory_space<hbm>>
      %dma_wait3A_190 = tpu.memref_slice %arg15[%dma_wait3A_180, %dma_wait3A_181] : memref<2x3x!tpu.dma_semaphore, #tpu.memory_space<semaphore_mem>> -> memref<1x1x!tpu.dma_semaphore, #tpu.memory_space<semaphore_mem>>
      %dma_wait3A_191 = tpu.memref_squeeze %dma_wait3A_190 : memref<1x1x!tpu.dma_semaphore, #tpu.memory_space<semaphore_mem>> -> memref<!tpu.dma_semaphore, #tpu.memory_space<semaphore_mem>>
      tpu.wait_indirect_dma semaphore(%dma_wait3A_191 : memref<!tpu.dma_semaphore, #tpu.memory_space<semaphore_mem>>) src(%dma_wait3A_189 : memref<10000x16xf32, #tpu.memory_space<hbm>>) dst(%dma_wait3A_185 : memref<80x16xf32, #tpu.memory_space<vmem>>)
      %mul3A_192 = arith.constant 80 : i32
      %mul3A_193 = arith.muli %mul3A_128, %mul3A_192 : i32
      %dma_wait3A_194 = arith.constant 0 : i32
      %dma_wait3A_195 = arith.constant 0 : i32
      %dma_wait3A_196 = arith.constant 1 : i32
      %dma_wait3A_197 = arith.constant 0 : i32
      %dma_wait3A_198 = arith.constant 0 : i32
      %dma_wait3A_199 = tpu.memref_slice %arg11[%dma_wait3A_194, %dma_wait3A_197, %dma_wait3A_198] : memref<2x80x64xf32, #tpu.memory_space<vmem>> -> memref<1x80x64xf32, #tpu.memory_space<vmem>>
      %dma_wait3A_200 = tpu.memref_squeeze %dma_wait3A_199 : memref<1x80x64xf32, #tpu.memory_space<vmem>> -> memref<80x64xf32, #tpu.memory_space<vmem>>
      %dma_wait3A_201 = tpu.memref_slice %arg8[%mul3A_193] : memref<10000xi32, #tpu.memory_space<vmem>> -> memref<80xi32, #tpu.memory_space<vmem>>
      %dma_wait3A_202 = arith.constant 0 : i32
      %dma_wait3A_203 = arith.constant 0 : i32
      %dma_wait3A_204 = tpu.memref_slice %arg3[%dma_wait3A_202, %dma_wait3A_203] : memref<640000x64xf32, #tpu.memory_space<hbm>> -> memref<640000x64xf32, #tpu.memory_space<hbm>>
      %dma_wait3A_205 = tpu.memref_slice %arg15[%dma_wait3A_195, %dma_wait3A_196] : memref<2x3x!tpu.dma_semaphore, #tpu.memory_space<semaphore_mem>> -> memref<1x1x!tpu.dma_semaphore, #tpu.memory_space<semaphore_mem>>
      %dma_wait3A_206 = tpu.memref_squeeze %dma_wait3A_205 : memref<1x1x!tpu.dma_semaphore, #tpu.memory_space<semaphore_mem>> -> memref<!tpu.dma_semaphore, #tpu.memory_space<semaphore_mem>>
      tpu.wait_indirect_dma semaphore(%dma_wait3A_206 : memref<!tpu.dma_semaphore, #tpu.memory_space<semaphore_mem>>) src(%dma_wait3A_204 : memref<640000x64xf32, #tpu.memory_space<hbm>>) dst(%dma_wait3A_200 : memref<80x64xf32, #tpu.memory_space<vmem>>)
      %mul3A_207 = arith.constant 80 : i32
      %mul3A_208 = arith.muli %mul3A_128, %mul3A_207 : i32
      %add3A_209 = arith.addi %mul3A_2, %mul3A_208 : i32
      %dma_wait3A_210 = arith.constant 0 : i32
      %dma_wait3A_211 = arith.constant 0 : i32
      %dma_wait3A_212 = arith.constant 2 : i32
      %dma_wait3A_213 = arith.constant 0 : i32
      %dma_wait3A_214 = tpu.memref_slice %arg9[%dma_wait3A_210, %dma_wait3A_213] : memref<2x80xi32, #tpu.memory_space<vmem>> -> memref<1x80xi32, #tpu.memory_space<vmem>>
      %dma_wait3A_215 = tpu.memref_squeeze %dma_wait3A_214 : memref<1x80xi32, #tpu.memory_space<vmem>> -> memref<80xi32, #tpu.memory_space<vmem>>
      %dma_wait3A_216 = tpu.memref_slice %arg5[%add3A_209] : memref<320000xi32, #tpu.memory_space<hbm>> -> memref<80xi32, #tpu.memory_space<hbm>>
      %dma_wait3A_217 = tpu.memref_slice %arg15[%dma_wait3A_211, %dma_wait3A_212] : memref<2x3x!tpu.dma_semaphore, #tpu.memory_space<semaphore_mem>> -> memref<1x1x!tpu.dma_semaphore, #tpu.memory_space<semaphore_mem>>
      %dma_wait3A_218 = tpu.memref_squeeze %dma_wait3A_217 : memref<1x1x!tpu.dma_semaphore, #tpu.memory_space<semaphore_mem>> -> memref<!tpu.dma_semaphore, #tpu.memory_space<semaphore_mem>>
      %dma_wait3A_219 = arith.constant 0 : i32
      %dma_wait3A_220 = tpu.memref_slice %arg9[%dma_wait3A_210, %dma_wait3A_219] : memref<2x80xi32, #tpu.memory_space<vmem>> -> memref<1x80xi32, #tpu.memory_space<vmem>>
      %dma_wait3A_221 = tpu.memref_squeeze %dma_wait3A_220 : memref<1x80xi32, #tpu.memory_space<vmem>> -> memref<80xi32, #tpu.memory_space<vmem>>
      %dma_wait3A_222 = tpu.memref_slice %arg5[%add3A_209] : memref<320000xi32, #tpu.memory_space<hbm>> -> memref<80xi32, #tpu.memory_space<hbm>>
      tpu.wait_dma2 semaphore(%dma_wait3A_218 : memref<!tpu.dma_semaphore, #tpu.memory_space<semaphore_mem>>) src(%dma_wait3A_222 : memref<80xi32, #tpu.memory_space<hbm>>) dst(%dma_wait3A_221 : memref<80xi32, #tpu.memory_space<vmem>>)
      %scan3A_223 = arith.constant 0 : i32
      %scan3A_224 = arith.constant 0 : i32
      %scan3A_225 = arith.constant 80 : i32
      %scan3A_226 = arith.addi %scan3A_224, %scan3A_225 : i32
      %scan3A_227 = arith.constant 1 : i32
      scf.for %scan3A_291 = %scan3A_224 to %scan3A_226 step %scan3A_227  : i32 {
        %get3A = arith.constant 0 : i32
        %get3A_292 = arith.index_cast %get3A : i32 to index
        %get3A_293 = arith.index_cast %scan3A_291 : i32 to index
        %get3A_294 = arith.constant 0 : index
        %get3A_295 = tpu.vector_load %arg10[%get3A_292, %get3A_293, %get3A_294] {strides = array<i32>} : memref<2x80x16xf32, #tpu.memory_space<vmem>>, vector<1x1x16xf32>,
        %get3A_296 = vector.shape_cast %get3A_295 : vector<1x1x16xf32> to vector<16xf32>
        %get3A_297 = arith.constant 0 : i32
        %get3A_298 = arith.index_cast %get3A_297 : i32 to index
        %get3A_299 = arith.index_cast %scan3A_291 : i32 to index
        %get3A_300 = arith.constant 0 : index
        %get3A_301 = tpu.vector_load %arg11[%get3A_298, %get3A_299, %get3A_300] {strides = array<i32>} : memref<2x80x64xf32, #tpu.memory_space<vmem>>, vector<1x1x16xf32>,
        %get3A_302 = vector.shape_cast %get3A_301 : vector<1x1x16xf32> to vector<16xf32>
        %add3A_303 = arith.addf %get3A_302, %get3A_296 : vector<16xf32>
        %max3A = arith.constant 0.000000e+00 : f32
        %max3A_304 = vector.broadcast %max3A : f32 to vector<16xf32>
        %max3A_305 = arith.maximumf %add3A_303, %max3A_304 : vector<16xf32>
        %swap3A = arith.constant 0 : i32
        %swap3A_306 = arith.index_cast %swap3A : i32 to index
        %swap3A_307 = arith.index_cast %scan3A_291 : i32 to index
        %swap3A_308 = arith.constant 0 : index
        %swap3A_309 = tpu.vector_load %arg12[%swap3A_306, %swap3A_307, %swap3A_308] {strides = array<i32>} : memref<2x80x48xf32, #tpu.memory_space<vmem>>, vector<1x1x16xf32>,
        %swap3A_310 = vector.shape_cast %swap3A_309 : vector<1x1x16xf32> to vector<16xf32>
        %swap3A_311 = vector.shape_cast %max3A_305 : vector<16xf32> to vector<1x1x16xf32>
        tpu.vector_store %arg12[%swap3A_306, %swap3A_307, %swap3A_308], %swap3A_311 {strides = array<i32>} : memref<2x80x48xf32, #tpu.memory_space<vmem>>, vector<1x1x16xf32>,
        %get3A_312 = arith.constant 0 : i32
        %get3A_313 = arith.index_cast %get3A_312 : i32 to index
        %get3A_314 = arith.index_cast %scan3A_291 : i32 to index
        %get3A_315 = arith.constant 16 : index
        %get3A_316 = tpu.vector_load %arg11[%get3A_313, %get3A_314, %get3A_315] {strides = array<i32>} : memref<2x80x64xf32, #tpu.memory_space<vmem>>, vector<1x1x16xf32>,
        %get3A_317 = vector.shape_cast %get3A_316 : vector<1x1x16xf32> to vector<16xf32>
        %add3A_318 = arith.addf %get3A_317, %get3A_296 : vector<16xf32>
        %max3A_319 = arith.constant 0.000000e+00 : f32
        %max3A_320 = vector.broadcast %max3A_319 : f32 to vector<16xf32>
        %max3A_321 = arith.maximumf %add3A_318, %max3A_320 : vector<16xf32>
        %swap3A_322 = arith.constant 0 : i32
        %swap3A_323 = arith.index_cast %swap3A_322 : i32 to index
        %swap3A_324 = arith.index_cast %scan3A_291 : i32 to index
        %swap3A_325 = arith.constant 16 : index
        %swap3A_326 = tpu.vector_load %arg12[%swap3A_323, %swap3A_324, %swap3A_325] {strides = array<i32>} : memref<2x80x48xf32, #tpu.memory_space<vmem>>, vector<1x1x16xf32>,
        %swap3A_327 = vector.shape_cast %swap3A_326 : vector<1x1x16xf32> to vector<16xf32>
        %swap3A_328 = vector.shape_cast %max3A_321 : vector<16xf32> to vector<1x1x16xf32>
        tpu.vector_store %arg12[%swap3A_323, %swap3A_324, %swap3A_325], %swap3A_328 {strides = array<i32>} : memref<2x80x48xf32, #tpu.memory_space<vmem>>, vector<1x1x16xf32>,
        %get3A_329 = arith.constant 0 : i32
        %get3A_330 = arith.index_cast %get3A_329 : i32 to index
        %get3A_331 = arith.index_cast %scan3A_291 : i32 to index
        %get3A_332 = arith.constant 32 : index
        %get3A_333 = tpu.vector_load %arg11[%get3A_330, %get3A_331, %get3A_332] {strides = array<i32>} : memref<2x80x64xf32, #tpu.memory_space<vmem>>, vector<1x1x16xf32>,
        %get3A_334 = vector.shape_cast %get3A_333 : vector<1x1x16xf32> to vector<16xf32>
        %add3A_335 = arith.addf %get3A_334, %get3A_296 : vector<16xf32>
        %max3A_336 = arith.constant 0.000000e+00 : f32
        %max3A_337 = vector.broadcast %max3A_336 : f32 to vector<16xf32>
        %max3A_338 = arith.maximumf %add3A_335, %max3A_337 : vector<16xf32>
        %swap3A_339 = arith.constant 0 : i32
        %swap3A_340 = arith.index_cast %swap3A_339 : i32 to index
        %swap3A_341 = arith.index_cast %scan3A_291 : i32 to index
        %swap3A_342 = arith.constant 32 : index
        %swap3A_343 = tpu.vector_load %arg12[%swap3A_340, %swap3A_341, %swap3A_342] {strides = array<i32>} : memref<2x80x48xf32, #tpu.memory_space<vmem>>, vector<1x1x16xf32>,
        %swap3A_344 = vector.shape_cast %swap3A_343 : vector<1x1x16xf32> to vector<16xf32>
        %swap3A_345 = vector.shape_cast %max3A_338 : vector<16xf32> to vector<1x1x16xf32>
        tpu.vector_store %arg12[%swap3A_340, %swap3A_341, %swap3A_342], %swap3A_345 {strides = array<i32>} : memref<2x80x48xf32, #tpu.memory_space<vmem>>, vector<1x1x16xf32>,
      }
      %scan3A_228 = arith.constant 80 : i32
      %run_scoped3A_229 = arith.constant 0 : i32
      %run_scoped3A_230 = arith.constant 0 : i32
      "tpu.region"() ({
        %run_scoped3A_291 = tpu.sem_alloc : memref<!tpu.dma_semaphore, #tpu.memory_space<semaphore_mem>>
        %dma_start3A_292 = arith.constant 0 : i32
        %dma_start3A_293 = arith.constant 0 : i32
        %dma_start3A_294 = tpu.memref_slice %arg12[%run_scoped3A_229, %dma_start3A_292, %dma_start3A_293] : memref<2x80x48xf32, #tpu.memory_space<vmem>> -> memref<1x80x48xf32, #tpu.memory_space<vmem>>
        %dma_start3A_295 = tpu.memref_squeeze %dma_start3A_294 : memref<1x80x48xf32, #tpu.memory_space<vmem>> -> memref<80x48xf32, #tpu.memory_space<vmem>>
        %dma_start3A_296 = arith.constant 0 : i32
        %dma_start3A_297 = tpu.memref_slice %arg9[%run_scoped3A_230, %dma_start3A_296] : memref<2x80xi32, #tpu.memory_space<vmem>> -> memref<1x80xi32, #tpu.memory_space<vmem>>
        %dma_start3A_298 = tpu.memref_squeeze %dma_start3A_297 : memref<1x80xi32, #tpu.memory_space<vmem>> -> memref<80xi32, #tpu.memory_space<vmem>>
        %dma_start3A_299 = arith.constant 0 : i32
        %dma_start3A_300 = arith.constant 0 : i32
        %dma_start3A_301 = tpu.memref_slice %arg14[%dma_start3A_299, %dma_start3A_300] : memref<10000x48xf32, #tpu.memory_space<vmem_shared>> -> memref<10000x48xf32, #tpu.memory_space<vmem_shared>>
        tpu.enqueue_indirect_dma source(%dma_start3A_295 : memref<80x48xf32, #tpu.memory_space<vmem>>) target(%dma_start3A_301 : memref<10000x48xf32, #tpu.memory_space<vmem_shared>>) offsets(%dma_start3A_298 : memref<80xi32, #tpu.memory_space<vmem>>) semaphore(%run_scoped3A_291 : memref<!tpu.dma_semaphore, #tpu.memory_space<semaphore_mem>>) {add = true}
        %dma_wait3A_302 = arith.constant 0 : i32
        %dma_wait3A_303 = arith.constant 0 : i32
        %dma_wait3A_304 = tpu.memref_slice %arg12[%run_scoped3A_229, %dma_wait3A_302, %dma_wait3A_303] : memref<2x80x48xf32, #tpu.memory_space<vmem>> -> memref<1x80x48xf32, #tpu.memory_space<vmem>>
        %dma_wait3A_305 = tpu.memref_squeeze %dma_wait3A_304 : memref<1x80x48xf32, #tpu.memory_space<vmem>> -> memref<80x48xf32, #tpu.memory_space<vmem>>
        %dma_wait3A_306 = arith.constant 0 : i32
        %dma_wait3A_307 = tpu.memref_slice %arg9[%run_scoped3A_230, %dma_wait3A_306] : memref<2x80xi32, #tpu.memory_space<vmem>> -> memref<1x80xi32, #tpu.memory_space<vmem>>
        %dma_wait3A_308 = tpu.memref_squeeze %dma_wait3A_307 : memref<1x80xi32, #tpu.memory_space<vmem>> -> memref<80xi32, #tpu.memory_space<vmem>>
        %dma_wait3A_309 = arith.constant 0 : i32
        %dma_wait3A_310 = arith.constant 0 : i32
        %dma_wait3A_311 = tpu.memref_slice %arg14[%dma_wait3A_309, %dma_wait3A_310] : memref<10000x48xf32, #tpu.memory_space<vmem_shared>> -> memref<10000x48xf32, #tpu.memory_space<vmem_shared>>
        tpu.wait_indirect_dma semaphore(%run_scoped3A_291 : memref<!tpu.dma_semaphore, #tpu.memory_space<semaphore_mem>>) src(%dma_wait3A_305 : memref<80x48xf32, #tpu.memory_space<vmem>>) dst(%dma_wait3A_311 : memref<10000x48xf32, #tpu.memory_space<vmem_shared>>)
        tpu.yield
      }) : () -> ()
      %add3A_231 = arith.constant 2 : i32
      %add3A_232 = arith.addi %mul3A_128, %add3A_231 : i32
      %lt3A = arith.constant 125 : i32
      %lt3A_233 = arith.cmpi slt, %add3A_232, %lt3A : i32
      %convert_element_type3A = arith.extui %lt3A_233 : i1 to i32
      %cond3A = arith.constant 0 : i32
      %cond3A_234 = arith.cmpi ne, %convert_element_type3A, %cond3A : i32
      scf.if %cond3A_234 {
        %add3A_291 = arith.constant 2 : i32
        %add3A_292 = arith.addi %mul3A_128, %add3A_291 : i32
        %mul3A_293 = arith.constant 80 : i32
        %mul3A_294 = arith.muli %add3A_292, %mul3A_293 : i32
        %dma_start3A_295 = arith.constant 0 : i32
        %dma_start3A_296 = arith.constant 0 : i32
        %dma_start3A_297 = arith.constant 0 : i32
        %dma_start3A_298 = arith.constant 0 : i32
        %dma_start3A_299 = arith.constant 0 : i32
        %dma_start3A_300 = tpu.memref_slice %arg10[%dma_start3A_295, %dma_start3A_298, %dma_start3A_299] : memref<2x80x16xf32, #tpu.memory_space<vmem>> -> memref<1x80x16xf32, #tpu.memory_space<vmem>>
        %dma_start3A_301 = tpu.memref_squeeze %dma_start3A_300 : memref<1x80x16xf32, #tpu.memory_space<vmem>> -> memref<80x16xf32, #tpu.memory_space<vmem>>
        %dma_start3A_302 = tpu.memref_slice %arg7[%mul3A_294] : memref<10000xi32, #tpu.memory_space<vmem>> -> memref<80xi32, #tpu.memory_space<vmem>>
        %dma_start3A_303 = arith.constant 0 : i32
        %dma_start3A_304 = arith.constant 0 : i32
        %dma_start3A_305 = tpu.memref_slice %arg2[%dma_start3A_303, %dma_start3A_304] : memref<10000x16xf32, #tpu.memory_space<hbm>> -> memref<10000x16xf32, #tpu.memory_space<hbm>>
        %dma_start3A_306 = tpu.memref_slice %arg15[%dma_start3A_296, %dma_start3A_297] : memref<2x3x!tpu.dma_semaphore, #tpu.memory_space<semaphore_mem>> -> memref<1x1x!tpu.dma_semaphore, #tpu.memory_space<semaphore_mem>>
        %dma_start3A_307 = tpu.memref_squeeze %dma_start3A_306 : memref<1x1x!tpu.dma_semaphore, #tpu.memory_space<semaphore_mem>> -> memref<!tpu.dma_semaphore, #tpu.memory_space<semaphore_mem>>
        tpu.enqueue_indirect_dma source(%dma_start3A_305 : memref<10000x16xf32, #tpu.memory_space<hbm>>) target(%dma_start3A_301 : memref<80x16xf32, #tpu.memory_space<vmem>>) offsets(%dma_start3A_302 : memref<80xi32, #tpu.memory_space<vmem>>) semaphore(%dma_start3A_307 : memref<!tpu.dma_semaphore, #tpu.memory_space<semaphore_mem>>)
        %mul3A_308 = arith.constant 80 : i32
        %mul3A_309 = arith.muli %add3A_292, %mul3A_308 : i32
        %dma_start3A_310 = arith.constant 0 : i32
        %dma_start3A_311 = arith.constant 0 : i32
        %dma_start3A_312 = arith.constant 1 : i32
        %dma_start3A_313 = arith.constant 0 : i32
        %dma_start3A_314 = arith.constant 0 : i32
        %dma_start3A_315 = tpu.memref_slice %arg11[%dma_start3A_310, %dma_start3A_313, %dma_start3A_314] : memref<2x80x64xf32, #tpu.memory_space<vmem>> -> memref<1x80x64xf32, #tpu.memory_space<vmem>>
        %dma_start3A_316 = tpu.memref_squeeze %dma_start3A_315 : memref<1x80x64xf32, #tpu.memory_space<vmem>> -> memref<80x64xf32, #tpu.memory_space<vmem>>
        %dma_start3A_317 = tpu.memref_slice %arg8[%mul3A_309] : memref<10000xi32, #tpu.memory_space<vmem>> -> memref<80xi32, #tpu.memory_space<vmem>>
        %dma_start3A_318 = arith.constant 0 : i32
        %dma_start3A_319 = arith.constant 0 : i32
        %dma_start3A_320 = tpu.memref_slice %arg3[%dma_start3A_318, %dma_start3A_319] : memref<640000x64xf32, #tpu.memory_space<hbm>> -> memref<640000x64xf32, #tpu.memory_space<hbm>>
        %dma_start3A_321 = tpu.memref_slice %arg15[%dma_start3A_311, %dma_start3A_312] : memref<2x3x!tpu.dma_semaphore, #tpu.memory_space<semaphore_mem>> -> memref<1x1x!tpu.dma_semaphore, #tpu.memory_space<semaphore_mem>>
        %dma_start3A_322 = tpu.memref_squeeze %dma_start3A_321 : memref<1x1x!tpu.dma_semaphore, #tpu.memory_space<semaphore_mem>> -> memref<!tpu.dma_semaphore, #tpu.memory_space<semaphore_mem>>
        tpu.enqueue_indirect_dma source(%dma_start3A_320 : memref<640000x64xf32, #tpu.memory_space<hbm>>) target(%dma_start3A_316 : memref<80x64xf32, #tpu.memory_space<vmem>>) offsets(%dma_start3A_317 : memref<80xi32, #tpu.memory_space<vmem>>) semaphore(%dma_start3A_322 : memref<!tpu.dma_semaphore, #tpu.memory_space<semaphore_mem>>)
        %mul3A_323 = arith.constant 80 : i32
        %mul3A_324 = arith.muli %add3A_292, %mul3A_323 : i32
        %add3A_325 = arith.addi %mul3A_2, %mul3A_324 : i32
        %dma_start3A_326 = arith.constant 0 : i32
        %dma_start3A_327 = arith.constant 0 : i32
        %dma_start3A_328 = arith.constant 2 : i32
        %dma_start3A_329 = arith.constant 0 : i32
        %dma_start3A_330 = tpu.memref_slice %arg9[%dma_start3A_326, %dma_start3A_329] : memref<2x80xi32, #tpu.memory_space<vmem>> -> memref<1x80xi32, #tpu.memory_space<vmem>>
        %dma_start3A_331 = tpu.memref_squeeze %dma_start3A_330 : memref<1x80xi32, #tpu.memory_space<vmem>> -> memref<80xi32, #tpu.memory_space<vmem>>
        %dma_start3A_332 = tpu.memref_slice %arg5[%add3A_325] : memref<320000xi32, #tpu.memory_space<hbm>> -> memref<80xi32, #tpu.memory_space<hbm>>
        %dma_start3A_333 = tpu.memref_slice %arg15[%dma_start3A_327, %dma_start3A_328] : memref<2x3x!tpu.dma_semaphore, #tpu.memory_space<semaphore_mem>> -> memref<1x1x!tpu.dma_semaphore, #tpu.memory_space<semaphore_mem>>
        %dma_start3A_334 = tpu.memref_squeeze %dma_start3A_333 : memref<1x1x!tpu.dma_semaphore, #tpu.memory_space<semaphore_mem>> -> memref<!tpu.dma_semaphore, #tpu.memory_space<semaphore_mem>>
        %dma_start3A_335 = arith.constant 0 : i32
        %dma_start3A_336 = tpu.memref_slice %arg9[%dma_start3A_326, %dma_start3A_335] : memref<2x80xi32, #tpu.memory_space<vmem>> -> memref<1x80xi32, #tpu.memory_space<vmem>>
        %dma_start3A_337 = tpu.memref_squeeze %dma_start3A_336 : memref<1x80xi32, #tpu.memory_space<vmem>> -> memref<80xi32, #tpu.memory_space<vmem>>
        %dma_start3A_338 = tpu.memref_slice %arg5[%add3A_325] : memref<320000xi32, #tpu.memory_space<hbm>> -> memref<80xi32, #tpu.memory_space<hbm>>
        tpu.enqueue_dma source(%dma_start3A_338 : memref<80xi32, #tpu.memory_space<hbm>>) target(%dma_start3A_337 : memref<80xi32, #tpu.memory_space<vmem>>) target_semaphore(%dma_start3A_334 : memref<!tpu.dma_semaphore, #tpu.memory_space<semaphore_mem>>)
      } else {
      }
      %add3A_235 = arith.constant 1 : i32
      %add3A_236 = arith.addi %mul3A_128, %add3A_235 : i32
      %mul3A_237 = arith.constant 80 : i32
      %mul3A_238 = arith.muli %add3A_236, %mul3A_237 : i32
      %dma_wait3A_239 = arith.constant 1 : i32
      %dma_wait3A_240 = arith.constant 1 : i32
      %dma_wait3A_241 = arith.constant 0 : i32
      %dma_wait3A_242 = arith.constant 0 : i32
      %dma_wait3A_243 = arith.constant 0 : i32
      %dma_wait3A_244 = tpu.memref_slice %arg10[%dma_wait3A_239, %dma_wait3A_242, %dma_wait3A_243] : memref<2x80x16xf32, #tpu.memory_space<vmem>> -> memref<1x80x16xf32, #tpu.memory_space<vmem>>
      %dma_wait3A_245 = tpu.memref_squeeze %dma_wait3A_244 : memref<1x80x16xf32, #tpu.memory_space<vmem>> -> memref<80x16xf32, #tpu.memory_space<vmem>>
      %dma_wait3A_246 = tpu.memref_slice %arg7[%mul3A_238] : memref<10000xi32, #tpu.memory_space<vmem>> -> memref<80xi32, #tpu.memory_space<vmem>>
      %dma_wait3A_247 = arith.constant 0 : i32
      %dma_wait3A_248 = arith.constant 0 : i32
      %dma_wait3A_249 = tpu.memref_slice %arg2[%dma_wait3A_247, %dma_wait3A_248] : memref<10000x16xf32, #tpu.memory_space<hbm>> -> memref<10000x16xf32, #tpu.memory_space<hbm>>
      %dma_wait3A_250 = tpu.memref_slice %arg15[%dma_wait3A_240, %dma_wait3A_241] : memref<2x3x!tpu.dma_semaphore, #tpu.memory_space<semaphore_mem>> -> memref<1x1x!tpu.dma_semaphore, #tpu.memory_space<semaphore_mem>>
      %dma_wait3A_251 = tpu.memref_squeeze %dma_wait3A_250 : memref<1x1x!tpu.dma_semaphore, #tpu.memory_space<semaphore_mem>> -> memref<!tpu.dma_semaphore, #tpu.memory_space<semaphore_mem>>
      tpu.wait_indirect_dma semaphore(%dma_wait3A_251 : memref<!tpu.dma_semaphore, #tpu.memory_space<semaphore_mem>>) src(%dma_wait3A_249 : memref<10000x16xf32, #tpu.memory_space<hbm>>) dst(%dma_wait3A_245 : memref<80x16xf32, #tpu.memory_space<vmem>>)
      %mul3A_252 = arith.constant 80 : i32
      %mul3A_253 = arith.muli %add3A_236, %mul3A_252 : i32
      %dma_wait3A_254 = arith.constant 1 : i32
      %dma_wait3A_255 = arith.constant 1 : i32
      %dma_wait3A_256 = arith.constant 1 : i32
      %dma_wait3A_257 = arith.constant 0 : i32
      %dma_wait3A_258 = arith.constant 0 : i32
      %dma_wait3A_259 = tpu.memref_slice %arg11[%dma_wait3A_254, %dma_wait3A_257, %dma_wait3A_258] : memref<2x80x64xf32, #tpu.memory_space<vmem>> -> memref<1x80x64xf32, #tpu.memory_space<vmem>>
      %dma_wait3A_260 = tpu.memref_squeeze %dma_wait3A_259 : memref<1x80x64xf32, #tpu.memory_space<vmem>> -> memref<80x64xf32, #tpu.memory_space<vmem>>
      %dma_wait3A_261 = tpu.memref_slice %arg8[%mul3A_253] : memref<10000xi32, #tpu.memory_space<vmem>> -> memref<80xi32, #tpu.memory_space<vmem>>
      %dma_wait3A_262 = arith.constant 0 : i32
      %dma_wait3A_263 = arith.constant 0 : i32
      %dma_wait3A_264 = tpu.memref_slice %arg3[%dma_wait3A_262, %dma_wait3A_263] : memref<640000x64xf32, #tpu.memory_space<hbm>> -> memref<640000x64xf32, #tpu.memory_space<hbm>>
      %dma_wait3A_265 = tpu.memref_slice %arg15[%dma_wait3A_255, %dma_wait3A_256] : memref<2x3x!tpu.dma_semaphore, #tpu.memory_space<semaphore_mem>> -> memref<1x1x!tpu.dma_semaphore, #tpu.memory_space<semaphore_mem>>
      %dma_wait3A_266 = tpu.memref_squeeze %dma_wait3A_265 : memref<1x1x!tpu.dma_semaphore, #tpu.memory_space<semaphore_mem>> -> memref<!tpu.dma_semaphore, #tpu.memory_space<semaphore_mem>>
      tpu.wait_indirect_dma semaphore(%dma_wait3A_266 : memref<!tpu.dma_semaphore, #tpu.memory_space<semaphore_mem>>) src(%dma_wait3A_264 : memref<640000x64xf32, #tpu.memory_space<hbm>>) dst(%dma_wait3A_260 : memref<80x64xf32, #tpu.memory_space<vmem>>)
      %mul3A_267 = arith.constant 80 : i32
      %mul3A_268 = arith.muli %add3A_236, %mul3A_267 : i32
      %add3A_269 = arith.addi %mul3A_2, %mul3A_268 : i32
      %dma_wait3A_270 = arith.constant 1 : i32
      %dma_wait3A_271 = arith.constant 1 : i32
      %dma_wait3A_272 = arith.constant 2 : i32
      %dma_wait3A_273 = arith.constant 0 : i32
      %dma_wait3A_274 = tpu.memref_slice %arg9[%dma_wait3A_270, %dma_wait3A_273] : memref<2x80xi32, #tpu.memory_space<vmem>> -> memref<1x80xi32, #tpu.memory_space<vmem>>
      %dma_wait3A_275 = tpu.memref_squeeze %dma_wait3A_274 : memref<1x80xi32, #tpu.memory_space<vmem>> -> memref<80xi32, #tpu.memory_space<vmem>>
      %dma_wait3A_276 = tpu.memref_slice %arg5[%add3A_269] : memref<320000xi32, #tpu.memory_space<hbm>> -> memref<80xi32, #tpu.memory_space<hbm>>
      %dma_wait3A_277 = tpu.memref_slice %arg15[%dma_wait3A_271, %dma_wait3A_272] : memref<2x3x!tpu.dma_semaphore, #tpu.memory_space<semaphore_mem>> -> memref<1x1x!tpu.dma_semaphore, #tpu.memory_space<semaphore_mem>>
      %dma_wait3A_278 = tpu.memref_squeeze %dma_wait3A_277 : memref<1x1x!tpu.dma_semaphore, #tpu.memory_space<semaphore_mem>> -> memref<!tpu.dma_semaphore, #tpu.memory_space<semaphore_mem>>
      %dma_wait3A_279 = arith.constant 0 : i32
      %dma_wait3A_280 = tpu.memref_slice %arg9[%dma_wait3A_270, %dma_wait3A_279] : memref<2x80xi32, #tpu.memory_space<vmem>> -> memref<1x80xi32, #tpu.memory_space<vmem>>
      %dma_wait3A_281 = tpu.memref_squeeze %dma_wait3A_280 : memref<1x80xi32, #tpu.memory_space<vmem>> -> memref<80xi32, #tpu.memory_space<vmem>>
      %dma_wait3A_282 = tpu.memref_slice %arg5[%add3A_269] : memref<320000xi32, #tpu.memory_space<hbm>> -> memref<80xi32, #tpu.memory_space<hbm>>
      tpu.wait_dma2 semaphore(%dma_wait3A_278 : memref<!tpu.dma_semaphore, #tpu.memory_space<semaphore_mem>>) src(%dma_wait3A_282 : memref<80xi32, #tpu.memory_space<hbm>>) dst(%dma_wait3A_281 : memref<80xi32, #tpu.memory_space<vmem>>)
      %scan3A_283 = arith.constant 0 : i32
      %scan3A_284 = arith.constant 0 : i32
      %scan3A_285 = arith.constant 80 : i32
      %scan3A_286 = arith.addi %scan3A_284, %scan3A_285 : i32
      %scan3A_287 = arith.constant 1 : i32
      scf.for %scan3A_291 = %scan3A_284 to %scan3A_286 step %scan3A_287  : i32 {
        %get3A = arith.constant 1 : i32
        %get3A_292 = arith.index_cast %get3A : i32 to index
        %get3A_293 = arith.index_cast %scan3A_291 : i32 to index
        %get3A_294 = arith.constant 0 : index
        %get3A_295 = tpu.vector_load %arg10[%get3A_292, %get3A_293, %get3A_294] {strides = array<i32>} : memref<2x80x16xf32, #tpu.memory_space<vmem>>, vector<1x1x16xf32>,
        %get3A_296 = vector.shape_cast %get3A_295 : vector<1x1x16xf32> to vector<16xf32>
        %get3A_297 = arith.constant 1 : i32
        %get3A_298 = arith.index_cast %get3A_297 : i32 to index
        %get3A_299 = arith.index_cast %scan3A_291 : i32 to index
        %get3A_300 = arith.constant 0 : index
        %get3A_301 = tpu.vector_load %arg11[%get3A_298, %get3A_299, %get3A_300] {strides = array<i32>} : memref<2x80x64xf32, #tpu.memory_space<vmem>>, vector<1x1x16xf32>,
        %get3A_302 = vector.shape_cast %get3A_301 : vector<1x1x16xf32> to vector<16xf32>
        %add3A_303 = arith.addf %get3A_302, %get3A_296 : vector<16xf32>
        %max3A = arith.constant 0.000000e+00 : f32
        %max3A_304 = vector.broadcast %max3A : f32 to vector<16xf32>
        %max3A_305 = arith.maximumf %add3A_303, %max3A_304 : vector<16xf32>
        %swap3A = arith.constant 1 : i32
        %swap3A_306 = arith.index_cast %swap3A : i32 to index
        %swap3A_307 = arith.index_cast %scan3A_291 : i32 to index
        %swap3A_308 = arith.constant 0 : index
        %swap3A_309 = tpu.vector_load %arg12[%swap3A_306, %swap3A_307, %swap3A_308] {strides = array<i32>} : memref<2x80x48xf32, #tpu.memory_space<vmem>>, vector<1x1x16xf32>,
        %swap3A_310 = vector.shape_cast %swap3A_309 : vector<1x1x16xf32> to vector<16xf32>
        %swap3A_311 = vector.shape_cast %max3A_305 : vector<16xf32> to vector<1x1x16xf32>
        tpu.vector_store %arg12[%swap3A_306, %swap3A_307, %swap3A_308], %swap3A_311 {strides = array<i32>} : memref<2x80x48xf32, #tpu.memory_space<vmem>>, vector<1x1x16xf32>,
        %get3A_312 = arith.constant 1 : i32
        %get3A_313 = arith.index_cast %get3A_312 : i32 to index
        %get3A_314 = arith.index_cast %scan3A_291 : i32 to index
        %get3A_315 = arith.constant 16 : index
        %get3A_316 = tpu.vector_load %arg11[%get3A_313, %get3A_314, %get3A_315] {strides = array<i32>} : memref<2x80x64xf32, #tpu.memory_space<vmem>>, vector<1x1x16xf32>,
        %get3A_317 = vector.shape_cast %get3A_316 : vector<1x1x16xf32> to vector<16xf32>
        %add3A_318 = arith.addf %get3A_317, %get3A_296 : vector<16xf32>
        %max3A_319 = arith.constant 0.000000e+00 : f32
        %max3A_320 = vector.broadcast %max3A_319 : f32 to vector<16xf32>
        %max3A_321 = arith.maximumf %add3A_318, %max3A_320 : vector<16xf32>
        %swap3A_322 = arith.constant 1 : i32
        %swap3A_323 = arith.index_cast %swap3A_322 : i32 to index
        %swap3A_324 = arith.index_cast %scan3A_291 : i32 to index
        %swap3A_325 = arith.constant 16 : index
        %swap3A_326 = tpu.vector_load %arg12[%swap3A_323, %swap3A_324, %swap3A_325] {strides = array<i32>} : memref<2x80x48xf32, #tpu.memory_space<vmem>>, vector<1x1x16xf32>,
        %swap3A_327 = vector.shape_cast %swap3A_326 : vector<1x1x16xf32> to vector<16xf32>
        %swap3A_328 = vector.shape_cast %max3A_321 : vector<16xf32> to vector<1x1x16xf32>
        tpu.vector_store %arg12[%swap3A_323, %swap3A_324, %swap3A_325], %swap3A_328 {strides = array<i32>} : memref<2x80x48xf32, #tpu.memory_space<vmem>>, vector<1x1x16xf32>,
        %get3A_329 = arith.constant 1 : i32
        %get3A_330 = arith.index_cast %get3A_329 : i32 to index
        %get3A_331 = arith.index_cast %scan3A_291 : i32 to index
        %get3A_332 = arith.constant 32 : index
        %get3A_333 = tpu.vector_load %arg11[%get3A_330, %get3A_331, %get3A_332] {strides = array<i32>} : memref<2x80x64xf32, #tpu.memory_space<vmem>>, vector<1x1x16xf32>,
        %get3A_334 = vector.shape_cast %get3A_333 : vector<1x1x16xf32> to vector<16xf32>
        %add3A_335 = arith.addf %get3A_334, %get3A_296 : vector<16xf32>
        %max3A_336 = arith.constant 0.000000e+00 : f32
        %max3A_337 = vector.broadcast %max3A_336 : f32 to vector<16xf32>
        %max3A_338 = arith.maximumf %add3A_335, %max3A_337 : vector<16xf32>
        %swap3A_339 = arith.constant 1 : i32
        %swap3A_340 = arith.index_cast %swap3A_339 : i32 to index
        %swap3A_341 = arith.index_cast %scan3A_291 : i32 to index
        %swap3A_342 = arith.constant 32 : index
        %swap3A_343 = tpu.vector_load %arg12[%swap3A_340, %swap3A_341, %swap3A_342] {strides = array<i32>} : memref<2x80x48xf32, #tpu.memory_space<vmem>>, vector<1x1x16xf32>,
        %swap3A_344 = vector.shape_cast %swap3A_343 : vector<1x1x16xf32> to vector<16xf32>
        %swap3A_345 = vector.shape_cast %max3A_338 : vector<16xf32> to vector<1x1x16xf32>
        tpu.vector_store %arg12[%swap3A_340, %swap3A_341, %swap3A_342], %swap3A_345 {strides = array<i32>} : memref<2x80x48xf32, #tpu.memory_space<vmem>>, vector<1x1x16xf32>,
      }
      %scan3A_288 = arith.constant 80 : i32
      %run_scoped3A_289 = arith.constant 1 : i32
      %run_scoped3A_290 = arith.constant 1 : i32
      "tpu.region"() ({
        %run_scoped3A_291 = tpu.sem_alloc : memref<!tpu.dma_semaphore, #tpu.memory_space<semaphore_mem>>
        %dma_start3A_292 = arith.constant 0 : i32
        %dma_start3A_293 = arith.constant 0 : i32
        %dma_start3A_294 = tpu.memref_slice %arg12[%run_scoped3A_289, %dma_start3A_292, %dma_start3A_293] : memref<2x80x48xf32, #tpu.memory_space<vmem>> -> memref<1x80x48xf32, #tpu.memory_space<vmem>>
        %dma_start3A_295 = tpu.memref_squeeze %dma_start3A_294 : memref<1x80x48xf32, #tpu.memory_space<vmem>> -> memref<80x48xf32, #tpu.memory_space<vmem>>
        %dma_start3A_296 = arith.constant 0 : i32
        %dma_start3A_297 = tpu.memref_slice %arg9[%run_scoped3A_290, %dma_start3A_296] : memref<2x80xi32, #tpu.memory_space<vmem>> -> memref<1x80xi32, #tpu.memory_space<vmem>>
        %dma_start3A_298 = tpu.memref_squeeze %dma_start3A_297 : memref<1x80xi32, #tpu.memory_space<vmem>> -> memref<80xi32, #tpu.memory_space<vmem>>
        %dma_start3A_299 = arith.constant 0 : i32
        %dma_start3A_300 = arith.constant 0 : i32
        %dma_start3A_301 = tpu.memref_slice %arg14[%dma_start3A_299, %dma_start3A_300] : memref<10000x48xf32, #tpu.memory_space<vmem_shared>> -> memref<10000x48xf32, #tpu.memory_space<vmem_shared>>
        tpu.enqueue_indirect_dma source(%dma_start3A_295 : memref<80x48xf32, #tpu.memory_space<vmem>>) target(%dma_start3A_301 : memref<10000x48xf32, #tpu.memory_space<vmem_shared>>) offsets(%dma_start3A_298 : memref<80xi32, #tpu.memory_space<vmem>>) semaphore(%run_scoped3A_291 : memref<!tpu.dma_semaphore, #tpu.memory_space<semaphore_mem>>) {add = true}
        %dma_wait3A_302 = arith.constant 0 : i32
        %dma_wait3A_303 = arith.constant 0 : i32
        %dma_wait3A_304 = tpu.memref_slice %arg12[%run_scoped3A_289, %dma_wait3A_302, %dma_wait3A_303] : memref<2x80x48xf32, #tpu.memory_space<vmem>> -> memref<1x80x48xf32, #tpu.memory_space<vmem>>
        %dma_wait3A_305 = tpu.memref_squeeze %dma_wait3A_304 : memref<1x80x48xf32, #tpu.memory_space<vmem>> -> memref<80x48xf32, #tpu.memory_space<vmem>>
        %dma_wait3A_306 = arith.constant 0 : i32
        %dma_wait3A_307 = tpu.memref_slice %arg9[%run_scoped3A_290, %dma_wait3A_306] : memref<2x80xi32, #tpu.memory_space<vmem>> -> memref<1x80xi32, #tpu.memory_space<vmem>>
        %dma_wait3A_308 = tpu.memref_squeeze %dma_wait3A_307 : memref<1x80xi32, #tpu.memory_space<vmem>> -> memref<80xi32, #tpu.memory_space<vmem>>
        %dma_wait3A_309 = arith.constant 0 : i32
        %dma_wait3A_310 = arith.constant 0 : i32
        %dma_wait3A_311 = tpu.memref_slice %arg14[%dma_wait3A_309, %dma_wait3A_310] : memref<10000x48xf32, #tpu.memory_space<vmem_shared>> -> memref<10000x48xf32, #tpu.memory_space<vmem_shared>>
        tpu.wait_indirect_dma semaphore(%run_scoped3A_291 : memref<!tpu.dma_semaphore, #tpu.memory_space<semaphore_mem>>) src(%dma_wait3A_305 : memref<80x48xf32, #tpu.memory_space<vmem>>) dst(%dma_wait3A_311 : memref<10000x48xf32, #tpu.memory_space<vmem_shared>>)
        tpu.yield
      }) : () -> ()
    }
    %scan3A_68 = arith.constant 62 : i32
    %dma_wait3A = arith.constant 0 : i32
    %dma_wait3A_69 = arith.constant 0 : i32
    %dma_wait3A_70 = arith.constant 0 : i32
    %dma_wait3A_71 = arith.constant 0 : i32
    %dma_wait3A_72 = arith.constant 0 : i32
    %dma_wait3A_73 = tpu.memref_slice %arg10[%dma_wait3A, %dma_wait3A_71, %dma_wait3A_72] : memref<2x80x16xf32, #tpu.memory_space<vmem>> -> memref<1x80x16xf32, #tpu.memory_space<vmem>>
    %dma_wait3A_74 = tpu.memref_squeeze %dma_wait3A_73 : memref<1x80x16xf32, #tpu.memory_space<vmem>> -> memref<80x16xf32, #tpu.memory_space<vmem>>
    %dma_wait3A_75 = arith.constant 9920 : i32
    %dma_wait3A_76 = tpu.memref_slice %arg7[%dma_wait3A_75] : memref<10000xi32, #tpu.memory_space<vmem>> -> memref<80xi32, #tpu.memory_space<vmem>>
    %dma_wait3A_77 = arith.constant 0 : i32
    %dma_wait3A_78 = arith.constant 0 : i32
    %dma_wait3A_79 = tpu.memref_slice %arg2[%dma_wait3A_77, %dma_wait3A_78] : memref<10000x16xf32, #tpu.memory_space<hbm>> -> memref<10000x16xf32, #tpu.memory_space<hbm>>
    %dma_wait3A_80 = tpu.memref_slice %arg15[%dma_wait3A_69, %dma_wait3A_70] : memref<2x3x!tpu.dma_semaphore, #tpu.memory_space<semaphore_mem>> -> memref<1x1x!tpu.dma_semaphore, #tpu.memory_space<semaphore_mem>>
    %dma_wait3A_81 = tpu.memref_squeeze %dma_wait3A_80 : memref<1x1x!tpu.dma_semaphore, #tpu.memory_space<semaphore_mem>> -> memref<!tpu.dma_semaphore, #tpu.memory_space<semaphore_mem>>
    tpu.wait_indirect_dma semaphore(%dma_wait3A_81 : memref<!tpu.dma_semaphore, #tpu.memory_space<semaphore_mem>>) src(%dma_wait3A_79 : memref<10000x16xf32, #tpu.memory_space<hbm>>) dst(%dma_wait3A_74 : memref<80x16xf32, #tpu.memory_space<vmem>>)
    %dma_wait3A_82 = arith.constant 0 : i32
    %dma_wait3A_83 = arith.constant 0 : i32
    %dma_wait3A_84 = arith.constant 1 : i32
    %dma_wait3A_85 = arith.constant 0 : i32
    %dma_wait3A_86 = arith.constant 0 : i32
    %dma_wait3A_87 = tpu.memref_slice %arg11[%dma_wait3A_82, %dma_wait3A_85, %dma_wait3A_86] : memref<2x80x64xf32, #tpu.memory_space<vmem>> -> memref<1x80x64xf32, #tpu.memory_space<vmem>>
    %dma_wait3A_88 = tpu.memref_squeeze %dma_wait3A_87 : memref<1x80x64xf32, #tpu.memory_space<vmem>> -> memref<80x64xf32, #tpu.memory_space<vmem>>
    %dma_wait3A_89 = arith.constant 9920 : i32
    %dma_wait3A_90 = tpu.memref_slice %arg8[%dma_wait3A_89] : memref<10000xi32, #tpu.memory_space<vmem>> -> memref<80xi32, #tpu.memory_space<vmem>>
    %dma_wait3A_91 = arith.constant 0 : i32
    %dma_wait3A_92 = arith.constant 0 : i32
    %dma_wait3A_93 = tpu.memref_slice %arg3[%dma_wait3A_91, %dma_wait3A_92] : memref<640000x64xf32, #tpu.memory_space<hbm>> -> memref<640000x64xf32, #tpu.memory_space<hbm>>
    %dma_wait3A_94 = tpu.memref_slice %arg15[%dma_wait3A_83, %dma_wait3A_84] : memref<2x3x!tpu.dma_semaphore, #tpu.memory_space<semaphore_mem>> -> memref<1x1x!tpu.dma_semaphore, #tpu.memory_space<semaphore_mem>>
    %dma_wait3A_95 = tpu.memref_squeeze %dma_wait3A_94 : memref<1x1x!tpu.dma_semaphore, #tpu.memory_space<semaphore_mem>> -> memref<!tpu.dma_semaphore, #tpu.memory_space<semaphore_mem>>
    tpu.wait_indirect_dma semaphore(%dma_wait3A_95 : memref<!tpu.dma_semaphore, #tpu.memory_space<semaphore_mem>>) src(%dma_wait3A_93 : memref<640000x64xf32, #tpu.memory_space<hbm>>) dst(%dma_wait3A_88 : memref<80x64xf32, #tpu.memory_space<vmem>>)
    %add3A_96 = arith.constant 9920 : i32
    %add3A_97 = arith.addi %mul3A_2, %add3A_96 : i32
    %dma_wait3A_98 = arith.constant 0 : i32
    %dma_wait3A_99 = arith.constant 0 : i32
    %dma_wait3A_100 = arith.constant 2 : i32
    %dma_wait3A_101 = arith.constant 0 : i32
    %dma_wait3A_102 = tpu.memref_slice %arg9[%dma_wait3A_98, %dma_wait3A_101] : memref<2x80xi32, #tpu.memory_space<vmem>> -> memref<1x80xi32, #tpu.memory_space<vmem>>
    %dma_wait3A_103 = tpu.memref_squeeze %dma_wait3A_102 : memref<1x80xi32, #tpu.memory_space<vmem>> -> memref<80xi32, #tpu.memory_space<vmem>>
    %dma_wait3A_104 = tpu.memref_slice %arg5[%add3A_97] : memref<320000xi32, #tpu.memory_space<hbm>> -> memref<80xi32, #tpu.memory_space<hbm>>
    %dma_wait3A_105 = tpu.memref_slice %arg15[%dma_wait3A_99, %dma_wait3A_100] : memref<2x3x!tpu.dma_semaphore, #tpu.memory_space<semaphore_mem>> -> memref<1x1x!tpu.dma_semaphore, #tpu.memory_space<semaphore_mem>>
    %dma_wait3A_106 = tpu.memref_squeeze %dma_wait3A_105 : memref<1x1x!tpu.dma_semaphore, #tpu.memory_space<semaphore_mem>> -> memref<!tpu.dma_semaphore, #tpu.memory_space<semaphore_mem>>
    %dma_wait3A_107 = arith.constant 0 : i32
    %dma_wait3A_108 = tpu.memref_slice %arg9[%dma_wait3A_98, %dma_wait3A_107] : memref<2x80xi32, #tpu.memory_space<vmem>> -> memref<1x80xi32, #tpu.memory_space<vmem>>
    %dma_wait3A_109 = tpu.memref_squeeze %dma_wait3A_108 : memref<1x80xi32, #tpu.memory_space<vmem>> -> memref<80xi32, #tpu.memory_space<vmem>>
    %dma_wait3A_110 = tpu.memref_slice %arg5[%add3A_97] : memref<320000xi32, #tpu.memory_space<hbm>> -> memref<80xi32, #tpu.memory_space<hbm>>
    tpu.wait_dma2 semaphore(%dma_wait3A_106 : memref<!tpu.dma_semaphore, #tpu.memory_space<semaphore_mem>>) src(%dma_wait3A_110 : memref<80xi32, #tpu.memory_space<hbm>>) dst(%dma_wait3A_109 : memref<80xi32, #tpu.memory_space<vmem>>)
    %scan3A_111 = arith.constant 0 : i32
    %scan3A_112 = arith.constant 0 : i32
    %scan3A_113 = arith.constant 80 : i32
    %scan3A_114 = arith.addi %scan3A_112, %scan3A_113 : i32
    %scan3A_115 = arith.constant 1 : i32
    scf.for %scan3A_126 = %scan3A_112 to %scan3A_114 step %scan3A_115  : i32 {
      %get3A = arith.constant 0 : i32
      %get3A_127 = arith.index_cast %get3A : i32 to index
      %get3A_128 = arith.index_cast %scan3A_126 : i32 to index
      %get3A_129 = arith.constant 0 : index
      %get3A_130 = tpu.vector_load %arg10[%get3A_127, %get3A_128, %get3A_129] {strides = array<i32>} : memref<2x80x16xf32, #tpu.memory_space<vmem>>, vector<1x1x16xf32>,
      %get3A_131 = vector.shape_cast %get3A_130 : vector<1x1x16xf32> to vector<16xf32>
      %get3A_132 = arith.constant 0 : i32
      %get3A_133 = arith.index_cast %get3A_132 : i32 to index
      %get3A_134 = arith.index_cast %scan3A_126 : i32 to index
      %get3A_135 = arith.constant 0 : index
      %get3A_136 = tpu.vector_load %arg11[%get3A_133, %get3A_134, %get3A_135] {strides = array<i32>} : memref<2x80x64xf32, #tpu.memory_space<vmem>>, vector<1x1x16xf32>,
      %get3A_137 = vector.shape_cast %get3A_136 : vector<1x1x16xf32> to vector<16xf32>
      %add3A_138 = arith.addf %get3A_137, %get3A_131 : vector<16xf32>
      %max3A = arith.constant 0.000000e+00 : f32
      %max3A_139 = vector.broadcast %max3A : f32 to vector<16xf32>
      %max3A_140 = arith.maximumf %add3A_138, %max3A_139 : vector<16xf32>
      %swap3A = arith.constant 0 : i32
      %swap3A_141 = arith.index_cast %swap3A : i32 to index
      %swap3A_142 = arith.index_cast %scan3A_126 : i32 to index
      %swap3A_143 = arith.constant 0 : index
      %swap3A_144 = tpu.vector_load %arg12[%swap3A_141, %swap3A_142, %swap3A_143] {strides = array<i32>} : memref<2x80x48xf32, #tpu.memory_space<vmem>>, vector<1x1x16xf32>,
      %swap3A_145 = vector.shape_cast %swap3A_144 : vector<1x1x16xf32> to vector<16xf32>
      %swap3A_146 = vector.shape_cast %max3A_140 : vector<16xf32> to vector<1x1x16xf32>
      tpu.vector_store %arg12[%swap3A_141, %swap3A_142, %swap3A_143], %swap3A_146 {strides = array<i32>} : memref<2x80x48xf32, #tpu.memory_space<vmem>>, vector<1x1x16xf32>,
      %get3A_147 = arith.constant 0 : i32
      %get3A_148 = arith.index_cast %get3A_147 : i32 to index
      %get3A_149 = arith.index_cast %scan3A_126 : i32 to index
      %get3A_150 = arith.constant 16 : index
      %get3A_151 = tpu.vector_load %arg11[%get3A_148, %get3A_149, %get3A_150] {strides = array<i32>} : memref<2x80x64xf32, #tpu.memory_space<vmem>>, vector<1x1x16xf32>,
      %get3A_152 = vector.shape_cast %get3A_151 : vector<1x1x16xf32> to vector<16xf32>
      %add3A_153 = arith.addf %get3A_152, %get3A_131 : vector<16xf32>
      %max3A_154 = arith.constant 0.000000e+00 : f32
      %max3A_155 = vector.broadcast %max3A_154 : f32 to vector<16xf32>
      %max3A_156 = arith.maximumf %add3A_153, %max3A_155 : vector<16xf32>
      %swap3A_157 = arith.constant 0 : i32
      %swap3A_158 = arith.index_cast %swap3A_157 : i32 to index
      %swap3A_159 = arith.index_cast %scan3A_126 : i32 to index
      %swap3A_160 = arith.constant 16 : index
      %swap3A_161 = tpu.vector_load %arg12[%swap3A_158, %swap3A_159, %swap3A_160] {strides = array<i32>} : memref<2x80x48xf32, #tpu.memory_space<vmem>>, vector<1x1x16xf32>,
      %swap3A_162 = vector.shape_cast %swap3A_161 : vector<1x1x16xf32> to vector<16xf32>
      %swap3A_163 = vector.shape_cast %max3A_156 : vector<16xf32> to vector<1x1x16xf32>
      tpu.vector_store %arg12[%swap3A_158, %swap3A_159, %swap3A_160], %swap3A_163 {strides = array<i32>} : memref<2x80x48xf32, #tpu.memory_space<vmem>>, vector<1x1x16xf32>,
      %get3A_164 = arith.constant 0 : i32
      %get3A_165 = arith.index_cast %get3A_164 : i32 to index
      %get3A_166 = arith.index_cast %scan3A_126 : i32 to index
      %get3A_167 = arith.constant 32 : index
      %get3A_168 = tpu.vector_load %arg11[%get3A_165, %get3A_166, %get3A_167] {strides = array<i32>} : memref<2x80x64xf32, #tpu.memory_space<vmem>>, vector<1x1x16xf32>,
      %get3A_169 = vector.shape_cast %get3A_168 : vector<1x1x16xf32> to vector<16xf32>
      %add3A_170 = arith.addf %get3A_169, %get3A_131 : vector<16xf32>
      %max3A_171 = arith.constant 0.000000e+00 : f32
      %max3A_172 = vector.broadcast %max3A_171 : f32 to vector<16xf32>
      %max3A_173 = arith.maximumf %add3A_170, %max3A_172 : vector<16xf32>
      %swap3A_174 = arith.constant 0 : i32
      %swap3A_175 = arith.index_cast %swap3A_174 : i32 to index
      %swap3A_176 = arith.index_cast %scan3A_126 : i32 to index
      %swap3A_177 = arith.constant 32 : index
      %swap3A_178 = tpu.vector_load %arg12[%swap3A_175, %swap3A_176, %swap3A_177] {strides = array<i32>} : memref<2x80x48xf32, #tpu.memory_space<vmem>>, vector<1x1x16xf32>,
      %swap3A_179 = vector.shape_cast %swap3A_178 : vector<1x1x16xf32> to vector<16xf32>
      %swap3A_180 = vector.shape_cast %max3A_173 : vector<16xf32> to vector<1x1x16xf32>
      tpu.vector_store %arg12[%swap3A_175, %swap3A_176, %swap3A_177], %swap3A_180 {strides = array<i32>} : memref<2x80x48xf32, #tpu.memory_space<vmem>>, vector<1x1x16xf32>,
    }
    %scan3A_116 = arith.constant 80 : i32
    %run_scoped3A = arith.constant 0 : i32
    %run_scoped3A_117 = arith.constant 0 : i32
    "tpu.region"() ({
      %run_scoped3A_126 = tpu.sem_alloc : memref<!tpu.dma_semaphore, #tpu.memory_space<semaphore_mem>>
      %dma_start3A_127 = arith.constant 0 : i32
      %dma_start3A_128 = arith.constant 0 : i32
      %dma_start3A_129 = tpu.memref_slice %arg12[%run_scoped3A, %dma_start3A_127, %dma_start3A_128] : memref<2x80x48xf32, #tpu.memory_space<vmem>> -> memref<1x80x48xf32, #tpu.memory_space<vmem>>
      %dma_start3A_130 = tpu.memref_squeeze %dma_start3A_129 : memref<1x80x48xf32, #tpu.memory_space<vmem>> -> memref<80x48xf32, #tpu.memory_space<vmem>>
      %dma_start3A_131 = arith.constant 0 : i32
      %dma_start3A_132 = tpu.memref_slice %arg9[%run_scoped3A_117, %dma_start3A_131] : memref<2x80xi32, #tpu.memory_space<vmem>> -> memref<1x80xi32, #tpu.memory_space<vmem>>
      %dma_start3A_133 = tpu.memref_squeeze %dma_start3A_132 : memref<1x80xi32, #tpu.memory_space<vmem>> -> memref<80xi32, #tpu.memory_space<vmem>>
      %dma_start3A_134 = arith.constant 0 : i32
      %dma_start3A_135 = arith.constant 0 : i32
      %dma_start3A_136 = tpu.memref_slice %arg14[%dma_start3A_134, %dma_start3A_135] : memref<10000x48xf32, #tpu.memory_space<vmem_shared>> -> memref<10000x48xf32, #tpu.memory_space<vmem_shared>>
      tpu.enqueue_indirect_dma source(%dma_start3A_130 : memref<80x48xf32, #tpu.memory_space<vmem>>) target(%dma_start3A_136 : memref<10000x48xf32, #tpu.memory_space<vmem_shared>>) offsets(%dma_start3A_133 : memref<80xi32, #tpu.memory_space<vmem>>) semaphore(%run_scoped3A_126 : memref<!tpu.dma_semaphore, #tpu.memory_space<semaphore_mem>>) {add = true}
      %dma_wait3A_137 = arith.constant 0 : i32
      %dma_wait3A_138 = arith.constant 0 : i32
      %dma_wait3A_139 = tpu.memref_slice %arg12[%run_scoped3A, %dma_wait3A_137, %dma_wait3A_138] : memref<2x80x48xf32, #tpu.memory_space<vmem>> -> memref<1x80x48xf32, #tpu.memory_space<vmem>>
      %dma_wait3A_140 = tpu.memref_squeeze %dma_wait3A_139 : memref<1x80x48xf32, #tpu.memory_space<vmem>> -> memref<80x48xf32, #tpu.memory_space<vmem>>
      %dma_wait3A_141 = arith.constant 0 : i32
      %dma_wait3A_142 = tpu.memref_slice %arg9[%run_scoped3A_117, %dma_wait3A_141] : memref<2x80xi32, #tpu.memory_space<vmem>> -> memref<1x80xi32, #tpu.memory_space<vmem>>
      %dma_wait3A_143 = tpu.memref_squeeze %dma_wait3A_142 : memref<1x80xi32, #tpu.memory_space<vmem>> -> memref<80xi32, #tpu.memory_space<vmem>>
      %dma_wait3A_144 = arith.constant 0 : i32
      %dma_wait3A_145 = arith.constant 0 : i32
      %dma_wait3A_146 = tpu.memref_slice %arg14[%dma_wait3A_144, %dma_wait3A_145] : memref<10000x48xf32, #tpu.memory_space<vmem_shared>> -> memref<10000x48xf32, #tpu.memory_space<vmem_shared>>
      tpu.wait_indirect_dma semaphore(%run_scoped3A_126 : memref<!tpu.dma_semaphore, #tpu.memory_space<semaphore_mem>>) src(%dma_wait3A_140 : memref<80x48xf32, #tpu.memory_space<vmem>>) dst(%dma_wait3A_146 : memref<10000x48xf32, #tpu.memory_space<vmem_shared>>)
      tpu.yield
    }) : () -> ()
    %barrier3A_118 = arith.constant 0 : index
    tpu.barrier barrier_id(%barrier3A_118)
    %scan3A_119 = arith.constant 0 : i32
    %scan3A_120 = arith.constant 0 : i32
    %scan3A_121 = arith.constant 4 : i32
    %scan3A_122 = arith.addi %scan3A_120, %scan3A_121 : i32
    %scan3A_123 = arith.constant 1 : i32
    scf.for %scan3A_126 = %scan3A_120 to %scan3A_122 step %scan3A_123  : i32 {
      %mul3A_127 = arith.constant 16 : i32
      %mul3A_128 = arith.muli %mul3A_127, %scan3A_126 : i32
      %add3A_129 = arith.addi %arg1, %mul3A_128 : i32
      %lt3A = arith.constant 50 : i32
      %lt3A_130 = arith.cmpi slt, %add3A_129, %lt3A : i32
      %convert_element_type3A = arith.extui %lt3A_130 : i1 to i32
      %cond3A = arith.constant 0 : i32
      %cond3A_131 = arith.cmpi ne, %convert_element_type3A, %cond3A : i32
      scf.if %cond3A_131 {
        %mul3A_132 = arith.constant 200 : i32
        %mul3A_133 = arith.muli %add3A_129, %mul3A_132 : i32
        %mul3A_134 = arith.constant 10000 : i32
        %mul3A_135 = arith.muli %arg0, %mul3A_134 : i32
        %mul3A_136 = arith.constant 200 : i32
        %mul3A_137 = arith.muli %add3A_129, %mul3A_136 : i32
        %add3A_138 = arith.addi %mul3A_135, %mul3A_137 : i32
        "tpu.region"() ({
          %run_scoped3A_139 = tpu.sem_alloc : memref<!tpu.dma_semaphore, #tpu.memory_space<semaphore_mem>>
          %dma_start3A_140 = arith.constant 0 : i32
          %dma_start3A_141 = tpu.memref_slice %arg6[%add3A_138, %dma_start3A_140] : memref<20000x48xf32, #tpu.memory_space<hbm>> -> memref<200x48xf32, #tpu.memory_space<hbm>>
          %dma_start3A_142 = arith.constant 0 : i32
          %dma_start3A_143 = tpu.memref_slice %arg14[%mul3A_133, %dma_start3A_142] : memref<10000x48xf32, #tpu.memory_space<vmem_shared>> -> memref<200x48xf32, #tpu.memory_space<vmem_shared>>
          tpu.enqueue_dma source(%dma_start3A_143 : memref<200x48xf32, #tpu.memory_space<vmem_shared>>) target(%dma_start3A_141 : memref<200x48xf32, #tpu.memory_space<hbm>>) target_semaphore(%run_scoped3A_139 : memref<!tpu.dma_semaphore, #tpu.memory_space<semaphore_mem>>)
          %dma_wait3A_144 = arith.constant 0 : i32
          %dma_wait3A_145 = tpu.memref_slice %arg6[%add3A_138, %dma_wait3A_144] : memref<20000x48xf32, #tpu.memory_space<hbm>> -> memref<200x48xf32, #tpu.memory_space<hbm>>
          %dma_wait3A_146 = arith.constant 0 : i32
          %dma_wait3A_147 = tpu.memref_slice %arg14[%mul3A_133, %dma_wait3A_146] : memref<10000x48xf32, #tpu.memory_space<vmem_shared>> -> memref<200x48xf32, #tpu.memory_space<vmem_shared>>
          tpu.wait_dma2 semaphore(%run_scoped3A_139 : memref<!tpu.dma_semaphore, #tpu.memory_space<semaphore_mem>>) src(%dma_wait3A_147 : memref<200x48xf32, #tpu.memory_space<vmem_shared>>) dst(%dma_wait3A_145 : memref<200x48xf32, #tpu.memory_space<hbm>>)
          tpu.yield
        }) : () -> ()
      } else {
      }
    }
    %scan3A_124 = arith.constant 4 : i32
    %barrier3A_125 = arith.constant 0 : index
    tpu.barrier barrier_id(%barrier3A_125)
    return
  }
}

module attributes {stable_mosaic.version = 14 : i64} {
  func.func @_edge_lin_body(%arg0: i32, %arg1: memref<8000x16xf32, #tpu.memory_space<vmem>>, %arg2: memref<16x128xf32, #tpu.memory_space<vmem>>, %arg3: memref<1x128xf32, #tpu.memory_space<vmem>>, %arg4: memref<8000x128xf32, #tpu.memory_space<vmem>>) attributes {dimension_semantics = [#tpu.dimension_semantics<arbitrary>], iteration_bounds = array<i64: 40>, scalar_prefetch = 0 : i64, scratch_operands = 0 : i64, tpu.core_type = #tpu.core_type<tc>, window_params = [{transform_indices = @transform_0, window_bounds = array<i64: 8000, 16>}, {pipeline_mode = #tpu.pipeline_mode<synchronous>, transform_indices = @transform_1, window_bounds = array<i64: 16, 128>}, {pipeline_mode = #tpu.pipeline_mode<synchronous>, transform_indices = @transform_2, window_bounds = array<i64: 1, 128>}, {transform_indices = @transform_3, window_bounds = array<i64: 8000, 128>}]} {
    %get3A = arith.constant 0 : index
    %get3A_0 = arith.constant 0 : index
    %get3A_1 = vector.load %arg1[%get3A, %get3A_0] : memref<8000x16xf32, #tpu.memory_space<vmem>>, vector<8000x16xf32>
    %get3A_2 = arith.constant 0 : index
    %get3A_3 = arith.constant 0 : index
    %get3A_4 = vector.load %arg2[%get3A_2, %get3A_3] : memref<16x128xf32, #tpu.memory_space<vmem>>, vector<16x128xf32>
    %dot_general3A = arith.constant dense<0.000000e+00> : vector<8000x128xf32>
    %dot_general3A_5 = tpu.matmul %get3A_1, %get3A_4, %dot_general3A {dimension_numbers = #tpu.dot_dimension_numbers<[1], [0], [0], [1], [0, 0, 1, 1], [], []>, transpose_lhs_hint = false} : vector<8000x16xf32>, vector<16x128xf32>, vector<8000x128xf32> -> vector<8000x128xf32>
    %get3A_6 = arith.constant 0 : index
    %get3A_7 = arith.constant 0 : index
    %get3A_8 = vector.load %arg3[%get3A_6, %get3A_7] : memref<1x128xf32, #tpu.memory_space<vmem>>, vector<1x128xf32>
    %add3A = vector.broadcast %get3A_8 : vector<1x128xf32> to vector<8000x128xf32>
    %add3A_9 = arith.addf %dot_general3A_5, %add3A : vector<8000x128xf32>
    %swap3A = arith.constant 0 : index
    %swap3A_10 = arith.constant 0 : index
    %swap3A_11 = vector.load %arg4[%swap3A, %swap3A_10] : memref<8000x128xf32, #tpu.memory_space<vmem>>, vector<8000x128xf32>
    tpu.vector_store %arg4[%swap3A, %swap3A_10], %add3A_9 {strides = array<i32>} : memref<8000x128xf32, #tpu.memory_space<vmem>>, vector<8000x128xf32>,
    return
  }
  func.func @transform_0(%arg0: i32) -> (i32, i32) {
    %c0_i32 = arith.constant 0 : i32
    %c0_i32_0 = arith.constant 0 : i32
    return %arg0, %c0_i32 : i32, i32
  }
  func.func @transform_1(%arg0: i32) -> (i32, i32) {
    %c0_i32 = arith.constant 0 : i32
    %c0_i32_0 = arith.constant 0 : i32
    %c0_i32_1 = arith.constant 0 : i32
    return %c0_i32, %c0_i32_0 : i32, i32
  }
  func.func @transform_2(%arg0: i32) -> (i32, i32) {
    %c0_i32 = arith.constant 0 : i32
    %c0_i32_0 = arith.constant 0 : i32
    %c0_i32_1 = arith.constant 0 : i32
    return %c0_i32, %c0_i32_0 : i32, i32
  }
  func.func @transform_3(%arg0: i32) -> (i32, i32) {
    %c0_i32 = arith.constant 0 : i32
    %c0_i32_0 = arith.constant 0 : i32
    return %arg0, %c0_i32 : i32, i32
  }
}

module attributes {stable_mosaic.version = 14 : i64} {
  func.func @_mlp_body(%arg0: i32, %arg1: memref<2x2000x64xf32, #tpu.memory_space<vmem>>, %arg2: memref<2000x16xf32, #tpu.memory_space<vmem>>, %arg3: memref<2x2000x64xf32, #tpu.memory_space<vmem>>, %arg4: memref<2x2000x16xf32, #tpu.memory_space<vmem>>, %arg5: memref<64x128xf32, #tpu.memory_space<vmem>>, %arg6: memref<64x128xf32, #tpu.memory_space<vmem>>, %arg7: memref<16x128xf32, #tpu.memory_space<vmem>>, %arg8: memref<1x128xf32, #tpu.memory_space<vmem>>, %arg9: memref<128x128xf32, #tpu.memory_space<vmem>>, %arg10: memref<1x128xf32, #tpu.memory_space<vmem>>, %arg11: memref<1x1xf32, #tpu.memory_space<smem>>, %arg12: memref<2x2000x64xf32, #tpu.memory_space<vmem>>) attributes {dimension_semantics = [#tpu.dimension_semantics<arbitrary>], iteration_bounds = array<i64: 5>, scalar_prefetch = 0 : i64, scratch_operands = 0 : i64, tpu.core_type = #tpu.core_type<tc>, window_params = [{transform_indices = @transform_0, window_bounds = array<i64: 2, 2000, 64>}, {transform_indices = @transform_1, window_bounds = array<i64: 2000, 16>}, {transform_indices = @transform_2, window_bounds = array<i64: 2, 2000, 64>}, {transform_indices = @transform_3, window_bounds = array<i64: 2, 2000, 16>}, {pipeline_mode = #tpu.pipeline_mode<synchronous>, transform_indices = @transform_4, window_bounds = array<i64: 64, 128>}, {pipeline_mode = #tpu.pipeline_mode<synchronous>, transform_indices = @transform_5, window_bounds = array<i64: 64, 128>}, {pipeline_mode = #tpu.pipeline_mode<synchronous>, transform_indices = @transform_6, window_bounds = array<i64: 16, 128>}, {pipeline_mode = #tpu.pipeline_mode<synchronous>, transform_indices = @transform_7, window_bounds = array<i64: 1, 128>}, {pipeline_mode = #tpu.pipeline_mode<synchronous>, transform_indices = @transform_8, window_bounds = array<i64: 128, 128>}, {pipeline_mode = #tpu.pipeline_mode<synchronous>, transform_indices = @transform_9, window_bounds = array<i64: 1, 128>}, {transform_indices = @transform_10, window_bounds = array<i64: 1, 1>}, {transform_indices = @transform_11, window_bounds = array<i64: 2, 2000, 64>}]} {
    %get3A = arith.constant 0 : index
    %get3A_0 = arith.constant 0 : index
    %get3A_1 = memref.load %arg11[%get3A, %get3A_0] : memref<1x1xf32, #tpu.memory_space<smem>>
    %add3A = arith.constant 1.000000e+00 : f32
    %add3A_2 = arith.addf %add3A, %get3A_1 : f32
    %get3A_3 = arith.constant 0 : index
    %get3A_4 = arith.constant 0 : index
    %get3A_5 = arith.constant 0 : index
    %get3A_6 = vector.load %arg1[%get3A_3, %get3A_4, %get3A_5] : memref<2x2000x64xf32, #tpu.memory_space<vmem>>, vector<1x2000x64xf32>
    %get3A_7 = vector.shape_cast %get3A_6 : vector<1x2000x64xf32> to vector<2000x64xf32>
    %mul3A = vector.broadcast %add3A_2 : f32 to vector<2000x64xf32>
    %mul3A_8 = arith.mulf %get3A_7, %mul3A : vector<2000x64xf32>
    %get3A_9 = arith.constant 0 : index
    %get3A_10 = arith.constant 0 : index
    %get3A_11 = arith.constant 0 : index
    %get3A_12 = vector.load %arg3[%get3A_9, %get3A_10, %get3A_11] : memref<2x2000x64xf32, #tpu.memory_space<vmem>>, vector<1x2000x64xf32>
    %get3A_13 = vector.shape_cast %get3A_12 : vector<1x2000x64xf32> to vector<2000x64xf32>
    %add3A_14 = arith.addf %mul3A_8, %get3A_13 : vector<2000x64xf32>
    %get3A_15 = arith.constant 1 : index
    %get3A_16 = arith.constant 0 : index
    %get3A_17 = arith.constant 0 : index
    %get3A_18 = vector.load %arg1[%get3A_15, %get3A_16, %get3A_17] : memref<2x2000x64xf32, #tpu.memory_space<vmem>>, vector<1x2000x64xf32>
    %get3A_19 = vector.shape_cast %get3A_18 : vector<1x2000x64xf32> to vector<2000x64xf32>
    %mul3A_20 = vector.broadcast %add3A_2 : f32 to vector<2000x64xf32>
    %mul3A_21 = arith.mulf %get3A_19, %mul3A_20 : vector<2000x64xf32>
    %get3A_22 = arith.constant 1 : index
    %get3A_23 = arith.constant 0 : index
    %get3A_24 = arith.constant 0 : index
    %get3A_25 = vector.load %arg3[%get3A_22, %get3A_23, %get3A_24] : memref<2x2000x64xf32, #tpu.memory_space<vmem>>, vector<1x2000x64xf32>
    %get3A_26 = vector.shape_cast %get3A_25 : vector<1x2000x64xf32> to vector<2000x64xf32>
    %add3A_27 = arith.addf %mul3A_21, %get3A_26 : vector<2000x64xf32>
    %get3A_28 = arith.constant 0 : index
    %get3A_29 = arith.constant 0 : index
    %get3A_30 = vector.load %arg2[%get3A_28, %get3A_29] : memref<2000x16xf32, #tpu.memory_space<vmem>>, vector<2000x16xf32>
    %mul3A_31 = vector.broadcast %add3A_2 : f32 to vector<2000x16xf32>
    %mul3A_32 = arith.mulf %get3A_30, %mul3A_31 : vector<2000x16xf32>
    %get3A_33 = arith.constant 0 : index
    %get3A_34 = arith.constant 0 : index
    %get3A_35 = arith.constant 0 : index
    %get3A_36 = vector.load %arg4[%get3A_33, %get3A_34, %get3A_35] : memref<2x2000x16xf32, #tpu.memory_space<vmem>>, vector<1x2000x16xf32>
    %get3A_37 = vector.shape_cast %get3A_36 : vector<1x2000x16xf32> to vector<2000x16xf32>
    %add3A_38 = arith.addf %mul3A_32, %get3A_37 : vector<2000x16xf32>
    %get3A_39 = arith.constant 1 : index
    %get3A_40 = arith.constant 0 : index
    %get3A_41 = arith.constant 0 : index
    %get3A_42 = vector.load %arg4[%get3A_39, %get3A_40, %get3A_41] : memref<2x2000x16xf32, #tpu.memory_space<vmem>>, vector<1x2000x16xf32>
    %get3A_43 = vector.shape_cast %get3A_42 : vector<1x2000x16xf32> to vector<2000x16xf32>
    %add3A_44 = arith.addf %add3A_38, %get3A_43 : vector<2000x16xf32>
    %get3A_45 = arith.constant 0 : index
    %get3A_46 = arith.constant 0 : index
    %get3A_47 = vector.load %arg5[%get3A_45, %get3A_46] : memref<64x128xf32, #tpu.memory_space<vmem>>, vector<64x128xf32>
    %dot_general3A = arith.constant dense<0.000000e+00> : vector<2000x128xf32>
    %dot_general3A_48 = tpu.matmul %add3A_14, %get3A_47, %dot_general3A {dimension_numbers = #tpu.dot_dimension_numbers<[1], [0], [0], [1], [0, 0, 1, 1], [], []>, transpose_lhs_hint = false} : vector<2000x64xf32>, vector<64x128xf32>, vector<2000x128xf32> -> vector<2000x128xf32>
    %get3A_49 = arith.constant 0 : index
    %get3A_50 = arith.constant 0 : index
    %get3A_51 = vector.load %arg6[%get3A_49, %get3A_50] : memref<64x128xf32, #tpu.memory_space<vmem>>, vector<64x128xf32>
    %dot_general3A_52 = arith.constant dense<0.000000e+00> : vector<2000x128xf32>
    %dot_general3A_53 = tpu.matmul %add3A_27, %get3A_51, %dot_general3A_52 {dimension_numbers = #tpu.dot_dimension_numbers<[1], [0], [0], [1], [0, 0, 1, 1], [], []>, transpose_lhs_hint = false} : vector<2000x64xf32>, vector<64x128xf32>, vector<2000x128xf32> -> vector<2000x128xf32>
    %add3A_54 = arith.addf %dot_general3A_48, %dot_general3A_53 : vector<2000x128xf32>
    %get3A_55 = arith.constant 0 : index
    %get3A_56 = arith.constant 0 : index
    %get3A_57 = vector.load %arg7[%get3A_55, %get3A_56] : memref<16x128xf32, #tpu.memory_space<vmem>>, vector<16x128xf32>
    %dot_general3A_58 = arith.constant dense<0.000000e+00> : vector<2000x128xf32>
    %dot_general3A_59 = tpu.matmul %add3A_44, %get3A_57, %dot_general3A_58 {dimension_numbers = #tpu.dot_dimension_numbers<[1], [0], [0], [1], [0, 0, 1, 1], [], []>, transpose_lhs_hint = false} : vector<2000x16xf32>, vector<16x128xf32>, vector<2000x128xf32> -> vector<2000x128xf32>
    %add3A_60 = arith.addf %add3A_54, %dot_general3A_59 : vector<2000x128xf32>
    %get3A_61 = arith.constant 0 : index
    %get3A_62 = arith.constant 0 : index
    %get3A_63 = vector.load %arg8[%get3A_61, %get3A_62] : memref<1x128xf32, #tpu.memory_space<vmem>>, vector<1x128xf32>
    %add3A_64 = vector.broadcast %get3A_63 : vector<1x128xf32> to vector<2000x128xf32>
    %add3A_65 = arith.addf %add3A_60, %add3A_64 : vector<2000x128xf32>
    %max3A = arith.constant 0.000000e+00 : f32
    %max3A_66 = vector.broadcast %max3A : f32 to vector<2000x128xf32>
    %max3A_67 = arith.maximumf %add3A_65, %max3A_66 : vector<2000x128xf32>
    %get3A_68 = arith.constant 0 : index
    %get3A_69 = arith.constant 0 : index
    %get3A_70 = vector.load %arg9[%get3A_68, %get3A_69] : memref<128x128xf32, #tpu.memory_space<vmem>>, vector<128x128xf32>
    %dot_general3A_71 = arith.constant dense<0.000000e+00> : vector<2000x128xf32>
    %dot_general3A_72 = tpu.matmul %max3A_67, %get3A_70, %dot_general3A_71 {dimension_numbers = #tpu.dot_dimension_numbers<[1], [0], [0], [1], [0, 0, 1, 1], [], []>, transpose_lhs_hint = false} : vector<2000x128xf32>, vector<128x128xf32>, vector<2000x128xf32> -> vector<2000x128xf32>
    %get3A_73 = arith.constant 0 : index
    %get3A_74 = arith.constant 0 : index
    %get3A_75 = vector.load %arg10[%get3A_73, %get3A_74] : memref<1x128xf32, #tpu.memory_space<vmem>>, vector<1x128xf32>
    %add3A_76 = vector.broadcast %get3A_75 : vector<1x128xf32> to vector<2000x128xf32>
    %add3A_77 = arith.addf %dot_general3A_72, %add3A_76 : vector<2000x128xf32>
    %max3A_78 = arith.constant 0.000000e+00 : f32
    %max3A_79 = vector.broadcast %max3A_78 : f32 to vector<2000x128xf32>
    %max3A_80 = arith.maximumf %add3A_77, %max3A_79 : vector<2000x128xf32>
    %slice3A = vector.extract_strided_slice %max3A_80 {offsets = [0, 0], sizes = [2000, 64], strides = [1, 1]} : vector<2000x128xf32> to vector<2000x64xf32>
    %swap3A = arith.constant 0 : index
    %swap3A_81 = arith.constant 0 : index
    %swap3A_82 = arith.constant 0 : index
    %swap3A_83 = vector.load %arg12[%swap3A, %swap3A_81, %swap3A_82] : memref<2x2000x64xf32, #tpu.memory_space<vmem>>, vector<1x2000x64xf32>
    %swap3A_84 = vector.shape_cast %swap3A_83 : vector<1x2000x64xf32> to vector<2000x64xf32>
    %swap3A_85 = vector.shape_cast %slice3A : vector<2000x64xf32> to vector<1x2000x64xf32>
    tpu.vector_store %arg12[%swap3A, %swap3A_81, %swap3A_82], %swap3A_85 {strides = array<i32>} : memref<2x2000x64xf32, #tpu.memory_space<vmem>>, vector<1x2000x64xf32>,
    %slice3A_86 = vector.extract_strided_slice %max3A_80 {offsets = [0, 64], sizes = [2000, 64], strides = [1, 1]} : vector<2000x128xf32> to vector<2000x64xf32>
    %swap3A_87 = arith.constant 1 : index
    %swap3A_88 = arith.constant 0 : index
    %swap3A_89 = arith.constant 0 : index
    %swap3A_90 = vector.load %arg12[%swap3A_87, %swap3A_88, %swap3A_89] : memref<2x2000x64xf32, #tpu.memory_space<vmem>>, vector<1x2000x64xf32>
    %swap3A_91 = vector.shape_cast %swap3A_90 : vector<1x2000x64xf32> to vector<2000x64xf32>
    %swap3A_92 = vector.shape_cast %slice3A_86 : vector<2000x64xf32> to vector<1x2000x64xf32>
    tpu.vector_store %arg12[%swap3A_87, %swap3A_88, %swap3A_89], %swap3A_92 {strides = array<i32>} : memref<2x2000x64xf32, #tpu.memory_space<vmem>>, vector<1x2000x64xf32>,
    return
  }
  func.func @transform_0(%arg0: i32) -> (i32, i32, i32) {
    %c0_i32 = arith.constant 0 : i32
    %c0_i32_0 = arith.constant 0 : i32
    %c0_i32_1 = arith.constant 0 : i32
    return %c0_i32, %arg0, %c0_i32_0 : i32, i32, i32
  }
  func.func @transform_1(%arg0: i32) -> (i32, i32) {
    %c0_i32 = arith.constant 0 : i32
    %c0_i32_0 = arith.constant 0 : i32
    return %arg0, %c0_i32 : i32, i32
  }
  func.func @transform_2(%arg0: i32) -> (i32, i32, i32) {
    %c0_i32 = arith.constant 0 : i32
    %c0_i32_0 = arith.constant 0 : i32
    %c0_i32_1 = arith.constant 0 : i32
    return %c0_i32, %arg0, %c0_i32_0 : i32, i32, i32
  }
  func.func @transform_3(%arg0: i32) -> (i32, i32, i32) {
    %c0_i32 = arith.constant 0 : i32
    %c0_i32_0 = arith.constant 0 : i32
    %c0_i32_1 = arith.constant 0 : i32
    return %c0_i32, %arg0, %c0_i32_0 : i32, i32, i32
  }
  func.func @transform_4(%arg0: i32) -> (i32, i32) {
    %c0_i32 = arith.constant 0 : i32
    %c0_i32_0 = arith.constant 0 : i32
    %c0_i32_1 = arith.constant 0 : i32
    return %c0_i32, %c0_i32_0 : i32, i32
  }
  func.func @transform_5(%arg0: i32) -> (i32, i32) {
    %c0_i32 = arith.constant 0 : i32
    %c0_i32_0 = arith.constant 0 : i32
    %c0_i32_1 = arith.constant 0 : i32
    return %c0_i32, %c0_i32_0 : i32, i32
  }
  func.func @transform_6(%arg0: i32) -> (i32, i32) {
    %c0_i32 = arith.constant 0 : i32
    %c0_i32_0 = arith.constant 0 : i32
    %c0_i32_1 = arith.constant 0 : i32
    return %c0_i32, %c0_i32_0 : i32, i32
  }
  func.func @transform_7(%arg0: i32) -> (i32, i32) {
    %c0_i32 = arith.constant 0 : i32
    %c0_i32_0 = arith.constant 0 : i32
    %c0_i32_1 = arith.constant 0 : i32
    return %c0_i32, %c0_i32_0 : i32, i32
  }
  func.func @transform_8(%arg0: i32) -> (i32, i32) {
    %c0_i32 = arith.constant 0 : i32
    %c0_i32_0 = arith.constant 0 : i32
    %c0_i32_1 = arith.constant 0 : i32
    return %c0_i32, %c0_i32_0 : i32, i32
  }
  func.func @transform_9(%arg0: i32) -> (i32, i32) {
    %c0_i32 = arith.constant 0 : i32
    %c0_i32_0 = arith.constant 0 : i32
    %c0_i32_1 = arith.constant 0 : i32
    return %c0_i32, %c0_i32_0 : i32, i32
  }
  func.func @transform_10(%arg0: i32) -> (i32, i32) {
    %c0_i32 = arith.constant 0 : i32
    %c0_i32_0 = arith.constant 0 : i32
    %c0_i32_1 = arith.constant 0 : i32
    return %c0_i32, %c0_i32_0 : i32, i32
  }
  func.func @transform_11(%arg0: i32) -> (i32, i32, i32) {
    %c0_i32 = arith.constant 0 : i32
    %c0_i32_0 = arith.constant 0 : i32
    %c0_i32_1 = arith.constant 0 : i32
    return %c0_i32, %arg0, %c0_i32_0 : i32, i32, i32
  }
}

module attributes {stable_mosaic.version = 14 : i64} {
  func.func @_pool_body(%arg0: i32, %arg1: memref<2x2000x64xf32, #tpu.memory_space<vmem>>, %arg2: memref<1x1x2000xi32, #tpu.memory_space<vmem>>, %arg3: memref<64x128xf32, #tpu.memory_space<vmem>>, %arg4: memref<64x128xf32, #tpu.memory_space<vmem>>) attributes {dimension_semantics = [#tpu.dimension_semantics<arbitrary>], iteration_bounds = array<i64: 5>, scalar_prefetch = 0 : i64, scratch_operands = 0 : i64, tpu.core_type = #tpu.core_type<tc>, window_params = [{transform_indices = @transform_0, window_bounds = array<i64: 2, 2000, 64>}, {transform_indices = @transform_1, window_bounds = array<i64: 1, 1, 2000>}, {pipeline_mode = #tpu.pipeline_mode<synchronous>, transform_indices = @transform_2, window_bounds = array<i64: 64, 128>}, {pipeline_mode = #tpu.pipeline_mode<synchronous>, transform_indices = @transform_3, window_bounds = array<i64: 64, 128>}]} {
    %eq3A = arith.constant 0 : i32
    %eq3A_0 = arith.cmpi eq, %arg0, %eq3A : i32
    %convert_element_type3A = arith.extui %eq3A_0 : i1 to i32
    %cond3A = arith.constant 0 : i32
    %cond3A_1 = arith.cmpi ne, %convert_element_type3A, %cond3A : i32
    scf.if %cond3A_1 {
      %broadcast_in_dim3A_45 = arith.constant 0.000000e+00 : f32
      %broadcast_in_dim3A_46 = vector.broadcast %broadcast_in_dim3A_45 : f32 to vector<64x128xf32>
      %swap3A_47 = arith.constant 0 : index
      %swap3A_48 = arith.constant 0 : index
      %swap3A_49 = vector.load %arg3[%swap3A_47, %swap3A_48] : memref<64x128xf32, #tpu.memory_space<vmem>>, vector<64x128xf32>
      tpu.vector_store %arg3[%swap3A_47, %swap3A_48], %broadcast_in_dim3A_46 {strides = array<i32>} : memref<64x128xf32, #tpu.memory_space<vmem>>, vector<64x128xf32>,
      %broadcast_in_dim3A_50 = arith.constant 0.000000e+00 : f32
      %broadcast_in_dim3A_51 = vector.broadcast %broadcast_in_dim3A_50 : f32 to vector<64x128xf32>
      %swap3A_52 = arith.constant 0 : index
      %swap3A_53 = arith.constant 0 : index
      %swap3A_54 = vector.load %arg4[%swap3A_52, %swap3A_53] : memref<64x128xf32, #tpu.memory_space<vmem>>, vector<64x128xf32>
      tpu.vector_store %arg4[%swap3A_52, %swap3A_53], %broadcast_in_dim3A_51 {strides = array<i32>} : memref<64x128xf32, #tpu.memory_space<vmem>>, vector<64x128xf32>,
    } else {
    }
    %get3A = arith.constant 0 : index
    %get3A_2 = arith.constant 0 : index
    %get3A_3 = arith.constant 0 : index
    %get3A_4 = vector.load %arg2[%get3A, %get3A_2, %get3A_3] : memref<1x1x2000xi32, #tpu.memory_space<vmem>>, vector<1x1x2000xi32>
    %reshape3A = vector.shape_cast %get3A_4 : vector<1x1x2000xi32> to vector<1x2000xi32>
    %iota3A = tpu.iota {dimensions = array<i32: 0>} : vector<64x1xi32>
    %eq3A_5 = vector.broadcast %reshape3A : vector<1x2000xi32> to vector<64x2000xi32>
    %eq3A_6 = vector.broadcast %iota3A : vector<64x1xi32> to vector<64x2000xi32>
    %eq3A_7 = arith.cmpi eq, %eq3A_5, %eq3A_6 : vector<64x2000xi32>
    %convert_element_type3A_8 = arith.extui %eq3A_7 : vector<64x2000xi1> to vector<64x2000xi32>
    %convert_element_type3A_9 = arith.sitofp %convert_element_type3A_8 : vector<64x2000xi32> to vector<64x2000xf32>
    %get3A_10 = arith.constant 0 : index
    %get3A_11 = arith.constant 0 : index
    %get3A_12 = vector.load %arg3[%get3A_10, %get3A_11] : memref<64x128xf32, #tpu.memory_space<vmem>>, vector<64x64xf32>
    %get3A_13 = arith.constant 0 : index
    %get3A_14 = arith.constant 0 : index
    %get3A_15 = arith.constant 0 : index
    %get3A_16 = vector.load %arg1[%get3A_13, %get3A_14, %get3A_15] : memref<2x2000x64xf32, #tpu.memory_space<vmem>>, vector<1x2000x64xf32>
    %get3A_17 = vector.shape_cast %get3A_16 : vector<1x2000x64xf32> to vector<2000x64xf32>
    %dot_general3A = arith.constant dense<0.000000e+00> : vector<64x64xf32>
    %dot_general3A_18 = tpu.matmul %convert_element_type3A_9, %get3A_17, %dot_general3A {dimension_numbers = #tpu.dot_dimension_numbers<[1], [0], [0], [1], [0, 0, 1, 1], [], []>, transpose_lhs_hint = false} : vector<64x2000xf32>, vector<2000x64xf32>, vector<64x64xf32> -> vector<64x64xf32>
    %add3A = arith.addf %get3A_12, %dot_general3A_18 : vector<64x64xf32>
    %swap3A = arith.constant 0 : index
    %swap3A_19 = arith.constant 0 : index
    %swap3A_20 = vector.load %arg3[%swap3A, %swap3A_19] : memref<64x128xf32, #tpu.memory_space<vmem>>, vector<64x64xf32>
    tpu.vector_store %arg3[%swap3A, %swap3A_19], %add3A {strides = array<i32>} : memref<64x128xf32, #tpu.memory_space<vmem>>, vector<64x64xf32>,
    %get3A_21 = arith.constant 0 : index
    %get3A_22 = arith.constant 64 : index
    %get3A_23 = vector.load %arg3[%get3A_21, %get3A_22] : memref<64x128xf32, #tpu.memory_space<vmem>>, vector<64x64xf32>
    %get3A_24 = arith.constant 1 : index
    %get3A_25 = arith.constant 0 : index
    %get3A_26 = arith.constant 0 : index
    %get3A_27 = vector.load %arg1[%get3A_24, %get3A_25, %get3A_26] : memref<2x2000x64xf32, #tpu.memory_space<vmem>>, vector<1x2000x64xf32>
    %get3A_28 = vector.shape_cast %get3A_27 : vector<1x2000x64xf32> to vector<2000x64xf32>
    %dot_general3A_29 = arith.constant dense<0.000000e+00> : vector<64x64xf32>
    %dot_general3A_30 = tpu.matmul %convert_element_type3A_9, %get3A_28, %dot_general3A_29 {dimension_numbers = #tpu.dot_dimension_numbers<[1], [0], [0], [1], [0, 0, 1, 1], [], []>, transpose_lhs_hint = false} : vector<64x2000xf32>, vector<2000x64xf32>, vector<64x64xf32> -> vector<64x64xf32>
    %add3A_31 = arith.addf %get3A_23, %dot_general3A_30 : vector<64x64xf32>
    %swap3A_32 = arith.constant 0 : index
    %swap3A_33 = arith.constant 64 : index
    %swap3A_34 = vector.load %arg3[%swap3A_32, %swap3A_33] : memref<64x128xf32, #tpu.memory_space<vmem>>, vector<64x64xf32>
    tpu.vector_store %arg3[%swap3A_32, %swap3A_33], %add3A_31 {strides = array<i32>} : memref<64x128xf32, #tpu.memory_space<vmem>>, vector<64x64xf32>,
    %get3A_35 = arith.constant 0 : index
    %get3A_36 = arith.constant 0 : index
    %get3A_37 = vector.load %arg4[%get3A_35, %get3A_36] : memref<64x128xf32, #tpu.memory_space<vmem>>, vector<64x128xf32>
    %reduce_sum3A = arith.constant dense<0.000000e+00> : vector<64xf32>
    %reduce_sum3A_38 = vector.multi_reduction <add>, %convert_element_type3A_9, %reduce_sum3A [1] : vector<64x2000xf32> to vector<64xf32>
    %broadcast_in_dim3A = vector.shape_cast %reduce_sum3A_38 : vector<64xf32> to vector<64x1xf32>
    %broadcast_in_dim3A_39 = vector.shape_cast %broadcast_in_dim3A : vector<64x1xf32> to vector<64x1xf32>
    %broadcast_in_dim3A_40 = vector.broadcast %broadcast_in_dim3A_39 : vector<64x1xf32> to vector<64x128xf32>
    %add3A_41 = arith.addf %get3A_37, %broadcast_in_dim3A_40 : vector<64x128xf32>
    %swap3A_42 = arith.constant 0 : index
    %swap3A_43 = arith.constant 0 : index
    %swap3A_44 = vector.load %arg4[%swap3A_42, %swap3A_43] : memref<64x128xf32, #tpu.memory_space<vmem>>, vector<64x128xf32>
    tpu.vector_store %arg4[%swap3A_42, %swap3A_43], %add3A_41 {strides = array<i32>} : memref<64x128xf32, #tpu.memory_space<vmem>>, vector<64x128xf32>,
    return
  }
  func.func @transform_0(%arg0: i32) -> (i32, i32, i32) {
    %c0_i32 = arith.constant 0 : i32
    %c0_i32_0 = arith.constant 0 : i32
    %c0_i32_1 = arith.constant 0 : i32
    return %c0_i32, %arg0, %c0_i32_0 : i32, i32, i32
  }
  func.func @transform_1(%arg0: i32) -> (i32, i32, i32) {
    %c0_i32 = arith.constant 0 : i32
    %c0_i32_0 = arith.constant 0 : i32
    %c0_i32_1 = arith.constant 0 : i32
    return %arg0, %c0_i32, %c0_i32_0 : i32, i32, i32
  }
  func.func @transform_2(%arg0: i32) -> (i32, i32) {
    %c0_i32 = arith.constant 0 : i32
    %c0_i32_0 = arith.constant 0 : i32
    %c0_i32_1 = arith.constant 0 : i32
    return %c0_i32, %c0_i32_0 : i32, i32
  }
  func.func @transform_3(%arg0: i32) -> (i32, i32) {
    %c0_i32 = arith.constant 0 : i32
    %c0_i32_0 = arith.constant 0 : i32
    %c0_i32_1 = arith.constant 0 : i32
    return %c0_i32, %c0_i32_0 : i32, i32
  }
}

module attributes {stable_mosaic.version = 14 : i64} {
  func.func @_final_body(%arg0: memref<64x128xf32, #tpu.memory_space<vmem>>, %arg1: memref<64x128xf32, #tpu.memory_space<vmem>>, %arg2: memref<128x10xf32, #tpu.memory_space<vmem>>, %arg3: memref<1x10xf32, #tpu.memory_space<vmem>>, %arg4: memref<64x10xf32, #tpu.memory_space<vmem>>) attributes {dimension_semantics = [], scalar_prefetch = 0 : i64, scratch_operands = 0 : i64, tpu.core_type = #tpu.core_type<tc>} {
    %get3A = arith.constant 0 : index
    %get3A_0 = arith.constant 0 : index
    %get3A_1 = vector.load %arg0[%get3A, %get3A_0] : memref<64x128xf32, #tpu.memory_space<vmem>>, vector<64x128xf32>
    %get3A_2 = arith.constant 0 : index
    %get3A_3 = arith.constant 0 : index
    %get3A_4 = vector.load %arg1[%get3A_2, %get3A_3] : memref<64x128xf32, #tpu.memory_space<vmem>>, vector<64x128xf32>
    %max3A = arith.constant 1.000000e+00 : f32
    %max3A_5 = vector.broadcast %max3A : f32 to vector<64x128xf32>
    %max3A_6 = arith.maximumf %get3A_4, %max3A_5 : vector<64x128xf32>
    %div3A = arith.divf %get3A_1, %max3A_6 : vector<64x128xf32>
    %get3A_7 = arith.constant 0 : index
    %get3A_8 = arith.constant 0 : index
    %get3A_9 = vector.load %arg2[%get3A_7, %get3A_8] : memref<128x10xf32, #tpu.memory_space<vmem>>, vector<128x10xf32>
    %dot_general3A = arith.constant dense<0.000000e+00> : vector<64x10xf32>
    %dot_general3A_10 = tpu.matmul %div3A, %get3A_9, %dot_general3A {dimension_numbers = #tpu.dot_dimension_numbers<[1], [0], [0], [1], [0, 0, 1, 1], [], []>, transpose_lhs_hint = false} : vector<64x128xf32>, vector<128x10xf32>, vector<64x10xf32> -> vector<64x10xf32>
    %get3A_11 = arith.constant 0 : index
    %get3A_12 = arith.constant 0 : index
    %get3A_13 = vector.load %arg3[%get3A_11, %get3A_12] : memref<1x10xf32, #tpu.memory_space<vmem>>, vector<1x10xf32>
    %add3A = vector.broadcast %get3A_13 : vector<1x10xf32> to vector<64x10xf32>
    %add3A_14 = arith.addf %dot_general3A_10, %add3A : vector<64x10xf32>
    %swap3A = arith.constant 0 : index
    %swap3A_15 = arith.constant 0 : index
    %swap3A_16 = vector.load %arg4[%swap3A, %swap3A_15] : memref<64x10xf32, #tpu.memory_space<vmem>>, vector<64x10xf32>
    tpu.vector_store %arg4[%swap3A, %swap3A_15], %add3A_14 {strides = array<i32>} : memref<64x10xf32, #tpu.memory_space<vmem>>, vector<64x10xf32>,
    return
  }
}

</mosaic_0001>

<sc_bundles>
// kernel: kernel.15.cloned.1.call-start
scs
__scs_entry_jumppad:
0x0: {  	(pc) =	sbr.rel $0x88, $3  }
0x1: {  	(tag) =	ssettag $0x0;
	lr =	simm.s32 $0x1  }
0x2: {  	[smem:$0x3F85] =	sst lr;
	_ =	strace $0xD0000000  }
0x3: {  	_ = 	snop  }
0x4: {  	_ = 	snop  }
0x5: {  	_ = 	snop  }
0x6: {  	_ = 	snop  }
0x7: {  	_ = 	snop  }
__scs_overlays_trampoline_lowered:
0x8: {  	[smem:$0x3F94] =	sst s0  }
0x9: {  	[smem:$0x3F95] =	sst s1  }
0xa: {  	[smem:$0x3F96] =	sst s2  }
0xb: {  	[smem:$0x3F97] =	sst s3  }
0xc: {  	[smem:$0x3F98] =	sst s4  }
0xd: {  	[smem:$0x3F99] =	sst s5  }
0xe: {  	[smem:$0x3F9A] =	sst s6  }
0xf: {  	[smem:$0x3F9B] =	sst s7  }
0x10: {  	[smem:$0x3F9C] =	sst s8  }
0x11: {  	[smem:$0x3F9D] =	sst s9;
	s0 =	simm.s32 @!p0 $0x0  }
0x12: {  	s1 =	sld [smem:$0x3F83];
	s0 =	simm.s32 @p0 $0x1  }
0x13: {  	[smem:$0x3F9E] =	sst s0;
	s0 =	simm.s32 @!p1 $0x0  }
0x14: {  	s2 =	sld [smem:$0x3F82];
	s0 =	simm.s32 @p1 $0x1  }
0x15: {  	[smem:$0x3F9F] =	sst s0;
	s0 =	simm.s32 @!p2 $0x0  }
0x16: {  	s3 =	sld [smem:$0x3FDB];
	s0 =	simm.s32 @p2 $0x1  }
0x17: {  	s4 =	simm.s32 $0x1BF5;
	[smem:$0x3FA1] =	sst s0  }
0x18: {  	s0 =	sld [smem:$0x3F84];
	_ =	swait.ge [sflag:s4], $0x0  }
0x19: {  	s7 =	sld [smem:$0x3F85]  }
0x1a: {  	s8 =	sadd.s32 $0xFFFFE003, lr  }
0x1b: {  	s9 =	sadd.s32 $0xFFFFFEF7, lr;
	s5 =	simm.s32 $0xFFFFFFFF;
	p2 =	slt.u32 s8, $0xFFFFF086  }
0x1c: {  	p1 =	slt.u32 s9, $0xF7A;
	s5 =	simm.s32 @!p2 $0x0  }
0x1d: {  	s5 =	simm.s32 @p1 $0x1;
	p0 =	seq.s32 s7, s2  }
0x1e: {  	s7 =	smul.u32 @!p0 $0xF7A, s2;
	p2 =	seq.s32 @!p0 s5, $0x0  }
0x1f: {  	s9 =	smul.u32 $0xF7A, s1;
	s8 =	simm.s32 @!p0 $0x1BF5;
	p2 =	por !p2, p0  }
0x20: {  	[sflag:s8] =	ssyncset.s32 @!p0 $0xFFFFF086;
	s6 =	sadd.s32 @!p0 s3, s7;
	s7 =	simm.s32 @!p0 $0x108  }
0x21: {  	s3 =	sadd.s32 s3, s9;
	s6 =	sadd.s32 @!p0 $0x88, s6;
	s7 =	simm.s32 @p2 $0x1082  }
0x22: {  	[simem:s7], [sflag:s8] =	dma.local @!p0 [hbm:s6], $0xF7A  }
0x23: {  	s9 =	sor.u32 $0xD0000000, s2;
	s6 =	simm.s32 $0x108;
	_ =	swait.ge @!p0 [sflag:s8], $0x0  }
0x24: {  	s3 =	sadd.s32 $0x88, s3;
	s6 =	simm.s32 @!p1 $0x1082;
	[sflag:s4] =	ssyncset.s32 $0xFFFFF086  }
0x25: {  	[simem:s6], [sflag:s4] =	dma.local [hbm:s3], $0xF7A  }
0x26: {  	[smem:$0x3F85] =	sst s1;
	(tag) =	ssettag s2;
	_ =	strace s9  }
0x27: {  	s1 =	sld [smem:$0x3F95]  }
0x28: {  	s2 =	sld [smem:$0x3F96]  }
0x29: {  	s4 =	sld [smem:$0x3F98]  }
0x2a: {  	p0 =	seq.s32 s5, $0x0;
	s5 =	sld [smem:$0x3F99]  }
0x2b: {  	s6 =	sld [smem:$0x3F9A]  }
0x2c: {  	s7 =	sld [smem:$0x3F9B]  }
0x2d: {  	s3 =	simm.s32 $0x108;
	s8 =	sld [smem:$0x3F9C]  }
0x2e: {  	s3 =	simm.s32 @!p0 $0x1082;
	s9 =	sld [smem:$0x3F9D]  }
0x2f: {  	lr =	sadd.s32 s0, s3;
	s0 =	sld [smem:$0x3F94]  }
0x30: {  	s3 =	sld [smem:$0x3F97]  }
0x31: {  	[smem:$0x3FA0] =	sst s10  }
0x32: {  	s10 =	sld [smem:$0x3F9E];
	_ =	sdelay $0x3  }
0x33: {  	p0 =	seq.s32 s10, $0x1;
	s10 =	sld [smem:$0x3FA0];
	_ =	sdelay $0x3  }
0x34: {  	[smem:$0x3FA0] =	sst s10  }
0x35: {  	s10 =	sld [smem:$0x3F9F];
	_ =	sdelay $0x3  }
0x36: {  	p1 =	seq.s32 s10, $0x1;
	s10 =	sld [smem:$0x3FA0];
	_ =	sdelay $0x3  }
0x37: {  	[smem:$0x3FA0] =	sst s10  }
0x38: {  	s10 =	sld [smem:$0x3FA1]  }
0x39: {  	_ = 	snop;
	(pc) =	sbr.ind lr, $3  }
0x3a: {  	_ = 	snop  }
0x3b: {  	_ = 	snop  }
0x3c: {  	p2 =	seq.s32 s10, $0x1;
	s10 =	sld [smem:$0x3FA0]  }
0x3d: {  	_ =	shalt  }
0x3e: {  	_ =	shalt  }
0x3f: {  	_ =	shalt  }
0x40: {  	_ =	shalt  }
0x41: {  	_ =	shalt  }
0x42: {  	_ =	shalt  }
0x43: {  	_ =	shalt  }
0x44: {  	_ =	shalt  }
0x45: {  	_ =	shalt  }
0x46: {  	_ =	shalt  }
0x47: {  	_ =	shalt  }
0x48: {  	_ =	shalt  }
0x49: {  	_ =	shalt  }
0x4a: {  	_ =	shalt  }
0x4b: {  	_ =	shalt  }
0x4c: {  	_ =	shalt  }
0x4d: {  	_ =	shalt  }
0x4e: {  	_ =	shalt  }
0x4f: {  	_ =	shalt  }
0x50: {  	_ =	shalt  }
0x51: {  	_ =	shalt  }
0x52: {  	_ =	shalt  }
0x53: {  	_ =	shalt  }
0x54: {  	_ =	shalt  }
0x55: {  	_ =	shalt  }
0x56: {  	_ =	shalt  }
0x57: {  	_ =	shalt  }
0x58: {  	_ =	shalt  }
0x59: {  	_ =	shalt  }
0x5a: {  	_ =	shalt  }
0x5b: {  	_ =	shalt  }
0x5c: {  	_ =	shalt  }
0x5d: {  	_ =	shalt  }
0x5e: {  	_ =	shalt  }
0x5f: {  	_ =	shalt  }
0x60: {  	_ =	shalt  }
0x61: {  	_ =	shalt  }
0x62: {  	_ =	shalt  }
0x63: {  	_ =	shalt  }
0x64: {  	_ =	shalt  }
0x65: {  	_ =	shalt  }
0x66: {  	_ =	shalt  }
0x67: {  	_ =	shalt  }
0x68: {  	_ =	shalt  }
0x69: {  	_ =	shalt  }
0x6a: {  	_ =	shalt  }
0x6b: {  	_ =	shalt  }
0x6c: {  	_ =	shalt  }
0x6d: {  	_ =	shalt  }
0x6e: {  	_ =	shalt  }
0x6f: {  	_ =	shalt  }
0x70: {  	_ =	shalt  }
0x71: {  	_ =	shalt  }
0x72: {  	_ =	shalt  }
0x73: {  	_ =	shalt  }
0x74: {  	_ =	shalt  }
0x75: {  	_ =	shalt  }
0x76: {  	_ =	shalt  }
0x77: {  	_ =	shalt  }
0x78: {  	_ =	shalt  }
0x79: {  	_ =	shalt  }
0x7a: {  	_ =	shalt  }
0x7b: {  	_ =	shalt  }
0x7c: {  	_ =	shalt  }
0x7d: {  	_ =	shalt  }
0x7e: {  	_ =	shalt  }
0x7f: {  	_ =	shalt  }
0x80: {  	_ =	shalt  }
0x81: {  	_ =	shalt  }
0x82: {  	_ =	shalt  }
0x83: {  	_ =	shalt  }
0x84: {  	_ =	shalt  }
0x85: {  	_ =	shalt  }
0x86: {  	_ =	shalt  }
0x87: {  	_ =	shalt  }
.Lfunc_end0:
.L_simem_size_0:
called_computation_lowered:
.L_overlay_start_0:
0x88: {  	s2 =	sld [smem:$0x3FD9]  }
0x89: {  	s3 =	sld [smem:$0x3FFE];
	_ =	sdelay $0x1  }
0x8a: {  	s1 =	srdreg.scid  }
0x8b: {  	s0 =	sand.u32 $0x1, s1  }
0x8c: {  	s17 =	sshll.u32 s0, $0xA;
	s2 =	sadd.s32 s3, s2  }
0x8d: {  	s2 =	sadd.s32 s2, s17  }
0x8e: {  	[smem:$0x3FAC] =	sst s2  }
0x8f: {  	_ = 	snop  }
0x90: {  	(tm) =	ssettm $0x1  }
0x91: {  	s18 =	sld [smem:$0x3FFB];
	_ =	sdelay $0x3  }
0x92: {  	_ =	strace s18  }
0x93: {  	s2 =	sld [smem:$0x3FFC];
	_ =	sdelay $0x3  }
0x94: {  	_ =	strace s2  }
0x95: {  	s2 =	sld [smem:$0x3FFD];
	_ =	sdelay $0x3  }
0x96: {  	_ =	strace s2  }
0x97: {  	_ =	strace $0x8FFFFFFF  }
0x98: {  	s19 =	sld [smem:$0x3FDB];
	_ =	sdelay $0x1  }
0x99: {  	s20 =	simm.s32 $_scs_section_size  }
0x9a: {  	s4 =	simm.s32 $_size__tile_overlayer_lowered;
	s5 =	simm.s32 $_tile_overlayer_lowered  }
0x9b: {  	s6 =	simm.s32 $0x1BFF;
	s21 =	sshll.u32 s5, $0x1;
	s3 =	sadd.s32 s20, s19  }
0x9c: {  	s22 =	simm.s32 $0x0;
	s4 =	sshll.u32 s4, $0x1;
	s5 =	sadd.s32 s21, s3  }
0x9d: {  	[timem:s22], [sflag:s6] =	dma.local [hbm:s5], s4  }
0x9e: {  	_ =	swait.ge [sflag:s6], s4  }
0x9f: {  	s4 =	ssub.s32 $0x0, s4;
	[sflag:s6] =	ssyncset.done $0x0  }
0xa0: {  	[sflag:s6] =	ssyncadd.s32 s4;
	_ =	sdelay $0x1  }
0xa1: {  	s23 =	simm.s32 $0x1B8B  }
0xa2: {  	_ =	swait.ge [sflag:s23], $0x1  }
0xa3: {  	[sflag:s23] =	ssyncset.done $0x0  }
0xa4: {  	[sflag:s23] =	ssyncadd.s32 $0xFFFFFFFF  }
0xa5: {  	s4 =	sld [smem:$0x0]  }
0xa6: {  	s5 =	sand.u32 $0xFFFFFFFE, s1  }
0xa7: {  	p0 =	sne.s32 s1, s5  }
0xa8: {  	s5 =	sshll.u32 @p0 s5, $0xE  }
0xa9: {  	s5 =	sadd.s32 @p0 $0x11B8D, s5;
	s6 =	sshll.u32 @p0 s4, $0x11  }
0xaa: {  	s5 =	sor.u32 @p0 s6, s5  }
0xab: {  	[sflag:s5] =	ssyncadd.remote.s32 @p0 $0x1;
	_ =	sdelay $0x1  }
0xac: {  	s5 =	simm.s32 @p0 $0x1B8D  }
0xad: {  	_ =	swait.eq @p0 [sflag:s5], $0x1  }
0xae: {  	[sflag:s5] =	ssyncadd.s32 @p0 $0xFFFFFFFF  }
0xaf: {  	s6 =	sshll.u32 @!p0 s1, $0xE  }
0xb0: {  	s6 =	sor.u32 @!p0 $0x4000, s6;
	s5 =	simm.s32 @!p0 $0x1B8D  }
0xb1: {  	s4 =	sshll.u32 @!p0 s4, $0x11;
	s6 =	sadd.s32 @!p0 $0x11B8D, s6;
	_ =	swait.eq @!p0 [sflag:s5], $0x1  }
0xb2: {  	s4 =	sor.u32 @!p0 s4, s6;
	[sflag:s5] =	ssyncadd.s32 @!p0 $0xFFFFFFFF  }
0xb3: {  	s25 =	simm.s32 $0x1B8E;
	s24 =	sld [smem:$0x3FFE];
	[sflag:s4] =	ssyncadd.remote.s32 @!p0 $0x1  }
0xb4: {  	s26 =	simm.s32 $execute0_lowered;
	[smem:$0x3FD2] =	sst s25  }
0xb5: {  	s5 =	sshll.u32 s26, $0x1;
	_ =	strace $0x80000049;
	[dreg:$0x1] =	wrdreg $0xFFFFFFFF  }
0xb6: {  	s28 =	simm.s32 $_size_execute0_lowered;
	s3 =	sadd.s32 s3, s5;
	[dreg:$0x0] =	wrdreg $0x0  }
0xb7: {  	s5 =	sshll.u32 s28, $0x1;
	[dreg:$0x2] =	wrdreg s3  }
0xb8: {  	[dreg:$0x3] =	wrdreg s5  }
0xb9: {  	[dreg:$0x4] =	wrdreg $0xC0  }
0xba: {  	_ =	task [dreg:s22], $0x5FFFF  }
0xbb: {  	[dreg:$0x1] =	wrdreg $0xFFFFFFFF  }
0xbc: {  	[dreg:$0x0] =	wrdreg $0x60  }
0xbd: {  	[dreg:$0x2] =	wrdreg s24  }
0xbe: {  	[dreg:$0x3] =	wrdreg $0xC4400  }
0xbf: {  	[dreg:$0x4] =	wrdreg $0x9  }
0xc0: {  	_ =	task.clear_ibuf [dreg:s22], $0x5FFFF;
	_ =	strace $0x90000049  }
0xc1: {  	s29 =	simm.s32 $0x9;
	_ =	strace $0x8000004B  }
0xc2: {  	_ =	swait.ge [sflag:s29], $0x1  }
0xc3: {  	[sflag:s29] =	ssyncadd.s32 $0xFFFFFFFF  }
0xc4: {  	_ =	strace $0x9000004B  }
0xc5: {  	_ =	sfence  }
0xc6: {  	s30 =	sld [smem:$0x0];
	_ =	sdelay $0x2  }
0xc7: {  	s31 =	sshll.u32 s1, $0xD;
	s1 =	sshrl.u32 s1, $0x2  }
0xc8: {  	s4 =	sand.u32 $0x4000, s31;
	s1 =	sadd.s32 s1, s30  }
0xc9: {  	s0 =	sor.u32 s4, s0;
	s1 =	sshll.u32 s1, $0x11  }
0xca: {  	s0 =	sor.u32 s1, s0  }
0xcb: {  	s0 =	sadd.s32 $0x8F2B, s0  }
0xcc: {  	[sflag:s0] =	ssyncadd.remote.s32 $0x1  }
0xcd: {  	_ =	sfence.sel $0xFFFF  }
0xce: {  	[dreg:$0x0] =	wrdreg $0xFFFFFFFF;
	(pc) =	sbr.abs _section_cstart, $3  }
0xcf: {  	[dreg:$0x1] =	wrdreg $0xFFFFFFFF  }
0xd0: {  	_ =	task.clear_ibuf [dreg:s22], $0x2FFFF;
	_ =	strace $0x9FFFFFFF  }
0xd1: {  	(tm) =	ssettm $0x7FFFFFFF  }
tec
execute0_lowered:
.L_overlay_start_1:
0x0: {  	(tag) =	ssettag $0x1  }
0x1: {  	s0 =	srdreg.scid;
	s17 =	stileid.u32  }
0x2: {  	s1 =	rddreg [dreg:$0x0];
	s25 =	smul.u32 $0x9600, s17  }
0x3: {  	s2 =	rddreg [dreg:$0x1];
	s0 =	sand.u32 $0x1, s0;
	s24 =	smul.u32 $0x4E20, s17  }
0x4: {  	s4 =	simm.s32 $0x0;
	s10 =	sor.u32 $0x10, s17;
	s8 =	smul.u32 $0xEA60, s0  }
0x5: {  	s28 =	simm.s32 $0x53C0;
	s13 =	sor.u32 $0x20, s17;
	s12 =	smul.u32 $0x9600, s10  }
0x6: {  	s29 =	simm.s32 $0x6CC0;
	s16 =	sor.u32 $0x30, s17;
	s15 =	smul.u32 $0x9600, s13  }
0x7: {  	s30 =	simm.s32 $0x4E70;
	s5 =	sadd.s32 $0xA7C800, s1;
	s26 =	smul.u32 $0x9600, s16  }
0x8: {  	s31 =	simm.s32 $0x1;
	s6 =	sadd.s32 $0xAA8A00, s1;
	s10 =	smul.u32 $0x4B0, s10  }
0x9: {  	[smem:$0x7FF] =	sst s4;
	s7 =	sadd.s32 $0x55FA00, s1;
	s20 =	smul.u32 $0x4B0, s13  }
0xa: {  	s3 =	sshll.u32 s0, $0x4;
	_ =	strace $0x8000004A;
	s22 =	smul.u32 $0x4B0, s16  }
0xb: {  	s11 =	ssub.s32 $0x2, s0;
	s0 =	smul.u32 $0x4E200, s0;
	s3 =	sor.u32 s17, s3  }
0xc: {  	p0 =	sgt.u32 s16, $0x31;
	s14 =	sshrl.u32 s11, $0x1;
	s4 =	smul.u32 $0x2710, s3  }
0xd: {  	s11 =	ssub.s32 s11, s14;
	s14 =	smul.u32 $0x4B0, s17;
	s19 =	sshrl.u32 s12, $0x2  }
0xe: {  	s21 =	sshrl.u32 s15, $0x2;
	s23 =	sshrl.u32 s26, $0x2;
	s0 =	sadd.s32 s24, s0  }
0xf: {  	s24 =	simm.s32 $0x80C0;
	s15 =	simm.s32 $0x0;
	s11 =	smax.u32 s11, $0x1  }
0x10: {  	s19 =	sadd.s32 s19, s2;
	s21 =	sadd.s32 s21, s2;
	[dreg:$0xc] =	wrdreg s0  }
0x11: {  	s0 =	simm.s32 $0x2;
	s3 =	sshrl.u32 s4, $0x3;
	[dreg:$0x5] =	wrdreg s11  }
0x12: {  	[dreg:$0x6] =	wrdreg s21;
	s9 =	sadd.s32 s3, s1;
	s1 =	sadd.s32 s8, s1  }
0x13: {  	s3 =	sadd.s32 s7, s3;
	s8 =	sshrl.u32 s25, $0x2;
	s9 =	sadd.s32 $0x569800, s9  }
0x14: {  	[dreg:$0x4] =	wrdreg s3;
	s1 =	sadd.s32 $0xF8AA00, s1;
	s18 =	sadd.s32 s8, s2  }
0x15: {  	s8 =	sadd.s32 s23, s2;
	s23 =	simm.s32 $0x4EC0;
	[dreg:$0x3] =	wrdreg s9  }
0x16: {  	[dreg:$0x7] =	wrdreg s8;
	s3 =	sadd.s32 s1, s14;
	s25 =	sadd.s32 s1, s10  }
0x17: {  	s26 =	sadd.s32 s1, s20;
	s1 =	sadd.s32 s1, s22;
	[dreg:$0x8] =	wrdreg s3  }
0x18: {  	s20 =	simm.s32 $0x7;
	s22 =	simm.s32 $0x50;
	[dreg:$0x9] =	wrdreg s25  }
0x19: {  	s8 =	simm.s32 $0x5;
	s9 =	simm.s32 $0x6;
	[dreg:$0xa] =	wrdreg s26  }
0x1a: {  	v0 =	vlaneseq.u32;
	s10 =	simm.s32 $0x8FC0;
	[dreg:$0xb] =	wrdreg s1;
	s25 =	simm.s32 $0x58C0  }
0x1b: {  	v1 =	vimm.f32 $0.0e+00;
	v0 =	vmul.u32 $0x2, v0;
	s26 =	simm.s32 $0x4E20;
	s3 =	simm.s32 $0x3;
	s1 =	simm.s32 $0x4  }
.LBB2_1:
0x1c: {  	s11 =	simm.s32 $0x0;
	s12 =	rddreg [dreg:$0x3]  }
0x1d: {  	[tilespmem:s11], [sflag:$0x7] =	stream.linear.gather [hbm4b:s12+s11], $0x2710, $0x38;
	[tilespmem:$0x13970] =	vst v63  }
0x1e: {  	_ =	swait.ge [sflag:s20], $0x2710  }
0x1f: {  	[sflag:s20] =	ssyncset.done $0x0  }
0x20: {  	s11 =	simm.s32 $0x0;
	s16 =	rddreg [dreg:$0xc];
	[sflag:s20] =	ssyncadd.s32 $0xFFFFD8F0  }
.LBB2_2:
0x21: {  	p1 =	sne.s32 s11, $0x9C00  }
.Ltmp0:
0x22: {  	_ = 	snop;
	(pc) =	sbr.rel @p1 .LBB2_2-.Ltmp0, $3  }
0x23: {  	_ =	sdelay $0x1  }
0x24: {  	v2 =	vor.u32 s16, v0;
	s17 =	sshra.s32 s11, $0x2  }
0x25: {  	s16 =	sadd.s32 $0x20, s16;
	s11 =	sadd.s32 $0x40, s11;
	[tilespmem:s17+$0x2710] =	vst v2  }
0x26: {  	s11 =	simm.s32 $0xC0;
	s16 =	simm.s32 $0x0  }
.LBB2_4:
0x27: {  	p1 =	sne.s32 s11, $0x9540;
	[tilespmem:s16+$0x9EE0] =	vst v1;
	s17 =	smov.u32 s11;
	s11 =	sadd.s32 $0xC0, s11  }
.Ltmp1:
0x28: {  	[tilespmem:s16+$0x9EC0] =	vst v1;
	(pc) =	sbr.rel @p1 .LBB2_4-.Ltmp1, $2  }
0x29: {  	[tilespmem:s16+$0x9ED0] =	vst v1;
	_ =	sdelay $0x2  }
0x2a: {  	s16 =	sshra.s32 s17, $0x2  }
0x2b: {  	[tilespmem:s16+$0x9EE0] =	vst v1  }
0x2c: {  	[tilespmem:s16+$0x9EC0] =	vst v1  }
0x2d: {  	[tilespmem:s16+$0x9ED0] =	vst v1;
	s11 =	simm.s32 $0x9EC0  }
0x2e: {  	[spmem:s18] =	stream.linear.scatter [tilespmem:s11], [sflag:$0x7], $0x2580, $0x38;
	[tilespmem:$0x13970] =	vst v63  }
0x2f: {  	_ =	swait.ge [sflag:s20], $0x2580  }
0x30: {  	[sflag:s20] =	ssyncset.done $0x0  }
0x31: {  	[sflag:s20] =	ssyncadd.s32 $0xFFFFDA80  }
0x32: {  	[spmem:s19] =	stream.linear.scatter [tilespmem:s11], [sflag:$0x7], $0x2580, $0x38;
	[tilespmem:$0x13970] =	vst v63  }
0x33: {  	_ =	swait.ge [sflag:s20], $0x2580  }
0x34: {  	[sflag:s20] =	ssyncset.done $0x0  }
0x35: {  	[sflag:s20] =	ssyncadd.s32 $0xFFFFDA80  }
0x36: {  	[spmem:s21] =	stream.linear.scatter [tilespmem:s11], [sflag:$0x7], $0x2580, $0x38;
	[tilespmem:$0x13970] =	vst v63  }
0x37: {  	_ =	swait.ge [sflag:s20], $0x2580  }
0x38: {  	[sflag:s20] =	ssyncset.done $0x0  }
0x39: {  	s11 =	simm.s32 @!p0 $0x9EC0;
	s12 =	rddreg [dreg:$0x7];
	[sflag:s20] =	ssyncadd.s32 $0xFFFFDA80  }
0x3a: {  	[spmem:s12] =	stream.linear.scatter @!p0 [tilespmem:s11], [sflag:$0x7], $0x2580, $0x38;
	[tilespmem:$0x13970] =	vst v63  }
0x3b: {  	s11 =	simm.s32 @!p0 $0x7  }
0x3c: {  	_ =	swait.ge @!p0 [sflag:s11], $0x2580  }
0x3d: {  	[sflag:s11] =	ssyncset.done @!p0 $0x0  }
0x3e: {  	[sflag:s11] =	ssyncadd.s32 @!p0 $0xFFFFDA80  }
0x3f: {  	s16 =	simm.s32 $0x0;
	[bflag:$0x0] =	sbarrier.arrive $0xFFFF  }
0x40: {  	[tilespmem:s23], [sflag:$0x1] =	stream.indirect.gather [hbm4b:s5+s22], $0x10, s16, s22, $0xb8;
	[tilespmem:$0x13970] =	vst v63  }
0x41: {  	s14 =	smov.u32 s19;
	s19 =	simm.s32 $0x2710  }
0x42: {  	[tilespmem:s25], [sflag:$0x2] =	stream.indirect.gather [hbm4b:s6+s22], $0x40, s19, s22, $0xb8;
	[tilespmem:$0x13970] =	vst v63  }
0x43: {  	s13 =	smov.u32 s18;
	s17 =	simm.s32 $0x0;
	s21 =	rddreg [dreg:$0x4]  }
0x44: {  	[tilespmem:s26], [sflag:$0x3] =	stream.linear.gather [hbm4b:s21+s16], $0x50, $0x38;
	[tilespmem:$0x13970] =	vst v63  }
.LBB2_6:
0x45: {  	s18 =	smul.u32 $0xA0, s17;
	_ =	sdelay $0x1  }
0x46: {  	s11 =	sadd.s32 $0x50, s18  }
0x47: {  	[tilespmem:s28], [sflag:$0x4] =	stream.indirect.gather [hbm4b:s5+s22], $0x10, s11, s22, $0xb8;
	[tilespmem:$0x13970] =	vst v63  }
0x48: {  	s11 =	sadd.s32 s4, s11  }
0x49: {  	s19 =	sadd.s32 $0x2760, s18;
	s11 =	sshrl.u32 s11, $0x3  }
0x4a: {  	[tilespmem:s29], [sflag:$0x5] =	stream.indirect.gather [hbm4b:s6+s22], $0x40, s19, s22, $0xb8;
	[tilespmem:$0x13970] =	vst v63  }
0x4b: {  	s11 =	sadd.s32 s7, s11  }
0x4c: {  	[tilespmem:s30], [sflag:$0x6] =	stream.linear.gather [hbm4b:s11+s16], $0x50, $0x38;
	[tilespmem:$0x13970] =	vst v63  }
0x4d: {  	_ =	swait.ge [sflag:s31], $0x500  }
0x4e: {  	[sflag:s31] =	ssyncset.done $0x0  }
0x4f: {  	[sflag:s31] =	ssyncadd.s32 $0xFFFFFB00  }
0x50: {  	_ =	swait.ge [sflag:s0], $0x1400  }
0x51: {  	[sflag:s0] =	ssyncset.done $0x0  }
0x52: {  	[sflag:s0] =	ssyncadd.s32 $0xFFFFEC00  }
0x53: {  	_ =	swait.ge [sflag:s3], $0x50  }
0x54: {  	[sflag:s3] =	ssyncset.done $0x0  }
0x55: {  	s19 =	simm.s32 $0x0;
	[sflag:s3] =	ssyncadd.s32 $0xFFFFFFB0  }
0x56: {  	s21 =	simm.s32 $0x58E0;
	v2 =	vld [tilespmem:s19+$0x4EC0]  }
0x57: {  	v3 =	vld [tilespmem:s21+$0xFFFFFFE0];
	_ =	sdelay $0x4  }
0x58: {  	v3 =	vadd.f32 v3, v2;
	_ =	sdelay $0x1  }
0x59: {  	s19 =	simm.s32 $0x80E0;
	v3 =	vmax.f32 v3, $0.0e+00  }
0x5a: {  	[tilespmem:s19+$0xFFFFFFE0] =	vst v3  }
0x5b: {  	v3 =	vld [tilespmem:s21+$0xFFFFFFF0];
	_ =	sdelay $0x4  }
0x5c: {  	v3 =	vadd.f32 v3, v2;
	_ =	sdelay $0x1  }
0x5d: {  	v3 =	vmax.f32 v3, $0.0e+00  }
0x5e: {  	[tilespmem:s19+$0xFFFFFFF0] =	vst v3  }
0x5f: {  	v3 =	vld [tilespmem:s21+$0x0];
	_ =	sdelay $0x4  }
0x60: {  	v2 =	vadd.f32 v3, v2;
	_ =	sdelay $0x1  }
0x61: {  	v2 =	vmax.f32 v2, $0.0e+00  }
0x62: {  	s21 =	simm.s32 $0x10;
	[tilespmem:s19+$0x0] =	vst v2  }
0x63: {  	s11 =	simm.s32 $0x80;
	v2 =	vld [tilespmem:s21+$0x4EC0];
	s21 =	simm.s32 $0x5920  }
.LBB2_7:
0x64: {  	p1 =	sne.s32 s11, $0x13C0;
	v3 =	vld [tilespmem:s21+$0xFFFFFFE0];
	_ =	sdelay $0x4  }
0x65: {  	v3 =	vadd.f32 v3, v2;
	_ =	sdelay $0x1  }
0x66: {  	s19 =	sadd.s32 $0x30, s19;
	v3 =	vmax.f32 v3, $0.0e+00  }
0x67: {  	[tilespmem:s19+$0xFFFFFFE0] =	vst v3  }
0x68: {  	v3 =	vld [tilespmem:s21+$0xFFFFFFF0];
	_ =	sdelay $0x4  }
0x69: {  	v3 =	vadd.f32 v3, v2;
	_ =	sdelay $0x1  }
0x6a: {  	v3 =	vmax.f32 v3, $0.0e+00  }
0x6b: {  	[tilespmem:s19+$0xFFFFFFF0] =	vst v3  }
0x6c: {  	v3 =	vld [tilespmem:s21+$0x0];
	_ =	sdelay $0x4  }
.Ltmp2:
0x6d: {  	v2 =	vadd.f32 v3, v2;
	(pc) =	sbr.rel @p1 .LBB2_7-.Ltmp2, $4  }
0x6e: {  	_ = 	snop  }
0x6f: {  	v2 =	vmax.f32 v2, $0.0e+00  }
0x70: {  	s12 =	sshra.s32 s11, $0x2;
	[tilespmem:s19+$0x0] =	vst v2  }
0x71: {  	s11 =	sadd.s32 $0x40, s11;
	s21 =	sadd.s32 $0x40, s21;
	v2 =	vld [tilespmem:s12+$0x4EC0]  }
0x72: {  	v3 =	vld [tilespmem:s21+$0xFFFFFFE0];
	_ =	sdelay $0x4  }
0x73: {  	v3 =	vadd.f32 v3, v2;
	_ =	sdelay $0x1  }
0x74: {  	s11 =	sadd.s32 $0x30, s19;
	v3 =	vmax.f32 v3, $0.0e+00  }
0x75: {  	[tilespmem:s11+$0xFFFFFFE0] =	vst v3  }
0x76: {  	v3 =	vld [tilespmem:s21+$0xFFFFFFF0];
	_ =	sdelay $0x4  }
0x77: {  	v3 =	vadd.f32 v3, v2;
	_ =	sdelay $0x1  }
0x78: {  	v3 =	vmax.f32 v3, $0.0e+00  }
0x79: {  	[tilespmem:s11+$0xFFFFFFF0] =	vst v3  }
0x7a: {  	v3 =	vld [tilespmem:s21+$0x0];
	_ =	sdelay $0x4  }
0x7b: {  	v2 =	vadd.f32 v3, v2;
	_ =	sdelay $0x1  }
0x7c: {  	v2 =	vmax.f32 v2, $0.0e+00  }
0x7d: {  	[tilespmem:s11+$0x0] =	vst v2  }
0x7e: {  	[spmem:s2] =	stream.indirect.scatter.add.f32 [tilespmem:s24], [sflag:$0x7], $0x30, s26, s22, $0xb8;
	[tilespmem:$0x13970] =	vst v63  }
0x7f: {  	_ =	swait.ge [sflag:s20], $0xF00  }
0x80: {  	s19 =	sadd.s32 $0xA0, s18;
	[sflag:s20] =	ssyncset.done $0x0  }
0x81: {  	s11 =	sadd.s32 s4, s19;
	[sflag:s20] =	ssyncadd.s32 $0xFFFFF100  }
0x82: {  	[tilespmem:s23], [sflag:$0x1] =	stream.indirect.gather [hbm4b:s5+s22], $0x10, s19, s22, $0xb8;
	[tilespmem:$0x13970] =	vst v63  }
0x83: {  	s12 =	sadd.s32 $0x27B0, s18;
	s11 =	sshrl.u32 s11, $0x3  }
0x84: {  	[tilespmem:s25], [sflag:$0x2] =	stream.indirect.gather [hbm4b:s6+s22], $0x40, s12, s22, $0xb8;
	[tilespmem:$0x13970] =	vst v63  }
0x85: {  	s21 =	simm.s32 $0x0;
	s11 =	sadd.s32 s7, s11  }
0x86: {  	[tilespmem:s26], [sflag:$0x3] =	stream.linear.gather [hbm4b:s11+s21], $0x50, $0x38;
	[tilespmem:$0x13970] =	vst v63  }
0x87: {  	_ =	swait.ge [sflag:s1], $0x500  }
0x88: {  	[sflag:s1] =	ssyncset.done $0x0  }
0x89: {  	[sflag:s1] =	ssyncadd.s32 $0xFFFFFB00  }
0x8a: {  	_ =	swait.ge [sflag:s8], $0x1400  }
0x8b: {  	[sflag:s8] =	ssyncset.done $0x0  }
0x8c: {  	[sflag:s8] =	ssyncadd.s32 $0xFFFFEC00  }
0x8d: {  	_ =	swait.ge [sflag:s9], $0x50  }
0x8e: {  	[sflag:s9] =	ssyncset.done $0x0  }
0x8f: {  	s18 =	simm.s32 $0x0;
	[sflag:s9] =	ssyncadd.s32 $0xFFFFFFB0  }
0x90: {  	s19 =	simm.s32 $0x6CE0;
	v2 =	vld [tilespmem:s18+$0x53C0]  }
0x91: {  	v3 =	vld [tilespmem:s19+$0xFFFFFFE0];
	_ =	sdelay $0x4  }
0x92: {  	v3 =	vadd.f32 v3, v2;
	_ =	sdelay $0x1  }
0x93: {  	s18 =	simm.s32 $0x8FE0;
	v3 =	vmax.f32 v3, $0.0e+00  }
0x94: {  	[tilespmem:s18+$0xFFFFFFE0] =	vst v3  }
0x95: {  	v3 =	vld [tilespmem:s19+$0xFFFFFFF0];
	_ =	sdelay $0x4  }
0x96: {  	v3 =	vadd.f32 v3, v2;
	_ =	sdelay $0x1  }
0x97: {  	v3 =	vmax.f32 v3, $0.0e+00  }
0x98: {  	[tilespmem:s18+$0xFFFFFFF0] =	vst v3  }
0x99: {  	v3 =	vld [tilespmem:s19+$0x0];
	_ =	sdelay $0x4  }
0x9a: {  	v2 =	vadd.f32 v3, v2;
	_ =	sdelay $0x1  }
0x9b: {  	v2 =	vmax.f32 v2, $0.0e+00  }
0x9c: {  	s21 =	simm.s32 $0x10;
	[tilespmem:s18+$0x0] =	vst v2  }
0x9d: {  	s11 =	simm.s32 $0x80;
	s19 =	simm.s32 $0x6D20;
	v2 =	vld [tilespmem:s21+$0x53C0]  }
.LBB2_9:
0x9e: {  	p1 =	sne.s32 s11, $0x13C0;
	v3 =	vld [tilespmem:s19+$0xFFFFFFE0];
	_ =	sdelay $0x4  }
0x9f: {  	v3 =	vadd.f32 v3, v2;
	_ =	sdelay $0x1  }
0xa0: {  	s18 =	sadd.s32 $0x30, s18;
	v3 =	vmax.f32 v3, $0.0e+00  }
0xa1: {  	[tilespmem:s18+$0xFFFFFFE0] =	vst v3  }
0xa2: {  	v3 =	vld [tilespmem:s19+$0xFFFFFFF0];
	_ =	sdelay $0x4  }
0xa3: {  	v3 =	vadd.f32 v3, v2;
	_ =	sdelay $0x1  }
0xa4: {  	v3 =	vmax.f32 v3, $0.0e+00  }
0xa5: {  	[tilespmem:s18+$0xFFFFFFF0] =	vst v3  }
0xa6: {  	v3 =	vld [tilespmem:s19+$0x0];
	_ =	sdelay $0x4  }
.Ltmp3:
0xa7: {  	v2 =	vadd.f32 v3, v2;
	(pc) =	sbr.rel @p1 .LBB2_9-.Ltmp3, $4  }
0xa8: {  	_ = 	snop  }
0xa9: {  	v2 =	vmax.f32 v2, $0.0e+00  }
0xaa: {  	s12 =	sshra.s32 s11, $0x2;
	[tilespmem:s18+$0x0] =	vst v2  }
0xab: {  	s11 =	sadd.s32 $0x40, s11;
	s19 =	sadd.s32 $0x40, s19;
	v2 =	vld [tilespmem:s12+$0x53C0]  }
0xac: {  	v3 =	vld [tilespmem:s19+$0xFFFFFFE0];
	_ =	sdelay $0x4  }
0xad: {  	v3 =	vadd.f32 v3, v2;
	_ =	sdelay $0x1  }
0xae: {  	s11 =	sadd.s32 $0x30, s18;
	v3 =	vmax.f32 v3, $0.0e+00  }
0xaf: {  	[tilespmem:s11+$0xFFFFFFE0] =	vst v3  }
0xb0: {  	v3 =	vld [tilespmem:s19+$0xFFFFFFF0];
	_ =	sdelay $0x4  }
0xb1: {  	v3 =	vadd.f32 v3, v2;
	_ =	sdelay $0x1  }
0xb2: {  	v3 =	vmax.f32 v3, $0.0e+00  }
0xb3: {  	[tilespmem:s11+$0xFFFFFFF0] =	vst v3  }
0xb4: {  	v3 =	vld [tilespmem:s19+$0x0];
	_ =	sdelay $0x4  }
0xb5: {  	v2 =	vadd.f32 v3, v2  }
0xb6: {  	s17 =	sadd.s32 $0x1, s17  }
0xb7: {  	p1 =	sne.s32 s17, $0x3E;
	v2 =	vmax.f32 v2, $0.0e+00  }
.Ltmp4:
0xb8: {  	[tilespmem:s11+$0x0] =	vst v2;
	(pc) =	sbr.rel @p1 .LBB2_6-.Ltmp4, $4  }
0xb9: {  	[spmem:s2] =	stream.indirect.scatter.add.f32 [tilespmem:s10], [sflag:$0x7], $0x30, s30, s22, $0xb8;
	[tilespmem:$0x13970] =	vst v63  }
0xba: {  	_ =	swait.ge [sflag:s20], $0xF00  }
0xbb: {  	[sflag:s20] =	ssyncset.done $0x0  }
0xbc: {  	[sflag:s20] =	ssyncadd.s32 $0xFFFFF100  }
0xbd: {  	_ =	swait.ge [sflag:s31], $0x500  }
0xbe: {  	[sflag:s31] =	ssyncset.done $0x0  }
0xbf: {  	[sflag:s31] =	ssyncadd.s32 $0xFFFFFB00  }
0xc0: {  	_ =	swait.ge [sflag:s0], $0x1400  }
0xc1: {  	[sflag:s0] =	ssyncset.done $0x0  }
0xc2: {  	[sflag:s0] =	ssyncadd.s32 $0xFFFFEC00  }
0xc3: {  	_ =	swait.ge [sflag:s3], $0x50  }
0xc4: {  	[sflag:s3] =	ssyncset.done $0x0  }
0xc5: {  	s11 =	simm.s32 $0x0;
	[sflag:s3] =	ssyncadd.s32 $0xFFFFFFB0  }
0xc6: {  	s12 =	simm.s32 $0x58E0;
	v2 =	vld [tilespmem:s11+$0x4EC0]  }
0xc7: {  	v3 =	vld [tilespmem:s12+$0xFFFFFFE0];
	_ =	sdelay $0x4  }
0xc8: {  	v3 =	vadd.f32 v3, v2;
	_ =	sdelay $0x1  }
0xc9: {  	s16 =	simm.s32 $0x80E0;
	v3 =	vmax.f32 v3, $0.0e+00  }
0xca: {  	[tilespmem:s16+$0xFFFFFFE0] =	vst v3  }
0xcb: {  	v3 =	vld [tilespmem:s12+$0xFFFFFFF0];
	_ =	sdelay $0x4  }
0xcc: {  	v3 =	vadd.f32 v3, v2;
	_ =	sdelay $0x1  }
0xcd: {  	v3 =	vmax.f32 v3, $0.0e+00  }
0xce: {  	[tilespmem:s16+$0xFFFFFFF0] =	vst v3  }
0xcf: {  	v3 =	vld [tilespmem:s12+$0x0];
	_ =	sdelay $0x4  }
0xd0: {  	v2 =	vadd.f32 v3, v2;
	_ =	sdelay $0x1  }
0xd1: {  	v2 =	vmax.f32 v2, $0.0e+00  }
0xd2: {  	s21 =	simm.s32 $0x10;
	[tilespmem:s16+$0x0] =	vst v2  }
0xd3: {  	s17 =	simm.s32 $0x5920;
	s11 =	simm.s32 $0x80;
	v2 =	vld [tilespmem:s21+$0x4EC0]  }
.LBB2_12:
0xd4: {  	p1 =	sne.s32 s11, $0x13C0;
	v3 =	vld [tilespmem:s17+$0xFFFFFFE0];
	_ =	sdelay $0x4  }
0xd5: {  	v3 =	vadd.f32 v3, v2;
	_ =	sdelay $0x1  }
0xd6: {  	s16 =	sadd.s32 $0x30, s16;
	v3 =	vmax.f32 v3, $0.0e+00  }
0xd7: {  	[tilespmem:s16+$0xFFFFFFE0] =	vst v3  }
0xd8: {  	v3 =	vld [tilespmem:s17+$0xFFFFFFF0];
	_ =	sdelay $0x4  }
0xd9: {  	v3 =	vadd.f32 v3, v2;
	_ =	sdelay $0x1  }
0xda: {  	v3 =	vmax.f32 v3, $0.0e+00  }
0xdb: {  	[tilespmem:s16+$0xFFFFFFF0] =	vst v3  }
0xdc: {  	v3 =	vld [tilespmem:s17+$0x0];
	_ =	sdelay $0x4  }
.Ltmp5:
0xdd: {  	v2 =	vadd.f32 v3, v2;
	(pc) =	sbr.rel @p1 .LBB2_12-.Ltmp5, $4  }
0xde: {  	_ = 	snop  }
0xdf: {  	v2 =	vmax.f32 v2, $0.0e+00  }
0xe0: {  	s12 =	sshra.s32 s11, $0x2;
	[tilespmem:s16+$0x0] =	vst v2  }
0xe1: {  	s11 =	sadd.s32 $0x40, s11;
	s17 =	sadd.s32 $0x40, s17;
	v2 =	vld [tilespmem:s12+$0x4EC0]  }
0xe2: {  	v3 =	vld [tilespmem:s17+$0xFFFFFFE0];
	_ =	sdelay $0x4  }
0xe3: {  	v3 =	vadd.f32 v3, v2;
	_ =	sdelay $0x1  }
0xe4: {  	s11 =	sadd.s32 $0x30, s16;
	v3 =	vmax.f32 v3, $0.0e+00  }
0xe5: {  	[tilespmem:s11+$0xFFFFFFE0] =	vst v3  }
0xe6: {  	v3 =	vld [tilespmem:s17+$0xFFFFFFF0];
	_ =	sdelay $0x4  }
0xe7: {  	v3 =	vadd.f32 v3, v2;
	_ =	sdelay $0x1  }
0xe8: {  	v3 =	vmax.f32 v3, $0.0e+00  }
0xe9: {  	[tilespmem:s11+$0xFFFFFFF0] =	vst v3  }
0xea: {  	v3 =	vld [tilespmem:s17+$0x0];
	_ =	sdelay $0x4  }
0xeb: {  	v2 =	vadd.f32 v3, v2;
	_ =	sdelay $0x1  }
0xec: {  	v2 =	vmax.f32 v2, $0.0e+00  }
0xed: {  	[tilespmem:s11+$0x0] =	vst v2  }
0xee: {  	[spmem:s2] =	stream.indirect.scatter.add.f32 [tilespmem:s24], [sflag:$0x7], $0x30, s26, s22, $0xb8;
	[tilespmem:$0x13970] =	vst v63  }
0xef: {  	_ =	swait.ge [sflag:s20], $0xF00  }
0xf0: {  	[sflag:s20] =	ssyncset.done $0x0  }
0xf1: {  	s12 =	stileid.u32;
	[sflag:s20] =	ssyncadd.s32 $0xFFFFF100  }
0xf2: {  	s11 =	sshll.u32 s12, $0x6;
	[bflag:$0x0] =	sbarrier.arrive $0xFFFF  }
0xf3: {  	s12 =	sshrl.u32 s13, $0x3;
	s11 =	sor.u32 $0x1C07, s11;
	s16 =	rddreg [dreg:$0x8]  }
0xf4: {  	[hbm:s16], [sflag:s11] =	dma.local [spmem:s12], $0x4B0  }
0xf5: {  	_ =	swait.ge [sflag:s20], $0x4B0  }
0xf6: {  	[sflag:s20] =	ssyncset.done $0x0  }
0xf7: {  	s17 =	sshrl.u32 s14, $0x3;
	s21 =	rddreg [dreg:$0x9];
	[sflag:s20] =	ssyncadd.s32 $0xFFFFFB50  }
0xf8: {  	[hbm:s21], [sflag:s11] =	dma.local [spmem:s17], $0x4B0  }
0xf9: {  	_ =	swait.ge [sflag:s20], $0x4B0  }
0xfa: {  	s19 =	smov.u32 s14;
	[sflag:s20] =	ssyncset.done $0x0;
	s21 =	rddreg [dreg:$0x6]  }
0xfb: {  	s16 =	rddreg [dreg:$0xa];
	[sflag:s20] =	ssyncadd.s32 $0xFFFFFB50;
	s14 =	sshrl.u32 s21, $0x3  }
0xfc: {  	[hbm:s16], [sflag:s11] =	dma.local [spmem:s14], $0x4B0  }
0xfd: {  	_ =	swait.ge [sflag:s20], $0x4B0  }
0xfe: {  	s18 =	smov.u32 s13;
	[sflag:s20] =	ssyncset.done $0x0;
	s12 =	rddreg [dreg:$0x7]  }
0xff: {  	s13 =	rddreg [dreg:$0xb];
	[sflag:s20] =	ssyncadd.s32 $0xFFFFFB50;
	s12 =	sshrl.u32 @!p0 s12, $0x3  }
0x100: {  	[hbm:s13], [sflag:s11] =	dma.local @!p0 [spmem:s12], $0x4B0  }
0x101: {  	s11 =	simm.s32 @!p0 $0x7  }
0x102: {  	_ =	swait.ge @!p0 [sflag:s11], $0x4B0  }
0x103: {  	s15 =	sadd.s32 $0x1, s15;
	s17 =	rddreg [dreg:$0x5]  }
0x104: {  	p1 =	sne.s32 s15, s17  }
.Ltmp6:
0x105: {  	_ = 	snop;
	(pc) =	sbr.rel @p1 .LBB2_1-.Ltmp6, $3  }
0x106: {  	[sflag:s11] =	ssyncset.done @!p0 $0x0  }
0x107: {  	[sflag:s11] =	ssyncadd.s32 @!p0 $0xFFFFFB50  }
0x108: {  	[bflag:$0x0] =	sbarrier.arrive $0xFFFF;
	_ =	sdelay $0x1  }
0x109: {  	_ =	sfence.sel $0x180000  }
0x10a: {  	[bflag:$0x0] =	sbarrier.arrive $0xFFFF  }
0x10b: {  	_ =	strace $0x9000004A  }
0x10c: {  	s0 =	stileid.u32;
	[bflag:$0x2] =	sbarrier.arrive $0xFFFF  }
0x10d: {  	p0 =	sne.s32 s0, $0x0;
	s0 =	rddreg [dreg:$0x2]  }
0x10e: {  	s0 =	sadd.s32 @!p0 $0x100000, s0  }
0x10f: {  	[sflag:s0] =	ssyncadd.tile.s32 @!p0 $0x1;
	_ =	shalt  }
.Lfunc_end2:
_tile_overlayer_lowered:
.L_overlay_start_2:
0x110: {  	(tag) =	ssettag $0x2  }
0x111: {  	s0 =	rddreg [dreg:$0x0];
	s2 =	stileid.u32  }
0x112: {  	s1 =	rddreg [dreg:$0x1];
	p0 =	sne.s32 s2, $0x0  }
0x113: {  	s3 =	rddreg [dreg:$0x2];
	[bflag:$0x3] =	sbarrier.arrive $0xFFFF;
	s2 =	simm.s32 @!p0 $0x1C07  }
0x114: {  	[timem:s3], [sflag:s2] =	dma.local @!p0 [hbm:s0], s1  }
0x115: {  	s0 =	simm.s32 @!p0 $0x7  }
0x116: {  	_ =	swait.ge @!p0 [sflag:s0], s1  }
0x117: {  	s1 =	ssub.s32 @!p0 $0x0, s1;
	[sflag:s0] =	ssyncset.done @!p0 $0x0  }
0x118: {  	[sflag:s0] =	ssyncadd.s32 @!p0 s1  }
0x119: {  	[bflag:$0x3] =	sbarrier.arrive $0xFFFF  }
0x11a: {  	_ =	shalt  }

// kernel: kernel.18.cloned.1.call-start
scs
__scs_entry_jumppad:
0x0: {  	(pc) =	sbr.rel $0x88, $3  }
0x1: {  	(tag) =	ssettag $0x0;
	lr =	simm.s32 $0x1  }
0x2: {  	[smem:$0x3F85] =	sst lr;
	_ =	strace $0xD0000000  }
0x3: {  	_ = 	snop  }
0x4: {  	_ = 	snop  }
0x5: {  	_ = 	snop  }
0x6: {  	_ = 	snop  }
0x7: {  	_ = 	snop  }
__scs_overlays_trampoline_lowered:
0x8: {  	[smem:$0x3F94] =	sst s0  }
0x9: {  	[smem:$0x3F95] =	sst s1  }
0xa: {  	[smem:$0x3F96] =	sst s2  }
0xb: {  	[smem:$0x3F97] =	sst s3  }
0xc: {  	[smem:$0x3F98] =	sst s4  }
0xd: {  	[smem:$0x3F99] =	sst s5  }
0xe: {  	[smem:$0x3F9A] =	sst s6  }
0xf: {  	[smem:$0x3F9B] =	sst s7  }
0x10: {  	[smem:$0x3F9C] =	sst s8  }
0x11: {  	[smem:$0x3F9D] =	sst s9;
	s0 =	simm.s32 @!p0 $0x0  }
0x12: {  	s1 =	sld [smem:$0x3F83];
	s0 =	simm.s32 @p0 $0x1  }
0x13: {  	[smem:$0x3F9E] =	sst s0;
	s0 =	simm.s32 @!p1 $0x0  }
0x14: {  	s2 =	sld [smem:$0x3F82];
	s0 =	simm.s32 @p1 $0x1  }
0x15: {  	[smem:$0x3F9F] =	sst s0;
	s0 =	simm.s32 @!p2 $0x0  }
0x16: {  	s3 =	sld [smem:$0x3FDB];
	s0 =	simm.s32 @p2 $0x1  }
0x17: {  	s4 =	simm.s32 $0x1BF5;
	[smem:$0x3FA1] =	sst s0  }
0x18: {  	s0 =	sld [smem:$0x3F84];
	_ =	swait.ge [sflag:s4], $0x0  }
0x19: {  	s7 =	sld [smem:$0x3F85]  }
0x1a: {  	s8 =	sadd.s32 $0xFFFFE003, lr  }
0x1b: {  	s9 =	sadd.s32 $0xFFFFFEF7, lr;
	s5 =	simm.s32 $0xFFFFFFFF;
	p2 =	slt.u32 s8, $0xFFFFF086  }
0x1c: {  	p1 =	slt.u32 s9, $0xF7A;
	s5 =	simm.s32 @!p2 $0x0  }
0x1d: {  	s5 =	simm.s32 @p1 $0x1;
	p0 =	seq.s32 s7, s2  }
0x1e: {  	s7 =	smul.u32 @!p0 $0xF7A, s2;
	p2 =	seq.s32 @!p0 s5, $0x0  }
0x1f: {  	s9 =	smul.u32 $0xF7A, s1;
	s8 =	simm.s32 @!p0 $0x1BF5;
	p2 =	por !p2, p0  }
0x20: {  	[sflag:s8] =	ssyncset.s32 @!p0 $0xFFFFF086;
	s6 =	sadd.s32 @!p0 s3, s7;
	s7 =	simm.s32 @!p0 $0x108  }
0x21: {  	s3 =	sadd.s32 s3, s9;
	s6 =	sadd.s32 @!p0 $0x88, s6;
	s7 =	simm.s32 @p2 $0x1082  }
0x22: {  	[simem:s7], [sflag:s8] =	dma.local @!p0 [hbm:s6], $0xF7A  }
0x23: {  	s9 =	sor.u32 $0xD0000000, s2;
	s6 =	simm.s32 $0x108;
	_ =	swait.ge @!p0 [sflag:s8], $0x0  }
0x24: {  	s3 =	sadd.s32 $0x88, s3;
	s6 =	simm.s32 @!p1 $0x1082;
	[sflag:s4] =	ssyncset.s32 $0xFFFFF086  }
0x25: {  	[simem:s6], [sflag:s4] =	dma.local [hbm:s3], $0xF7A  }
0x26: {  	[smem:$0x3F85] =	sst s1;
	(tag) =	ssettag s2;
	_ =	strace s9  }
0x27: {  	s1 =	sld [smem:$0x3F95]  }
0x28: {  	s2 =	sld [smem:$0x3F96]  }
0x29: {  	s4 =	sld [smem:$0x3F98]  }
0x2a: {  	p0 =	seq.s32 s5, $0x0;
	s5 =	sld [smem:$0x3F99]  }
0x2b: {  	s6 =	sld [smem:$0x3F9A]  }
0x2c: {  	s7 =	sld [smem:$0x3F9B]  }
0x2d: {  	s3 =	simm.s32 $0x108;
	s8 =	sld [smem:$0x3F9C]  }
0x2e: {  	s3 =	simm.s32 @!p0 $0x1082;
	s9 =	sld [smem:$0x3F9D]  }
0x2f: {  	lr =	sadd.s32 s0, s3;
	s0 =	sld [smem:$0x3F94]  }
0x30: {  	s3 =	sld [smem:$0x3F97]  }
0x31: {  	[smem:$0x3FA0] =	sst s10  }
0x32: {  	s10 =	sld [smem:$0x3F9E];
	_ =	sdelay $0x3  }
0x33: {  	p0 =	seq.s32 s10, $0x1;
	s10 =	sld [smem:$0x3FA0];
	_ =	sdelay $0x3  }
0x34: {  	[smem:$0x3FA0] =	sst s10  }
0x35: {  	s10 =	sld [smem:$0x3F9F];
	_ =	sdelay $0x3  }
0x36: {  	p1 =	seq.s32 s10, $0x1;
	s10 =	sld [smem:$0x3FA0];
	_ =	sdelay $0x3  }
0x37: {  	[smem:$0x3FA0] =	sst s10  }
0x38: {  	s10 =	sld [smem:$0x3FA1]  }
0x39: {  	_ = 	snop;
	(pc) =	sbr.ind lr, $3  }
0x3a: {  	_ = 	snop  }
0x3b: {  	_ = 	snop  }
0x3c: {  	p2 =	seq.s32 s10, $0x1;
	s10 =	sld [smem:$0x3FA0]  }
0x3d: {  	_ =	shalt  }
0x3e: {  	_ =	shalt  }
0x3f: {  	_ =	shalt  }
0x40: {  	_ =	shalt  }
0x41: {  	_ =	shalt  }
0x42: {  	_ =	shalt  }
0x43: {  	_ =	shalt  }
0x44: {  	_ =	shalt  }
0x45: {  	_ =	shalt  }
0x46: {  	_ =	shalt  }
0x47: {  	_ =	shalt  }
0x48: {  	_ =	shalt  }
0x49: {  	_ =	shalt  }
0x4a: {  	_ =	shalt  }
0x4b: {  	_ =	shalt  }
0x4c: {  	_ =	shalt  }
0x4d: {  	_ =	shalt  }
0x4e: {  	_ =	shalt  }
0x4f: {  	_ =	shalt  }
0x50: {  	_ =	shalt  }
0x51: {  	_ =	shalt  }
0x52: {  	_ =	shalt  }
0x53: {  	_ =	shalt  }
0x54: {  	_ =	shalt  }
0x55: {  	_ =	shalt  }
0x56: {  	_ =	shalt  }
0x57: {  	_ =	shalt  }
0x58: {  	_ =	shalt  }
0x59: {  	_ =	shalt  }
0x5a: {  	_ =	shalt  }
0x5b: {  	_ =	shalt  }
0x5c: {  	_ =	shalt  }
0x5d: {  	_ =	shalt  }
0x5e: {  	_ =	shalt  }
0x5f: {  	_ =	shalt  }
0x60: {  	_ =	shalt  }
0x61: {  	_ =	shalt  }
0x62: {  	_ =	shalt  }
0x63: {  	_ =	shalt  }
0x64: {  	_ =	shalt  }
0x65: {  	_ =	shalt  }
0x66: {  	_ =	shalt  }
0x67: {  	_ =	shalt  }
0x68: {  	_ =	shalt  }
0x69: {  	_ =	shalt  }
0x6a: {  	_ =	shalt  }
0x6b: {  	_ =	shalt  }
0x6c: {  	_ =	shalt  }
0x6d: {  	_ =	shalt  }
0x6e: {  	_ =	shalt  }
0x6f: {  	_ =	shalt  }
0x70: {  	_ =	shalt  }
0x71: {  	_ =	shalt  }
0x72: {  	_ =	shalt  }
0x73: {  	_ =	shalt  }
0x74: {  	_ =	shalt  }
0x75: {  	_ =	shalt  }
0x76: {  	_ =	shalt  }
0x77: {  	_ =	shalt  }
0x78: {  	_ =	shalt  }
0x79: {  	_ =	shalt  }
0x7a: {  	_ =	shalt  }
0x7b: {  	_ =	shalt  }
0x7c: {  	_ =	shalt  }
0x7d: {  	_ =	shalt  }
0x7e: {  	_ =	shalt  }
0x7f: {  	_ =	shalt  }
0x80: {  	_ =	shalt  }
0x81: {  	_ =	shalt  }
0x82: {  	_ =	shalt  }
0x83: {  	_ =	shalt  }
0x84: {  	_ =	shalt  }
0x85: {  	_ =	shalt  }
0x86: {  	_ =	shalt  }
0x87: {  	_ =	shalt  }
.Lfunc_end0:
.L_simem_size_0:
called_computation.1_lowered:
.L_overlay_start_0:
0x88: {  	s2 =	sld [smem:$0x3FD9]  }
0x89: {  	s3 =	sld [smem:$0x3FFE];
	_ =	sdelay $0x1  }
0x8a: {  	s1 =	srdreg.scid  }
0x8b: {  	s0 =	sand.u32 $0x1, s1  }
0x8c: {  	s16 =	sshll.u32 s0, $0xA;
	s2 =	sadd.s32 s3, s2  }
0x8d: {  	s2 =	sadd.s32 s2, s16  }
0x8e: {  	[smem:$0x3FAC] =	sst s2  }
0x8f: {  	_ = 	snop  }
0x90: {  	(tm) =	ssettm $0x1  }
0x91: {  	s17 =	sld [smem:$0x3FFB];
	_ =	sdelay $0x3  }
0x92: {  	_ =	strace s17  }
0x93: {  	s2 =	sld [smem:$0x3FFC];
	_ =	sdelay $0x3  }
0x94: {  	_ =	strace s2  }
0x95: {  	s2 =	sld [smem:$0x3FFD];
	_ =	sdelay $0x3  }
0x96: {  	_ =	strace s2  }
0x97: {  	_ =	strace $0x8FFFFFFF  }
0x98: {  	s18 =	sld [smem:$0x3FDB];
	_ =	sdelay $0x1  }
0x99: {  	s19 =	simm.s32 $_scs_section_size  }
0x9a: {  	s4 =	simm.s32 $_size__tile_overlayer_lowered;
	s5 =	simm.s32 $_tile_overlayer_lowered  }
0x9b: {  	s22 =	simm.s32 $0x1BFF;
	s21 =	sshll.u32 s5, $0x1;
	s2 =	sadd.s32 s19, s18  }
0x9c: {  	s6 =	simm.s32 $0x0;
	s20 =	sshll.u32 s4, $0x1;
	s4 =	sadd.s32 s21, s2  }
0x9d: {  	[timem:s6], [sflag:s22] =	dma.local [hbm:s4], s20  }
0x9e: {  	_ =	swait.ge [sflag:s22], s20  }
0x9f: {  	s3 =	ssub.s32 $0x0, s20;
	[sflag:s22] =	ssyncset.done $0x0  }
0xa0: {  	[sflag:s22] =	ssyncadd.s32 s3;
	_ =	sdelay $0x1  }
0xa1: {  	s23 =	simm.s32 $0x1B8B  }
0xa2: {  	_ =	swait.ge [sflag:s23], $0x1  }
0xa3: {  	[sflag:s23] =	ssyncset.done $0x0  }
0xa4: {  	s25 =	simm.s32 $0x1B8E;
	s24 =	sld [smem:$0x3FFE];
	[sflag:s23] =	ssyncadd.s32 $0xFFFFFFFF  }
0xa5: {  	s26 =	simm.s32 $execute0_lowered;
	[smem:$0x3FD2] =	sst s25  }
0xa6: {  	s4 =	sshll.u32 s26, $0x1;
	_ =	strace $0x80000046;
	[dreg:$0x1] =	wrdreg $0xFFFFFFFF  }
0xa7: {  	s28 =	simm.s32 $_size_execute0_lowered;
	s2 =	sadd.s32 s2, s4;
	[dreg:$0x0] =	wrdreg $0x0  }
0xa8: {  	s4 =	sshll.u32 s28, $0x1;
	[dreg:$0x2] =	wrdreg s2  }
0xa9: {  	[dreg:$0x3] =	wrdreg s4  }
0xaa: {  	[dreg:$0x4] =	wrdreg $0xC0  }
0xab: {  	_ =	task [dreg:s6], $0x5FFFF  }
0xac: {  	[dreg:$0x1] =	wrdreg $0xFFFFFFFF  }
0xad: {  	[dreg:$0x0] =	wrdreg $0x60  }
0xae: {  	[dreg:$0x2] =	wrdreg s24  }
0xaf: {  	[dreg:$0x3] =	wrdreg $0x11EE00  }
0xb0: {  	[dreg:$0x4] =	wrdreg $0xA  }
0xb1: {  	_ =	task.clear_ibuf [dreg:s6], $0x5FFFF;
	_ =	strace $0x90000046  }
0xb2: {  	s29 =	simm.s32 $0xA;
	_ =	strace $0x80000048  }
0xb3: {  	_ =	swait.ge [sflag:s29], $0x1  }
0xb4: {  	[sflag:s29] =	ssyncadd.s32 $0xFFFFFFFF  }
0xb5: {  	_ =	strace $0x90000048  }
0xb6: {  	_ =	sfence  }
0xb7: {  	s30 =	sld [smem:$0x0];
	_ =	sdelay $0x2  }
0xb8: {  	s31 =	sshll.u32 s1, $0xD;
	s1 =	sshrl.u32 s1, $0x2  }
0xb9: {  	s3 =	sand.u32 $0x4000, s31;
	s1 =	sadd.s32 s1, s30  }
0xba: {  	s0 =	sor.u32 s3, s0;
	s1 =	sshll.u32 s1, $0x11  }
0xbb: {  	s0 =	sor.u32 s1, s0  }
0xbc: {  	s0 =	sadd.s32 $0x8F2B, s0  }
0xbd: {  	[sflag:s0] =	ssyncadd.remote.s32 $0x1  }
0xbe: {  	_ =	sfence.sel $0xFFFF  }
0xbf: {  	[dreg:$0x0] =	wrdreg $0xFFFFFFFF;
	(pc) =	sbr.abs _section_cstart, $3  }
0xc0: {  	[dreg:$0x1] =	wrdreg $0xFFFFFFFF  }
0xc1: {  	_ =	task.clear_ibuf [dreg:s6], $0x2FFFF;
	_ =	strace $0x9FFFFFFF  }
0xc2: {  	(tm) =	ssettm $0x7FFFFFFF  }
0xc3: {  	_ =	shalt  }
tec
execute0_lowered:
.L_overlay_start_1:
0x0: {  	(tag) =	ssettag $0x1  }
0x1: {  	s12 =	stileid.u32  }
0x2: {  	s0 =	rddreg [dreg:$0x0];
	s4 =	smul.u32 $0x4E20, s12  }
0x3: {  	s2 =	rddreg [dreg:$0x1];
	s1 =	simm.s32 $0x0;
	s15 =	smul.u32 $0x9C40, s12  }
0x4: {  	s3 =	srdreg.scid;
	s28 =	simm.s32 $0xB0E0;
	s21 =	smul.u32 $0xC800, s12  }
0x5: {  	s29 =	simm.s32 $0xD8E0;
	s3 =	sand.u32 $0x1, s3;
	s25 =	smul.u32 $0xC8, s12  }
0x6: {  	s30 =	simm.s32 $0x9C90;
	s13 =	sor.u32 $0x10, s12;
	s10 =	smul.u32 $0x2710, s3  }
0x7: {  	s31 =	simm.s32 $0x1;
	s14 =	sor.u32 $0x20, s12;
	s22 =	smul.u32 $0xC800, s13  }
0x8: {  	s6 =	sadd.s32 $0x573600, s0;
	s16 =	sor.u32 $0x30, s12;
	s23 =	smul.u32 $0xC800, s14  }
0x9: {  	[smem:$0x7FF] =	sst s1;
	s7 =	sadd.s32 $0x55FA00, s0;
	s17 =	smul.u32 $0xC800, s16  }
0xa: {  	s5 =	sadd.s32 $0x56800, s0;
	_ =	strace $0x80000047;
	s26 =	smul.u32 $0xC8, s13  }
0xb: {  	s9 =	ssub.s32 $0x2, s3;
	s19 =	smul.u32 $0xC8, s14;
	p0 =	sgt.u32 s16, $0x31  }
0xc: {  	s20 =	sshrl.u32 s4, $0x3;
	s11 =	sshrl.u32 s9, $0x1;
	s24 =	sshrl.u32 s21, $0x2  }
0xd: {  	s21 =	smul.u32 $0xC8, s16;
	s8 =	sadd.s32 s20, s0;
	s0 =	sadd.s32 $0xA55600, s0  }
0xe: {  	s9 =	ssub.s32 s9, s11;
	s1 =	sadd.s32 s7, s20;
	s11 =	sadd.s32 s24, s2  }
0xf: {  	s18 =	sadd.s32 s10, s25;
	s20 =	sshrl.u32 s17, $0x2;
	s8 =	sadd.s32 $0x569800, s8  }
0x10: {  	[dreg:$0x4] =	wrdreg s1;
	s9 =	smax.u32 s9, $0x1;
	s1 =	sshrl.u32 s23, $0x2  }
0x11: {  	s14 =	sadd.s32 s20, s2;
	s23 =	sadd.s32 s10, s19;
	s24 =	sadd.s32 s10, s21  }
0x12: {  	s19 =	sor.u32 s3, s15;
	s20 =	simm.s32 $0x7;
	[dreg:$0x3] =	wrdreg s8  }
0x13: {  	s21 =	simm.s32 $0xECE0;
	s3 =	simm.s32 $0x3;
	[dreg:$0x5] =	wrdreg s9  }
0x14: {  	s8 =	sshrl.u32 s22, $0x2;
	s13 =	sadd.s32 s1, s2;
	s1 =	sshll.u32 s18, $0x3  }
0x15: {  	s22 =	sadd.s32 s10, s26;
	s25 =	sshll.u32 s23, $0x3;
	s26 =	sshll.u32 s24, $0x3  }
0x16: {  	s23 =	simm.s32 $0x9CE0;
	s24 =	simm.s32 $0x4;
	s1 =	sadd.s32 s0, s1  }
0x17: {  	s12 =	sadd.s32 s8, s2;
	[dreg:$0x6] =	wrdreg s1;
	s1 =	sshll.u32 s22, $0x3  }
0x18: {  	s8 =	simm.s32 $0x0;
	s22 =	simm.s32 $0x50;
	s1 =	sadd.s32 s0, s1  }
0x19: {  	[dreg:$0x7] =	wrdreg s1;
	s1 =	sadd.s32 s0, s25;
	s0 =	sadd.s32 s0, s26  }
0x1a: {  	v1 =	vlaneseq.u32;
	s26 =	simm.s32 $0x9C40;
	s25 =	simm.s32 $0x5;
	[dreg:$0x8] =	wrdreg s1  }
0x1b: {  	v2 =	vimm.f32 $0.0e+00;
	v1 =	vmul.u32 $0x2, v1;
	v0 =	vmov s10;
	[dreg:$0x9] =	wrdreg s0;
	s0 =	simm.s32 $0x2;
	s1 =	simm.s32 $0x6  }
.LBB2_1:
0x1c: {  	s9 =	simm.s32 $0x0;
	s10 =	rddreg [dreg:$0x3]  }
0x1d: {  	[tilespmem:s9], [sflag:$0x7] =	stream.linear.gather [hbm4b:s10+s9], $0x4E20, $0x38;
	[tilespmem:$0x1BB20] =	vst v63  }
0x1e: {  	_ =	swait.ge [sflag:s20], $0x4E20  }
0x1f: {  	[sflag:s20] =	ssyncset.done $0x0  }
0x20: {  	s9 =	simm.s32 $0x0;
	s10 =	simm.s32 $0x40;
	[sflag:s20] =	ssyncadd.s32 $0xFFFFB1E0  }
.LBB2_2:
0x21: {  	p1 =	sne.s32 s10, $0x13840;
	v3 =	vld [tilespmem:s9+$0x0];
	_ =	sdelay $0x1  }
.Ltmp0:
0x22: {  	(pc) =	sbr.rel @p1 .LBB2_2-.Ltmp0, $3  }
0x23: {  	_ =	sdelay $0x1  }
0x24: {  	v3 =	vadd.s32 v0, v3  }
0x25: {  	[tilespmem:s9+$0x0] =	vst v3;
	s9 =	sshra.s32 s10, $0x2;
	s10 =	sadd.s32 $0x40, s10  }
0x26: {  	v3 =	vld [tilespmem:s9+$0x0];
	_ =	sdelay $0x4  }
0x27: {  	v3 =	vadd.s32 v0, v3  }
0x28: {  	s15 =	simm.s32 $0x0;
	s10 =	smov.u32 s19;
	[tilespmem:s9+$0x0] =	vst v3;
	s9 =	simm.s32 $0x40;
	v3 =	vor.u32 s19, v1  }
.LBB2_4:
0x29: {  	p1 =	sne.s32 s9, $0x13840  }
0x2a: {  	[tilespmem:s15+$0x4E20] =	vst v3;
	s10 =	sadd.s32 $0x20, s10;
	s15 =	smov.u32 s9;
	s9 =	sadd.s32 $0x40, s9  }
.Ltmp1:
0x2b: {  	(pc) =	sbr.rel @p1 .LBB2_4-.Ltmp1, $2  }
0x2c: {  	_ =	sdelay $0x2  }
0x2d: {  	v3 =	vor.u32 s10, v1;
	s15 =	sshra.s32 s15, $0x2  }
0x2e: {  	[tilespmem:s15+$0x4E20] =	vst v3;
	s10 =	simm.s32 $0x100;
	s9 =	simm.s32 $0x0  }
.LBB2_6:
0x2f: {  	p1 =	sne.s32 s10, $0xC700;
	[tilespmem:s9+$0xED10] =	vst v2;
	s15 =	smov.u32 s10;
	s10 =	sadd.s32 $0x100, s10  }
.Ltmp2:
0x30: {  	[tilespmem:s9+$0xED00] =	vst v2;
	(pc) =	sbr.rel @p1 .LBB2_6-.Ltmp2, $3  }
0x31: {  	[tilespmem:s9+$0xECE0] =	vst v2  }
0x32: {  	[tilespmem:s9+$0xECF0] =	vst v2;
	_ =	sdelay $0x1  }
0x33: {  	s9 =	sshra.s32 s15, $0x2  }
0x34: {  	[tilespmem:s9+$0xED10] =	vst v2  }
0x35: {  	[tilespmem:s9+$0xED00] =	vst v2  }
0x36: {  	[tilespmem:s9+$0xECE0] =	vst v2  }
0x37: {  	[tilespmem:s9+$0xECF0] =	vst v2  }
0x38: {  	[spmem:s11] =	stream.linear.scatter [tilespmem:s21], [sflag:$0x7], $0x3200, $0x38;
	[tilespmem:$0x1BB20] =	vst v63  }
0x39: {  	_ =	swait.ge [sflag:s20], $0x3200  }
0x3a: {  	[sflag:s20] =	ssyncset.done $0x0  }
0x3b: {  	[sflag:s20] =	ssyncadd.s32 $0xFFFFCE00  }
0x3c: {  	[spmem:s12] =	stream.linear.scatter [tilespmem:s21], [sflag:$0x7], $0x3200, $0x38;
	[tilespmem:$0x1BB20] =	vst v63  }
0x3d: {  	_ =	swait.ge [sflag:s20], $0x3200  }
0x3e: {  	[sflag:s20] =	ssyncset.done $0x0  }
0x3f: {  	[sflag:s20] =	ssyncadd.s32 $0xFFFFCE00  }
0x40: {  	[spmem:s13] =	stream.linear.scatter [tilespmem:s21], [sflag:$0x7], $0x3200, $0x38;
	[tilespmem:$0x1BB20] =	vst v63  }
0x41: {  	_ =	swait.ge [sflag:s20], $0x3200  }
0x42: {  	[sflag:s20] =	ssyncset.done $0x0  }
0x43: {  	s9 =	simm.s32 @!p0 $0xECE0;
	[sflag:s20] =	ssyncadd.s32 $0xFFFFCE00  }
0x44: {  	[spmem:s14] =	stream.linear.scatter @!p0 [tilespmem:s9], [sflag:$0x7], $0x3200, $0x38;
	[tilespmem:$0x1BB20] =	vst v63  }
0x45: {  	s9 =	simm.s32 @!p0 $0x7  }
0x46: {  	_ =	swait.ge @!p0 [sflag:s9], $0x3200  }
0x47: {  	[sflag:s9] =	ssyncset.done @!p0 $0x0  }
0x48: {  	[sflag:s9] =	ssyncadd.s32 @!p0 $0xFFFFCE00  }
0x49: {  	s9 =	simm.s32 $0x0;
	[bflag:$0x0] =	sbarrier.arrive $0xFFFF  }
0x4a: {  	[tilespmem:s23], [sflag:$0x1] =	stream.indirect.gather [hbm4b:s5+s22], $0x40, s9, s22, $0xb8;
	[tilespmem:$0x1BB20] =	vst v63  }
0x4b: {  	s10 =	simm.s32 $0x4E20;
	s15 =	simm.s32 $0xC4E0  }
0x4c: {  	[tilespmem:s15], [sflag:$0x2] =	stream.indirect.gather [hbm4b:s6+s22], $0x40, s10, s22, $0xb8;
	[tilespmem:$0x1BB20] =	vst v63  }
0x4d: {  	s18 =	rddreg [dreg:$0x4];
	s10 =	simm.s32 $0x0  }
0x4e: {  	[tilespmem:s26], [sflag:$0x3] =	stream.linear.gather [hbm4b:s18+s9], $0x50, $0x38;
	[tilespmem:$0x1BB20] =	vst v63  }
.LBB2_8:
0x4f: {  	s15 =	smul.u32 $0xA0, s10;
	_ =	sdelay $0x1  }
0x50: {  	s16 =	sadd.s32 $0x50, s15  }
0x51: {  	[tilespmem:s28], [sflag:$0x4] =	stream.indirect.gather [hbm4b:s5+s22], $0x40, s16, s22, $0xb8;
	[tilespmem:$0x1BB20] =	vst v63  }
0x52: {  	s16 =	sadd.s32 s4, s16  }
0x53: {  	s17 =	sadd.s32 $0x4E70, s15;
	s16 =	sshrl.u32 s16, $0x3  }
0x54: {  	[tilespmem:s29], [sflag:$0x5] =	stream.indirect.gather [hbm4b:s6+s22], $0x40, s17, s22, $0xb8;
	[tilespmem:$0x1BB20] =	vst v63  }
0x55: {  	s16 =	sadd.s32 s7, s16  }
0x56: {  	[tilespmem:s30], [sflag:$0x6] =	stream.linear.gather [hbm4b:s16+s9], $0x50, $0x38;
	[tilespmem:$0x1BB20] =	vst v63  }
0x57: {  	_ =	swait.ge [sflag:s31], $0x1400  }
0x58: {  	[sflag:s31] =	ssyncset.done $0x0  }
0x59: {  	[sflag:s31] =	ssyncadd.s32 $0xFFFFEC00  }
0x5a: {  	_ =	swait.ge [sflag:s0], $0x1400  }
0x5b: {  	[sflag:s0] =	ssyncset.done $0x0  }
0x5c: {  	[sflag:s0] =	ssyncadd.s32 $0xFFFFEC00  }
0x5d: {  	_ =	swait.ge [sflag:s3], $0x50  }
0x5e: {  	[sflag:s3] =	ssyncset.done $0x0  }
0x5f: {  	s16 =	simm.s32 $0x0;
	[sflag:s3] =	ssyncadd.s32 $0xFFFFFFB0  }
0x60: {  	v5 =	vld [tilespmem:s16+$0xC4E0]  }
0x61: {  	v6 =	vld [tilespmem:s16+$0xC4F0]  }
0x62: {  	v4 =	vld [tilespmem:s16+$0xC500]  }
0x63: {  	v3 =	vld [tilespmem:s16+$0xC510]  }
0x64: {  	v7 =	vld [tilespmem:s16+$0x9CE0]  }
0x65: {  	v9 =	vld [tilespmem:s16+$0x9CF0]  }
0x66: {  	s17 =	simm.s32 $0x100;
	v8 =	vld [tilespmem:s16+$0x9D00]  }
.LBB2_9:
0x67: {  	p1 =	sne.s32 s17, $0x4F00;
	v10 =	vld [tilespmem:s16+$0x9D10]  }
0x68: {  	s18 =	sshra.s32 s17, $0x2  }
0x69: {  	v7 =	vadd.f32 v5, v7;
	v5 =	vld [tilespmem:s18+$0xC4E0]  }
0x6a: {  	v9 =	vadd.f32 v6, v9;
	v6 =	vld [tilespmem:s18+$0xC4F0]  }
.Ltmp3:
0x6b: {  	v7 =	vmax.f32 v7, $0.0e+00;
	v8 =	vadd.f32 v4, v8;
	v4 =	vld [tilespmem:s18+$0xC500];
	(pc) =	sbr.rel @p1 .LBB2_9-.Ltmp3, $4  }
0x6c: {  	[tilespmem:s16+$0x9CE0] =	vst v7;
	v9 =	vmax.f32 v9, $0.0e+00;
	v10 =	vadd.f32 v3, v10;
	v3 =	vld [tilespmem:s18+$0xC510]  }
0x6d: {  	v7 =	vld [tilespmem:s18+$0x9CE0];
	[tilespmem:s16+$0x9CF0] =	vst v9;
	v8 =	vmax.f32 v8, $0.0e+00  }
0x6e: {  	v9 =	vld [tilespmem:s18+$0x9CF0];
	[tilespmem:s16+$0x9D00] =	vst v8;
	v10 =	vmax.f32 v10, $0.0e+00  }
0x6f: {  	s17 =	sadd.s32 $0x100, s17;
	v8 =	vld [tilespmem:s18+$0x9D00];
	[tilespmem:s16+$0x9D10] =	vst v10;
	s16 =	smov.u32 s18  }
0x70: {  	v10 =	vld [tilespmem:s16+$0x9D10];
	_ =	sdelay $0x1  }
0x71: {  	v5 =	vadd.f32 v5, v7  }
0x72: {  	v6 =	vadd.f32 v6, v9  }
0x73: {  	v5 =	vmax.f32 v5, $0.0e+00;
	v4 =	vadd.f32 v4, v8  }
0x74: {  	[tilespmem:s16+$0x9CE0] =	vst v5;
	v5 =	vmax.f32 v6, $0.0e+00;
	v3 =	vadd.f32 v3, v10  }
0x75: {  	[tilespmem:s16+$0x9CF0] =	vst v5;
	v4 =	vmax.f32 v4, $0.0e+00  }
0x76: {  	[tilespmem:s16+$0x9D00] =	vst v4;
	v3 =	vmax.f32 v3, $0.0e+00  }
0x77: {  	[tilespmem:s16+$0x9D10] =	vst v3  }
0x78: {  	[spmem:s2] =	stream.indirect.scatter.add.f32 [tilespmem:s23], [sflag:$0x7], $0x40, s26, s22, $0xb8;
	[tilespmem:$0x1BB20] =	vst v63  }
0x79: {  	p1 =	seq.s32 s10, $0x7C;
	_ =	swait.ge [sflag:s20], $0x1400  }
0x7a: {  	s17 =	simm.s32 @!p1 $0x50;
	[sflag:s20] =	ssyncset.done $0x0  }
0x7b: {  	s18 =	simm.s32 @!p1 $0x9CE0;
	s16 =	sadd.s32 @!p1 $0xA0, s15;
	[sflag:s20] =	ssyncadd.s32 $0xFFFFEC00  }
0x7c: {  	[tilespmem:s18], [sflag:$0x1] =	stream.indirect.gather @!p1 [hbm4b:s5+s17], $0x40, s16, s17, $0xb8;
	[tilespmem:$0x1BB20] =	vst v63  }
0x7d: {  	s15 =	sadd.s32 @!p1 $0x4EC0, s15;
	s18 =	simm.s32 @!p1 $0xC4E0  }
0x7e: {  	[tilespmem:s18], [sflag:$0x2] =	stream.indirect.gather @!p1 [hbm4b:s6+s17], $0x40, s15, s17, $0xb8;
	[tilespmem:$0x1BB20] =	vst v63  }
0x7f: {  	s15 =	sadd.s32 @!p1 s4, s16  }
0x80: {  	s15 =	sshrl.u32 @!p1 s15, $0x3  }
0x81: {  	s16 =	simm.s32 @!p1 $0x0;
	s17 =	simm.s32 @!p1 $0x9C40;
	s15 =	sadd.s32 @!p1 s7, s15  }
0x82: {  	[tilespmem:s17], [sflag:$0x3] =	stream.linear.gather @!p1 [hbm4b:s15+s16], $0x50, $0x38;
	[tilespmem:$0x1BB20] =	vst v63  }
0x83: {  	_ =	swait.ge [sflag:s24], $0x1400  }
0x84: {  	[sflag:s24] =	ssyncset.done $0x0  }
0x85: {  	[sflag:s24] =	ssyncadd.s32 $0xFFFFEC00  }
0x86: {  	_ =	swait.ge [sflag:s25], $0x1400  }
0x87: {  	[sflag:s25] =	ssyncset.done $0x0  }
0x88: {  	[sflag:s25] =	ssyncadd.s32 $0xFFFFEC00  }
0x89: {  	_ =	swait.ge [sflag:s1], $0x50  }
0x8a: {  	[sflag:s1] =	ssyncset.done $0x0  }
0x8b: {  	s15 =	simm.s32 $0x0;
	[sflag:s1] =	ssyncadd.s32 $0xFFFFFFB0  }
0x8c: {  	v5 =	vld [tilespmem:s15+$0xD8E0]  }
0x8d: {  	v6 =	vld [tilespmem:s15+$0xD8F0]  }
0x8e: {  	v4 =	vld [tilespmem:s15+$0xD900]  }
0x8f: {  	v3 =	vld [tilespmem:s15+$0xD910]  }
0x90: {  	v7 =	vld [tilespmem:s15+$0xB0E0]  }
0x91: {  	v9 =	vld [tilespmem:s15+$0xB0F0]  }
0x92: {  	s16 =	simm.s32 $0x100;
	v8 =	vld [tilespmem:s15+$0xB100]  }
.LBB2_11:
0x93: {  	p1 =	sne.s32 s16, $0x4F00;
	v10 =	vld [tilespmem:s15+$0xB110]  }
0x94: {  	s17 =	sshra.s32 s16, $0x2  }
0x95: {  	v7 =	vadd.f32 v5, v7;
	v5 =	vld [tilespmem:s17+$0xD8E0]  }
0x96: {  	v9 =	vadd.f32 v6, v9;
	v6 =	vld [tilespmem:s17+$0xD8F0]  }
.Ltmp4:
0x97: {  	v7 =	vmax.f32 v7, $0.0e+00;
	v8 =	vadd.f32 v4, v8;
	v4 =	vld [tilespmem:s17+$0xD900];
	(pc) =	sbr.rel @p1 .LBB2_11-.Ltmp4, $4  }
0x98: {  	[tilespmem:s15+$0xB0E0] =	vst v7;
	v9 =	vmax.f32 v9, $0.0e+00;
	v10 =	vadd.f32 v3, v10;
	v3 =	vld [tilespmem:s17+$0xD910]  }
0x99: {  	v7 =	vld [tilespmem:s17+$0xB0E0];
	[tilespmem:s15+$0xB0F0] =	vst v9;
	v8 =	vmax.f32 v8, $0.0e+00  }
0x9a: {  	v9 =	vld [tilespmem:s17+$0xB0F0];
	[tilespmem:s15+$0xB100] =	vst v8;
	v10 =	vmax.f32 v10, $0.0e+00  }
0x9b: {  	s16 =	sadd.s32 $0x100, s16;
	v8 =	vld [tilespmem:s17+$0xB100];
	[tilespmem:s15+$0xB110] =	vst v10;
	s15 =	smov.u32 s17  }
0x9c: {  	v10 =	vld [tilespmem:s15+$0xB110];
	_ =	sdelay $0x1  }
0x9d: {  	v5 =	vadd.f32 v5, v7  }
0x9e: {  	v6 =	vadd.f32 v6, v9  }
0x9f: {  	v5 =	vmax.f32 v5, $0.0e+00;
	v4 =	vadd.f32 v4, v8  }
0xa0: {  	[tilespmem:s15+$0xB0E0] =	vst v5;
	v63 =	vmax.f32 v6, $0.0e+00;
	v3 =	vadd.f32 v3, v10  }
0xa1: {  	s10 =	sadd.s32 $0x1, s10;
	[tilespmem:s15+$0xB0F0] =	vst v63;
	v4 =	vmax.f32 v4, $0.0e+00  }
0xa2: {  	p1 =	sne.s32 s10, $0x7D;
	[tilespmem:s15+$0xB100] =	vst v4;
	v3 =	vmax.f32 v3, $0.0e+00  }
.Ltmp5:
0xa3: {  	[tilespmem:s15+$0xB110] =	vst v3;
	(pc) =	sbr.rel @p1 .LBB2_8-.Ltmp5, $4  }
0xa4: {  	[spmem:s2] =	stream.indirect.scatter.add.f32 [tilespmem:s28], [sflag:$0x7], $0x40, s30, s22, $0xb8;
	[tilespmem:$0x1BB20] =	vst v63  }
0xa5: {  	_ =	swait.ge [sflag:s20], $0x1400  }
0xa6: {  	[sflag:s20] =	ssyncset.done $0x0  }
0xa7: {  	[sflag:s20] =	ssyncadd.s32 $0xFFFFEC00  }
0xa8: {  	s9 =	stileid.u32  }
0xa9: {  	[bflag:$0x0] =	sbarrier.arrive $0xFFFF;
	s9 =	sshll.u32 s9, $0x6  }
0xaa: {  	s10 =	sshrl.u32 s11, $0x3;
	s15 =	rddreg [dreg:$0x6];
	s9 =	sor.u32 $0x1C07, s9  }
0xab: {  	[hbm:s15], [sflag:s9] =	dma.local [spmem:s10], $0x640  }
0xac: {  	_ =	swait.ge [sflag:s20], $0x640  }
0xad: {  	[sflag:s20] =	ssyncset.done $0x0  }
0xae: {  	s17 =	sshrl.u32 s12, $0x3;
	s18 =	rddreg [dreg:$0x7];
	[sflag:s20] =	ssyncadd.s32 $0xFFFFF9C0  }
0xaf: {  	[hbm:s18], [sflag:s9] =	dma.local [spmem:s17], $0x640  }
0xb0: {  	_ =	swait.ge [sflag:s20], $0x640  }
0xb1: {  	[sflag:s20] =	ssyncset.done $0x0  }
0xb2: {  	s16 =	sshrl.u32 s13, $0x3;
	s17 =	rddreg [dreg:$0x8];
	[sflag:s20] =	ssyncadd.s32 $0xFFFFF9C0  }
0xb3: {  	[hbm:s17], [sflag:s9] =	dma.local [spmem:s16], $0x640  }
0xb4: {  	_ =	swait.ge [sflag:s20], $0x640  }
0xb5: {  	[sflag:s20] =	ssyncset.done $0x0  }
0xb6: {  	s10 =	sshrl.u32 @!p0 s14, $0x3;
	s15 =	rddreg [dreg:$0x9];
	[sflag:s20] =	ssyncadd.s32 $0xFFFFF9C0  }
0xb7: {  	[hbm:s15], [sflag:s9] =	dma.local @!p0 [spmem:s10], $0x640  }
0xb8: {  	s9 =	simm.s32 @!p0 $0x7  }
0xb9: {  	_ =	swait.ge @!p0 [sflag:s9], $0x640  }
0xba: {  	s8 =	sadd.s32 $0x1, s8;
	s18 =	rddreg [dreg:$0x5]  }
0xbb: {  	p1 =	sne.s32 s8, s18  }
.Ltmp6:
0xbc: {  	_ = 	snop;
	(pc) =	sbr.rel @p1 .LBB2_1-.Ltmp6, $3  }
0xbd: {  	[sflag:s9] =	ssyncset.done @!p0 $0x0  }
0xbe: {  	[sflag:s9] =	ssyncadd.s32 @!p0 $0xFFFFF9C0  }
0xbf: {  	[bflag:$0x0] =	sbarrier.arrive $0xFFFF;
	_ =	sdelay $0x1  }
0xc0: {  	_ =	sfence.sel $0x180000  }
0xc1: {  	[bflag:$0x0] =	sbarrier.arrive $0xFFFF  }
0xc2: {  	_ =	strace $0x90000047  }
0xc3: {  	s0 =	stileid.u32;
	[bflag:$0x2] =	sbarrier.arrive $0xFFFF  }
0xc4: {  	p0 =	sne.s32 s0, $0x0;
	s0 =	rddreg [dreg:$0x2]  }
0xc5: {  	s0 =	sadd.s32 @!p0 $0x100000, s0  }
0xc6: {  	[sflag:s0] =	ssyncadd.tile.s32 @!p0 $0x1;
	_ =	shalt  }
.Lfunc_end2:
_tile_overlayer_lowered:
.L_overlay_start_2:
0xc7: {  	(tag) =	ssettag $0x2  }
0xc8: {  	s0 =	rddreg [dreg:$0x0];
	s2 =	stileid.u32  }
0xc9: {  	s1 =	rddreg [dreg:$0x1];
	p0 =	sne.s32 s2, $0x0  }
0xca: {  	s3 =	rddreg [dreg:$0x2];
	[bflag:$0x3] =	sbarrier.arrive $0xFFFF;
	s2 =	simm.s32 @!p0 $0x1C07  }
0xcb: {  	[timem:s3], [sflag:s2] =	dma.local @!p0 [hbm:s0], s1  }
0xcc: {  	s0 =	simm.s32 @!p0 $0x7  }
0xcd: {  	_ =	swait.ge @!p0 [sflag:s0], s1  }
0xce: {  	s1 =	ssub.s32 @!p0 $0x0, s1;
	[sflag:s0] =	ssyncset.done @!p0 $0x0  }
0xcf: {  	[sflag:s0] =	ssyncadd.s32 @!p0 s1  }
0xd0: {  	[bflag:$0x3] =	sbarrier.arrive $0xFFFF  }
0xd1: {  	_ =	shalt  }

// kernel: kernel.21.cloned.1.call-start
scs
__scs_entry_jumppad:
0x0: {  	(pc) =	sbr.rel $0x88, $3  }
0x1: {  	(tag) =	ssettag $0x0;
	lr =	simm.s32 $0x1  }
0x2: {  	[smem:$0x3F85] =	sst lr;
	_ =	strace $0xD0000000  }
0x3: {  	_ = 	snop  }
0x4: {  	_ = 	snop  }
0x5: {  	_ = 	snop  }
0x6: {  	_ = 	snop  }
0x7: {  	_ = 	snop  }
__scs_overlays_trampoline_lowered:
0x8: {  	[smem:$0x3F94] =	sst s0  }
0x9: {  	[smem:$0x3F95] =	sst s1  }
0xa: {  	[smem:$0x3F96] =	sst s2  }
0xb: {  	[smem:$0x3F97] =	sst s3  }
0xc: {  	[smem:$0x3F98] =	sst s4  }
0xd: {  	[smem:$0x3F99] =	sst s5  }
0xe: {  	[smem:$0x3F9A] =	sst s6  }
0xf: {  	[smem:$0x3F9B] =	sst s7  }
0x10: {  	[smem:$0x3F9C] =	sst s8  }
0x11: {  	[smem:$0x3F9D] =	sst s9;
	s0 =	simm.s32 @!p0 $0x0  }
0x12: {  	s1 =	sld [smem:$0x3F83];
	s0 =	simm.s32 @p0 $0x1  }
0x13: {  	[smem:$0x3F9E] =	sst s0;
	s0 =	simm.s32 @!p1 $0x0  }
0x14: {  	s2 =	sld [smem:$0x3F82];
	s0 =	simm.s32 @p1 $0x1  }
0x15: {  	[smem:$0x3F9F] =	sst s0;
	s0 =	simm.s32 @!p2 $0x0  }
0x16: {  	s3 =	sld [smem:$0x3FDB];
	s0 =	simm.s32 @p2 $0x1  }
0x17: {  	s4 =	simm.s32 $0x1BF5;
	[smem:$0x3FA1] =	sst s0  }
0x18: {  	s0 =	sld [smem:$0x3F84];
	_ =	swait.ge [sflag:s4], $0x0  }
0x19: {  	s7 =	sld [smem:$0x3F85]  }
0x1a: {  	s8 =	sadd.s32 $0xFFFFE003, lr  }
0x1b: {  	s9 =	sadd.s32 $0xFFFFFEF7, lr;
	s5 =	simm.s32 $0xFFFFFFFF;
	p2 =	slt.u32 s8, $0xFFFFF086  }
0x1c: {  	p1 =	slt.u32 s9, $0xF7A;
	s5 =	simm.s32 @!p2 $0x0  }
0x1d: {  	s5 =	simm.s32 @p1 $0x1;
	p0 =	seq.s32 s7, s2  }
0x1e: {  	s7 =	smul.u32 @!p0 $0xF7A, s2;
	p2 =	seq.s32 @!p0 s5, $0x0  }
0x1f: {  	s9 =	smul.u32 $0xF7A, s1;
	s8 =	simm.s32 @!p0 $0x1BF5;
	p2 =	por !p2, p0  }
0x20: {  	[sflag:s8] =	ssyncset.s32 @!p0 $0xFFFFF086;
	s6 =	sadd.s32 @!p0 s3, s7;
	s7 =	simm.s32 @!p0 $0x108  }
0x21: {  	s3 =	sadd.s32 s3, s9;
	s6 =	sadd.s32 @!p0 $0x88, s6;
	s7 =	simm.s32 @p2 $0x1082  }
0x22: {  	[simem:s7], [sflag:s8] =	dma.local @!p0 [hbm:s6], $0xF7A  }
0x23: {  	s9 =	sor.u32 $0xD0000000, s2;
	s6 =	simm.s32 $0x108;
	_ =	swait.ge @!p0 [sflag:s8], $0x0  }
0x24: {  	s3 =	sadd.s32 $0x88, s3;
	s6 =	simm.s32 @!p1 $0x1082;
	[sflag:s4] =	ssyncset.s32 $0xFFFFF086  }
0x25: {  	[simem:s6], [sflag:s4] =	dma.local [hbm:s3], $0xF7A  }
0x26: {  	[smem:$0x3F85] =	sst s1;
	(tag) =	ssettag s2;
	_ =	strace s9  }
0x27: {  	s1 =	sld [smem:$0x3F95]  }
0x28: {  	s2 =	sld [smem:$0x3F96]  }
0x29: {  	s4 =	sld [smem:$0x3F98]  }
0x2a: {  	p0 =	seq.s32 s5, $0x0;
	s5 =	sld [smem:$0x3F99]  }
0x2b: {  	s6 =	sld [smem:$0x3F9A]  }
0x2c: {  	s7 =	sld [smem:$0x3F9B]  }
0x2d: {  	s3 =	simm.s32 $0x108;
	s8 =	sld [smem:$0x3F9C]  }
0x2e: {  	s3 =	simm.s32 @!p0 $0x1082;
	s9 =	sld [smem:$0x3F9D]  }
0x2f: {  	lr =	sadd.s32 s0, s3;
	s0 =	sld [smem:$0x3F94]  }
0x30: {  	s3 =	sld [smem:$0x3F97]  }
0x31: {  	[smem:$0x3FA0] =	sst s10  }
0x32: {  	s10 =	sld [smem:$0x3F9E];
	_ =	sdelay $0x3  }
0x33: {  	p0 =	seq.s32 s10, $0x1;
	s10 =	sld [smem:$0x3FA0];
	_ =	sdelay $0x3  }
0x34: {  	[smem:$0x3FA0] =	sst s10  }
0x35: {  	s10 =	sld [smem:$0x3F9F];
	_ =	sdelay $0x3  }
0x36: {  	p1 =	seq.s32 s10, $0x1;
	s10 =	sld [smem:$0x3FA0];
	_ =	sdelay $0x3  }
0x37: {  	[smem:$0x3FA0] =	sst s10  }
0x38: {  	s10 =	sld [smem:$0x3FA1]  }
0x39: {  	_ = 	snop;
	(pc) =	sbr.ind lr, $3  }
0x3a: {  	_ = 	snop  }
0x3b: {  	_ = 	snop  }
0x3c: {  	p2 =	seq.s32 s10, $0x1;
	s10 =	sld [smem:$0x3FA0]  }
0x3d: {  	_ =	shalt  }
0x3e: {  	_ =	shalt  }
0x3f: {  	_ =	shalt  }
0x40: {  	_ =	shalt  }
0x41: {  	_ =	shalt  }
0x42: {  	_ =	shalt  }
0x43: {  	_ =	shalt  }
0x44: {  	_ =	shalt  }
0x45: {  	_ =	shalt  }
0x46: {  	_ =	shalt  }
0x47: {  	_ =	shalt  }
0x48: {  	_ =	shalt  }
0x49: {  	_ =	shalt  }
0x4a: {  	_ =	shalt  }
0x4b: {  	_ =	shalt  }
0x4c: {  	_ =	shalt  }
0x4d: {  	_ =	shalt  }
0x4e: {  	_ =	shalt  }
0x4f: {  	_ =	shalt  }
0x50: {  	_ =	shalt  }
0x51: {  	_ =	shalt  }
0x52: {  	_ =	shalt  }
0x53: {  	_ =	shalt  }
0x54: {  	_ =	shalt  }
0x55: {  	_ =	shalt  }
0x56: {  	_ =	shalt  }
0x57: {  	_ =	shalt  }
0x58: {  	_ =	shalt  }
0x59: {  	_ =	shalt  }
0x5a: {  	_ =	shalt  }
0x5b: {  	_ =	shalt  }
0x5c: {  	_ =	shalt  }
0x5d: {  	_ =	shalt  }
0x5e: {  	_ =	shalt  }
0x5f: {  	_ =	shalt  }
0x60: {  	_ =	shalt  }
0x61: {  	_ =	shalt  }
0x62: {  	_ =	shalt  }
0x63: {  	_ =	shalt  }
0x64: {  	_ =	shalt  }
0x65: {  	_ =	shalt  }
0x66: {  	_ =	shalt  }
0x67: {  	_ =	shalt  }
0x68: {  	_ =	shalt  }
0x69: {  	_ =	shalt  }
0x6a: {  	_ =	shalt  }
0x6b: {  	_ =	shalt  }
0x6c: {  	_ =	shalt  }
0x6d: {  	_ =	shalt  }
0x6e: {  	_ =	shalt  }
0x6f: {  	_ =	shalt  }
0x70: {  	_ =	shalt  }
0x71: {  	_ =	shalt  }
0x72: {  	_ =	shalt  }
0x73: {  	_ =	shalt  }
0x74: {  	_ =	shalt  }
0x75: {  	_ =	shalt  }
0x76: {  	_ =	shalt  }
0x77: {  	_ =	shalt  }
0x78: {  	_ =	shalt  }
0x79: {  	_ =	shalt  }
0x7a: {  	_ =	shalt  }
0x7b: {  	_ =	shalt  }
0x7c: {  	_ =	shalt  }
0x7d: {  	_ =	shalt  }
0x7e: {  	_ =	shalt  }
0x7f: {  	_ =	shalt  }
0x80: {  	_ =	shalt  }
0x81: {  	_ =	shalt  }
0x82: {  	_ =	shalt  }
0x83: {  	_ =	shalt  }
0x84: {  	_ =	shalt  }
0x85: {  	_ =	shalt  }
0x86: {  	_ =	shalt  }
0x87: {  	_ =	shalt  }
.Lfunc_end0:
.L_simem_size_0:
called_computation.2_lowered:
.L_overlay_start_0:
0x88: {  	s2 =	sld [smem:$0x3FD9]  }
0x89: {  	s3 =	sld [smem:$0x3FFE];
	_ =	sdelay $0x1  }
0x8a: {  	s1 =	srdreg.scid  }
0x8b: {  	s0 =	sand.u32 $0x1, s1  }
0x8c: {  	s16 =	sshll.u32 s0, $0xA;
	s2 =	sadd.s32 s3, s2  }
0x8d: {  	s2 =	sadd.s32 s2, s16  }
0x8e: {  	[smem:$0x3FAC] =	sst s2  }
0x8f: {  	_ = 	snop  }
0x90: {  	(tm) =	ssettm $0x1  }
0x91: {  	s17 =	sld [smem:$0x3FFB];
	_ =	sdelay $0x3  }
0x92: {  	_ =	strace s17  }
0x93: {  	s2 =	sld [smem:$0x3FFC];
	_ =	sdelay $0x3  }
0x94: {  	_ =	strace s2  }
0x95: {  	s2 =	sld [smem:$0x3FFD];
	_ =	sdelay $0x3  }
0x96: {  	_ =	strace s2  }
0x97: {  	_ =	strace $0x8FFFFFFF  }
0x98: {  	s18 =	sld [smem:$0x3FDB];
	_ =	sdelay $0x1  }
0x99: {  	s19 =	simm.s32 $_scs_section_size  }
0x9a: {  	s4 =	simm.s32 $_size__tile_overlayer_lowered;
	s5 =	simm.s32 $_tile_overlayer_lowered  }
0x9b: {  	s22 =	simm.s32 $0x1BFF;
	s21 =	sshll.u32 s5, $0x1;
	s2 =	sadd.s32 s19, s18  }
0x9c: {  	s6 =	simm.s32 $0x0;
	s20 =	sshll.u32 s4, $0x1;
	s4 =	sadd.s32 s21, s2  }
0x9d: {  	[timem:s6], [sflag:s22] =	dma.local [hbm:s4], s20  }
0x9e: {  	_ =	swait.ge [sflag:s22], s20  }
0x9f: {  	s3 =	ssub.s32 $0x0, s20;
	[sflag:s22] =	ssyncset.done $0x0  }
0xa0: {  	[sflag:s22] =	ssyncadd.s32 s3;
	_ =	sdelay $0x1  }
0xa1: {  	s23 =	simm.s32 $0x1B8B  }
0xa2: {  	_ =	swait.ge [sflag:s23], $0x1  }
0xa3: {  	[sflag:s23] =	ssyncset.done $0x0  }
0xa4: {  	s25 =	simm.s32 $0x1B8E;
	s24 =	sld [smem:$0x3FFE];
	[sflag:s23] =	ssyncadd.s32 $0xFFFFFFFF  }
0xa5: {  	s26 =	simm.s32 $execute0_lowered;
	[smem:$0x3FD2] =	sst s25  }
0xa6: {  	s4 =	sshll.u32 s26, $0x1;
	_ =	strace $0x8000004C;
	[dreg:$0x1] =	wrdreg $0xFFFFFFFF  }
0xa7: {  	s28 =	simm.s32 $_size_execute0_lowered;
	s2 =	sadd.s32 s2, s4;
	[dreg:$0x0] =	wrdreg $0x0  }
0xa8: {  	s4 =	sshll.u32 s28, $0x1;
	[dreg:$0x2] =	wrdreg s2  }
0xa9: {  	[dreg:$0x3] =	wrdreg s4  }
0xaa: {  	[dreg:$0x4] =	wrdreg $0xC0  }
0xab: {  	_ =	task [dreg:s6], $0x5FFFF  }
0xac: {  	[dreg:$0x1] =	wrdreg $0xFFFFFFFF  }
0xad: {  	[dreg:$0x0] =	wrdreg $0x60  }
0xae: {  	[dreg:$0x2] =	wrdreg s24  }
0xaf: {  	[dreg:$0x3] =	wrdreg $0x11EE00  }
0xb0: {  	[dreg:$0x4] =	wrdreg $0x9  }
0xb1: {  	_ =	task.clear_ibuf [dreg:s6], $0x5FFFF;
	_ =	strace $0x9000004C  }
0xb2: {  	s29 =	simm.s32 $0x9;
	_ =	strace $0x8000004E  }
0xb3: {  	_ =	swait.ge [sflag:s29], $0x1  }
0xb4: {  	[sflag:s29] =	ssyncadd.s32 $0xFFFFFFFF  }
0xb5: {  	_ =	strace $0x9000004E  }
0xb6: {  	_ =	sfence  }
0xb7: {  	s30 =	sld [smem:$0x0];
	_ =	sdelay $0x2  }
0xb8: {  	s31 =	sshll.u32 s1, $0xD;
	s1 =	sshrl.u32 s1, $0x2  }
0xb9: {  	s3 =	sand.u32 $0x4000, s31;
	s1 =	sadd.s32 s1, s30  }
0xba: {  	s0 =	sor.u32 s3, s0;
	s1 =	sshll.u32 s1, $0x11  }
0xbb: {  	s0 =	sor.u32 s1, s0  }
0xbc: {  	s0 =	sadd.s32 $0x8F2B, s0  }
0xbd: {  	[sflag:s0] =	ssyncadd.remote.s32 $0x1  }
0xbe: {  	_ =	sfence.sel $0xFFFF  }
0xbf: {  	[dreg:$0x0] =	wrdreg $0xFFFFFFFF;
	(pc) =	sbr.abs _section_cstart, $3  }
0xc0: {  	[dreg:$0x1] =	wrdreg $0xFFFFFFFF  }
0xc1: {  	_ =	task.clear_ibuf [dreg:s6], $0x2FFFF;
	_ =	strace $0x9FFFFFFF  }
0xc2: {  	(tm) =	ssettm $0x7FFFFFFF  }
0xc3: {  	_ =	shalt  }
tec
execute0_lowered:
.L_overlay_start_1:
0x0: {  	(tag) =	ssettag $0x1  }
0x1: {  	s12 =	stileid.u32  }
0x2: {  	s0 =	rddreg [dreg:$0x0];
	s4 =	smul.u32 $0x4E20, s12  }
0x3: {  	s2 =	rddreg [dreg:$0x1];
	s1 =	simm.s32 $0x0;
	s15 =	smul.u32 $0x9C40, s12  }
0x4: {  	s3 =	srdreg.scid;
	s28 =	simm.s32 $0xB0E0;
	s21 =	smul.u32 $0xC800, s12  }
0x5: {  	s29 =	simm.s32 $0xD8E0;
	s3 =	sand.u32 $0x1, s3;
	s25 =	smul.u32 $0xC8, s12  }
0x6: {  	s30 =	simm.s32 $0x9C90;
	s13 =	sor.u32 $0x10, s12;
	s10 =	smul.u32 $0x2710, s3  }
0x7: {  	s31 =	simm.s32 $0x1;
	s14 =	sor.u32 $0x20, s12;
	s22 =	smul.u32 $0xC800, s13  }
0x8: {  	[smem:$0x7FF] =	sst s1;
	s16 =	sor.u32 $0x30, s12;
	s23 =	smul.u32 $0xC800, s14  }
0x9: {  	s5 =	sadd.s32 $0x56800, s0;
	s7 =	sadd.s32 $0x55FA00, s0;
	s17 =	smul.u32 $0xC800, s16  }
0xa: {  	s6 =	sadd.s32 $0xFA8000, s0;
	_ =	strace $0x8000004D;
	s26 =	smul.u32 $0xC8, s13  }
0xb: {  	s9 =	ssub.s32 $0x2, s3;
	s19 =	smul.u32 $0xC8, s14;
	p0 =	sgt.u32 s16, $0x31  }
0xc: {  	s20 =	sshrl.u32 s4, $0x3;
	s11 =	sshrl.u32 s9, $0x1;
	s24 =	sshrl.u32 s21, $0x2  }
0xd: {  	s21 =	smul.u32 $0xC8, s16;
	s8 =	sadd.s32 s20, s0;
	s0 =	sadd.s32 $0x573600, s0  }
0xe: {  	s9 =	ssub.s32 s9, s11;
	s1 =	sadd.s32 s7, s20;
	s11 =	sadd.s32 s24, s2  }
0xf: {  	s18 =	sadd.s32 s10, s25;
	s20 =	sshrl.u32 s17, $0x2;
	s8 =	sadd.s32 $0x569800, s8  }
0x10: {  	[dreg:$0x4] =	wrdreg s1;
	s9 =	smax.u32 s9, $0x1;
	s1 =	sshrl.u32 s23, $0x2  }
0x11: {  	s14 =	sadd.s32 s20, s2;
	s23 =	sadd.s32 s10, s19;
	s24 =	sadd.s32 s10, s21  }
0x12: {  	s19 =	sor.u32 s3, s15;
	s20 =	simm.s32 $0x7;
	[dreg:$0x3] =	wrdreg s8  }
0x13: {  	s21 =	simm.s32 $0xECE0;
	s3 =	simm.s32 $0x3;
	[dreg:$0x5] =	wrdreg s9  }
0x14: {  	s8 =	sshrl.u32 s22, $0x2;
	s13 =	sadd.s32 s1, s2;
	s1 =	sshll.u32 s18, $0x3  }
0x15: {  	s22 =	sadd.s32 s10, s26;
	s25 =	sshll.u32 s23, $0x3;
	s26 =	sshll.u32 s24, $0x3  }
0x16: {  	s23 =	simm.s32 $0x9CE0;
	s24 =	simm.s32 $0x4;
	s1 =	sadd.s32 s0, s1  }
0x17: {  	s12 =	sadd.s32 s8, s2;
	[dreg:$0x6] =	wrdreg s1;
	s1 =	sshll.u32 s22, $0x3  }
0x18: {  	s8 =	simm.s32 $0x0;
	s22 =	simm.s32 $0x50;
	s1 =	sadd.s32 s0, s1  }
0x19: {  	[dreg:$0x7] =	wrdreg s1;
	s1 =	sadd.s32 s0, s25;
	s0 =	sadd.s32 s0, s26  }
0x1a: {  	v1 =	vlaneseq.u32;
	s26 =	simm.s32 $0x9C40;
	s25 =	simm.s32 $0x5;
	[dreg:$0x8] =	wrdreg s1  }
0x1b: {  	v2 =	vimm.f32 $0.0e+00;
	v1 =	vmul.u32 $0x2, v1;
	v0 =	vmov s10;
	[dreg:$0x9] =	wrdreg s0;
	s0 =	simm.s32 $0x2;
	s1 =	simm.s32 $0x6  }
.LBB2_1:
0x1c: {  	s9 =	simm.s32 $0x0;
	s10 =	rddreg [dreg:$0x3]  }
0x1d: {  	[tilespmem:s9], [sflag:$0x7] =	stream.linear.gather [hbm4b:s10+s9], $0x4E20, $0x38;
	[tilespmem:$0x1BB20] =	vst v63  }
0x1e: {  	_ =	swait.ge [sflag:s20], $0x4E20  }
0x1f: {  	[sflag:s20] =	ssyncset.done $0x0  }
0x20: {  	s9 =	simm.s32 $0x0;
	s10 =	simm.s32 $0x40;
	[sflag:s20] =	ssyncadd.s32 $0xFFFFB1E0  }
.LBB2_2:
0x21: {  	p1 =	sne.s32 s10, $0x13840;
	v3 =	vld [tilespmem:s9+$0x0];
	_ =	sdelay $0x1  }
.Ltmp0:
0x22: {  	(pc) =	sbr.rel @p1 .LBB2_2-.Ltmp0, $3  }
0x23: {  	_ =	sdelay $0x1  }
0x24: {  	v3 =	vadd.s32 v0, v3  }
0x25: {  	[tilespmem:s9+$0x0] =	vst v3;
	s9 =	sshra.s32 s10, $0x2;
	s10 =	sadd.s32 $0x40, s10  }
0x26: {  	v3 =	vld [tilespmem:s9+$0x0];
	_ =	sdelay $0x4  }
0x27: {  	v3 =	vadd.s32 v0, v3  }
0x28: {  	s15 =	simm.s32 $0x0;
	s10 =	smov.u32 s19;
	[tilespmem:s9+$0x0] =	vst v3;
	s9 =	simm.s32 $0x40;
	v3 =	vor.u32 s19, v1  }
.LBB2_4:
0x29: {  	p1 =	sne.s32 s9, $0x13840  }
0x2a: {  	[tilespmem:s15+$0x4E20] =	vst v3;
	s10 =	sadd.s32 $0x20, s10;
	s15 =	smov.u32 s9;
	s9 =	sadd.s32 $0x40, s9  }
.Ltmp1:
0x2b: {  	(pc) =	sbr.rel @p1 .LBB2_4-.Ltmp1, $2  }
0x2c: {  	_ =	sdelay $0x2  }
0x2d: {  	v3 =	vor.u32 s10, v1;
	s15 =	sshra.s32 s15, $0x2  }
0x2e: {  	[tilespmem:s15+$0x4E20] =	vst v3;
	s10 =	simm.s32 $0x100;
	s9 =	simm.s32 $0x0  }
.LBB2_6:
0x2f: {  	p1 =	sne.s32 s10, $0xC700;
	[tilespmem:s9+$0xED10] =	vst v2;
	s15 =	smov.u32 s10;
	s10 =	sadd.s32 $0x100, s10  }
.Ltmp2:
0x30: {  	[tilespmem:s9+$0xED00] =	vst v2;
	(pc) =	sbr.rel @p1 .LBB2_6-.Ltmp2, $3  }
0x31: {  	[tilespmem:s9+$0xECE0] =	vst v2  }
0x32: {  	[tilespmem:s9+$0xECF0] =	vst v2;
	_ =	sdelay $0x1  }
0x33: {  	s9 =	sshra.s32 s15, $0x2  }
0x34: {  	[tilespmem:s9+$0xED10] =	vst v2  }
0x35: {  	[tilespmem:s9+$0xED00] =	vst v2  }
0x36: {  	[tilespmem:s9+$0xECE0] =	vst v2  }
0x37: {  	[tilespmem:s9+$0xECF0] =	vst v2  }
0x38: {  	[spmem:s11] =	stream.linear.scatter [tilespmem:s21], [sflag:$0x7], $0x3200, $0x38;
	[tilespmem:$0x1BB20] =	vst v63  }
0x39: {  	_ =	swait.ge [sflag:s20], $0x3200  }
0x3a: {  	[sflag:s20] =	ssyncset.done $0x0  }
0x3b: {  	[sflag:s20] =	ssyncadd.s32 $0xFFFFCE00  }
0x3c: {  	[spmem:s12] =	stream.linear.scatter [tilespmem:s21], [sflag:$0x7], $0x3200, $0x38;
	[tilespmem:$0x1BB20] =	vst v63  }
0x3d: {  	_ =	swait.ge [sflag:s20], $0x3200  }
0x3e: {  	[sflag:s20] =	ssyncset.done $0x0  }
0x3f: {  	[sflag:s20] =	ssyncadd.s32 $0xFFFFCE00  }
0x40: {  	[spmem:s13] =	stream.linear.scatter [tilespmem:s21], [sflag:$0x7], $0x3200, $0x38;
	[tilespmem:$0x1BB20] =	vst v63  }
0x41: {  	_ =	swait.ge [sflag:s20], $0x3200  }
0x42: {  	[sflag:s20] =	ssyncset.done $0x0  }
0x43: {  	s9 =	simm.s32 @!p0 $0xECE0;
	[sflag:s20] =	ssyncadd.s32 $0xFFFFCE00  }
0x44: {  	[spmem:s14] =	stream.linear.scatter @!p0 [tilespmem:s9], [sflag:$0x7], $0x3200, $0x38;
	[tilespmem:$0x1BB20] =	vst v63  }
0x45: {  	s9 =	simm.s32 @!p0 $0x7  }
0x46: {  	_ =	swait.ge @!p0 [sflag:s9], $0x3200  }
0x47: {  	[sflag:s9] =	ssyncset.done @!p0 $0x0  }
0x48: {  	[sflag:s9] =	ssyncadd.s32 @!p0 $0xFFFFCE00  }
0x49: {  	s9 =	simm.s32 $0x0;
	[bflag:$0x0] =	sbarrier.arrive $0xFFFF  }
0x4a: {  	[tilespmem:s23], [sflag:$0x1] =	stream.indirect.gather [hbm4b:s5+s22], $0x40, s9, s22, $0xb8;
	[tilespmem:$0x1BB20] =	vst v63  }
0x4b: {  	s10 =	simm.s32 $0x4E20;
	s15 =	simm.s32 $0xC4E0  }
0x4c: {  	[tilespmem:s15], [sflag:$0x2] =	stream.indirect.gather [hbm4b:s6+s22], $0x40, s10, s22, $0xb8;
	[tilespmem:$0x1BB20] =	vst v63  }
0x4d: {  	s18 =	rddreg [dreg:$0x4];
	s10 =	simm.s32 $0x0  }
0x4e: {  	[tilespmem:s26], [sflag:$0x3] =	stream.linear.gather [hbm4b:s18+s9], $0x50, $0x38;
	[tilespmem:$0x1BB20] =	vst v63  }
.LBB2_8:
0x4f: {  	s15 =	smul.u32 $0xA0, s10;
	_ =	sdelay $0x1  }
0x50: {  	s16 =	sadd.s32 $0x50, s15  }
0x51: {  	[tilespmem:s28], [sflag:$0x4] =	stream.indirect.gather [hbm4b:s5+s22], $0x40, s16, s22, $0xb8;
	[tilespmem:$0x1BB20] =	vst v63  }
0x52: {  	s16 =	sadd.s32 s4, s16  }
0x53: {  	s17 =	sadd.s32 $0x4E70, s15;
	s16 =	sshrl.u32 s16, $0x3  }
0x54: {  	[tilespmem:s29], [sflag:$0x5] =	stream.indirect.gather [hbm4b:s6+s22], $0x40, s17, s22, $0xb8;
	[tilespmem:$0x1BB20] =	vst v63  }
0x55: {  	s16 =	sadd.s32 s7, s16  }
0x56: {  	[tilespmem:s30], [sflag:$0x6] =	stream.linear.gather [hbm4b:s16+s9], $0x50, $0x38;
	[tilespmem:$0x1BB20] =	vst v63  }
0x57: {  	_ =	swait.ge [sflag:s31], $0x1400  }
0x58: {  	[sflag:s31] =	ssyncset.done $0x0  }
0x59: {  	[sflag:s31] =	ssyncadd.s32 $0xFFFFEC00  }
0x5a: {  	_ =	swait.ge [sflag:s0], $0x1400  }
0x5b: {  	[sflag:s0] =	ssyncset.done $0x0  }
0x5c: {  	[sflag:s0] =	ssyncadd.s32 $0xFFFFEC00  }
0x5d: {  	_ =	swait.ge [sflag:s3], $0x50  }
0x5e: {  	[sflag:s3] =	ssyncset.done $0x0  }
0x5f: {  	s16 =	simm.s32 $0x0;
	[sflag:s3] =	ssyncadd.s32 $0xFFFFFFB0  }
0x60: {  	v5 =	vld [tilespmem:s16+$0xC4E0]  }
0x61: {  	v6 =	vld [tilespmem:s16+$0xC4F0]  }
0x62: {  	v4 =	vld [tilespmem:s16+$0xC500]  }
0x63: {  	v3 =	vld [tilespmem:s16+$0xC510]  }
0x64: {  	v7 =	vld [tilespmem:s16+$0x9CE0]  }
0x65: {  	v9 =	vld [tilespmem:s16+$0x9CF0]  }
0x66: {  	s17 =	simm.s32 $0x100;
	v8 =	vld [tilespmem:s16+$0x9D00]  }
.LBB2_9:
0x67: {  	p1 =	sne.s32 s17, $0x4F00;
	v10 =	vld [tilespmem:s16+$0x9D10]  }
0x68: {  	s18 =	sshra.s32 s17, $0x2  }
0x69: {  	v7 =	vadd.f32 v5, v7;
	v5 =	vld [tilespmem:s18+$0xC4E0]  }
0x6a: {  	v9 =	vadd.f32 v6, v9;
	v6 =	vld [tilespmem:s18+$0xC4F0]  }
.Ltmp3:
0x6b: {  	v7 =	vmax.f32 v7, $0.0e+00;
	v8 =	vadd.f32 v4, v8;
	v4 =	vld [tilespmem:s18+$0xC500];
	(pc) =	sbr.rel @p1 .LBB2_9-.Ltmp3, $4  }
0x6c: {  	[tilespmem:s16+$0x9CE0] =	vst v7;
	v9 =	vmax.f32 v9, $0.0e+00;
	v10 =	vadd.f32 v3, v10;
	v3 =	vld [tilespmem:s18+$0xC510]  }
0x6d: {  	v7 =	vld [tilespmem:s18+$0x9CE0];
	[tilespmem:s16+$0x9CF0] =	vst v9;
	v8 =	vmax.f32 v8, $0.0e+00  }
0x6e: {  	v9 =	vld [tilespmem:s18+$0x9CF0];
	[tilespmem:s16+$0x9D00] =	vst v8;
	v10 =	vmax.f32 v10, $0.0e+00  }
0x6f: {  	s17 =	sadd.s32 $0x100, s17;
	v8 =	vld [tilespmem:s18+$0x9D00];
	[tilespmem:s16+$0x9D10] =	vst v10;
	s16 =	smov.u32 s18  }
0x70: {  	v10 =	vld [tilespmem:s16+$0x9D10];
	_ =	sdelay $0x1  }
0x71: {  	v5 =	vadd.f32 v5, v7  }
0x72: {  	v6 =	vadd.f32 v6, v9  }
0x73: {  	v5 =	vmax.f32 v5, $0.0e+00;
	v4 =	vadd.f32 v4, v8  }
0x74: {  	[tilespmem:s16+$0x9CE0] =	vst v5;
	v5 =	vmax.f32 v6, $0.0e+00;
	v3 =	vadd.f32 v3, v10  }
0x75: {  	[tilespmem:s16+$0x9CF0] =	vst v5;
	v4 =	vmax.f32 v4, $0.0e+00  }
0x76: {  	[tilespmem:s16+$0x9D00] =	vst v4;
	v3 =	vmax.f32 v3, $0.0e+00  }
0x77: {  	[tilespmem:s16+$0x9D10] =	vst v3  }
0x78: {  	[spmem:s2] =	stream.indirect.scatter.add.f32 [tilespmem:s23], [sflag:$0x7], $0x40, s26, s22, $0xb8;
	[tilespmem:$0x1BB20] =	vst v63  }
0x79: {  	p1 =	seq.s32 s10, $0x7C;
	_ =	swait.ge [sflag:s20], $0x1400  }
0x7a: {  	s17 =	simm.s32 @!p1 $0x50;
	[sflag:s20] =	ssyncset.done $0x0  }
0x7b: {  	s18 =	simm.s32 @!p1 $0x9CE0;
	s16 =	sadd.s32 @!p1 $0xA0, s15;
	[sflag:s20] =	ssyncadd.s32 $0xFFFFEC00  }
0x7c: {  	[tilespmem:s18], [sflag:$0x1] =	stream.indirect.gather @!p1 [hbm4b:s5+s17], $0x40, s16, s17, $0xb8;
	[tilespmem:$0x1BB20] =	vst v63  }
0x7d: {  	s15 =	sadd.s32 @!p1 $0x4EC0, s15;
	s18 =	simm.s32 @!p1 $0xC4E0  }
0x7e: {  	[tilespmem:s18], [sflag:$0x2] =	stream.indirect.gather @!p1 [hbm4b:s6+s17], $0x40, s15, s17, $0xb8;
	[tilespmem:$0x1BB20] =	vst v63  }
0x7f: {  	s15 =	sadd.s32 @!p1 s4, s16  }
0x80: {  	s15 =	sshrl.u32 @!p1 s15, $0x3  }
0x81: {  	s16 =	simm.s32 @!p1 $0x0;
	s17 =	simm.s32 @!p1 $0x9C40;
	s15 =	sadd.s32 @!p1 s7, s15  }
0x82: {  	[tilespmem:s17], [sflag:$0x3] =	stream.linear.gather @!p1 [hbm4b:s15+s16], $0x50, $0x38;
	[tilespmem:$0x1BB20] =	vst v63  }
0x83: {  	_ =	swait.ge [sflag:s24], $0x1400  }
0x84: {  	[sflag:s24] =	ssyncset.done $0x0  }
0x85: {  	[sflag:s24] =	ssyncadd.s32 $0xFFFFEC00  }
0x86: {  	_ =	swait.ge [sflag:s25], $0x1400  }
0x87: {  	[sflag:s25] =	ssyncset.done $0x0  }
0x88: {  	[sflag:s25] =	ssyncadd.s32 $0xFFFFEC00  }
0x89: {  	_ =	swait.ge [sflag:s1], $0x50  }
0x8a: {  	[sflag:s1] =	ssyncset.done $0x0  }
0x8b: {  	s15 =	simm.s32 $0x0;
	[sflag:s1] =	ssyncadd.s32 $0xFFFFFFB0  }
0x8c: {  	v5 =	vld [tilespmem:s15+$0xD8E0]  }
0x8d: {  	v6 =	vld [tilespmem:s15+$0xD8F0]  }
0x8e: {  	v4 =	vld [tilespmem:s15+$0xD900]  }
0x8f: {  	v3 =	vld [tilespmem:s15+$0xD910]  }
0x90: {  	v7 =	vld [tilespmem:s15+$0xB0E0]  }
0x91: {  	v9 =	vld [tilespmem:s15+$0xB0F0]  }
0x92: {  	s16 =	simm.s32 $0x100;
	v8 =	vld [tilespmem:s15+$0xB100]  }
.LBB2_11:
0x93: {  	p1 =	sne.s32 s16, $0x4F00;
	v10 =	vld [tilespmem:s15+$0xB110]  }
0x94: {  	s17 =	sshra.s32 s16, $0x2  }
0x95: {  	v7 =	vadd.f32 v5, v7;
	v5 =	vld [tilespmem:s17+$0xD8E0]  }
0x96: {  	v9 =	vadd.f32 v6, v9;
	v6 =	vld [tilespmem:s17+$0xD8F0]  }
.Ltmp4:
0x97: {  	v7 =	vmax.f32 v7, $0.0e+00;
	v8 =	vadd.f32 v4, v8;
	v4 =	vld [tilespmem:s17+$0xD900];
	(pc) =	sbr.rel @p1 .LBB2_11-.Ltmp4, $4  }
0x98: {  	[tilespmem:s15+$0xB0E0] =	vst v7;
	v9 =	vmax.f32 v9, $0.0e+00;
	v10 =	vadd.f32 v3, v10;
	v3 =	vld [tilespmem:s17+$0xD910]  }
0x99: {  	v7 =	vld [tilespmem:s17+$0xB0E0];
	[tilespmem:s15+$0xB0F0] =	vst v9;
	v8 =	vmax.f32 v8, $0.0e+00  }
0x9a: {  	v9 =	vld [tilespmem:s17+$0xB0F0];
	[tilespmem:s15+$0xB100] =	vst v8;
	v10 =	vmax.f32 v10, $0.0e+00  }
0x9b: {  	s16 =	sadd.s32 $0x100, s16;
	v8 =	vld [tilespmem:s17+$0xB100];
	[tilespmem:s15+$0xB110] =	vst v10;
	s15 =	smov.u32 s17  }
0x9c: {  	v10 =	vld [tilespmem:s15+$0xB110];
	_ =	sdelay $0x1  }
0x9d: {  	v5 =	vadd.f32 v5, v7  }
0x9e: {  	v6 =	vadd.f32 v6, v9  }
0x9f: {  	v5 =	vmax.f32 v5, $0.0e+00;
	v4 =	vadd.f32 v4, v8  }
0xa0: {  	[tilespmem:s15+$0xB0E0] =	vst v5;
	v63 =	vmax.f32 v6, $0.0e+00;
	v3 =	vadd.f32 v3, v10  }
0xa1: {  	s10 =	sadd.s32 $0x1, s10;
	[tilespmem:s15+$0xB0F0] =	vst v63;
	v4 =	vmax.f32 v4, $0.0e+00  }
0xa2: {  	p1 =	sne.s32 s10, $0x7D;
	[tilespmem:s15+$0xB100] =	vst v4;
	v3 =	vmax.f32 v3, $0.0e+00  }
.Ltmp5:
0xa3: {  	[tilespmem:s15+$0xB110] =	vst v3;
	(pc) =	sbr.rel @p1 .LBB2_8-.Ltmp5, $4  }
0xa4: {  	[spmem:s2] =	stream.indirect.scatter.add.f32 [tilespmem:s28], [sflag:$0x7], $0x40, s30, s22, $0xb8;
	[tilespmem:$0x1BB20] =	vst v63  }
0xa5: {  	_ =	swait.ge [sflag:s20], $0x1400  }
0xa6: {  	[sflag:s20] =	ssyncset.done $0x0  }
0xa7: {  	[sflag:s20] =	ssyncadd.s32 $0xFFFFEC00  }
0xa8: {  	s9 =	stileid.u32  }
0xa9: {  	[bflag:$0x0] =	sbarrier.arrive $0xFFFF;
	s9 =	sshll.u32 s9, $0x6  }
0xaa: {  	s10 =	sshrl.u32 s11, $0x3;
	s15 =	rddreg [dreg:$0x6];
	s9 =	sor.u32 $0x1C07, s9  }
0xab: {  	[hbm:s15], [sflag:s9] =	dma.local [spmem:s10], $0x640  }
0xac: {  	_ =	swait.ge [sflag:s20], $0x640  }
0xad: {  	[sflag:s20] =	ssyncset.done $0x0  }
0xae: {  	s17 =	sshrl.u32 s12, $0x3;
	s18 =	rddreg [dreg:$0x7];
	[sflag:s20] =	ssyncadd.s32 $0xFFFFF9C0  }
0xaf: {  	[hbm:s18], [sflag:s9] =	dma.local [spmem:s17], $0x640  }
0xb0: {  	_ =	swait.ge [sflag:s20], $0x640  }
0xb1: {  	[sflag:s20] =	ssyncset.done $0x0  }
0xb2: {  	s16 =	sshrl.u32 s13, $0x3;
	s17 =	rddreg [dreg:$0x8];
	[sflag:s20] =	ssyncadd.s32 $0xFFFFF9C0  }
0xb3: {  	[hbm:s17], [sflag:s9] =	dma.local [spmem:s16], $0x640  }
0xb4: {  	_ =	swait.ge [sflag:s20], $0x640  }
0xb5: {  	[sflag:s20] =	ssyncset.done $0x0  }
0xb6: {  	s10 =	sshrl.u32 @!p0 s14, $0x3;
	s15 =	rddreg [dreg:$0x9];
	[sflag:s20] =	ssyncadd.s32 $0xFFFFF9C0  }
0xb7: {  	[hbm:s15], [sflag:s9] =	dma.local @!p0 [spmem:s10], $0x640  }
0xb8: {  	s9 =	simm.s32 @!p0 $0x7  }
0xb9: {  	_ =	swait.ge @!p0 [sflag:s9], $0x640  }
0xba: {  	s8 =	sadd.s32 $0x1, s8;
	s18 =	rddreg [dreg:$0x5]  }
0xbb: {  	p1 =	sne.s32 s8, s18  }
.Ltmp6:
0xbc: {  	_ = 	snop;
	(pc) =	sbr.rel @p1 .LBB2_1-.Ltmp6, $3  }
0xbd: {  	[sflag:s9] =	ssyncset.done @!p0 $0x0  }
0xbe: {  	[sflag:s9] =	ssyncadd.s32 @!p0 $0xFFFFF9C0  }
0xbf: {  	[bflag:$0x0] =	sbarrier.arrive $0xFFFF;
	_ =	sdelay $0x1  }
0xc0: {  	_ =	sfence.sel $0x180000  }
0xc1: {  	[bflag:$0x0] =	sbarrier.arrive $0xFFFF  }
0xc2: {  	_ =	strace $0x9000004D  }
0xc3: {  	s0 =	stileid.u32;
	[bflag:$0x2] =	sbarrier.arrive $0xFFFF  }
0xc4: {  	p0 =	sne.s32 s0, $0x0;
	s0 =	rddreg [dreg:$0x2]  }
0xc5: {  	s0 =	sadd.s32 @!p0 $0x100000, s0  }
0xc6: {  	[sflag:s0] =	ssyncadd.tile.s32 @!p0 $0x1;
	_ =	shalt  }
.Lfunc_end2:
_tile_overlayer_lowered:
.L_overlay_start_2:
0xc7: {  	(tag) =	ssettag $0x2  }
0xc8: {  	s0 =	rddreg [dreg:$0x0];
	s2 =	stileid.u32  }
0xc9: {  	s1 =	rddreg [dreg:$0x1];
	p0 =	sne.s32 s2, $0x0  }
0xca: {  	s3 =	rddreg [dreg:$0x2];
	[bflag:$0x3] =	sbarrier.arrive $0xFFFF;
	s2 =	simm.s32 @!p0 $0x1C07  }
0xcb: {  	[timem:s3], [sflag:s2] =	dma.local @!p0 [hbm:s0], s1  }
0xcc: {  	s0 =	simm.s32 @!p0 $0x7  }
0xcd: {  	_ =	swait.ge @!p0 [sflag:s0], s1  }
0xce: {  	s1 =	ssub.s32 @!p0 $0x0, s1;
	[sflag:s0] =	ssyncset.done @!p0 $0x0  }
0xcf: {  	[sflag:s0] =	ssyncadd.s32 @!p0 s1  }
0xd0: {  	[bflag:$0x3] =	sbarrier.arrive $0xFFFF  }
0xd1: {  	_ =	shalt  }

// kernel: kernel.24.cloned.1.call-start
scs
__scs_entry_jumppad:
0x0: {  	(pc) =	sbr.rel $0x88, $3  }
0x1: {  	(tag) =	ssettag $0x0;
	lr =	simm.s32 $0x1  }
0x2: {  	[smem:$0x3F85] =	sst lr;
	_ =	strace $0xD0000000  }
0x3: {  	_ = 	snop  }
0x4: {  	_ = 	snop  }
0x5: {  	_ = 	snop  }
0x6: {  	_ = 	snop  }
0x7: {  	_ = 	snop  }
__scs_overlays_trampoline_lowered:
0x8: {  	[smem:$0x3F94] =	sst s0  }
0x9: {  	[smem:$0x3F95] =	sst s1  }
0xa: {  	[smem:$0x3F96] =	sst s2  }
0xb: {  	[smem:$0x3F97] =	sst s3  }
0xc: {  	[smem:$0x3F98] =	sst s4  }
0xd: {  	[smem:$0x3F99] =	sst s5  }
0xe: {  	[smem:$0x3F9A] =	sst s6  }
0xf: {  	[smem:$0x3F9B] =	sst s7  }
0x10: {  	[smem:$0x3F9C] =	sst s8  }
0x11: {  	[smem:$0x3F9D] =	sst s9;
	s0 =	simm.s32 @!p0 $0x0  }
0x12: {  	s1 =	sld [smem:$0x3F83];
	s0 =	simm.s32 @p0 $0x1  }
0x13: {  	[smem:$0x3F9E] =	sst s0;
	s0 =	simm.s32 @!p1 $0x0  }
0x14: {  	s2 =	sld [smem:$0x3F82];
	s0 =	simm.s32 @p1 $0x1  }
0x15: {  	[smem:$0x3F9F] =	sst s0;
	s0 =	simm.s32 @!p2 $0x0  }
0x16: {  	s3 =	sld [smem:$0x3FDB];
	s0 =	simm.s32 @p2 $0x1  }
0x17: {  	s4 =	simm.s32 $0x1BF5;
	[smem:$0x3FA1] =	sst s0  }
0x18: {  	s0 =	sld [smem:$0x3F84];
	_ =	swait.ge [sflag:s4], $0x0  }
0x19: {  	s7 =	sld [smem:$0x3F85]  }
0x1a: {  	s8 =	sadd.s32 $0xFFFFE003, lr  }
0x1b: {  	s9 =	sadd.s32 $0xFFFFFEF7, lr;
	s5 =	simm.s32 $0xFFFFFFFF;
	p2 =	slt.u32 s8, $0xFFFFF086  }
0x1c: {  	p1 =	slt.u32 s9, $0xF7A;
	s5 =	simm.s32 @!p2 $0x0  }
0x1d: {  	s5 =	simm.s32 @p1 $0x1;
	p0 =	seq.s32 s7, s2  }
0x1e: {  	s7 =	smul.u32 @!p0 $0xF7A, s2;
	p2 =	seq.s32 @!p0 s5, $0x0  }
0x1f: {  	s9 =	smul.u32 $0xF7A, s1;
	s8 =	simm.s32 @!p0 $0x1BF5;
	p2 =	por !p2, p0  }
0x20: {  	[sflag:s8] =	ssyncset.s32 @!p0 $0xFFFFF086;
	s6 =	sadd.s32 @!p0 s3, s7;
	s7 =	simm.s32 @!p0 $0x108  }
0x21: {  	s3 =	sadd.s32 s3, s9;
	s6 =	sadd.s32 @!p0 $0x88, s6;
	s7 =	simm.s32 @p2 $0x1082  }
0x22: {  	[simem:s7], [sflag:s8] =	dma.local @!p0 [hbm:s6], $0xF7A  }
0x23: {  	s9 =	sor.u32 $0xD0000000, s2;
	s6 =	simm.s32 $0x108;
	_ =	swait.ge @!p0 [sflag:s8], $0x0  }
0x24: {  	s3 =	sadd.s32 $0x88, s3;
	s6 =	simm.s32 @!p1 $0x1082;
	[sflag:s4] =	ssyncset.s32 $0xFFFFF086  }
0x25: {  	[simem:s6], [sflag:s4] =	dma.local [hbm:s3], $0xF7A  }
0x26: {  	[smem:$0x3F85] =	sst s1;
	(tag) =	ssettag s2;
	_ =	strace s9  }
0x27: {  	s1 =	sld [smem:$0x3F95]  }
0x28: {  	s2 =	sld [smem:$0x3F96]  }
0x29: {  	s4 =	sld [smem:$0x3F98]  }
0x2a: {  	p0 =	seq.s32 s5, $0x0;
	s5 =	sld [smem:$0x3F99]  }
0x2b: {  	s6 =	sld [smem:$0x3F9A]  }
0x2c: {  	s7 =	sld [smem:$0x3F9B]  }
0x2d: {  	s3 =	simm.s32 $0x108;
	s8 =	sld [smem:$0x3F9C]  }
0x2e: {  	s3 =	simm.s32 @!p0 $0x1082;
	s9 =	sld [smem:$0x3F9D]  }
0x2f: {  	lr =	sadd.s32 s0, s3;
	s0 =	sld [smem:$0x3F94]  }
0x30: {  	s3 =	sld [smem:$0x3F97]  }
0x31: {  	[smem:$0x3FA0] =	sst s10  }
0x32: {  	s10 =	sld [smem:$0x3F9E];
	_ =	sdelay $0x3  }
0x33: {  	p0 =	seq.s32 s10, $0x1;
	s10 =	sld [smem:$0x3FA0];
	_ =	sdelay $0x3  }
0x34: {  	[smem:$0x3FA0] =	sst s10  }
0x35: {  	s10 =	sld [smem:$0x3F9F];
	_ =	sdelay $0x3  }
0x36: {  	p1 =	seq.s32 s10, $0x1;
	s10 =	sld [smem:$0x3FA0];
	_ =	sdelay $0x3  }
0x37: {  	[smem:$0x3FA0] =	sst s10  }
0x38: {  	s10 =	sld [smem:$0x3FA1]  }
0x39: {  	_ = 	snop;
	(pc) =	sbr.ind lr, $3  }
0x3a: {  	_ = 	snop  }
0x3b: {  	_ = 	snop  }
0x3c: {  	p2 =	seq.s32 s10, $0x1;
	s10 =	sld [smem:$0x3FA0]  }
0x3d: {  	_ =	shalt  }
0x3e: {  	_ =	shalt  }
0x3f: {  	_ =	shalt  }
0x40: {  	_ =	shalt  }
0x41: {  	_ =	shalt  }
0x42: {  	_ =	shalt  }
0x43: {  	_ =	shalt  }
0x44: {  	_ =	shalt  }
0x45: {  	_ =	shalt  }
0x46: {  	_ =	shalt  }
0x47: {  	_ =	shalt  }
0x48: {  	_ =	shalt  }
0x49: {  	_ =	shalt  }
0x4a: {  	_ =	shalt  }
0x4b: {  	_ =	shalt  }
0x4c: {  	_ =	shalt  }
0x4d: {  	_ =	shalt  }
0x4e: {  	_ =	shalt  }
0x4f: {  	_ =	shalt  }
0x50: {  	_ =	shalt  }
0x51: {  	_ =	shalt  }
0x52: {  	_ =	shalt  }
0x53: {  	_ =	shalt  }
0x54: {  	_ =	shalt  }
0x55: {  	_ =	shalt  }
0x56: {  	_ =	shalt  }
0x57: {  	_ =	shalt  }
0x58: {  	_ =	shalt  }
0x59: {  	_ =	shalt  }
0x5a: {  	_ =	shalt  }
0x5b: {  	_ =	shalt  }
0x5c: {  	_ =	shalt  }
0x5d: {  	_ =	shalt  }
0x5e: {  	_ =	shalt  }
0x5f: {  	_ =	shalt  }
0x60: {  	_ =	shalt  }
0x61: {  	_ =	shalt  }
0x62: {  	_ =	shalt  }
0x63: {  	_ =	shalt  }
0x64: {  	_ =	shalt  }
0x65: {  	_ =	shalt  }
0x66: {  	_ =	shalt  }
0x67: {  	_ =	shalt  }
0x68: {  	_ =	shalt  }
0x69: {  	_ =	shalt  }
0x6a: {  	_ =	shalt  }
0x6b: {  	_ =	shalt  }
0x6c: {  	_ =	shalt  }
0x6d: {  	_ =	shalt  }
0x6e: {  	_ =	shalt  }
0x6f: {  	_ =	shalt  }
0x70: {  	_ =	shalt  }
0x71: {  	_ =	shalt  }
0x72: {  	_ =	shalt  }
0x73: {  	_ =	shalt  }
0x74: {  	_ =	shalt  }
0x75: {  	_ =	shalt  }
0x76: {  	_ =	shalt  }
0x77: {  	_ =	shalt  }
0x78: {  	_ =	shalt  }
0x79: {  	_ =	shalt  }
0x7a: {  	_ =	shalt  }
0x7b: {  	_ =	shalt  }
0x7c: {  	_ =	shalt  }
0x7d: {  	_ =	shalt  }
0x7e: {  	_ =	shalt  }
0x7f: {  	_ =	shalt  }
0x80: {  	_ =	shalt  }
0x81: {  	_ =	shalt  }
0x82: {  	_ =	shalt  }
0x83: {  	_ =	shalt  }
0x84: {  	_ =	shalt  }
0x85: {  	_ =	shalt  }
0x86: {  	_ =	shalt  }
0x87: {  	_ =	shalt  }
.Lfunc_end0:
.L_simem_size_0:
called_computation.3_lowered:
.L_overlay_start_0:
0x88: {  	s2 =	sld [smem:$0x3FD9]  }
0x89: {  	s3 =	sld [smem:$0x3FFE];
	_ =	sdelay $0x1  }
0x8a: {  	s1 =	srdreg.scid  }
0x8b: {  	s0 =	sand.u32 $0x1, s1  }
0x8c: {  	s16 =	sshll.u32 s0, $0xA;
	s2 =	sadd.s32 s3, s2  }
0x8d: {  	s2 =	sadd.s32 s2, s16  }
0x8e: {  	[smem:$0x3FAC] =	sst s2  }
0x8f: {  	_ = 	snop  }
0x90: {  	(tm) =	ssettm $0x1  }
0x91: {  	s17 =	sld [smem:$0x3FFB];
	_ =	sdelay $0x3  }
0x92: {  	_ =	strace s17  }
0x93: {  	s2 =	sld [smem:$0x3FFC];
	_ =	sdelay $0x3  }
0x94: {  	_ =	strace s2  }
0x95: {  	s2 =	sld [smem:$0x3FFD];
	_ =	sdelay $0x3  }
0x96: {  	_ =	strace s2  }
0x97: {  	_ =	strace $0x8FFFFFFF  }
0x98: {  	s18 =	sld [smem:$0x3FDB];
	_ =	sdelay $0x1  }
0x99: {  	s19 =	simm.s32 $_scs_section_size  }
0x9a: {  	s4 =	simm.s32 $_size__tile_overlayer_lowered;
	s5 =	simm.s32 $_tile_overlayer_lowered  }
0x9b: {  	s22 =	simm.s32 $0x1BFF;
	s21 =	sshll.u32 s5, $0x1;
	s2 =	sadd.s32 s19, s18  }
0x9c: {  	s6 =	simm.s32 $0x0;
	s20 =	sshll.u32 s4, $0x1;
	s4 =	sadd.s32 s21, s2  }
0x9d: {  	[timem:s6], [sflag:s22] =	dma.local [hbm:s4], s20  }
0x9e: {  	_ =	swait.ge [sflag:s22], s20  }
0x9f: {  	s3 =	ssub.s32 $0x0, s20;
	[sflag:s22] =	ssyncset.done $0x0  }
0xa0: {  	[sflag:s22] =	ssyncadd.s32 s3;
	_ =	sdelay $0x1  }
0xa1: {  	s23 =	simm.s32 $0x1B8B  }
0xa2: {  	_ =	swait.ge [sflag:s23], $0x1  }
0xa3: {  	[sflag:s23] =	ssyncset.done $0x0  }
0xa4: {  	s25 =	simm.s32 $0x1B8E;
	s24 =	sld [smem:$0x3FFE];
	[sflag:s23] =	ssyncadd.s32 $0xFFFFFFFF  }
0xa5: {  	s26 =	simm.s32 $execute0_lowered;
	[smem:$0x3FD2] =	sst s25  }
0xa6: {  	s4 =	sshll.u32 s26, $0x1;
	_ =	strace $0x8000004F;
	[dreg:$0x1] =	wrdreg $0xFFFFFFFF  }
0xa7: {  	s28 =	simm.s32 $_size_execute0_lowered;
	s2 =	sadd.s32 s2, s4;
	[dreg:$0x0] =	wrdreg $0x0  }
0xa8: {  	s4 =	sshll.u32 s28, $0x1;
	[dreg:$0x2] =	wrdreg s2  }
0xa9: {  	[dreg:$0x3] =	wrdreg s4  }
0xaa: {  	[dreg:$0x4] =	wrdreg $0xC0  }
0xab: {  	_ =	task [dreg:s6], $0x5FFFF  }
0xac: {  	[dreg:$0x1] =	wrdreg $0xFFFFFFFF  }
0xad: {  	[dreg:$0x0] =	wrdreg $0x60  }
0xae: {  	[dreg:$0x2] =	wrdreg s24  }
0xaf: {  	[dreg:$0x3] =	wrdreg $0x11EE00  }
0xb0: {  	[dreg:$0x4] =	wrdreg $0x9  }
0xb1: {  	_ =	task.clear_ibuf [dreg:s6], $0x5FFFF;
	_ =	strace $0x9000004F  }
0xb2: {  	s29 =	simm.s32 $0x9;
	_ =	strace $0x80000051  }
0xb3: {  	_ =	swait.ge [sflag:s29], $0x1  }
0xb4: {  	[sflag:s29] =	ssyncadd.s32 $0xFFFFFFFF  }
0xb5: {  	_ =	strace $0x90000051  }
0xb6: {  	_ =	sfence  }
0xb7: {  	s30 =	sld [smem:$0x0];
	_ =	sdelay $0x2  }
0xb8: {  	s31 =	sshll.u32 s1, $0xD;
	s1 =	sshrl.u32 s1, $0x2  }
0xb9: {  	s3 =	sand.u32 $0x4000, s31;
	s1 =	sadd.s32 s1, s30  }
0xba: {  	s0 =	sor.u32 s3, s0;
	s1 =	sshll.u32 s1, $0x11  }
0xbb: {  	s0 =	sor.u32 s1, s0  }
0xbc: {  	s0 =	sadd.s32 $0x8F2B, s0  }
0xbd: {  	[sflag:s0] =	ssyncadd.remote.s32 $0x1  }
0xbe: {  	_ =	sfence.sel $0xFFFF  }
0xbf: {  	[dreg:$0x0] =	wrdreg $0xFFFFFFFF;
	(pc) =	sbr.abs _section_cstart, $3  }
0xc0: {  	[dreg:$0x1] =	wrdreg $0xFFFFFFFF  }
0xc1: {  	_ =	task.clear_ibuf [dreg:s6], $0x2FFFF;
	_ =	strace $0x9FFFFFFF  }
0xc2: {  	(tm) =	ssettm $0x7FFFFFFF  }
0xc3: {  	_ =	shalt  }
tec
execute0_lowered:
.L_overlay_start_1:
0x0: {  	(tag) =	ssettag $0x1  }
0x1: {  	s12 =	stileid.u32  }
0x2: {  	s0 =	rddreg [dreg:$0x0];
	s4 =	smul.u32 $0x4E20, s12  }
0x3: {  	s2 =	rddreg [dreg:$0x1];
	s1 =	simm.s32 $0x0;
	s15 =	smul.u32 $0x9C40, s12  }
0x4: {  	s3 =	srdreg.scid;
	s28 =	simm.s32 $0xB0E0;
	s21 =	smul.u32 $0xC800, s12  }
0x5: {  	s29 =	simm.s32 $0xD8E0;
	s3 =	sand.u32 $0x1, s3;
	s25 =	smul.u32 $0xC8, s12  }
0x6: {  	s30 =	simm.s32 $0x9C90;
	s13 =	sor.u32 $0x10, s12;
	s10 =	smul.u32 $0x2710, s3  }
0x7: {  	s5 =	sadd.s32 $0x5C1800, s0;
	s14 =	sor.u32 $0x20, s12;
	s22 =	smul.u32 $0xC800, s13  }
0x8: {  	s6 =	sadd.s32 $0xAA8A00, s0;
	s16 =	sor.u32 $0x30, s12;
	s23 =	smul.u32 $0xC800, s14  }
0x9: {  	[smem:$0x7FF] =	sst s1;
	s7 =	sadd.s32 $0x55FA00, s0;
	s17 =	smul.u32 $0xC800, s16  }
0xa: {  	s31 =	simm.s32 $0x1;
	_ =	strace $0x80000050;
	s26 =	smul.u32 $0xC8, s13  }
0xb: {  	s9 =	ssub.s32 $0x2, s3;
	s19 =	smul.u32 $0xC8, s14;
	p0 =	sgt.u32 s16, $0x31  }
0xc: {  	s20 =	sshrl.u32 s4, $0x3;
	s11 =	sshrl.u32 s9, $0x1;
	s24 =	sshrl.u32 s21, $0x2  }
0xd: {  	s21 =	smul.u32 $0xC8, s16;
	s8 =	sadd.s32 s20, s0;
	s0 =	sadd.s32 $0x5E8A00, s0  }
0xe: {  	s9 =	ssub.s32 s9, s11;
	s1 =	sadd.s32 s7, s20;
	s11 =	sadd.s32 s24, s2  }
0xf: {  	s18 =	sadd.s32 s10, s25;
	s20 =	sshrl.u32 s17, $0x2;
	s8 =	sadd.s32 $0x569800, s8  }
0x10: {  	[dreg:$0x4] =	wrdreg s1;
	s9 =	smax.u32 s9, $0x1;
	s1 =	sshrl.u32 s23, $0x2  }
0x11: {  	s14 =	sadd.s32 s20, s2;
	s23 =	sadd.s32 s10, s19;
	s24 =	sadd.s32 s10, s21  }
0x12: {  	s19 =	sor.u32 s3, s15;
	s20 =	simm.s32 $0x7;
	[dreg:$0x3] =	wrdreg s8  }
0x13: {  	s21 =	simm.s32 $0xECE0;
	s3 =	simm.s32 $0x3;
	[dreg:$0x5] =	wrdreg s9  }
0x14: {  	s8 =	sshrl.u32 s22, $0x2;
	s13 =	sadd.s32 s1, s2;
	s1 =	sshll.u32 s18, $0x3  }
0x15: {  	s22 =	sadd.s32 s10, s26;
	s25 =	sshll.u32 s23, $0x3;
	s26 =	sshll.u32 s24, $0x3  }
0x16: {  	s23 =	simm.s32 $0x9CE0;
	s24 =	simm.s32 $0x4;
	s1 =	sadd.s32 s0, s1  }
0x17: {  	s12 =	sadd.s32 s8, s2;
	[dreg:$0x6] =	wrdreg s1;
	s1 =	sshll.u32 s22, $0x3  }
0x18: {  	s8 =	simm.s32 $0x0;
	s22 =	simm.s32 $0x50;
	s1 =	sadd.s32 s0, s1  }
0x19: {  	[dreg:$0x7] =	wrdreg s1;
	s1 =	sadd.s32 s0, s25;
	s0 =	sadd.s32 s0, s26  }
0x1a: {  	v1 =	vlaneseq.u32;
	s26 =	simm.s32 $0x9C40;
	s25 =	simm.s32 $0x5;
	[dreg:$0x8] =	wrdreg s1  }
0x1b: {  	v2 =	vimm.f32 $0.0e+00;
	v1 =	vmul.u32 $0x2, v1;
	v0 =	vmov s10;
	[dreg:$0x9] =	wrdreg s0;
	s0 =	simm.s32 $0x2;
	s1 =	simm.s32 $0x6  }
.LBB2_1:
0x1c: {  	s9 =	simm.s32 $0x0;
	s10 =	rddreg [dreg:$0x3]  }
0x1d: {  	[tilespmem:s9], [sflag:$0x7] =	stream.linear.gather [hbm4b:s10+s9], $0x4E20, $0x38;
	[tilespmem:$0x1BB20] =	vst v63  }
0x1e: {  	_ =	swait.ge [sflag:s20], $0x4E20  }
0x1f: {  	[sflag:s20] =	ssyncset.done $0x0  }
0x20: {  	s9 =	simm.s32 $0x0;
	s10 =	simm.s32 $0x40;
	[sflag:s20] =	ssyncadd.s32 $0xFFFFB1E0  }
.LBB2_2:
0x21: {  	p1 =	sne.s32 s10, $0x13840;
	v3 =	vld [tilespmem:s9+$0x0];
	_ =	sdelay $0x1  }
.Ltmp0:
0x22: {  	(pc) =	sbr.rel @p1 .LBB2_2-.Ltmp0, $3  }
0x23: {  	_ =	sdelay $0x1  }
0x24: {  	v3 =	vadd.s32 v0, v3  }
0x25: {  	[tilespmem:s9+$0x0] =	vst v3;
	s9 =	sshra.s32 s10, $0x2;
	s10 =	sadd.s32 $0x40, s10  }
0x26: {  	v3 =	vld [tilespmem:s9+$0x0];
	_ =	sdelay $0x4  }
0x27: {  	v3 =	vadd.s32 v0, v3  }
0x28: {  	s15 =	simm.s32 $0x0;
	s10 =	smov.u32 s19;
	[tilespmem:s9+$0x0] =	vst v3;
	s9 =	simm.s32 $0x40;
	v3 =	vor.u32 s19, v1  }
.LBB2_4:
0x29: {  	p1 =	sne.s32 s9, $0x13840  }
0x2a: {  	[tilespmem:s15+$0x4E20] =	vst v3;
	s10 =	sadd.s32 $0x20, s10;
	s15 =	smov.u32 s9;
	s9 =	sadd.s32 $0x40, s9  }
.Ltmp1:
0x2b: {  	(pc) =	sbr.rel @p1 .LBB2_4-.Ltmp1, $2  }
0x2c: {  	_ =	sdelay $0x2  }
0x2d: {  	v3 =	vor.u32 s10, v1;
	s15 =	sshra.s32 s15, $0x2  }
0x2e: {  	[tilespmem:s15+$0x4E20] =	vst v3;
	s10 =	simm.s32 $0x100;
	s9 =	simm.s32 $0x0  }
.LBB2_6:
0x2f: {  	p1 =	sne.s32 s10, $0xC700;
	[tilespmem:s9+$0xED10] =	vst v2;
	s15 =	smov.u32 s10;
	s10 =	sadd.s32 $0x100, s10  }
.Ltmp2:
0x30: {  	[tilespmem:s9+$0xED00] =	vst v2;
	(pc) =	sbr.rel @p1 .LBB2_6-.Ltmp2, $3  }
0x31: {  	[tilespmem:s9+$0xECE0] =	vst v2  }
0x32: {  	[tilespmem:s9+$0xECF0] =	vst v2;
	_ =	sdelay $0x1  }
0x33: {  	s9 =	sshra.s32 s15, $0x2  }
0x34: {  	[tilespmem:s9+$0xED10] =	vst v2  }
0x35: {  	[tilespmem:s9+$0xED00] =	vst v2  }
0x36: {  	[tilespmem:s9+$0xECE0] =	vst v2  }
0x37: {  	[tilespmem:s9+$0xECF0] =	vst v2  }
0x38: {  	[spmem:s11] =	stream.linear.scatter [tilespmem:s21], [sflag:$0x7], $0x3200, $0x38;
	[tilespmem:$0x1BB20] =	vst v63  }
0x39: {  	_ =	swait.ge [sflag:s20], $0x3200  }
0x3a: {  	[sflag:s20] =	ssyncset.done $0x0  }
0x3b: {  	[sflag:s20] =	ssyncadd.s32 $0xFFFFCE00  }
0x3c: {  	[spmem:s12] =	stream.linear.scatter [tilespmem:s21], [sflag:$0x7], $0x3200, $0x38;
	[tilespmem:$0x1BB20] =	vst v63  }
0x3d: {  	_ =	swait.ge [sflag:s20], $0x3200  }
0x3e: {  	[sflag:s20] =	ssyncset.done $0x0  }
0x3f: {  	[sflag:s20] =	ssyncadd.s32 $0xFFFFCE00  }
0x40: {  	[spmem:s13] =	stream.linear.scatter [tilespmem:s21], [sflag:$0x7], $0x3200, $0x38;
	[tilespmem:$0x1BB20] =	vst v63  }
0x41: {  	_ =	swait.ge [sflag:s20], $0x3200  }
0x42: {  	[sflag:s20] =	ssyncset.done $0x0  }
0x43: {  	s9 =	simm.s32 @!p0 $0xECE0;
	[sflag:s20] =	ssyncadd.s32 $0xFFFFCE00  }
0x44: {  	[spmem:s14] =	stream.linear.scatter @!p0 [tilespmem:s9], [sflag:$0x7], $0x3200, $0x38;
	[tilespmem:$0x1BB20] =	vst v63  }
0x45: {  	s9 =	simm.s32 @!p0 $0x7  }
0x46: {  	_ =	swait.ge @!p0 [sflag:s9], $0x3200  }
0x47: {  	[sflag:s9] =	ssyncset.done @!p0 $0x0  }
0x48: {  	[sflag:s9] =	ssyncadd.s32 @!p0 $0xFFFFCE00  }
0x49: {  	s9 =	simm.s32 $0x0;
	[bflag:$0x0] =	sbarrier.arrive $0xFFFF  }
0x4a: {  	[tilespmem:s23], [sflag:$0x1] =	stream.indirect.gather [hbm4b:s5+s22], $0x40, s9, s22, $0xb8;
	[tilespmem:$0x1BB20] =	vst v63  }
0x4b: {  	s10 =	simm.s32 $0x4E20;
	s15 =	simm.s32 $0xC4E0  }
0x4c: {  	[tilespmem:s15], [sflag:$0x2] =	stream.indirect.gather [hbm4b:s6+s22], $0x40, s10, s22, $0xb8;
	[tilespmem:$0x1BB20] =	vst v63  }
0x4d: {  	s18 =	rddreg [dreg:$0x4];
	s10 =	simm.s32 $0x0  }
0x4e: {  	[tilespmem:s26], [sflag:$0x3] =	stream.linear.gather [hbm4b:s18+s9], $0x50, $0x38;
	[tilespmem:$0x1BB20] =	vst v63  }
.LBB2_8:
0x4f: {  	s15 =	smul.u32 $0xA0, s10;
	_ =	sdelay $0x1  }
0x50: {  	s16 =	sadd.s32 $0x50, s15  }
0x51: {  	[tilespmem:s28], [sflag:$0x4] =	stream.indirect.gather [hbm4b:s5+s22], $0x40, s16, s22, $0xb8;
	[tilespmem:$0x1BB20] =	vst v63  }
0x52: {  	s16 =	sadd.s32 s4, s16  }
0x53: {  	s17 =	sadd.s32 $0x4E70, s15;
	s16 =	sshrl.u32 s16, $0x3  }
0x54: {  	[tilespmem:s29], [sflag:$0x5] =	stream.indirect.gather [hbm4b:s6+s22], $0x40, s17, s22, $0xb8;
	[tilespmem:$0x1BB20] =	vst v63  }
0x55: {  	s16 =	sadd.s32 s7, s16  }
0x56: {  	[tilespmem:s30], [sflag:$0x6] =	stream.linear.gather [hbm4b:s16+s9], $0x50, $0x38;
	[tilespmem:$0x1BB20] =	vst v63  }
0x57: {  	_ =	swait.ge [sflag:s31], $0x1400  }
0x58: {  	[sflag:s31] =	ssyncset.done $0x0  }
0x59: {  	[sflag:s31] =	ssyncadd.s32 $0xFFFFEC00  }
0x5a: {  	_ =	swait.ge [sflag:s0], $0x1400  }
0x5b: {  	[sflag:s0] =	ssyncset.done $0x0  }
0x5c: {  	[sflag:s0] =	ssyncadd.s32 $0xFFFFEC00  }
0x5d: {  	_ =	swait.ge [sflag:s3], $0x50  }
0x5e: {  	[sflag:s3] =	ssyncset.done $0x0  }
0x5f: {  	s16 =	simm.s32 $0x0;
	[sflag:s3] =	ssyncadd.s32 $0xFFFFFFB0  }
0x60: {  	v5 =	vld [tilespmem:s16+$0xC4E0]  }
0x61: {  	v6 =	vld [tilespmem:s16+$0xC4F0]  }
0x62: {  	v4 =	vld [tilespmem:s16+$0xC500]  }
0x63: {  	v3 =	vld [tilespmem:s16+$0xC510]  }
0x64: {  	v7 =	vld [tilespmem:s16+$0x9CE0]  }
0x65: {  	v9 =	vld [tilespmem:s16+$0x9CF0]  }
0x66: {  	s17 =	simm.s32 $0x100;
	v8 =	vld [tilespmem:s16+$0x9D00]  }
.LBB2_9:
0x67: {  	p1 =	sne.s32 s17, $0x4F00;
	v10 =	vld [tilespmem:s16+$0x9D10]  }
0x68: {  	s18 =	sshra.s32 s17, $0x2  }
0x69: {  	v7 =	vadd.f32 v5, v7;
	v5 =	vld [tilespmem:s18+$0xC4E0]  }
0x6a: {  	v9 =	vadd.f32 v6, v9;
	v6 =	vld [tilespmem:s18+$0xC4F0]  }
.Ltmp3:
0x6b: {  	v7 =	vmax.f32 v7, $0.0e+00;
	v8 =	vadd.f32 v4, v8;
	v4 =	vld [tilespmem:s18+$0xC500];
	(pc) =	sbr.rel @p1 .LBB2_9-.Ltmp3, $4  }
0x6c: {  	[tilespmem:s16+$0x9CE0] =	vst v7;
	v9 =	vmax.f32 v9, $0.0e+00;
	v10 =	vadd.f32 v3, v10;
	v3 =	vld [tilespmem:s18+$0xC510]  }
0x6d: {  	v7 =	vld [tilespmem:s18+$0x9CE0];
	[tilespmem:s16+$0x9CF0] =	vst v9;
	v8 =	vmax.f32 v8, $0.0e+00  }
0x6e: {  	v9 =	vld [tilespmem:s18+$0x9CF0];
	[tilespmem:s16+$0x9D00] =	vst v8;
	v10 =	vmax.f32 v10, $0.0e+00  }
0x6f: {  	s17 =	sadd.s32 $0x100, s17;
	v8 =	vld [tilespmem:s18+$0x9D00];
	[tilespmem:s16+$0x9D10] =	vst v10;
	s16 =	smov.u32 s18  }
0x70: {  	v10 =	vld [tilespmem:s16+$0x9D10];
	_ =	sdelay $0x1  }
0x71: {  	v5 =	vadd.f32 v5, v7  }
0x72: {  	v6 =	vadd.f32 v6, v9  }
0x73: {  	v5 =	vmax.f32 v5, $0.0e+00;
	v4 =	vadd.f32 v4, v8  }
0x74: {  	[tilespmem:s16+$0x9CE0] =	vst v5;
	v5 =	vmax.f32 v6, $0.0e+00;
	v3 =	vadd.f32 v3, v10  }
0x75: {  	[tilespmem:s16+$0x9CF0] =	vst v5;
	v4 =	vmax.f32 v4, $0.0e+00  }
0x76: {  	[tilespmem:s16+$0x9D00] =	vst v4;
	v3 =	vmax.f32 v3, $0.0e+00  }
0x77: {  	[tilespmem:s16+$0x9D10] =	vst v3  }
0x78: {  	[spmem:s2] =	stream.indirect.scatter.add.f32 [tilespmem:s23], [sflag:$0x7], $0x40, s26, s22, $0xb8;
	[tilespmem:$0x1BB20] =	vst v63  }
0x79: {  	p1 =	seq.s32 s10, $0x7C;
	_ =	swait.ge [sflag:s20], $0x1400  }
0x7a: {  	s17 =	simm.s32 @!p1 $0x50;
	[sflag:s20] =	ssyncset.done $0x0  }
0x7b: {  	s18 =	simm.s32 @!p1 $0x9CE0;
	s16 =	sadd.s32 @!p1 $0xA0, s15;
	[sflag:s20] =	ssyncadd.s32 $0xFFFFEC00  }
0x7c: {  	[tilespmem:s18], [sflag:$0x1] =	stream.indirect.gather @!p1 [hbm4b:s5+s17], $0x40, s16, s17, $0xb8;
	[tilespmem:$0x1BB20] =	vst v63  }
0x7d: {  	s15 =	sadd.s32 @!p1 $0x4EC0, s15;
	s18 =	simm.s32 @!p1 $0xC4E0  }
0x7e: {  	[tilespmem:s18], [sflag:$0x2] =	stream.indirect.gather @!p1 [hbm4b:s6+s17], $0x40, s15, s17, $0xb8;
	[tilespmem:$0x1BB20] =	vst v63  }
0x7f: {  	s15 =	sadd.s32 @!p1 s4, s16  }
0x80: {  	s15 =	sshrl.u32 @!p1 s15, $0x3  }
0x81: {  	s16 =	simm.s32 @!p1 $0x0;
	s17 =	simm.s32 @!p1 $0x9C40;
	s15 =	sadd.s32 @!p1 s7, s15  }
0x82: {  	[tilespmem:s17], [sflag:$0x3] =	stream.linear.gather @!p1 [hbm4b:s15+s16], $0x50, $0x38;
	[tilespmem:$0x1BB20] =	vst v63  }
0x83: {  	_ =	swait.ge [sflag:s24], $0x1400  }
0x84: {  	[sflag:s24] =	ssyncset.done $0x0  }
0x85: {  	[sflag:s24] =	ssyncadd.s32 $0xFFFFEC00  }
0x86: {  	_ =	swait.ge [sflag:s25], $0x1400  }
0x87: {  	[sflag:s25] =	ssyncset.done $0x0  }
0x88: {  	[sflag:s25] =	ssyncadd.s32 $0xFFFFEC00  }
0x89: {  	_ =	swait.ge [sflag:s1], $0x50  }
0x8a: {  	[sflag:s1] =	ssyncset.done $0x0  }
0x8b: {  	s15 =	simm.s32 $0x0;
	[sflag:s1] =	ssyncadd.s32 $0xFFFFFFB0  }
0x8c: {  	v5 =	vld [tilespmem:s15+$0xD8E0]  }
0x8d: {  	v6 =	vld [tilespmem:s15+$0xD8F0]  }
0x8e: {  	v4 =	vld [tilespmem:s15+$0xD900]  }
0x8f: {  	v3 =	vld [tilespmem:s15+$0xD910]  }
0x90: {  	v7 =	vld [tilespmem:s15+$0xB0E0]  }
0x91: {  	v9 =	vld [tilespmem:s15+$0xB0F0]  }
0x92: {  	s16 =	simm.s32 $0x100;
	v8 =	vld [tilespmem:s15+$0xB100]  }
.LBB2_11:
0x93: {  	p1 =	sne.s32 s16, $0x4F00;
	v10 =	vld [tilespmem:s15+$0xB110]  }
0x94: {  	s17 =	sshra.s32 s16, $0x2  }
0x95: {  	v7 =	vadd.f32 v5, v7;
	v5 =	vld [tilespmem:s17+$0xD8E0]  }
0x96: {  	v9 =	vadd.f32 v6, v9;
	v6 =	vld [tilespmem:s17+$0xD8F0]  }
.Ltmp4:
0x97: {  	v7 =	vmax.f32 v7, $0.0e+00;
	v8 =	vadd.f32 v4, v8;
	v4 =	vld [tilespmem:s17+$0xD900];
	(pc) =	sbr.rel @p1 .LBB2_11-.Ltmp4, $4  }
0x98: {  	[tilespmem:s15+$0xB0E0] =	vst v7;
	v9 =	vmax.f32 v9, $0.0e+00;
	v10 =	vadd.f32 v3, v10;
	v3 =	vld [tilespmem:s17+$0xD910]  }
0x99: {  	v7 =	vld [tilespmem:s17+$0xB0E0];
	[tilespmem:s15+$0xB0F0] =	vst v9;
	v8 =	vmax.f32 v8, $0.0e+00  }
0x9a: {  	v9 =	vld [tilespmem:s17+$0xB0F0];
	[tilespmem:s15+$0xB100] =	vst v8;
	v10 =	vmax.f32 v10, $0.0e+00  }
0x9b: {  	s16 =	sadd.s32 $0x100, s16;
	v8 =	vld [tilespmem:s17+$0xB100];
	[tilespmem:s15+$0xB110] =	vst v10;
	s15 =	smov.u32 s17  }
0x9c: {  	v10 =	vld [tilespmem:s15+$0xB110];
	_ =	sdelay $0x1  }
0x9d: {  	v5 =	vadd.f32 v5, v7  }
0x9e: {  	v6 =	vadd.f32 v6, v9  }
0x9f: {  	v5 =	vmax.f32 v5, $0.0e+00;
	v4 =	vadd.f32 v4, v8  }
0xa0: {  	[tilespmem:s15+$0xB0E0] =	vst v5;
	v63 =	vmax.f32 v6, $0.0e+00;
	v3 =	vadd.f32 v3, v10  }
0xa1: {  	s10 =	sadd.s32 $0x1, s10;
	[tilespmem:s15+$0xB0F0] =	vst v63;
	v4 =	vmax.f32 v4, $0.0e+00  }
0xa2: {  	p1 =	sne.s32 s10, $0x7D;
	[tilespmem:s15+$0xB100] =	vst v4;
	v3 =	vmax.f32 v3, $0.0e+00  }
.Ltmp5:
0xa3: {  	[tilespmem:s15+$0xB110] =	vst v3;
	(pc) =	sbr.rel @p1 .LBB2_8-.Ltmp5, $4  }
0xa4: {  	[spmem:s2] =	stream.indirect.scatter.add.f32 [tilespmem:s28], [sflag:$0x7], $0x40, s30, s22, $0xb8;
	[tilespmem:$0x1BB20] =	vst v63  }
0xa5: {  	_ =	swait.ge [sflag:s20], $0x1400  }
0xa6: {  	[sflag:s20] =	ssyncset.done $0x0  }
0xa7: {  	[sflag:s20] =	ssyncadd.s32 $0xFFFFEC00  }
0xa8: {  	s9 =	stileid.u32  }
0xa9: {  	[bflag:$0x0] =	sbarrier.arrive $0xFFFF;
	s9 =	sshll.u32 s9, $0x6  }
0xaa: {  	s10 =	sshrl.u32 s11, $0x3;
	s15 =	rddreg [dreg:$0x6];
	s9 =	sor.u32 $0x1C07, s9  }
0xab: {  	[hbm:s15], [sflag:s9] =	dma.local [spmem:s10], $0x640  }
0xac: {  	_ =	swait.ge [sflag:s20], $0x640  }
0xad: {  	[sflag:s20] =	ssyncset.done $0x0  }
0xae: {  	s17 =	sshrl.u32 s12, $0x3;
	s18 =	rddreg [dreg:$0x7];
	[sflag:s20] =	ssyncadd.s32 $0xFFFFF9C0  }
0xaf: {  	[hbm:s18], [sflag:s9] =	dma.local [spmem:s17], $0x640  }
0xb0: {  	_ =	swait.ge [sflag:s20], $0x640  }
0xb1: {  	[sflag:s20] =	ssyncset.done $0x0  }
0xb2: {  	s16 =	sshrl.u32 s13, $0x3;
	s17 =	rddreg [dreg:$0x8];
	[sflag:s20] =	ssyncadd.s32 $0xFFFFF9C0  }
0xb3: {  	[hbm:s17], [sflag:s9] =	dma.local [spmem:s16], $0x640  }
0xb4: {  	_ =	swait.ge [sflag:s20], $0x640  }
0xb5: {  	[sflag:s20] =	ssyncset.done $0x0  }
0xb6: {  	s10 =	sshrl.u32 @!p0 s14, $0x3;
	s15 =	rddreg [dreg:$0x9];
	[sflag:s20] =	ssyncadd.s32 $0xFFFFF9C0  }
0xb7: {  	[hbm:s15], [sflag:s9] =	dma.local @!p0 [spmem:s10], $0x640  }
0xb8: {  	s9 =	simm.s32 @!p0 $0x7  }
0xb9: {  	_ =	swait.ge @!p0 [sflag:s9], $0x640  }
0xba: {  	s8 =	sadd.s32 $0x1, s8;
	s18 =	rddreg [dreg:$0x5]  }
0xbb: {  	p1 =	sne.s32 s8, s18  }
.Ltmp6:
0xbc: {  	_ = 	snop;
	(pc) =	sbr.rel @p1 .LBB2_1-.Ltmp6, $3  }
0xbd: {  	[sflag:s9] =	ssyncset.done @!p0 $0x0  }
0xbe: {  	[sflag:s9] =	ssyncadd.s32 @!p0 $0xFFFFF9C0  }
0xbf: {  	[bflag:$0x0] =	sbarrier.arrive $0xFFFF;
	_ =	sdelay $0x1  }
0xc0: {  	_ =	sfence.sel $0x180000  }
0xc1: {  	[bflag:$0x0] =	sbarrier.arrive $0xFFFF  }
0xc2: {  	_ =	strace $0x90000050  }
0xc3: {  	s0 =	stileid.u32;
	[bflag:$0x2] =	sbarrier.arrive $0xFFFF  }
0xc4: {  	p0 =	sne.s32 s0, $0x0;
	s0 =	rddreg [dreg:$0x2]  }
0xc5: {  	s0 =	sadd.s32 @!p0 $0x100000, s0  }
0xc6: {  	[sflag:s0] =	ssyncadd.tile.s32 @!p0 $0x1;
	_ =	shalt  }
.Lfunc_end2:
_tile_overlayer_lowered:
.L_overlay_start_2:
0xc7: {  	(tag) =	ssettag $0x2  }
0xc8: {  	s0 =	rddreg [dreg:$0x0];
	s2 =	stileid.u32  }
0xc9: {  	s1 =	rddreg [dreg:$0x1];
	p0 =	sne.s32 s2, $0x0  }
0xca: {  	s3 =	rddreg [dreg:$0x2];
	[bflag:$0x3] =	sbarrier.arrive $0xFFFF;
	s2 =	simm.s32 @!p0 $0x1C07  }
0xcb: {  	[timem:s3], [sflag:s2] =	dma.local @!p0 [hbm:s0], s1  }
0xcc: {  	s0 =	simm.s32 @!p0 $0x7  }
0xcd: {  	_ =	swait.ge @!p0 [sflag:s0], s1  }
0xce: {  	s1 =	ssub.s32 @!p0 $0x0, s1;
	[sflag:s0] =	ssyncset.done @!p0 $0x0  }
0xcf: {  	[sflag:s0] =	ssyncadd.s32 @!p0 s1  }
0xd0: {  	[bflag:$0x3] =	sbarrier.arrive $0xFFFF  }
0xd1: {  	_ =	shalt  }

</sc_bundles>
